<compile_context>
chip_gen: v7x
topology: tpu7x:2x2x1
jax: 0.10.2.dev20260603
libtpu: 0.0.44.dev20260713+nightly
codegen_flags: <defaults>
</compile_context>

<pallas_src>
import functools

import jax
import jax.numpy as jnp
from jax import lax
from jax.experimental import pallas as pl
from jax.experimental.pallas import tpu as pltpu
from jax.experimental.pallas import tpu_sc as plsc

VOCAB_SIZE = 1000000
H = 32
B = 16384

_info = plsc.get_sparse_core_info()
_NC, _NS, _L = _info.num_cores, _info.num_subcores, _info.num_lanes
_NW = _NC * _NS
_BPW = B // _NW
_K = 32
_LAG = 4

_mesh = plsc.VectorSubcoreMesh(core_axis_name="c", subcore_axis_name="s")


@functools.partial(
    pl.kernel,
    mesh=_mesh,
    out_type=jax.ShapeDtypeStruct((B, H), jnp.float32),
    scratch_types=[
        pltpu.SMEM((_BPW,), jnp.int32),
        pltpu.VMEM_SHARED((B,), jnp.int32),
        pltpu.VMEM((_BPW, H), jnp.float32),
        pltpu.SemaphoreType.DMA,
        pltpu.SemaphoreType.DMA,
        pltpu.SemaphoreType.DMA,
    ],
)
def _sc_gather(table_hbm, idx_hbm, out_hbm, idx_s, idx_sp, rows_v, sem, sem2,
               osem):
    wid = lax.axis_index("s") * _NC + lax.axis_index("c")
    base = wid * _BPW
    pltpu.sync_copy(idx_hbm.at[pl.ds(base, _BPW)], idx_sp.at[pl.ds(base, _BPW)])
    pltpu.sync_copy(idx_sp.at[pl.ds(base, _BPW)], idx_s)

    n_groups = _BPW // _K

    def issue(g):
        for j in range(_K):
            i = g * _K + j
            pltpu.async_copy(
                table_hbm.at[pl.ds(idx_s[i], 1)], rows_v.at[pl.ds(i, 1)],
                sem if j % 2 == 0 else sem2,
            )

    def drain(g):
        h = _K // 2
        pltpu.make_async_copy(
            table_hbm.at[pl.ds(0, h)], rows_v.at[pl.ds(g * _K, h)], sem
        ).wait()
        pltpu.make_async_copy(
            table_hbm.at[pl.ds(0, h)], rows_v.at[pl.ds(g * _K + h, h)], sem2
        ).wait()

    for g in range(_LAG):
        issue(g)

    def put(g):
        pltpu.async_copy(
            rows_v.at[pl.ds(g * _K, _K)],
            out_hbm.at[pl.ds(base + g * _K, _K)],
            osem,
        )

    def body(g, _):
        issue(g)
        drain(g - _LAG)
        put(g - _LAG)
        return ()

    lax.fori_loop(_LAG, n_groups, body, (), unroll=False)
    for g in range(n_groups - _LAG, n_groups):
        drain(g)
        put(g)
    for g in range(n_groups):
        pltpu.make_async_copy(
            rows_v.at[pl.ds(0, _K)],
            out_hbm.at[pl.ds(base, _K)],
            osem,
        ).wait()


def _mm_body(w_ref, e_ref, b_ref, o_ref):
    o_ref[...] = (
        lax.dot_general(
            w_ref[...], e_ref[...],
            (((0,), (1,)), ((), ())),
            preferred_element_type=jnp.float32,
        )
        + b_ref[...]
    )


def kernel(x, table, W, b):
    idx = x.reshape(B).astype(jnp.int32)
    e = _sc_gather(table, idx)
    blk = 8192
    out_t = pl.pallas_call(
        _mm_body,
        out_shape=jax.ShapeDtypeStruct((H, B), jnp.float32),
        grid=(B // blk,),
        in_specs=[
            pl.BlockSpec((H, H), lambda i: (0, 0)),
            pl.BlockSpec((blk, H), lambda i: (i, 0)),
            pl.BlockSpec((H, 1), lambda i: (0, 0)),
        ],
        out_specs=pl.BlockSpec((H, blk), lambda i: (0, i)),
    )(W, e, b.reshape(H, 1))
    return out_t.T

# --- scband reference (transcript-rebuilt; emitter-appended) ---
"""Pipeline reference for scband-tower-model-90426241450482 (READ-ONLY COPY).

The authoritative reference and input builder live on the scoring server;
editing this copy changes nothing except your own understanding.
"""

import jax, jax.numpy as jnp
import numpy as np

VOCAB = 1000000
HIDDEN = 32
BATCH = 16384

def setup_inputs(seed: int = 0) -> dict:
    key = jax.random.key(seed)
    k_x, k_tab, k_w, k_b = jax.random.split(key, 4)
    x = jax.random.randint(k_x, (BATCH, 1), 0, VOCAB, dtype=jnp.int64 if jax.config.jax_enable_x64 else jnp.int32)
    # nnx.Embed default: normal(stddev=1) scaled; use small normal init
    table = jax.random.normal(k_tab, (VOCAB, HIDDEN), dtype=jnp.float32) * 0.02
    # nnx.Linear: lecun_normal kernel, zeros bias
    W = jax.random.normal(k_w, (HIDDEN, HIDDEN), dtype=jnp.float32) * (1.0 / np.sqrt(HIDDEN))
    b = jnp.zeros((HIDDEN,), dtype=jnp.float32)
    return {"x": x, "table": table, "W": W, "b": b}

def reference(x, table, W, b):
    # embedding lookup: [B, 1] -> [B, 1, H]
    e = jnp.take(table, x, axis=0)
    # linear: [B, 1, H] -> [B, 1, H]
    h = e @ W + b
    # squeeze axis=1: [B, 1, H] -> [B, H]
    out = jnp.squeeze(h, axis=1)
    return out

if __name__ == "__main__":
    import jax
    _d = setup_inputs()
    print(jax.jit(kernel)(*tuple(_d.values())))

</pallas_src>

<mosaic_0001>
#map = affine_map<(d0, d1) -> (0, 0)>
#map1 = affine_map<(d0, d1) -> (0)>
module attributes {stable_mosaic.version = 14 : i64} {
  func.func @_sc_gather(%arg0: i32, %arg1: i32, %arg2: memref<1000000x32xf32, #tpu.memory_space<hbm>>, %arg3: memref<16384xi32, #tpu.memory_space<hbm>>, %arg4: memref<16384x32xf32, #tpu.memory_space<hbm>>, %arg5: memref<512xi32, #tpu.memory_space<smem>>, %arg6: memref<16384xi32, #tpu.memory_space<vmem_shared>>, %arg7: memref<512x32xf32, #tpu.memory_space<vmem>>, %arg8: memref<!tpu.dma_semaphore, #tpu.memory_space<semaphore_mem>>, %arg9: memref<!tpu.dma_semaphore, #tpu.memory_space<semaphore_mem>>, %arg10: memref<!tpu.dma_semaphore, #tpu.memory_space<semaphore_mem>>) attributes {dimension_semantics = [#tpu.dimension_semantics<core_parallel>, #tpu.dimension_semantics<subcore_parallel>], iteration_bounds = array<i64: 2, 16>, scalar_prefetch = 0 : i64, scratch_operands = 6 : i64, tpu.core_type = #tpu.core_type<sc_vector_subcore>, window_params = [{transform_indices = #map}, {transform_indices = #map1}, {transform_indices = #map}]} {
    %mul3A = arith.constant 2 : i32
    %mul3A_0 = arith.muli %arg1, %mul3A : i32
    %add3A = arith.addi %mul3A_0, %arg0 : i32
    %mul3A_1 = arith.constant 512 : i32
    %mul3A_2 = arith.muli %add3A, %mul3A_1 : i32
    "tpu.region"() ({
      %run_scoped3A = tpu.sem_alloc : memref<!tpu.dma_semaphore, #tpu.memory_space<semaphore_mem>>
      %dma_start3A_1972 = tpu.memref_slice %arg6[%mul3A_2] : memref<16384xi32, #tpu.memory_space<vmem_shared>> -> memref<512xi32, #tpu.memory_space<vmem_shared>>
      %dma_start3A_1973 = tpu.memref_slice %arg3[%mul3A_2] : memref<16384xi32, #tpu.memory_space<hbm>> -> memref<512xi32, #tpu.memory_space<hbm>>
      tpu.enqueue_dma source(%dma_start3A_1973 : memref<512xi32, #tpu.memory_space<hbm>>) target(%dma_start3A_1972 : memref<512xi32, #tpu.memory_space<vmem_shared>>) target_semaphore(%run_scoped3A : memref<!tpu.dma_semaphore, #tpu.memory_space<semaphore_mem>>)
      %dma_wait3A_1974 = tpu.memref_slice %arg6[%mul3A_2] : memref<16384xi32, #tpu.memory_space<vmem_shared>> -> memref<512xi32, #tpu.memory_space<vmem_shared>>
      %dma_wait3A_1975 = tpu.memref_slice %arg3[%mul3A_2] : memref<16384xi32, #tpu.memory_space<hbm>> -> memref<512xi32, #tpu.memory_space<hbm>>
      tpu.wait_dma2 semaphore(%run_scoped3A : memref<!tpu.dma_semaphore, #tpu.memory_space<semaphore_mem>>) src(%dma_wait3A_1975 : memref<512xi32, #tpu.memory_space<hbm>>) dst(%dma_wait3A_1974 : memref<512xi32, #tpu.memory_space<vmem_shared>>)
      tpu.yield
    }) : () -> ()
    "tpu.region"() ({
      %run_scoped3A = tpu.sem_alloc : memref<!tpu.dma_semaphore, #tpu.memory_space<semaphore_mem>>
      %dma_start3A_1972 = tpu.memref_slice %arg6[%mul3A_2] : memref<16384xi32, #tpu.memory_space<vmem_shared>> -> memref<512xi32, #tpu.memory_space<vmem_shared>>
      tpu.enqueue_dma source(%dma_start3A_1972 : memref<512xi32, #tpu.memory_space<vmem_shared>>) target(%arg5 : memref<512xi32, #tpu.memory_space<smem>>) target_semaphore(%run_scoped3A : memref<!tpu.dma_semaphore, #tpu.memory_space<semaphore_mem>>)
      %dma_wait3A_1973 = tpu.memref_slice %arg6[%mul3A_2] : memref<16384xi32, #tpu.memory_space<vmem_shared>> -> memref<512xi32, #tpu.memory_space<vmem_shared>>
      tpu.wait_dma2 semaphore(%run_scoped3A : memref<!tpu.dma_semaphore, #tpu.memory_space<semaphore_mem>>) src(%dma_wait3A_1973 : memref<512xi32, #tpu.memory_space<vmem_shared>>) dst(%arg5 : memref<512xi32, #tpu.memory_space<smem>>)
      tpu.yield
    }) : () -> ()
    %get3A = arith.constant 0 : i32
    %get3A_3 = arith.index_cast %get3A : i32 to index
    %get3A_4 = memref.load %arg5[%get3A_3] : memref<512xi32, #tpu.memory_space<smem>>
    %dma_start3A = arith.constant 0 : i32
    %dma_start3A_5 = arith.constant 0 : i32
    %dma_start3A_6 = tpu.memref_slice %arg7[%dma_start3A, %dma_start3A_5] : memref<512x32xf32, #tpu.memory_space<vmem>> -> memref<1x32xf32, #tpu.memory_space<vmem>>
    %dma_start3A_7 = arith.constant 0 : i32
    %dma_start3A_8 = tpu.memref_slice %arg2[%get3A_4, %dma_start3A_7] : memref<1000000x32xf32, #tpu.memory_space<hbm>> -> memref<1x32xf32, #tpu.memory_space<hbm>>
    %dma_start3A_9 = arith.constant 0 : i32
    %dma_start3A_10 = arith.constant 0 : i32
    %dma_start3A_11 = tpu.memref_slice %arg7[%dma_start3A_9, %dma_start3A_10] : memref<512x32xf32, #tpu.memory_space<vmem>> -> memref<1x32xf32, #tpu.memory_space<vmem>>
    %dma_start3A_12 = arith.constant 0 : i32
    %dma_start3A_13 = tpu.memref_slice %arg2[%get3A_4, %dma_start3A_12] : memref<1000000x32xf32, #tpu.memory_space<hbm>> -> memref<1x32xf32, #tpu.memory_space<hbm>>
    tpu.enqueue_dma source(%dma_start3A_13 : memref<1x32xf32, #tpu.memory_space<hbm>>) target(%dma_start3A_11 : memref<1x32xf32, #tpu.memory_space<vmem>>) target_semaphore(%arg8 : memref<!tpu.dma_semaphore, #tpu.memory_space<semaphore_mem>>)
    %get3A_14 = arith.constant 1 : i32
    %get3A_15 = arith.index_cast %get3A_14 : i32 to index
    %get3A_16 = memref.load %arg5[%get3A_15] : memref<512xi32, #tpu.memory_space<smem>>
    %dma_start3A_17 = arith.constant 1 : i32
    %dma_start3A_18 = arith.constant 0 : i32
    %dma_start3A_19 = tpu.memref_slice %arg7[%dma_start3A_17, %dma_start3A_18] : memref<512x32xf32, #tpu.memory_space<vmem>> -> memref<1x32xf32, #tpu.memory_space<vmem>>
    %dma_start3A_20 = arith.constant 0 : i32
    %dma_start3A_21 = tpu.memref_slice %arg2[%get3A_16, %dma_start3A_20] : memref<1000000x32xf32, #tpu.memory_space<hbm>> -> memref<1x32xf32, #tpu.memory_space<hbm>>
    %dma_start3A_22 = arith.constant 1 : i32
    %dma_start3A_23 = arith.constant 0 : i32
    %dma_start3A_24 = tpu.memref_slice %arg7[%dma_start3A_22, %dma_start3A_23] : memref<512x32xf32, #tpu.memory_space<vmem>> -> memref<1x32xf32, #tpu.memory_space<vmem>>
    %dma_start3A_25 = arith.constant 0 : i32
    %dma_start3A_26 = tpu.memref_slice %arg2[%get3A_16, %dma_start3A_25] : memref<1000000x32xf32, #tpu.memory_space<hbm>> -> memref<1x32xf32, #tpu.memory_space<hbm>>
    tpu.enqueue_dma source(%dma_start3A_26 : memref<1x32xf32, #tpu.memory_space<hbm>>) target(%dma_start3A_24 : memref<1x32xf32, #tpu.memory_space<vmem>>) target_semaphore(%arg9 : memref<!tpu.dma_semaphore, #tpu.memory_space<semaphore_mem>>)
    %get3A_27 = arith.constant 2 : i32
    %get3A_28 = arith.index_cast %get3A_27 : i32 to index
    %get3A_29 = memref.load %arg5[%get3A_28] : memref<512xi32, #tpu.memory_space<smem>>
    %dma_start3A_30 = arith.constant 2 : i32
    %dma_start3A_31 = arith.constant 0 : i32
    %dma_start3A_32 = tpu.memref_slice %arg7[%dma_start3A_30, %dma_start3A_31] : memref<512x32xf32, #tpu.memory_space<vmem>> -> memref<1x32xf32, #tpu.memory_space<vmem>>
    %dma_start3A_33 = arith.constant 0 : i32
    %dma_start3A_34 = tpu.memref_slice %arg2[%get3A_29, %dma_start3A_33] : memref<1000000x32xf32, #tpu.memory_space<hbm>> -> memref<1x32xf32, #tpu.memory_space<hbm>>
    %dma_start3A_35 = arith.constant 2 : i32
    %dma_start3A_36 = arith.constant 0 : i32
    %dma_start3A_37 = tpu.memref_slice %arg7[%dma_start3A_35, %dma_start3A_36] : memref<512x32xf32, #tpu.memory_space<vmem>> -> memref<1x32xf32, #tpu.memory_space<vmem>>
    %dma_start3A_38 = arith.constant 0 : i32
    %dma_start3A_39 = tpu.memref_slice %arg2[%get3A_29, %dma_start3A_38] : memref<1000000x32xf32, #tpu.memory_space<hbm>> -> memref<1x32xf32, #tpu.memory_space<hbm>>
    tpu.enqueue_dma source(%dma_start3A_39 : memref<1x32xf32, #tpu.memory_space<hbm>>) target(%dma_start3A_37 : memref<1x32xf32, #tpu.memory_space<vmem>>) target_semaphore(%arg8 : memref<!tpu.dma_semaphore, #tpu.memory_space<semaphore_mem>>)
    %get3A_40 = arith.constant 3 : i32
    %get3A_41 = arith.index_cast %get3A_40 : i32 to index
    %get3A_42 = memref.load %arg5[%get3A_41] : memref<512xi32, #tpu.memory_space<smem>>
    %dma_start3A_43 = arith.constant 3 : i32
    %dma_start3A_44 = arith.constant 0 : i32
    %dma_start3A_45 = tpu.memref_slice %arg7[%dma_start3A_43, %dma_start3A_44] : memref<512x32xf32, #tpu.memory_space<vmem>> -> memref<1x32xf32, #tpu.memory_space<vmem>>
    %dma_start3A_46 = arith.constant 0 : i32
    %dma_start3A_47 = tpu.memref_slice %arg2[%get3A_42, %dma_start3A_46] : memref<1000000x32xf32, #tpu.memory_space<hbm>> -> memref<1x32xf32, #tpu.memory_space<hbm>>
    %dma_start3A_48 = arith.constant 3 : i32
    %dma_start3A_49 = arith.constant 0 : i32
    %dma_start3A_50 = tpu.memref_slice %arg7[%dma_start3A_48, %dma_start3A_49] : memref<512x32xf32, #tpu.memory_space<vmem>> -> memref<1x32xf32, #tpu.memory_space<vmem>>
    %dma_start3A_51 = arith.constant 0 : i32
    %dma_start3A_52 = tpu.memref_slice %arg2[%get3A_42, %dma_start3A_51] : memref<1000000x32xf32, #tpu.memory_space<hbm>> -> memref<1x32xf32, #tpu.memory_space<hbm>>
    tpu.enqueue_dma source(%dma_start3A_52 : memref<1x32xf32, #tpu.memory_space<hbm>>) target(%dma_start3A_50 : memref<1x32xf32, #tpu.memory_space<vmem>>) target_semaphore(%arg9 : memref<!tpu.dma_semaphore, #tpu.memory_space<semaphore_mem>>)
    %get3A_53 = arith.constant 4 : i32
    %get3A_54 = arith.index_cast %get3A_53 : i32 to index
    %get3A_55 = memref.load %arg5[%get3A_54] : memref<512xi32, #tpu.memory_space<smem>>
    %dma_start3A_56 = arith.constant 4 : i32
    %dma_start3A_57 = arith.constant 0 : i32
    %dma_start3A_58 = tpu.memref_slice %arg7[%dma_start3A_56, %dma_start3A_57] : memref<512x32xf32, #tpu.memory_space<vmem>> -> memref<1x32xf32, #tpu.memory_space<vmem>>
    %dma_start3A_59 = arith.constant 0 : i32
    %dma_start3A_60 = tpu.memref_slice %arg2[%get3A_55, %dma_start3A_59] : memref<1000000x32xf32, #tpu.memory_space<hbm>> -> memref<1x32xf32, #tpu.memory_space<hbm>>
    %dma_start3A_61 = arith.constant 4 : i32
    %dma_start3A_62 = arith.constant 0 : i32
    %dma_start3A_63 = tpu.memref_slice %arg7[%dma_start3A_61, %dma_start3A_62] : memref<512x32xf32, #tpu.memory_space<vmem>> -> memref<1x32xf32, #tpu.memory_space<vmem>>
    %dma_start3A_64 = arith.constant 0 : i32
    %dma_start3A_65 = tpu.memref_slice %arg2[%get3A_55, %dma_start3A_64] : memref<1000000x32xf32, #tpu.memory_space<hbm>> -> memref<1x32xf32, #tpu.memory_space<hbm>>
    tpu.enqueue_dma source(%dma_start3A_65 : memref<1x32xf32, #tpu.memory_space<hbm>>) target(%dma_start3A_63 : memref<1x32xf32, #tpu.memory_space<vmem>>) target_semaphore(%arg8 : memref<!tpu.dma_semaphore, #tpu.memory_space<semaphore_mem>>)
    %get3A_66 = arith.constant 5 : i32
    %get3A_67 = arith.index_cast %get3A_66 : i32 to index
    %get3A_68 = memref.load %arg5[%get3A_67] : memref<512xi32, #tpu.memory_space<smem>>
    %dma_start3A_69 = arith.constant 5 : i32
    %dma_start3A_70 = arith.constant 0 : i32
    %dma_start3A_71 = tpu.memref_slice %arg7[%dma_start3A_69, %dma_start3A_70] : memref<512x32xf32, #tpu.memory_space<vmem>> -> memref<1x32xf32, #tpu.memory_space<vmem>>
    %dma_start3A_72 = arith.constant 0 : i32
    %dma_start3A_73 = tpu.memref_slice %arg2[%get3A_68, %dma_start3A_72] : memref<1000000x32xf32, #tpu.memory_space<hbm>> -> memref<1x32xf32, #tpu.memory_space<hbm>>
    %dma_start3A_74 = arith.constant 5 : i32
    %dma_start3A_75 = arith.constant 0 : i32
    %dma_start3A_76 = tpu.memref_slice %arg7[%dma_start3A_74, %dma_start3A_75] : memref<512x32xf32, #tpu.memory_space<vmem>> -> memref<1x32xf32, #tpu.memory_space<vmem>>
    %dma_start3A_77 = arith.constant 0 : i32
    %dma_start3A_78 = tpu.memref_slice %arg2[%get3A_68, %dma_start3A_77] : memref<1000000x32xf32, #tpu.memory_space<hbm>> -> memref<1x32xf32, #tpu.memory_space<hbm>>
    tpu.enqueue_dma source(%dma_start3A_78 : memref<1x32xf32, #tpu.memory_space<hbm>>) target(%dma_start3A_76 : memref<1x32xf32, #tpu.memory_space<vmem>>) target_semaphore(%arg9 : memref<!tpu.dma_semaphore, #tpu.memory_space<semaphore_mem>>)
    %get3A_79 = arith.constant 6 : i32
    %get3A_80 = arith.index_cast %get3A_79 : i32 to index
    %get3A_81 = memref.load %arg5[%get3A_80] : memref<512xi32, #tpu.memory_space<smem>>
    %dma_start3A_82 = arith.constant 6 : i32
    %dma_start3A_83 = arith.constant 0 : i32
    %dma_start3A_84 = tpu.memref_slice %arg7[%dma_start3A_82, %dma_start3A_83] : memref<512x32xf32, #tpu.memory_space<vmem>> -> memref<1x32xf32, #tpu.memory_space<vmem>>
    %dma_start3A_85 = arith.constant 0 : i32
    %dma_start3A_86 = tpu.memref_slice %arg2[%get3A_81, %dma_start3A_85] : memref<1000000x32xf32, #tpu.memory_space<hbm>> -> memref<1x32xf32, #tpu.memory_space<hbm>>
    %dma_start3A_87 = arith.constant 6 : i32
    %dma_start3A_88 = arith.constant 0 : i32
    %dma_start3A_89 = tpu.memref_slice %arg7[%dma_start3A_87, %dma_start3A_88] : memref<512x32xf32, #tpu.memory_space<vmem>> -> memref<1x32xf32, #tpu.memory_space<vmem>>
    %dma_start3A_90 = arith.constant 0 : i32
    %dma_start3A_91 = tpu.memref_slice %arg2[%get3A_81, %dma_start3A_90] : memref<1000000x32xf32, #tpu.memory_space<hbm>> -> memref<1x32xf32, #tpu.memory_space<hbm>>
    tpu.enqueue_dma source(%dma_start3A_91 : memref<1x32xf32, #tpu.memory_space<hbm>>) target(%dma_start3A_89 : memref<1x32xf32, #tpu.memory_space<vmem>>) target_semaphore(%arg8 : memref<!tpu.dma_semaphore, #tpu.memory_space<semaphore_mem>>)
    %get3A_92 = arith.constant 7 : i32
    %get3A_93 = arith.index_cast %get3A_92 : i32 to index
    %get3A_94 = memref.load %arg5[%get3A_93] : memref<512xi32, #tpu.memory_space<smem>>
    %dma_start3A_95 = arith.constant 7 : i32
    %dma_start3A_96 = arith.constant 0 : i32
    %dma_start3A_97 = tpu.memref_slice %arg7[%dma_start3A_95, %dma_start3A_96] : memref<512x32xf32, #tpu.memory_space<vmem>> -> memref<1x32xf32, #tpu.memory_space<vmem>>
    %dma_start3A_98 = arith.constant 0 : i32
    %dma_start3A_99 = tpu.memref_slice %arg2[%get3A_94, %dma_start3A_98] : memref<1000000x32xf32, #tpu.memory_space<hbm>> -> memref<1x32xf32, #tpu.memory_space<hbm>>
    %dma_start3A_100 = arith.constant 7 : i32
    %dma_start3A_101 = arith.constant 0 : i32
    %dma_start3A_102 = tpu.memref_slice %arg7[%dma_start3A_100, %dma_start3A_101] : memref<512x32xf32, #tpu.memory_space<vmem>> -> memref<1x32xf32, #tpu.memory_space<vmem>>
    %dma_start3A_103 = arith.constant 0 : i32
    %dma_start3A_104 = tpu.memref_slice %arg2[%get3A_94, %dma_start3A_103] : memref<1000000x32xf32, #tpu.memory_space<hbm>> -> memref<1x32xf32, #tpu.memory_space<hbm>>
    tpu.enqueue_dma source(%dma_start3A_104 : memref<1x32xf32, #tpu.memory_space<hbm>>) target(%dma_start3A_102 : memref<1x32xf32, #tpu.memory_space<vmem>>) target_semaphore(%arg9 : memref<!tpu.dma_semaphore, #tpu.memory_space<semaphore_mem>>)
    %get3A_105 = arith.constant 8 : i32
    %get3A_106 = arith.index_cast %get3A_105 : i32 to index
    %get3A_107 = memref.load %arg5[%get3A_106] : memref<512xi32, #tpu.memory_space<smem>>
    %dma_start3A_108 = arith.constant 8 : i32
    %dma_start3A_109 = arith.constant 0 : i32
    %dma_start3A_110 = tpu.memref_slice %arg7[%dma_start3A_108, %dma_start3A_109] : memref<512x32xf32, #tpu.memory_space<vmem>> -> memref<1x32xf32, #tpu.memory_space<vmem>>
    %dma_start3A_111 = arith.constant 0 : i32
    %dma_start3A_112 = tpu.memref_slice %arg2[%get3A_107, %dma_start3A_111] : memref<1000000x32xf32, #tpu.memory_space<hbm>> -> memref<1x32xf32, #tpu.memory_space<hbm>>
    %dma_start3A_113 = arith.constant 8 : i32
    %dma_start3A_114 = arith.constant 0 : i32
    %dma_start3A_115 = tpu.memref_slice %arg7[%dma_start3A_113, %dma_start3A_114] : memref<512x32xf32, #tpu.memory_space<vmem>> -> memref<1x32xf32, #tpu.memory_space<vmem>>
    %dma_start3A_116 = arith.constant 0 : i32
    %dma_start3A_117 = tpu.memref_slice %arg2[%get3A_107, %dma_start3A_116] : memref<1000000x32xf32, #tpu.memory_space<hbm>> -> memref<1x32xf32, #tpu.memory_space<hbm>>
    tpu.enqueue_dma source(%dma_start3A_117 : memref<1x32xf32, #tpu.memory_space<hbm>>) target(%dma_start3A_115 : memref<1x32xf32, #tpu.memory_space<vmem>>) target_semaphore(%arg8 : memref<!tpu.dma_semaphore, #tpu.memory_space<semaphore_mem>>)
    %get3A_118 = arith.constant 9 : i32
    %get3A_119 = arith.index_cast %get3A_118 : i32 to index
    %get3A_120 = memref.load %arg5[%get3A_119] : memref<512xi32, #tpu.memory_space<smem>>
    %dma_start3A_121 = arith.constant 9 : i32
    %dma_start3A_122 = arith.constant 0 : i32
    %dma_start3A_123 = tpu.memref_slice %arg7[%dma_start3A_121, %dma_start3A_122] : memref<512x32xf32, #tpu.memory_space<vmem>> -> memref<1x32xf32, #tpu.memory_space<vmem>>
    %dma_start3A_124 = arith.constant 0 : i32
    %dma_start3A_125 = tpu.memref_slice %arg2[%get3A_120, %dma_start3A_124] : memref<1000000x32xf32, #tpu.memory_space<hbm>> -> memref<1x32xf32, #tpu.memory_space<hbm>>
    %dma_start3A_126 = arith.constant 9 : i32
    %dma_start3A_127 = arith.constant 0 : i32
    %dma_start3A_128 = tpu.memref_slice %arg7[%dma_start3A_126, %dma_start3A_127] : memref<512x32xf32, #tpu.memory_space<vmem>> -> memref<1x32xf32, #tpu.memory_space<vmem>>
    %dma_start3A_129 = arith.constant 0 : i32
    %dma_start3A_130 = tpu.memref_slice %arg2[%get3A_120, %dma_start3A_129] : memref<1000000x32xf32, #tpu.memory_space<hbm>> -> memref<1x32xf32, #tpu.memory_space<hbm>>
    tpu.enqueue_dma source(%dma_start3A_130 : memref<1x32xf32, #tpu.memory_space<hbm>>) target(%dma_start3A_128 : memref<1x32xf32, #tpu.memory_space<vmem>>) target_semaphore(%arg9 : memref<!tpu.dma_semaphore, #tpu.memory_space<semaphore_mem>>)
    %get3A_131 = arith.constant 10 : i32
    %get3A_132 = arith.index_cast %get3A_131 : i32 to index
    %get3A_133 = memref.load %arg5[%get3A_132] : memref<512xi32, #tpu.memory_space<smem>>
    %dma_start3A_134 = arith.constant 10 : i32
    %dma_start3A_135 = arith.constant 0 : i32
    %dma_start3A_136 = tpu.memref_slice %arg7[%dma_start3A_134, %dma_start3A_135] : memref<512x32xf32, #tpu.memory_space<vmem>> -> memref<1x32xf32, #tpu.memory_space<vmem>>
    %dma_start3A_137 = arith.constant 0 : i32
    %dma_start3A_138 = tpu.memref_slice %arg2[%get3A_133, %dma_start3A_137] : memref<1000000x32xf32, #tpu.memory_space<hbm>> -> memref<1x32xf32, #tpu.memory_space<hbm>>
    %dma_start3A_139 = arith.constant 10 : i32
    %dma_start3A_140 = arith.constant 0 : i32
    %dma_start3A_141 = tpu.memref_slice %arg7[%dma_start3A_139, %dma_start3A_140] : memref<512x32xf32, #tpu.memory_space<vmem>> -> memref<1x32xf32, #tpu.memory_space<vmem>>
    %dma_start3A_142 = arith.constant 0 : i32
    %dma_start3A_143 = tpu.memref_slice %arg2[%get3A_133, %dma_start3A_142] : memref<1000000x32xf32, #tpu.memory_space<hbm>> -> memref<1x32xf32, #tpu.memory_space<hbm>>
    tpu.enqueue_dma source(%dma_start3A_143 : memref<1x32xf32, #tpu.memory_space<hbm>>) target(%dma_start3A_141 : memref<1x32xf32, #tpu.memory_space<vmem>>) target_semaphore(%arg8 : memref<!tpu.dma_semaphore, #tpu.memory_space<semaphore_mem>>)
    %get3A_144 = arith.constant 11 : i32
    %get3A_145 = arith.index_cast %get3A_144 : i32 to index
    %get3A_146 = memref.load %arg5[%get3A_145] : memref<512xi32, #tpu.memory_space<smem>>
    %dma_start3A_147 = arith.constant 11 : i32
    %dma_start3A_148 = arith.constant 0 : i32
    %dma_start3A_149 = tpu.memref_slice %arg7[%dma_start3A_147, %dma_start3A_148] : memref<512x32xf32, #tpu.memory_space<vmem>> -> memref<1x32xf32, #tpu.memory_space<vmem>>
    %dma_start3A_150 = arith.constant 0 : i32
    %dma_start3A_151 = tpu.memref_slice %arg2[%get3A_146, %dma_start3A_150] : memref<1000000x32xf32, #tpu.memory_space<hbm>> -> memref<1x32xf32, #tpu.memory_space<hbm>>
    %dma_start3A_152 = arith.constant 11 : i32
    %dma_start3A_153 = arith.constant 0 : i32
    %dma_start3A_154 = tpu.memref_slice %arg7[%dma_start3A_152, %dma_start3A_153] : memref<512x32xf32, #tpu.memory_space<vmem>> -> memref<1x32xf32, #tpu.memory_space<vmem>>
    %dma_start3A_155 = arith.constant 0 : i32
    %dma_start3A_156 = tpu.memref_slice %arg2[%get3A_146, %dma_start3A_155] : memref<1000000x32xf32, #tpu.memory_space<hbm>> -> memref<1x32xf32, #tpu.memory_space<hbm>>
    tpu.enqueue_dma source(%dma_start3A_156 : memref<1x32xf32, #tpu.memory_space<hbm>>) target(%dma_start3A_154 : memref<1x32xf32, #tpu.memory_space<vmem>>) target_semaphore(%arg9 : memref<!tpu.dma_semaphore, #tpu.memory_space<semaphore_mem>>)
    %get3A_157 = arith.constant 12 : i32
    %get3A_158 = arith.index_cast %get3A_157 : i32 to index
    %get3A_159 = memref.load %arg5[%get3A_158] : memref<512xi32, #tpu.memory_space<smem>>
    %dma_start3A_160 = arith.constant 12 : i32
    %dma_start3A_161 = arith.constant 0 : i32
    %dma_start3A_162 = tpu.memref_slice %arg7[%dma_start3A_160, %dma_start3A_161] : memref<512x32xf32, #tpu.memory_space<vmem>> -> memref<1x32xf32, #tpu.memory_space<vmem>>
    %dma_start3A_163 = arith.constant 0 : i32
    %dma_start3A_164 = tpu.memref_slice %arg2[%get3A_159, %dma_start3A_163] : memref<1000000x32xf32, #tpu.memory_space<hbm>> -> memref<1x32xf32, #tpu.memory_space<hbm>>
    %dma_start3A_165 = arith.constant 12 : i32
    %dma_start3A_166 = arith.constant 0 : i32
    %dma_start3A_167 = tpu.memref_slice %arg7[%dma_start3A_165, %dma_start3A_166] : memref<512x32xf32, #tpu.memory_space<vmem>> -> memref<1x32xf32, #tpu.memory_space<vmem>>
    %dma_start3A_168 = arith.constant 0 : i32
    %dma_start3A_169 = tpu.memref_slice %arg2[%get3A_159, %dma_start3A_168] : memref<1000000x32xf32, #tpu.memory_space<hbm>> -> memref<1x32xf32, #tpu.memory_space<hbm>>
    tpu.enqueue_dma source(%dma_start3A_169 : memref<1x32xf32, #tpu.memory_space<hbm>>) target(%dma_start3A_167 : memref<1x32xf32, #tpu.memory_space<vmem>>) target_semaphore(%arg8 : memref<!tpu.dma_semaphore, #tpu.memory_space<semaphore_mem>>)
    %get3A_170 = arith.constant 13 : i32
    %get3A_171 = arith.index_cast %get3A_170 : i32 to index
    %get3A_172 = memref.load %arg5[%get3A_171] : memref<512xi32, #tpu.memory_space<smem>>
    %dma_start3A_173 = arith.constant 13 : i32
    %dma_start3A_174 = arith.constant 0 : i32
    %dma_start3A_175 = tpu.memref_slice %arg7[%dma_start3A_173, %dma_start3A_174] : memref<512x32xf32, #tpu.memory_space<vmem>> -> memref<1x32xf32, #tpu.memory_space<vmem>>
    %dma_start3A_176 = arith.constant 0 : i32
    %dma_start3A_177 = tpu.memref_slice %arg2[%get3A_172, %dma_start3A_176] : memref<1000000x32xf32, #tpu.memory_space<hbm>> -> memref<1x32xf32, #tpu.memory_space<hbm>>
    %dma_start3A_178 = arith.constant 13 : i32
    %dma_start3A_179 = arith.constant 0 : i32
    %dma_start3A_180 = tpu.memref_slice %arg7[%dma_start3A_178, %dma_start3A_179] : memref<512x32xf32, #tpu.memory_space<vmem>> -> memref<1x32xf32, #tpu.memory_space<vmem>>
    %dma_start3A_181 = arith.constant 0 : i32
    %dma_start3A_182 = tpu.memref_slice %arg2[%get3A_172, %dma_start3A_181] : memref<1000000x32xf32, #tpu.memory_space<hbm>> -> memref<1x32xf32, #tpu.memory_space<hbm>>
    tpu.enqueue_dma source(%dma_start3A_182 : memref<1x32xf32, #tpu.memory_space<hbm>>) target(%dma_start3A_180 : memref<1x32xf32, #tpu.memory_space<vmem>>) target_semaphore(%arg9 : memref<!tpu.dma_semaphore, #tpu.memory_space<semaphore_mem>>)
    %get3A_183 = arith.constant 14 : i32
    %get3A_184 = arith.index_cast %get3A_183 : i32 to index
    %get3A_185 = memref.load %arg5[%get3A_184] : memref<512xi32, #tpu.memory_space<smem>>
    %dma_start3A_186 = arith.constant 14 : i32
    %dma_start3A_187 = arith.constant 0 : i32
    %dma_start3A_188 = tpu.memref_slice %arg7[%dma_start3A_186, %dma_start3A_187] : memref<512x32xf32, #tpu.memory_space<vmem>> -> memref<1x32xf32, #tpu.memory_space<vmem>>
    %dma_start3A_189 = arith.constant 0 : i32
    %dma_start3A_190 = tpu.memref_slice %arg2[%get3A_185, %dma_start3A_189] : memref<1000000x32xf32, #tpu.memory_space<hbm>> -> memref<1x32xf32, #tpu.memory_space<hbm>>
    %dma_start3A_191 = arith.constant 14 : i32
    %dma_start3A_192 = arith.constant 0 : i32
    %dma_start3A_193 = tpu.memref_slice %arg7[%dma_start3A_191, %dma_start3A_192] : memref<512x32xf32, #tpu.memory_space<vmem>> -> memref<1x32xf32, #tpu.memory_space<vmem>>
    %dma_start3A_194 = arith.constant 0 : i32
    %dma_start3A_195 = tpu.memref_slice %arg2[%get3A_185, %dma_start3A_194] : memref<1000000x32xf32, #tpu.memory_space<hbm>> -> memref<1x32xf32, #tpu.memory_space<hbm>>
    tpu.enqueue_dma source(%dma_start3A_195 : memref<1x32xf32, #tpu.memory_space<hbm>>) target(%dma_start3A_193 : memref<1x32xf32, #tpu.memory_space<vmem>>) target_semaphore(%arg8 : memref<!tpu.dma_semaphore, #tpu.memory_space<semaphore_mem>>)
    %get3A_196 = arith.constant 15 : i32
    %get3A_197 = arith.index_cast %get3A_196 : i32 to index
    %get3A_198 = memref.load %arg5[%get3A_197] : memref<512xi32, #tpu.memory_space<smem>>
    %dma_start3A_199 = arith.constant 15 : i32
    %dma_start3A_200 = arith.constant 0 : i32
    %dma_start3A_201 = tpu.memref_slice %arg7[%dma_start3A_199, %dma_start3A_200] : memref<512x32xf32, #tpu.memory_space<vmem>> -> memref<1x32xf32, #tpu.memory_space<vmem>>
    %dma_start3A_202 = arith.constant 0 : i32
    %dma_start3A_203 = tpu.memref_slice %arg2[%get3A_198, %dma_start3A_202] : memref<1000000x32xf32, #tpu.memory_space<hbm>> -> memref<1x32xf32, #tpu.memory_space<hbm>>
    %dma_start3A_204 = arith.constant 15 : i32
    %dma_start3A_205 = arith.constant 0 : i32
    %dma_start3A_206 = tpu.memref_slice %arg7[%dma_start3A_204, %dma_start3A_205] : memref<512x32xf32, #tpu.memory_space<vmem>> -> memref<1x32xf32, #tpu.memory_space<vmem>>
    %dma_start3A_207 = arith.constant 0 : i32
    %dma_start3A_208 = tpu.memref_slice %arg2[%get3A_198, %dma_start3A_207] : memref<1000000x32xf32, #tpu.memory_space<hbm>> -> memref<1x32xf32, #tpu.memory_space<hbm>>
    tpu.enqueue_dma source(%dma_start3A_208 : memref<1x32xf32, #tpu.memory_space<hbm>>) target(%dma_start3A_206 : memref<1x32xf32, #tpu.memory_space<vmem>>) target_semaphore(%arg9 : memref<!tpu.dma_semaphore, #tpu.memory_space<semaphore_mem>>)
    %get3A_209 = arith.constant 16 : i32
    %get3A_210 = arith.index_cast %get3A_209 : i32 to index
    %get3A_211 = memref.load %arg5[%get3A_210] : memref<512xi32, #tpu.memory_space<smem>>
    %dma_start3A_212 = arith.constant 16 : i32
    %dma_start3A_213 = arith.constant 0 : i32
    %dma_start3A_214 = tpu.memref_slice %arg7[%dma_start3A_212, %dma_start3A_213] : memref<512x32xf32, #tpu.memory_space<vmem>> -> memref<1x32xf32, #tpu.memory_space<vmem>>
    %dma_start3A_215 = arith.constant 0 : i32
    %dma_start3A_216 = tpu.memref_slice %arg2[%get3A_211, %dma_start3A_215] : memref<1000000x32xf32, #tpu.memory_space<hbm>> -> memref<1x32xf32, #tpu.memory_space<hbm>>
    %dma_start3A_217 = arith.constant 16 : i32
    %dma_start3A_218 = arith.constant 0 : i32
    %dma_start3A_219 = tpu.memref_slice %arg7[%dma_start3A_217, %dma_start3A_218] : memref<512x32xf32, #tpu.memory_space<vmem>> -> memref<1x32xf32, #tpu.memory_space<vmem>>
    %dma_start3A_220 = arith.constant 0 : i32
    %dma_start3A_221 = tpu.memref_slice %arg2[%get3A_211, %dma_start3A_220] : memref<1000000x32xf32, #tpu.memory_space<hbm>> -> memref<1x32xf32, #tpu.memory_space<hbm>>
    tpu.enqueue_dma source(%dma_start3A_221 : memref<1x32xf32, #tpu.memory_space<hbm>>) target(%dma_start3A_219 : memref<1x32xf32, #tpu.memory_space<vmem>>) target_semaphore(%arg8 : memref<!tpu.dma_semaphore, #tpu.memory_space<semaphore_mem>>)
    %get3A_222 = arith.constant 17 : i32
    %get3A_223 = arith.index_cast %get3A_222 : i32 to index
    %get3A_224 = memref.load %arg5[%get3A_223] : memref<512xi32, #tpu.memory_space<smem>>
    %dma_start3A_225 = arith.constant 17 : i32
    %dma_start3A_226 = arith.constant 0 : i32
    %dma_start3A_227 = tpu.memref_slice %arg7[%dma_start3A_225, %dma_start3A_226] : memref<512x32xf32, #tpu.memory_space<vmem>> -> memref<1x32xf32, #tpu.memory_space<vmem>>
    %dma_start3A_228 = arith.constant 0 : i32
    %dma_start3A_229 = tpu.memref_slice %arg2[%get3A_224, %dma_start3A_228] : memref<1000000x32xf32, #tpu.memory_space<hbm>> -> memref<1x32xf32, #tpu.memory_space<hbm>>
    %dma_start3A_230 = arith.constant 17 : i32
    %dma_start3A_231 = arith.constant 0 : i32
    %dma_start3A_232 = tpu.memref_slice %arg7[%dma_start3A_230, %dma_start3A_231] : memref<512x32xf32, #tpu.memory_space<vmem>> -> memref<1x32xf32, #tpu.memory_space<vmem>>
    %dma_start3A_233 = arith.constant 0 : i32
    %dma_start3A_234 = tpu.memref_slice %arg2[%get3A_224, %dma_start3A_233] : memref<1000000x32xf32, #tpu.memory_space<hbm>> -> memref<1x32xf32, #tpu.memory_space<hbm>>
    tpu.enqueue_dma source(%dma_start3A_234 : memref<1x32xf32, #tpu.memory_space<hbm>>) target(%dma_start3A_232 : memref<1x32xf32, #tpu.memory_space<vmem>>) target_semaphore(%arg9 : memref<!tpu.dma_semaphore, #tpu.memory_space<semaphore_mem>>)
    %get3A_235 = arith.constant 18 : i32
    %get3A_236 = arith.index_cast %get3A_235 : i32 to index
    %get3A_237 = memref.load %arg5[%get3A_236] : memref<512xi32, #tpu.memory_space<smem>>
    %dma_start3A_238 = arith.constant 18 : i32
    %dma_start3A_239 = arith.constant 0 : i32
    %dma_start3A_240 = tpu.memref_slice %arg7[%dma_start3A_238, %dma_start3A_239] : memref<512x32xf32, #tpu.memory_space<vmem>> -> memref<1x32xf32, #tpu.memory_space<vmem>>
    %dma_start3A_241 = arith.constant 0 : i32
    %dma_start3A_242 = tpu.memref_slice %arg2[%get3A_237, %dma_start3A_241] : memref<1000000x32xf32, #tpu.memory_space<hbm>> -> memref<1x32xf32, #tpu.memory_space<hbm>>
    %dma_start3A_243 = arith.constant 18 : i32
    %dma_start3A_244 = arith.constant 0 : i32
    %dma_start3A_245 = tpu.memref_slice %arg7[%dma_start3A_243, %dma_start3A_244] : memref<512x32xf32, #tpu.memory_space<vmem>> -> memref<1x32xf32, #tpu.memory_space<vmem>>
    %dma_start3A_246 = arith.constant 0 : i32
    %dma_start3A_247 = tpu.memref_slice %arg2[%get3A_237, %dma_start3A_246] : memref<1000000x32xf32, #tpu.memory_space<hbm>> -> memref<1x32xf32, #tpu.memory_space<hbm>>
    tpu.enqueue_dma source(%dma_start3A_247 : memref<1x32xf32, #tpu.memory_space<hbm>>) target(%dma_start3A_245 : memref<1x32xf32, #tpu.memory_space<vmem>>) target_semaphore(%arg8 : memref<!tpu.dma_semaphore, #tpu.memory_space<semaphore_mem>>)
    %get3A_248 = arith.constant 19 : i32
    %get3A_249 = arith.index_cast %get3A_248 : i32 to index
    %get3A_250 = memref.load %arg5[%get3A_249] : memref<512xi32, #tpu.memory_space<smem>>
    %dma_start3A_251 = arith.constant 19 : i32
    %dma_start3A_252 = arith.constant 0 : i32
    %dma_start3A_253 = tpu.memref_slice %arg7[%dma_start3A_251, %dma_start3A_252] : memref<512x32xf32, #tpu.memory_space<vmem>> -> memref<1x32xf32, #tpu.memory_space<vmem>>
    %dma_start3A_254 = arith.constant 0 : i32
    %dma_start3A_255 = tpu.memref_slice %arg2[%get3A_250, %dma_start3A_254] : memref<1000000x32xf32, #tpu.memory_space<hbm>> -> memref<1x32xf32, #tpu.memory_space<hbm>>
    %dma_start3A_256 = arith.constant 19 : i32
    %dma_start3A_257 = arith.constant 0 : i32
    %dma_start3A_258 = tpu.memref_slice %arg7[%dma_start3A_256, %dma_start3A_257] : memref<512x32xf32, #tpu.memory_space<vmem>> -> memref<1x32xf32, #tpu.memory_space<vmem>>
    %dma_start3A_259 = arith.constant 0 : i32
    %dma_start3A_260 = tpu.memref_slice %arg2[%get3A_250, %dma_start3A_259] : memref<1000000x32xf32, #tpu.memory_space<hbm>> -> memref<1x32xf32, #tpu.memory_space<hbm>>
    tpu.enqueue_dma source(%dma_start3A_260 : memref<1x32xf32, #tpu.memory_space<hbm>>) target(%dma_start3A_258 : memref<1x32xf32, #tpu.memory_space<vmem>>) target_semaphore(%arg9 : memref<!tpu.dma_semaphore, #tpu.memory_space<semaphore_mem>>)
    %get3A_261 = arith.constant 20 : i32
    %get3A_262 = arith.index_cast %get3A_261 : i32 to index
    %get3A_263 = memref.load %arg5[%get3A_262] : memref<512xi32, #tpu.memory_space<smem>>
    %dma_start3A_264 = arith.constant 20 : i32
    %dma_start3A_265 = arith.constant 0 : i32
    %dma_start3A_266 = tpu.memref_slice %arg7[%dma_start3A_264, %dma_start3A_265] : memref<512x32xf32, #tpu.memory_space<vmem>> -> memref<1x32xf32, #tpu.memory_space<vmem>>
    %dma_start3A_267 = arith.constant 0 : i32
    %dma_start3A_268 = tpu.memref_slice %arg2[%get3A_263, %dma_start3A_267] : memref<1000000x32xf32, #tpu.memory_space<hbm>> -> memref<1x32xf32, #tpu.memory_space<hbm>>
    %dma_start3A_269 = arith.constant 20 : i32
    %dma_start3A_270 = arith.constant 0 : i32
    %dma_start3A_271 = tpu.memref_slice %arg7[%dma_start3A_269, %dma_start3A_270] : memref<512x32xf32, #tpu.memory_space<vmem>> -> memref<1x32xf32, #tpu.memory_space<vmem>>
    %dma_start3A_272 = arith.constant 0 : i32
    %dma_start3A_273 = tpu.memref_slice %arg2[%get3A_263, %dma_start3A_272] : memref<1000000x32xf32, #tpu.memory_space<hbm>> -> memref<1x32xf32, #tpu.memory_space<hbm>>
    tpu.enqueue_dma source(%dma_start3A_273 : memref<1x32xf32, #tpu.memory_space<hbm>>) target(%dma_start3A_271 : memref<1x32xf32, #tpu.memory_space<vmem>>) target_semaphore(%arg8 : memref<!tpu.dma_semaphore, #tpu.memory_space<semaphore_mem>>)
    %get3A_274 = arith.constant 21 : i32
    %get3A_275 = arith.index_cast %get3A_274 : i32 to index
    %get3A_276 = memref.load %arg5[%get3A_275] : memref<512xi32, #tpu.memory_space<smem>>
    %dma_start3A_277 = arith.constant 21 : i32
    %dma_start3A_278 = arith.constant 0 : i32
    %dma_start3A_279 = tpu.memref_slice %arg7[%dma_start3A_277, %dma_start3A_278] : memref<512x32xf32, #tpu.memory_space<vmem>> -> memref<1x32xf32, #tpu.memory_space<vmem>>
    %dma_start3A_280 = arith.constant 0 : i32
    %dma_start3A_281 = tpu.memref_slice %arg2[%get3A_276, %dma_start3A_280] : memref<1000000x32xf32, #tpu.memory_space<hbm>> -> memref<1x32xf32, #tpu.memory_space<hbm>>
    %dma_start3A_282 = arith.constant 21 : i32
    %dma_start3A_283 = arith.constant 0 : i32
    %dma_start3A_284 = tpu.memref_slice %arg7[%dma_start3A_282, %dma_start3A_283] : memref<512x32xf32, #tpu.memory_space<vmem>> -> memref<1x32xf32, #tpu.memory_space<vmem>>
    %dma_start3A_285 = arith.constant 0 : i32
    %dma_start3A_286 = tpu.memref_slice %arg2[%get3A_276, %dma_start3A_285] : memref<1000000x32xf32, #tpu.memory_space<hbm>> -> memref<1x32xf32, #tpu.memory_space<hbm>>
    tpu.enqueue_dma source(%dma_start3A_286 : memref<1x32xf32, #tpu.memory_space<hbm>>) target(%dma_start3A_284 : memref<1x32xf32, #tpu.memory_space<vmem>>) target_semaphore(%arg9 : memref<!tpu.dma_semaphore, #tpu.memory_space<semaphore_mem>>)
    %get3A_287 = arith.constant 22 : i32
    %get3A_288 = arith.index_cast %get3A_287 : i32 to index
    %get3A_289 = memref.load %arg5[%get3A_288] : memref<512xi32, #tpu.memory_space<smem>>
    %dma_start3A_290 = arith.constant 22 : i32
    %dma_start3A_291 = arith.constant 0 : i32
    %dma_start3A_292 = tpu.memref_slice %arg7[%dma_start3A_290, %dma_start3A_291] : memref<512x32xf32, #tpu.memory_space<vmem>> -> memref<1x32xf32, #tpu.memory_space<vmem>>
    %dma_start3A_293 = arith.constant 0 : i32
    %dma_start3A_294 = tpu.memref_slice %arg2[%get3A_289, %dma_start3A_293] : memref<1000000x32xf32, #tpu.memory_space<hbm>> -> memref<1x32xf32, #tpu.memory_space<hbm>>
    %dma_start3A_295 = arith.constant 22 : i32
    %dma_start3A_296 = arith.constant 0 : i32
    %dma_start3A_297 = tpu.memref_slice %arg7[%dma_start3A_295, %dma_start3A_296] : memref<512x32xf32, #tpu.memory_space<vmem>> -> memref<1x32xf32, #tpu.memory_space<vmem>>
    %dma_start3A_298 = arith.constant 0 : i32
    %dma_start3A_299 = tpu.memref_slice %arg2[%get3A_289, %dma_start3A_298] : memref<1000000x32xf32, #tpu.memory_space<hbm>> -> memref<1x32xf32, #tpu.memory_space<hbm>>
    tpu.enqueue_dma source(%dma_start3A_299 : memref<1x32xf32, #tpu.memory_space<hbm>>) target(%dma_start3A_297 : memref<1x32xf32, #tpu.memory_space<vmem>>) target_semaphore(%arg8 : memref<!tpu.dma_semaphore, #tpu.memory_space<semaphore_mem>>)
    %get3A_300 = arith.constant 23 : i32
    %get3A_301 = arith.index_cast %get3A_300 : i32 to index
    %get3A_302 = memref.load %arg5[%get3A_301] : memref<512xi32, #tpu.memory_space<smem>>
    %dma_start3A_303 = arith.constant 23 : i32
    %dma_start3A_304 = arith.constant 0 : i32
    %dma_start3A_305 = tpu.memref_slice %arg7[%dma_start3A_303, %dma_start3A_304] : memref<512x32xf32, #tpu.memory_space<vmem>> -> memref<1x32xf32, #tpu.memory_space<vmem>>
    %dma_start3A_306 = arith.constant 0 : i32
    %dma_start3A_307 = tpu.memref_slice %arg2[%get3A_302, %dma_start3A_306] : memref<1000000x32xf32, #tpu.memory_space<hbm>> -> memref<1x32xf32, #tpu.memory_space<hbm>>
    %dma_start3A_308 = arith.constant 23 : i32
    %dma_start3A_309 = arith.constant 0 : i32
    %dma_start3A_310 = tpu.memref_slice %arg7[%dma_start3A_308, %dma_start3A_309] : memref<512x32xf32, #tpu.memory_space<vmem>> -> memref<1x32xf32, #tpu.memory_space<vmem>>
    %dma_start3A_311 = arith.constant 0 : i32
    %dma_start3A_312 = tpu.memref_slice %arg2[%get3A_302, %dma_start3A_311] : memref<1000000x32xf32, #tpu.memory_space<hbm>> -> memref<1x32xf32, #tpu.memory_space<hbm>>
    tpu.enqueue_dma source(%dma_start3A_312 : memref<1x32xf32, #tpu.memory_space<hbm>>) target(%dma_start3A_310 : memref<1x32xf32, #tpu.memory_space<vmem>>) target_semaphore(%arg9 : memref<!tpu.dma_semaphore, #tpu.memory_space<semaphore_mem>>)
    %get3A_313 = arith.constant 24 : i32
    %get3A_314 = arith.index_cast %get3A_313 : i32 to index
    %get3A_315 = memref.load %arg5[%get3A_314] : memref<512xi32, #tpu.memory_space<smem>>
    %dma_start3A_316 = arith.constant 24 : i32
    %dma_start3A_317 = arith.constant 0 : i32
    %dma_start3A_318 = tpu.memref_slice %arg7[%dma_start3A_316, %dma_start3A_317] : memref<512x32xf32, #tpu.memory_space<vmem>> -> memref<1x32xf32, #tpu.memory_space<vmem>>
    %dma_start3A_319 = arith.constant 0 : i32
    %dma_start3A_320 = tpu.memref_slice %arg2[%get3A_315, %dma_start3A_319] : memref<1000000x32xf32, #tpu.memory_space<hbm>> -> memref<1x32xf32, #tpu.memory_space<hbm>>
    %dma_start3A_321 = arith.constant 24 : i32
    %dma_start3A_322 = arith.constant 0 : i32
    %dma_start3A_323 = tpu.memref_slice %arg7[%dma_start3A_321, %dma_start3A_322] : memref<512x32xf32, #tpu.memory_space<vmem>> -> memref<1x32xf32, #tpu.memory_space<vmem>>
    %dma_start3A_324 = arith.constant 0 : i32
    %dma_start3A_325 = tpu.memref_slice %arg2[%get3A_315, %dma_start3A_324] : memref<1000000x32xf32, #tpu.memory_space<hbm>> -> memref<1x32xf32, #tpu.memory_space<hbm>>
    tpu.enqueue_dma source(%dma_start3A_325 : memref<1x32xf32, #tpu.memory_space<hbm>>) target(%dma_start3A_323 : memref<1x32xf32, #tpu.memory_space<vmem>>) target_semaphore(%arg8 : memref<!tpu.dma_semaphore, #tpu.memory_space<semaphore_mem>>)
    %get3A_326 = arith.constant 25 : i32
    %get3A_327 = arith.index_cast %get3A_326 : i32 to index
    %get3A_328 = memref.load %arg5[%get3A_327] : memref<512xi32, #tpu.memory_space<smem>>
    %dma_start3A_329 = arith.constant 25 : i32
    %dma_start3A_330 = arith.constant 0 : i32
    %dma_start3A_331 = tpu.memref_slice %arg7[%dma_start3A_329, %dma_start3A_330] : memref<512x32xf32, #tpu.memory_space<vmem>> -> memref<1x32xf32, #tpu.memory_space<vmem>>
    %dma_start3A_332 = arith.constant 0 : i32
    %dma_start3A_333 = tpu.memref_slice %arg2[%get3A_328, %dma_start3A_332] : memref<1000000x32xf32, #tpu.memory_space<hbm>> -> memref<1x32xf32, #tpu.memory_space<hbm>>
    %dma_start3A_334 = arith.constant 25 : i32
    %dma_start3A_335 = arith.constant 0 : i32
    %dma_start3A_336 = tpu.memref_slice %arg7[%dma_start3A_334, %dma_start3A_335] : memref<512x32xf32, #tpu.memory_space<vmem>> -> memref<1x32xf32, #tpu.memory_space<vmem>>
    %dma_start3A_337 = arith.constant 0 : i32
    %dma_start3A_338 = tpu.memref_slice %arg2[%get3A_328, %dma_start3A_337] : memref<1000000x32xf32, #tpu.memory_space<hbm>> -> memref<1x32xf32, #tpu.memory_space<hbm>>
    tpu.enqueue_dma source(%dma_start3A_338 : memref<1x32xf32, #tpu.memory_space<hbm>>) target(%dma_start3A_336 : memref<1x32xf32, #tpu.memory_space<vmem>>) target_semaphore(%arg9 : memref<!tpu.dma_semaphore, #tpu.memory_space<semaphore_mem>>)
    %get3A_339 = arith.constant 26 : i32
    %get3A_340 = arith.index_cast %get3A_339 : i32 to index
    %get3A_341 = memref.load %arg5[%get3A_340] : memref<512xi32, #tpu.memory_space<smem>>
    %dma_start3A_342 = arith.constant 26 : i32
    %dma_start3A_343 = arith.constant 0 : i32
    %dma_start3A_344 = tpu.memref_slice %arg7[%dma_start3A_342, %dma_start3A_343] : memref<512x32xf32, #tpu.memory_space<vmem>> -> memref<1x32xf32, #tpu.memory_space<vmem>>
    %dma_start3A_345 = arith.constant 0 : i32
    %dma_start3A_346 = tpu.memref_slice %arg2[%get3A_341, %dma_start3A_345] : memref<1000000x32xf32, #tpu.memory_space<hbm>> -> memref<1x32xf32, #tpu.memory_space<hbm>>
    %dma_start3A_347 = arith.constant 26 : i32
    %dma_start3A_348 = arith.constant 0 : i32
    %dma_start3A_349 = tpu.memref_slice %arg7[%dma_start3A_347, %dma_start3A_348] : memref<512x32xf32, #tpu.memory_space<vmem>> -> memref<1x32xf32, #tpu.memory_space<vmem>>
    %dma_start3A_350 = arith.constant 0 : i32
    %dma_start3A_351 = tpu.memref_slice %arg2[%get3A_341, %dma_start3A_350] : memref<1000000x32xf32, #tpu.memory_space<hbm>> -> memref<1x32xf32, #tpu.memory_space<hbm>>
    tpu.enqueue_dma source(%dma_start3A_351 : memref<1x32xf32, #tpu.memory_space<hbm>>) target(%dma_start3A_349 : memref<1x32xf32, #tpu.memory_space<vmem>>) target_semaphore(%arg8 : memref<!tpu.dma_semaphore, #tpu.memory_space<semaphore_mem>>)
    %get3A_352 = arith.constant 27 : i32
    %get3A_353 = arith.index_cast %get3A_352 : i32 to index
    %get3A_354 = memref.load %arg5[%get3A_353] : memref<512xi32, #tpu.memory_space<smem>>
    %dma_start3A_355 = arith.constant 27 : i32
    %dma_start3A_356 = arith.constant 0 : i32
    %dma_start3A_357 = tpu.memref_slice %arg7[%dma_start3A_355, %dma_start3A_356] : memref<512x32xf32, #tpu.memory_space<vmem>> -> memref<1x32xf32, #tpu.memory_space<vmem>>
    %dma_start3A_358 = arith.constant 0 : i32
    %dma_start3A_359 = tpu.memref_slice %arg2[%get3A_354, %dma_start3A_358] : memref<1000000x32xf32, #tpu.memory_space<hbm>> -> memref<1x32xf32, #tpu.memory_space<hbm>>
    %dma_start3A_360 = arith.constant 27 : i32
    %dma_start3A_361 = arith.constant 0 : i32
    %dma_start3A_362 = tpu.memref_slice %arg7[%dma_start3A_360, %dma_start3A_361] : memref<512x32xf32, #tpu.memory_space<vmem>> -> memref<1x32xf32, #tpu.memory_space<vmem>>
    %dma_start3A_363 = arith.constant 0 : i32
    %dma_start3A_364 = tpu.memref_slice %arg2[%get3A_354, %dma_start3A_363] : memref<1000000x32xf32, #tpu.memory_space<hbm>> -> memref<1x32xf32, #tpu.memory_space<hbm>>
    tpu.enqueue_dma source(%dma_start3A_364 : memref<1x32xf32, #tpu.memory_space<hbm>>) target(%dma_start3A_362 : memref<1x32xf32, #tpu.memory_space<vmem>>) target_semaphore(%arg9 : memref<!tpu.dma_semaphore, #tpu.memory_space<semaphore_mem>>)
    %get3A_365 = arith.constant 28 : i32
    %get3A_366 = arith.index_cast %get3A_365 : i32 to index
    %get3A_367 = memref.load %arg5[%get3A_366] : memref<512xi32, #tpu.memory_space<smem>>
    %dma_start3A_368 = arith.constant 28 : i32
    %dma_start3A_369 = arith.constant 0 : i32
    %dma_start3A_370 = tpu.memref_slice %arg7[%dma_start3A_368, %dma_start3A_369] : memref<512x32xf32, #tpu.memory_space<vmem>> -> memref<1x32xf32, #tpu.memory_space<vmem>>
    %dma_start3A_371 = arith.constant 0 : i32
    %dma_start3A_372 = tpu.memref_slice %arg2[%get3A_367, %dma_start3A_371] : memref<1000000x32xf32, #tpu.memory_space<hbm>> -> memref<1x32xf32, #tpu.memory_space<hbm>>
    %dma_start3A_373 = arith.constant 28 : i32
    %dma_start3A_374 = arith.constant 0 : i32
    %dma_start3A_375 = tpu.memref_slice %arg7[%dma_start3A_373, %dma_start3A_374] : memref<512x32xf32, #tpu.memory_space<vmem>> -> memref<1x32xf32, #tpu.memory_space<vmem>>
    %dma_start3A_376 = arith.constant 0 : i32
    %dma_start3A_377 = tpu.memref_slice %arg2[%get3A_367, %dma_start3A_376] : memref<1000000x32xf32, #tpu.memory_space<hbm>> -> memref<1x32xf32, #tpu.memory_space<hbm>>
    tpu.enqueue_dma source(%dma_start3A_377 : memref<1x32xf32, #tpu.memory_space<hbm>>) target(%dma_start3A_375 : memref<1x32xf32, #tpu.memory_space<vmem>>) target_semaphore(%arg8 : memref<!tpu.dma_semaphore, #tpu.memory_space<semaphore_mem>>)
    %get3A_378 = arith.constant 29 : i32
    %get3A_379 = arith.index_cast %get3A_378 : i32 to index
    %get3A_380 = memref.load %arg5[%get3A_379] : memref<512xi32, #tpu.memory_space<smem>>
    %dma_start3A_381 = arith.constant 29 : i32
    %dma_start3A_382 = arith.constant 0 : i32
    %dma_start3A_383 = tpu.memref_slice %arg7[%dma_start3A_381, %dma_start3A_382] : memref<512x32xf32, #tpu.memory_space<vmem>> -> memref<1x32xf32, #tpu.memory_space<vmem>>
    %dma_start3A_384 = arith.constant 0 : i32
    %dma_start3A_385 = tpu.memref_slice %arg2[%get3A_380, %dma_start3A_384] : memref<1000000x32xf32, #tpu.memory_space<hbm>> -> memref<1x32xf32, #tpu.memory_space<hbm>>
    %dma_start3A_386 = arith.constant 29 : i32
    %dma_start3A_387 = arith.constant 0 : i32
    %dma_start3A_388 = tpu.memref_slice %arg7[%dma_start3A_386, %dma_start3A_387] : memref<512x32xf32, #tpu.memory_space<vmem>> -> memref<1x32xf32, #tpu.memory_space<vmem>>
    %dma_start3A_389 = arith.constant 0 : i32
    %dma_start3A_390 = tpu.memref_slice %arg2[%get3A_380, %dma_start3A_389] : memref<1000000x32xf32, #tpu.memory_space<hbm>> -> memref<1x32xf32, #tpu.memory_space<hbm>>
    tpu.enqueue_dma source(%dma_start3A_390 : memref<1x32xf32, #tpu.memory_space<hbm>>) target(%dma_start3A_388 : memref<1x32xf32, #tpu.memory_space<vmem>>) target_semaphore(%arg9 : memref<!tpu.dma_semaphore, #tpu.memory_space<semaphore_mem>>)
    %get3A_391 = arith.constant 30 : i32
    %get3A_392 = arith.index_cast %get3A_391 : i32 to index
    %get3A_393 = memref.load %arg5[%get3A_392] : memref<512xi32, #tpu.memory_space<smem>>
    %dma_start3A_394 = arith.constant 30 : i32
    %dma_start3A_395 = arith.constant 0 : i32
    %dma_start3A_396 = tpu.memref_slice %arg7[%dma_start3A_394, %dma_start3A_395] : memref<512x32xf32, #tpu.memory_space<vmem>> -> memref<1x32xf32, #tpu.memory_space<vmem>>
    %dma_start3A_397 = arith.constant 0 : i32
    %dma_start3A_398 = tpu.memref_slice %arg2[%get3A_393, %dma_start3A_397] : memref<1000000x32xf32, #tpu.memory_space<hbm>> -> memref<1x32xf32, #tpu.memory_space<hbm>>
    %dma_start3A_399 = arith.constant 30 : i32
    %dma_start3A_400 = arith.constant 0 : i32
    %dma_start3A_401 = tpu.memref_slice %arg7[%dma_start3A_399, %dma_start3A_400] : memref<512x32xf32, #tpu.memory_space<vmem>> -> memref<1x32xf32, #tpu.memory_space<vmem>>
    %dma_start3A_402 = arith.constant 0 : i32
    %dma_start3A_403 = tpu.memref_slice %arg2[%get3A_393, %dma_start3A_402] : memref<1000000x32xf32, #tpu.memory_space<hbm>> -> memref<1x32xf32, #tpu.memory_space<hbm>>
    tpu.enqueue_dma source(%dma_start3A_403 : memref<1x32xf32, #tpu.memory_space<hbm>>) target(%dma_start3A_401 : memref<1x32xf32, #tpu.memory_space<vmem>>) target_semaphore(%arg8 : memref<!tpu.dma_semaphore, #tpu.memory_space<semaphore_mem>>)
    %get3A_404 = arith.constant 31 : i32
    %get3A_405 = arith.index_cast %get3A_404 : i32 to index
    %get3A_406 = memref.load %arg5[%get3A_405] : memref<512xi32, #tpu.memory_space<smem>>
    %dma_start3A_407 = arith.constant 31 : i32
    %dma_start3A_408 = arith.constant 0 : i32
    %dma_start3A_409 = tpu.memref_slice %arg7[%dma_start3A_407, %dma_start3A_408] : memref<512x32xf32, #tpu.memory_space<vmem>> -> memref<1x32xf32, #tpu.memory_space<vmem>>
    %dma_start3A_410 = arith.constant 0 : i32
    %dma_start3A_411 = tpu.memref_slice %arg2[%get3A_406, %dma_start3A_410] : memref<1000000x32xf32, #tpu.memory_space<hbm>> -> memref<1x32xf32, #tpu.memory_space<hbm>>
    %dma_start3A_412 = arith.constant 31 : i32
    %dma_start3A_413 = arith.constant 0 : i32
    %dma_start3A_414 = tpu.memref_slice %arg7[%dma_start3A_412, %dma_start3A_413] : memref<512x32xf32, #tpu.memory_space<vmem>> -> memref<1x32xf32, #tpu.memory_space<vmem>>
    %dma_start3A_415 = arith.constant 0 : i32
    %dma_start3A_416 = tpu.memref_slice %arg2[%get3A_406, %dma_start3A_415] : memref<1000000x32xf32, #tpu.memory_space<hbm>> -> memref<1x32xf32, #tpu.memory_space<hbm>>
    tpu.enqueue_dma source(%dma_start3A_416 : memref<1x32xf32, #tpu.memory_space<hbm>>) target(%dma_start3A_414 : memref<1x32xf32, #tpu.memory_space<vmem>>) target_semaphore(%arg9 : memref<!tpu.dma_semaphore, #tpu.memory_space<semaphore_mem>>)
    %get3A_417 = arith.constant 32 : i32
    %get3A_418 = arith.index_cast %get3A_417 : i32 to index
    %get3A_419 = memref.load %arg5[%get3A_418] : memref<512xi32, #tpu.memory_space<smem>>
    %dma_start3A_420 = arith.constant 32 : i32
    %dma_start3A_421 = arith.constant 0 : i32
    %dma_start3A_422 = tpu.memref_slice %arg7[%dma_start3A_420, %dma_start3A_421] : memref<512x32xf32, #tpu.memory_space<vmem>> -> memref<1x32xf32, #tpu.memory_space<vmem>>
    %dma_start3A_423 = arith.constant 0 : i32
    %dma_start3A_424 = tpu.memref_slice %arg2[%get3A_419, %dma_start3A_423] : memref<1000000x32xf32, #tpu.memory_space<hbm>> -> memref<1x32xf32, #tpu.memory_space<hbm>>
    %dma_start3A_425 = arith.constant 32 : i32
    %dma_start3A_426 = arith.constant 0 : i32
    %dma_start3A_427 = tpu.memref_slice %arg7[%dma_start3A_425, %dma_start3A_426] : memref<512x32xf32, #tpu.memory_space<vmem>> -> memref<1x32xf32, #tpu.memory_space<vmem>>
    %dma_start3A_428 = arith.constant 0 : i32
    %dma_start3A_429 = tpu.memref_slice %arg2[%get3A_419, %dma_start3A_428] : memref<1000000x32xf32, #tpu.memory_space<hbm>> -> memref<1x32xf32, #tpu.memory_space<hbm>>
    tpu.enqueue_dma source(%dma_start3A_429 : memref<1x32xf32, #tpu.memory_space<hbm>>) target(%dma_start3A_427 : memref<1x32xf32, #tpu.memory_space<vmem>>) target_semaphore(%arg8 : memref<!tpu.dma_semaphore, #tpu.memory_space<semaphore_mem>>)
    %get3A_430 = arith.constant 33 : i32
    %get3A_431 = arith.index_cast %get3A_430 : i32 to index
    %get3A_432 = memref.load %arg5[%get3A_431] : memref<512xi32, #tpu.memory_space<smem>>
    %dma_start3A_433 = arith.constant 33 : i32
    %dma_start3A_434 = arith.constant 0 : i32
    %dma_start3A_435 = tpu.memref_slice %arg7[%dma_start3A_433, %dma_start3A_434] : memref<512x32xf32, #tpu.memory_space<vmem>> -> memref<1x32xf32, #tpu.memory_space<vmem>>
    %dma_start3A_436 = arith.constant 0 : i32
    %dma_start3A_437 = tpu.memref_slice %arg2[%get3A_432, %dma_start3A_436] : memref<1000000x32xf32, #tpu.memory_space<hbm>> -> memref<1x32xf32, #tpu.memory_space<hbm>>
    %dma_start3A_438 = arith.constant 33 : i32
    %dma_start3A_439 = arith.constant 0 : i32
    %dma_start3A_440 = tpu.memref_slice %arg7[%dma_start3A_438, %dma_start3A_439] : memref<512x32xf32, #tpu.memory_space<vmem>> -> memref<1x32xf32, #tpu.memory_space<vmem>>
    %dma_start3A_441 = arith.constant 0 : i32
    %dma_start3A_442 = tpu.memref_slice %arg2[%get3A_432, %dma_start3A_441] : memref<1000000x32xf32, #tpu.memory_space<hbm>> -> memref<1x32xf32, #tpu.memory_space<hbm>>
    tpu.enqueue_dma source(%dma_start3A_442 : memref<1x32xf32, #tpu.memory_space<hbm>>) target(%dma_start3A_440 : memref<1x32xf32, #tpu.memory_space<vmem>>) target_semaphore(%arg9 : memref<!tpu.dma_semaphore, #tpu.memory_space<semaphore_mem>>)
    %get3A_443 = arith.constant 34 : i32
    %get3A_444 = arith.index_cast %get3A_443 : i32 to index
    %get3A_445 = memref.load %arg5[%get3A_444] : memref<512xi32, #tpu.memory_space<smem>>
    %dma_start3A_446 = arith.constant 34 : i32
    %dma_start3A_447 = arith.constant 0 : i32
    %dma_start3A_448 = tpu.memref_slice %arg7[%dma_start3A_446, %dma_start3A_447] : memref<512x32xf32, #tpu.memory_space<vmem>> -> memref<1x32xf32, #tpu.memory_space<vmem>>
    %dma_start3A_449 = arith.constant 0 : i32
    %dma_start3A_450 = tpu.memref_slice %arg2[%get3A_445, %dma_start3A_449] : memref<1000000x32xf32, #tpu.memory_space<hbm>> -> memref<1x32xf32, #tpu.memory_space<hbm>>
    %dma_start3A_451 = arith.constant 34 : i32
    %dma_start3A_452 = arith.constant 0 : i32
    %dma_start3A_453 = tpu.memref_slice %arg7[%dma_start3A_451, %dma_start3A_452] : memref<512x32xf32, #tpu.memory_space<vmem>> -> memref<1x32xf32, #tpu.memory_space<vmem>>
    %dma_start3A_454 = arith.constant 0 : i32
    %dma_start3A_455 = tpu.memref_slice %arg2[%get3A_445, %dma_start3A_454] : memref<1000000x32xf32, #tpu.memory_space<hbm>> -> memref<1x32xf32, #tpu.memory_space<hbm>>
    tpu.enqueue_dma source(%dma_start3A_455 : memref<1x32xf32, #tpu.memory_space<hbm>>) target(%dma_start3A_453 : memref<1x32xf32, #tpu.memory_space<vmem>>) target_semaphore(%arg8 : memref<!tpu.dma_semaphore, #tpu.memory_space<semaphore_mem>>)
    %get3A_456 = arith.constant 35 : i32
    %get3A_457 = arith.index_cast %get3A_456 : i32 to index
    %get3A_458 = memref.load %arg5[%get3A_457] : memref<512xi32, #tpu.memory_space<smem>>
    %dma_start3A_459 = arith.constant 35 : i32
    %dma_start3A_460 = arith.constant 0 : i32
    %dma_start3A_461 = tpu.memref_slice %arg7[%dma_start3A_459, %dma_start3A_460] : memref<512x32xf32, #tpu.memory_space<vmem>> -> memref<1x32xf32, #tpu.memory_space<vmem>>
    %dma_start3A_462 = arith.constant 0 : i32
    %dma_start3A_463 = tpu.memref_slice %arg2[%get3A_458, %dma_start3A_462] : memref<1000000x32xf32, #tpu.memory_space<hbm>> -> memref<1x32xf32, #tpu.memory_space<hbm>>
    %dma_start3A_464 = arith.constant 35 : i32
    %dma_start3A_465 = arith.constant 0 : i32
    %dma_start3A_466 = tpu.memref_slice %arg7[%dma_start3A_464, %dma_start3A_465] : memref<512x32xf32, #tpu.memory_space<vmem>> -> memref<1x32xf32, #tpu.memory_space<vmem>>
    %dma_start3A_467 = arith.constant 0 : i32
    %dma_start3A_468 = tpu.memref_slice %arg2[%get3A_458, %dma_start3A_467] : memref<1000000x32xf32, #tpu.memory_space<hbm>> -> memref<1x32xf32, #tpu.memory_space<hbm>>
    tpu.enqueue_dma source(%dma_start3A_468 : memref<1x32xf32, #tpu.memory_space<hbm>>) target(%dma_start3A_466 : memref<1x32xf32, #tpu.memory_space<vmem>>) target_semaphore(%arg9 : memref<!tpu.dma_semaphore, #tpu.memory_space<semaphore_mem>>)
    %get3A_469 = arith.constant 36 : i32
    %get3A_470 = arith.index_cast %get3A_469 : i32 to index
    %get3A_471 = memref.load %arg5[%get3A_470] : memref<512xi32, #tpu.memory_space<smem>>
    %dma_start3A_472 = arith.constant 36 : i32
    %dma_start3A_473 = arith.constant 0 : i32
    %dma_start3A_474 = tpu.memref_slice %arg7[%dma_start3A_472, %dma_start3A_473] : memref<512x32xf32, #tpu.memory_space<vmem>> -> memref<1x32xf32, #tpu.memory_space<vmem>>
    %dma_start3A_475 = arith.constant 0 : i32
    %dma_start3A_476 = tpu.memref_slice %arg2[%get3A_471, %dma_start3A_475] : memref<1000000x32xf32, #tpu.memory_space<hbm>> -> memref<1x32xf32, #tpu.memory_space<hbm>>
    %dma_start3A_477 = arith.constant 36 : i32
    %dma_start3A_478 = arith.constant 0 : i32
    %dma_start3A_479 = tpu.memref_slice %arg7[%dma_start3A_477, %dma_start3A_478] : memref<512x32xf32, #tpu.memory_space<vmem>> -> memref<1x32xf32, #tpu.memory_space<vmem>>
    %dma_start3A_480 = arith.constant 0 : i32
    %dma_start3A_481 = tpu.memref_slice %arg2[%get3A_471, %dma_start3A_480] : memref<1000000x32xf32, #tpu.memory_space<hbm>> -> memref<1x32xf32, #tpu.memory_space<hbm>>
    tpu.enqueue_dma source(%dma_start3A_481 : memref<1x32xf32, #tpu.memory_space<hbm>>) target(%dma_start3A_479 : memref<1x32xf32, #tpu.memory_space<vmem>>) target_semaphore(%arg8 : memref<!tpu.dma_semaphore, #tpu.memory_space<semaphore_mem>>)
    %get3A_482 = arith.constant 37 : i32
    %get3A_483 = arith.index_cast %get3A_482 : i32 to index
    %get3A_484 = memref.load %arg5[%get3A_483] : memref<512xi32, #tpu.memory_space<smem>>
    %dma_start3A_485 = arith.constant 37 : i32
    %dma_start3A_486 = arith.constant 0 : i32
    %dma_start3A_487 = tpu.memref_slice %arg7[%dma_start3A_485, %dma_start3A_486] : memref<512x32xf32, #tpu.memory_space<vmem>> -> memref<1x32xf32, #tpu.memory_space<vmem>>
    %dma_start3A_488 = arith.constant 0 : i32
    %dma_start3A_489 = tpu.memref_slice %arg2[%get3A_484, %dma_start3A_488] : memref<1000000x32xf32, #tpu.memory_space<hbm>> -> memref<1x32xf32, #tpu.memory_space<hbm>>
    %dma_start3A_490 = arith.constant 37 : i32
    %dma_start3A_491 = arith.constant 0 : i32
    %dma_start3A_492 = tpu.memref_slice %arg7[%dma_start3A_490, %dma_start3A_491] : memref<512x32xf32, #tpu.memory_space<vmem>> -> memref<1x32xf32, #tpu.memory_space<vmem>>
    %dma_start3A_493 = arith.constant 0 : i32
    %dma_start3A_494 = tpu.memref_slice %arg2[%get3A_484, %dma_start3A_493] : memref<1000000x32xf32, #tpu.memory_space<hbm>> -> memref<1x32xf32, #tpu.memory_space<hbm>>
    tpu.enqueue_dma source(%dma_start3A_494 : memref<1x32xf32, #tpu.memory_space<hbm>>) target(%dma_start3A_492 : memref<1x32xf32, #tpu.memory_space<vmem>>) target_semaphore(%arg9 : memref<!tpu.dma_semaphore, #tpu.memory_space<semaphore_mem>>)
    %get3A_495 = arith.constant 38 : i32
    %get3A_496 = arith.index_cast %get3A_495 : i32 to index
    %get3A_497 = memref.load %arg5[%get3A_496] : memref<512xi32, #tpu.memory_space<smem>>
    %dma_start3A_498 = arith.constant 38 : i32
    %dma_start3A_499 = arith.constant 0 : i32
    %dma_start3A_500 = tpu.memref_slice %arg7[%dma_start3A_498, %dma_start3A_499] : memref<512x32xf32, #tpu.memory_space<vmem>> -> memref<1x32xf32, #tpu.memory_space<vmem>>
    %dma_start3A_501 = arith.constant 0 : i32
    %dma_start3A_502 = tpu.memref_slice %arg2[%get3A_497, %dma_start3A_501] : memref<1000000x32xf32, #tpu.memory_space<hbm>> -> memref<1x32xf32, #tpu.memory_space<hbm>>
    %dma_start3A_503 = arith.constant 38 : i32
    %dma_start3A_504 = arith.constant 0 : i32
    %dma_start3A_505 = tpu.memref_slice %arg7[%dma_start3A_503, %dma_start3A_504] : memref<512x32xf32, #tpu.memory_space<vmem>> -> memref<1x32xf32, #tpu.memory_space<vmem>>
    %dma_start3A_506 = arith.constant 0 : i32
    %dma_start3A_507 = tpu.memref_slice %arg2[%get3A_497, %dma_start3A_506] : memref<1000000x32xf32, #tpu.memory_space<hbm>> -> memref<1x32xf32, #tpu.memory_space<hbm>>
    tpu.enqueue_dma source(%dma_start3A_507 : memref<1x32xf32, #tpu.memory_space<hbm>>) target(%dma_start3A_505 : memref<1x32xf32, #tpu.memory_space<vmem>>) target_semaphore(%arg8 : memref<!tpu.dma_semaphore, #tpu.memory_space<semaphore_mem>>)
    %get3A_508 = arith.constant 39 : i32
    %get3A_509 = arith.index_cast %get3A_508 : i32 to index
    %get3A_510 = memref.load %arg5[%get3A_509] : memref<512xi32, #tpu.memory_space<smem>>
    %dma_start3A_511 = arith.constant 39 : i32
    %dma_start3A_512 = arith.constant 0 : i32
    %dma_start3A_513 = tpu.memref_slice %arg7[%dma_start3A_511, %dma_start3A_512] : memref<512x32xf32, #tpu.memory_space<vmem>> -> memref<1x32xf32, #tpu.memory_space<vmem>>
    %dma_start3A_514 = arith.constant 0 : i32
    %dma_start3A_515 = tpu.memref_slice %arg2[%get3A_510, %dma_start3A_514] : memref<1000000x32xf32, #tpu.memory_space<hbm>> -> memref<1x32xf32, #tpu.memory_space<hbm>>
    %dma_start3A_516 = arith.constant 39 : i32
    %dma_start3A_517 = arith.constant 0 : i32
    %dma_start3A_518 = tpu.memref_slice %arg7[%dma_start3A_516, %dma_start3A_517] : memref<512x32xf32, #tpu.memory_space<vmem>> -> memref<1x32xf32, #tpu.memory_space<vmem>>
    %dma_start3A_519 = arith.constant 0 : i32
    %dma_start3A_520 = tpu.memref_slice %arg2[%get3A_510, %dma_start3A_519] : memref<1000000x32xf32, #tpu.memory_space<hbm>> -> memref<1x32xf32, #tpu.memory_space<hbm>>
    tpu.enqueue_dma source(%dma_start3A_520 : memref<1x32xf32, #tpu.memory_space<hbm>>) target(%dma_start3A_518 : memref<1x32xf32, #tpu.memory_space<vmem>>) target_semaphore(%arg9 : memref<!tpu.dma_semaphore, #tpu.memory_space<semaphore_mem>>)
    %get3A_521 = arith.constant 40 : i32
    %get3A_522 = arith.index_cast %get3A_521 : i32 to index
    %get3A_523 = memref.load %arg5[%get3A_522] : memref<512xi32, #tpu.memory_space<smem>>
    %dma_start3A_524 = arith.constant 40 : i32
    %dma_start3A_525 = arith.constant 0 : i32
    %dma_start3A_526 = tpu.memref_slice %arg7[%dma_start3A_524, %dma_start3A_525] : memref<512x32xf32, #tpu.memory_space<vmem>> -> memref<1x32xf32, #tpu.memory_space<vmem>>
    %dma_start3A_527 = arith.constant 0 : i32
    %dma_start3A_528 = tpu.memref_slice %arg2[%get3A_523, %dma_start3A_527] : memref<1000000x32xf32, #tpu.memory_space<hbm>> -> memref<1x32xf32, #tpu.memory_space<hbm>>
    %dma_start3A_529 = arith.constant 40 : i32
    %dma_start3A_530 = arith.constant 0 : i32
    %dma_start3A_531 = tpu.memref_slice %arg7[%dma_start3A_529, %dma_start3A_530] : memref<512x32xf32, #tpu.memory_space<vmem>> -> memref<1x32xf32, #tpu.memory_space<vmem>>
    %dma_start3A_532 = arith.constant 0 : i32
    %dma_start3A_533 = tpu.memref_slice %arg2[%get3A_523, %dma_start3A_532] : memref<1000000x32xf32, #tpu.memory_space<hbm>> -> memref<1x32xf32, #tpu.memory_space<hbm>>
    tpu.enqueue_dma source(%dma_start3A_533 : memref<1x32xf32, #tpu.memory_space<hbm>>) target(%dma_start3A_531 : memref<1x32xf32, #tpu.memory_space<vmem>>) target_semaphore(%arg8 : memref<!tpu.dma_semaphore, #tpu.memory_space<semaphore_mem>>)
    %get3A_534 = arith.constant 41 : i32
    %get3A_535 = arith.index_cast %get3A_534 : i32 to index
    %get3A_536 = memref.load %arg5[%get3A_535] : memref<512xi32, #tpu.memory_space<smem>>
    %dma_start3A_537 = arith.constant 41 : i32
    %dma_start3A_538 = arith.constant 0 : i32
    %dma_start3A_539 = tpu.memref_slice %arg7[%dma_start3A_537, %dma_start3A_538] : memref<512x32xf32, #tpu.memory_space<vmem>> -> memref<1x32xf32, #tpu.memory_space<vmem>>
    %dma_start3A_540 = arith.constant 0 : i32
    %dma_start3A_541 = tpu.memref_slice %arg2[%get3A_536, %dma_start3A_540] : memref<1000000x32xf32, #tpu.memory_space<hbm>> -> memref<1x32xf32, #tpu.memory_space<hbm>>
    %dma_start3A_542 = arith.constant 41 : i32
    %dma_start3A_543 = arith.constant 0 : i32
    %dma_start3A_544 = tpu.memref_slice %arg7[%dma_start3A_542, %dma_start3A_543] : memref<512x32xf32, #tpu.memory_space<vmem>> -> memref<1x32xf32, #tpu.memory_space<vmem>>
    %dma_start3A_545 = arith.constant 0 : i32
    %dma_start3A_546 = tpu.memref_slice %arg2[%get3A_536, %dma_start3A_545] : memref<1000000x32xf32, #tpu.memory_space<hbm>> -> memref<1x32xf32, #tpu.memory_space<hbm>>
    tpu.enqueue_dma source(%dma_start3A_546 : memref<1x32xf32, #tpu.memory_space<hbm>>) target(%dma_start3A_544 : memref<1x32xf32, #tpu.memory_space<vmem>>) target_semaphore(%arg9 : memref<!tpu.dma_semaphore, #tpu.memory_space<semaphore_mem>>)
    %get3A_547 = arith.constant 42 : i32
    %get3A_548 = arith.index_cast %get3A_547 : i32 to index
    %get3A_549 = memref.load %arg5[%get3A_548] : memref<512xi32, #tpu.memory_space<smem>>
    %dma_start3A_550 = arith.constant 42 : i32
    %dma_start3A_551 = arith.constant 0 : i32
    %dma_start3A_552 = tpu.memref_slice %arg7[%dma_start3A_550, %dma_start3A_551] : memref<512x32xf32, #tpu.memory_space<vmem>> -> memref<1x32xf32, #tpu.memory_space<vmem>>
    %dma_start3A_553 = arith.constant 0 : i32
    %dma_start3A_554 = tpu.memref_slice %arg2[%get3A_549, %dma_start3A_553] : memref<1000000x32xf32, #tpu.memory_space<hbm>> -> memref<1x32xf32, #tpu.memory_space<hbm>>
    %dma_start3A_555 = arith.constant 42 : i32
    %dma_start3A_556 = arith.constant 0 : i32
    %dma_start3A_557 = tpu.memref_slice %arg7[%dma_start3A_555, %dma_start3A_556] : memref<512x32xf32, #tpu.memory_space<vmem>> -> memref<1x32xf32, #tpu.memory_space<vmem>>
    %dma_start3A_558 = arith.constant 0 : i32
    %dma_start3A_559 = tpu.memref_slice %arg2[%get3A_549, %dma_start3A_558] : memref<1000000x32xf32, #tpu.memory_space<hbm>> -> memref<1x32xf32, #tpu.memory_space<hbm>>
    tpu.enqueue_dma source(%dma_start3A_559 : memref<1x32xf32, #tpu.memory_space<hbm>>) target(%dma_start3A_557 : memref<1x32xf32, #tpu.memory_space<vmem>>) target_semaphore(%arg8 : memref<!tpu.dma_semaphore, #tpu.memory_space<semaphore_mem>>)
    %get3A_560 = arith.constant 43 : i32
    %get3A_561 = arith.index_cast %get3A_560 : i32 to index
    %get3A_562 = memref.load %arg5[%get3A_561] : memref<512xi32, #tpu.memory_space<smem>>
    %dma_start3A_563 = arith.constant 43 : i32
    %dma_start3A_564 = arith.constant 0 : i32
    %dma_start3A_565 = tpu.memref_slice %arg7[%dma_start3A_563, %dma_start3A_564] : memref<512x32xf32, #tpu.memory_space<vmem>> -> memref<1x32xf32, #tpu.memory_space<vmem>>
    %dma_start3A_566 = arith.constant 0 : i32
    %dma_start3A_567 = tpu.memref_slice %arg2[%get3A_562, %dma_start3A_566] : memref<1000000x32xf32, #tpu.memory_space<hbm>> -> memref<1x32xf32, #tpu.memory_space<hbm>>
    %dma_start3A_568 = arith.constant 43 : i32
    %dma_start3A_569 = arith.constant 0 : i32
    %dma_start3A_570 = tpu.memref_slice %arg7[%dma_start3A_568, %dma_start3A_569] : memref<512x32xf32, #tpu.memory_space<vmem>> -> memref<1x32xf32, #tpu.memory_space<vmem>>
    %dma_start3A_571 = arith.constant 0 : i32
    %dma_start3A_572 = tpu.memref_slice %arg2[%get3A_562, %dma_start3A_571] : memref<1000000x32xf32, #tpu.memory_space<hbm>> -> memref<1x32xf32, #tpu.memory_space<hbm>>
    tpu.enqueue_dma source(%dma_start3A_572 : memref<1x32xf32, #tpu.memory_space<hbm>>) target(%dma_start3A_570 : memref<1x32xf32, #tpu.memory_space<vmem>>) target_semaphore(%arg9 : memref<!tpu.dma_semaphore, #tpu.memory_space<semaphore_mem>>)
    %get3A_573 = arith.constant 44 : i32
    %get3A_574 = arith.index_cast %get3A_573 : i32 to index
    %get3A_575 = memref.load %arg5[%get3A_574] : memref<512xi32, #tpu.memory_space<smem>>
    %dma_start3A_576 = arith.constant 44 : i32
    %dma_start3A_577 = arith.constant 0 : i32
    %dma_start3A_578 = tpu.memref_slice %arg7[%dma_start3A_576, %dma_start3A_577] : memref<512x32xf32, #tpu.memory_space<vmem>> -> memref<1x32xf32, #tpu.memory_space<vmem>>
    %dma_start3A_579 = arith.constant 0 : i32
    %dma_start3A_580 = tpu.memref_slice %arg2[%get3A_575, %dma_start3A_579] : memref<1000000x32xf32, #tpu.memory_space<hbm>> -> memref<1x32xf32, #tpu.memory_space<hbm>>
    %dma_start3A_581 = arith.constant 44 : i32
    %dma_start3A_582 = arith.constant 0 : i32
    %dma_start3A_583 = tpu.memref_slice %arg7[%dma_start3A_581, %dma_start3A_582] : memref<512x32xf32, #tpu.memory_space<vmem>> -> memref<1x32xf32, #tpu.memory_space<vmem>>
    %dma_start3A_584 = arith.constant 0 : i32
    %dma_start3A_585 = tpu.memref_slice %arg2[%get3A_575, %dma_start3A_584] : memref<1000000x32xf32, #tpu.memory_space<hbm>> -> memref<1x32xf32, #tpu.memory_space<hbm>>
    tpu.enqueue_dma source(%dma_start3A_585 : memref<1x32xf32, #tpu.memory_space<hbm>>) target(%dma_start3A_583 : memref<1x32xf32, #tpu.memory_space<vmem>>) target_semaphore(%arg8 : memref<!tpu.dma_semaphore, #tpu.memory_space<semaphore_mem>>)
    %get3A_586 = arith.constant 45 : i32
    %get3A_587 = arith.index_cast %get3A_586 : i32 to index
    %get3A_588 = memref.load %arg5[%get3A_587] : memref<512xi32, #tpu.memory_space<smem>>
    %dma_start3A_589 = arith.constant 45 : i32
    %dma_start3A_590 = arith.constant 0 : i32
    %dma_start3A_591 = tpu.memref_slice %arg7[%dma_start3A_589, %dma_start3A_590] : memref<512x32xf32, #tpu.memory_space<vmem>> -> memref<1x32xf32, #tpu.memory_space<vmem>>
    %dma_start3A_592 = arith.constant 0 : i32
    %dma_start3A_593 = tpu.memref_slice %arg2[%get3A_588, %dma_start3A_592] : memref<1000000x32xf32, #tpu.memory_space<hbm>> -> memref<1x32xf32, #tpu.memory_space<hbm>>
    %dma_start3A_594 = arith.constant 45 : i32
    %dma_start3A_595 = arith.constant 0 : i32
    %dma_start3A_596 = tpu.memref_slice %arg7[%dma_start3A_594, %dma_start3A_595] : memref<512x32xf32, #tpu.memory_space<vmem>> -> memref<1x32xf32, #tpu.memory_space<vmem>>
    %dma_start3A_597 = arith.constant 0 : i32
    %dma_start3A_598 = tpu.memref_slice %arg2[%get3A_588, %dma_start3A_597] : memref<1000000x32xf32, #tpu.memory_space<hbm>> -> memref<1x32xf32, #tpu.memory_space<hbm>>
    tpu.enqueue_dma source(%dma_start3A_598 : memref<1x32xf32, #tpu.memory_space<hbm>>) target(%dma_start3A_596 : memref<1x32xf32, #tpu.memory_space<vmem>>) target_semaphore(%arg9 : memref<!tpu.dma_semaphore, #tpu.memory_space<semaphore_mem>>)
    %get3A_599 = arith.constant 46 : i32
    %get3A_600 = arith.index_cast %get3A_599 : i32 to index
    %get3A_601 = memref.load %arg5[%get3A_600] : memref<512xi32, #tpu.memory_space<smem>>
    %dma_start3A_602 = arith.constant 46 : i32
    %dma_start3A_603 = arith.constant 0 : i32
    %dma_start3A_604 = tpu.memref_slice %arg7[%dma_start3A_602, %dma_start3A_603] : memref<512x32xf32, #tpu.memory_space<vmem>> -> memref<1x32xf32, #tpu.memory_space<vmem>>
    %dma_start3A_605 = arith.constant 0 : i32
    %dma_start3A_606 = tpu.memref_slice %arg2[%get3A_601, %dma_start3A_605] : memref<1000000x32xf32, #tpu.memory_space<hbm>> -> memref<1x32xf32, #tpu.memory_space<hbm>>
    %dma_start3A_607 = arith.constant 46 : i32
    %dma_start3A_608 = arith.constant 0 : i32
    %dma_start3A_609 = tpu.memref_slice %arg7[%dma_start3A_607, %dma_start3A_608] : memref<512x32xf32, #tpu.memory_space<vmem>> -> memref<1x32xf32, #tpu.memory_space<vmem>>
    %dma_start3A_610 = arith.constant 0 : i32
    %dma_start3A_611 = tpu.memref_slice %arg2[%get3A_601, %dma_start3A_610] : memref<1000000x32xf32, #tpu.memory_space<hbm>> -> memref<1x32xf32, #tpu.memory_space<hbm>>
    tpu.enqueue_dma source(%dma_start3A_611 : memref<1x32xf32, #tpu.memory_space<hbm>>) target(%dma_start3A_609 : memref<1x32xf32, #tpu.memory_space<vmem>>) target_semaphore(%arg8 : memref<!tpu.dma_semaphore, #tpu.memory_space<semaphore_mem>>)
    %get3A_612 = arith.constant 47 : i32
    %get3A_613 = arith.index_cast %get3A_612 : i32 to index
    %get3A_614 = memref.load %arg5[%get3A_613] : memref<512xi32, #tpu.memory_space<smem>>
    %dma_start3A_615 = arith.constant 47 : i32
    %dma_start3A_616 = arith.constant 0 : i32
    %dma_start3A_617 = tpu.memref_slice %arg7[%dma_start3A_615, %dma_start3A_616] : memref<512x32xf32, #tpu.memory_space<vmem>> -> memref<1x32xf32, #tpu.memory_space<vmem>>
    %dma_start3A_618 = arith.constant 0 : i32
    %dma_start3A_619 = tpu.memref_slice %arg2[%get3A_614, %dma_start3A_618] : memref<1000000x32xf32, #tpu.memory_space<hbm>> -> memref<1x32xf32, #tpu.memory_space<hbm>>
    %dma_start3A_620 = arith.constant 47 : i32
    %dma_start3A_621 = arith.constant 0 : i32
    %dma_start3A_622 = tpu.memref_slice %arg7[%dma_start3A_620, %dma_start3A_621] : memref<512x32xf32, #tpu.memory_space<vmem>> -> memref<1x32xf32, #tpu.memory_space<vmem>>
    %dma_start3A_623 = arith.constant 0 : i32
    %dma_start3A_624 = tpu.memref_slice %arg2[%get3A_614, %dma_start3A_623] : memref<1000000x32xf32, #tpu.memory_space<hbm>> -> memref<1x32xf32, #tpu.memory_space<hbm>>
    tpu.enqueue_dma source(%dma_start3A_624 : memref<1x32xf32, #tpu.memory_space<hbm>>) target(%dma_start3A_622 : memref<1x32xf32, #tpu.memory_space<vmem>>) target_semaphore(%arg9 : memref<!tpu.dma_semaphore, #tpu.memory_space<semaphore_mem>>)
    %get3A_625 = arith.constant 48 : i32
    %get3A_626 = arith.index_cast %get3A_625 : i32 to index
    %get3A_627 = memref.load %arg5[%get3A_626] : memref<512xi32, #tpu.memory_space<smem>>
    %dma_start3A_628 = arith.constant 48 : i32
    %dma_start3A_629 = arith.constant 0 : i32
    %dma_start3A_630 = tpu.memref_slice %arg7[%dma_start3A_628, %dma_start3A_629] : memref<512x32xf32, #tpu.memory_space<vmem>> -> memref<1x32xf32, #tpu.memory_space<vmem>>
    %dma_start3A_631 = arith.constant 0 : i32
    %dma_start3A_632 = tpu.memref_slice %arg2[%get3A_627, %dma_start3A_631] : memref<1000000x32xf32, #tpu.memory_space<hbm>> -> memref<1x32xf32, #tpu.memory_space<hbm>>
    %dma_start3A_633 = arith.constant 48 : i32
    %dma_start3A_634 = arith.constant 0 : i32
    %dma_start3A_635 = tpu.memref_slice %arg7[%dma_start3A_633, %dma_start3A_634] : memref<512x32xf32, #tpu.memory_space<vmem>> -> memref<1x32xf32, #tpu.memory_space<vmem>>
    %dma_start3A_636 = arith.constant 0 : i32
    %dma_start3A_637 = tpu.memref_slice %arg2[%get3A_627, %dma_start3A_636] : memref<1000000x32xf32, #tpu.memory_space<hbm>> -> memref<1x32xf32, #tpu.memory_space<hbm>>
    tpu.enqueue_dma source(%dma_start3A_637 : memref<1x32xf32, #tpu.memory_space<hbm>>) target(%dma_start3A_635 : memref<1x32xf32, #tpu.memory_space<vmem>>) target_semaphore(%arg8 : memref<!tpu.dma_semaphore, #tpu.memory_space<semaphore_mem>>)
    %get3A_638 = arith.constant 49 : i32
    %get3A_639 = arith.index_cast %get3A_638 : i32 to index
    %get3A_640 = memref.load %arg5[%get3A_639] : memref<512xi32, #tpu.memory_space<smem>>
    %dma_start3A_641 = arith.constant 49 : i32
    %dma_start3A_642 = arith.constant 0 : i32
    %dma_start3A_643 = tpu.memref_slice %arg7[%dma_start3A_641, %dma_start3A_642] : memref<512x32xf32, #tpu.memory_space<vmem>> -> memref<1x32xf32, #tpu.memory_space<vmem>>
    %dma_start3A_644 = arith.constant 0 : i32
    %dma_start3A_645 = tpu.memref_slice %arg2[%get3A_640, %dma_start3A_644] : memref<1000000x32xf32, #tpu.memory_space<hbm>> -> memref<1x32xf32, #tpu.memory_space<hbm>>
    %dma_start3A_646 = arith.constant 49 : i32
    %dma_start3A_647 = arith.constant 0 : i32
    %dma_start3A_648 = tpu.memref_slice %arg7[%dma_start3A_646, %dma_start3A_647] : memref<512x32xf32, #tpu.memory_space<vmem>> -> memref<1x32xf32, #tpu.memory_space<vmem>>
    %dma_start3A_649 = arith.constant 0 : i32
    %dma_start3A_650 = tpu.memref_slice %arg2[%get3A_640, %dma_start3A_649] : memref<1000000x32xf32, #tpu.memory_space<hbm>> -> memref<1x32xf32, #tpu.memory_space<hbm>>
    tpu.enqueue_dma source(%dma_start3A_650 : memref<1x32xf32, #tpu.memory_space<hbm>>) target(%dma_start3A_648 : memref<1x32xf32, #tpu.memory_space<vmem>>) target_semaphore(%arg9 : memref<!tpu.dma_semaphore, #tpu.memory_space<semaphore_mem>>)
    %get3A_651 = arith.constant 50 : i32
    %get3A_652 = arith.index_cast %get3A_651 : i32 to index
    %get3A_653 = memref.load %arg5[%get3A_652] : memref<512xi32, #tpu.memory_space<smem>>
    %dma_start3A_654 = arith.constant 50 : i32
    %dma_start3A_655 = arith.constant 0 : i32
    %dma_start3A_656 = tpu.memref_slice %arg7[%dma_start3A_654, %dma_start3A_655] : memref<512x32xf32, #tpu.memory_space<vmem>> -> memref<1x32xf32, #tpu.memory_space<vmem>>
    %dma_start3A_657 = arith.constant 0 : i32
    %dma_start3A_658 = tpu.memref_slice %arg2[%get3A_653, %dma_start3A_657] : memref<1000000x32xf32, #tpu.memory_space<hbm>> -> memref<1x32xf32, #tpu.memory_space<hbm>>
    %dma_start3A_659 = arith.constant 50 : i32
    %dma_start3A_660 = arith.constant 0 : i32
    %dma_start3A_661 = tpu.memref_slice %arg7[%dma_start3A_659, %dma_start3A_660] : memref<512x32xf32, #tpu.memory_space<vmem>> -> memref<1x32xf32, #tpu.memory_space<vmem>>
    %dma_start3A_662 = arith.constant 0 : i32
    %dma_start3A_663 = tpu.memref_slice %arg2[%get3A_653, %dma_start3A_662] : memref<1000000x32xf32, #tpu.memory_space<hbm>> -> memref<1x32xf32, #tpu.memory_space<hbm>>
    tpu.enqueue_dma source(%dma_start3A_663 : memref<1x32xf32, #tpu.memory_space<hbm>>) target(%dma_start3A_661 : memref<1x32xf32, #tpu.memory_space<vmem>>) target_semaphore(%arg8 : memref<!tpu.dma_semaphore, #tpu.memory_space<semaphore_mem>>)
    %get3A_664 = arith.constant 51 : i32
    %get3A_665 = arith.index_cast %get3A_664 : i32 to index
    %get3A_666 = memref.load %arg5[%get3A_665] : memref<512xi32, #tpu.memory_space<smem>>
    %dma_start3A_667 = arith.constant 51 : i32
    %dma_start3A_668 = arith.constant 0 : i32
    %dma_start3A_669 = tpu.memref_slice %arg7[%dma_start3A_667, %dma_start3A_668] : memref<512x32xf32, #tpu.memory_space<vmem>> -> memref<1x32xf32, #tpu.memory_space<vmem>>
    %dma_start3A_670 = arith.constant 0 : i32
    %dma_start3A_671 = tpu.memref_slice %arg2[%get3A_666, %dma_start3A_670] : memref<1000000x32xf32, #tpu.memory_space<hbm>> -> memref<1x32xf32, #tpu.memory_space<hbm>>
    %dma_start3A_672 = arith.constant 51 : i32
    %dma_start3A_673 = arith.constant 0 : i32
    %dma_start3A_674 = tpu.memref_slice %arg7[%dma_start3A_672, %dma_start3A_673] : memref<512x32xf32, #tpu.memory_space<vmem>> -> memref<1x32xf32, #tpu.memory_space<vmem>>
    %dma_start3A_675 = arith.constant 0 : i32
    %dma_start3A_676 = tpu.memref_slice %arg2[%get3A_666, %dma_start3A_675] : memref<1000000x32xf32, #tpu.memory_space<hbm>> -> memref<1x32xf32, #tpu.memory_space<hbm>>
    tpu.enqueue_dma source(%dma_start3A_676 : memref<1x32xf32, #tpu.memory_space<hbm>>) target(%dma_start3A_674 : memref<1x32xf32, #tpu.memory_space<vmem>>) target_semaphore(%arg9 : memref<!tpu.dma_semaphore, #tpu.memory_space<semaphore_mem>>)
    %get3A_677 = arith.constant 52 : i32
    %get3A_678 = arith.index_cast %get3A_677 : i32 to index
    %get3A_679 = memref.load %arg5[%get3A_678] : memref<512xi32, #tpu.memory_space<smem>>
    %dma_start3A_680 = arith.constant 52 : i32
    %dma_start3A_681 = arith.constant 0 : i32
    %dma_start3A_682 = tpu.memref_slice %arg7[%dma_start3A_680, %dma_start3A_681] : memref<512x32xf32, #tpu.memory_space<vmem>> -> memref<1x32xf32, #tpu.memory_space<vmem>>
    %dma_start3A_683 = arith.constant 0 : i32
    %dma_start3A_684 = tpu.memref_slice %arg2[%get3A_679, %dma_start3A_683] : memref<1000000x32xf32, #tpu.memory_space<hbm>> -> memref<1x32xf32, #tpu.memory_space<hbm>>
    %dma_start3A_685 = arith.constant 52 : i32
    %dma_start3A_686 = arith.constant 0 : i32
    %dma_start3A_687 = tpu.memref_slice %arg7[%dma_start3A_685, %dma_start3A_686] : memref<512x32xf32, #tpu.memory_space<vmem>> -> memref<1x32xf32, #tpu.memory_space<vmem>>
    %dma_start3A_688 = arith.constant 0 : i32
    %dma_start3A_689 = tpu.memref_slice %arg2[%get3A_679, %dma_start3A_688] : memref<1000000x32xf32, #tpu.memory_space<hbm>> -> memref<1x32xf32, #tpu.memory_space<hbm>>
    tpu.enqueue_dma source(%dma_start3A_689 : memref<1x32xf32, #tpu.memory_space<hbm>>) target(%dma_start3A_687 : memref<1x32xf32, #tpu.memory_space<vmem>>) target_semaphore(%arg8 : memref<!tpu.dma_semaphore, #tpu.memory_space<semaphore_mem>>)
    %get3A_690 = arith.constant 53 : i32
    %get3A_691 = arith.index_cast %get3A_690 : i32 to index
    %get3A_692 = memref.load %arg5[%get3A_691] : memref<512xi32, #tpu.memory_space<smem>>
    %dma_start3A_693 = arith.constant 53 : i32
    %dma_start3A_694 = arith.constant 0 : i32
    %dma_start3A_695 = tpu.memref_slice %arg7[%dma_start3A_693, %dma_start3A_694] : memref<512x32xf32, #tpu.memory_space<vmem>> -> memref<1x32xf32, #tpu.memory_space<vmem>>
    %dma_start3A_696 = arith.constant 0 : i32
    %dma_start3A_697 = tpu.memref_slice %arg2[%get3A_692, %dma_start3A_696] : memref<1000000x32xf32, #tpu.memory_space<hbm>> -> memref<1x32xf32, #tpu.memory_space<hbm>>
    %dma_start3A_698 = arith.constant 53 : i32
    %dma_start3A_699 = arith.constant 0 : i32
    %dma_start3A_700 = tpu.memref_slice %arg7[%dma_start3A_698, %dma_start3A_699] : memref<512x32xf32, #tpu.memory_space<vmem>> -> memref<1x32xf32, #tpu.memory_space<vmem>>
    %dma_start3A_701 = arith.constant 0 : i32
    %dma_start3A_702 = tpu.memref_slice %arg2[%get3A_692, %dma_start3A_701] : memref<1000000x32xf32, #tpu.memory_space<hbm>> -> memref<1x32xf32, #tpu.memory_space<hbm>>
    tpu.enqueue_dma source(%dma_start3A_702 : memref<1x32xf32, #tpu.memory_space<hbm>>) target(%dma_start3A_700 : memref<1x32xf32, #tpu.memory_space<vmem>>) target_semaphore(%arg9 : memref<!tpu.dma_semaphore, #tpu.memory_space<semaphore_mem>>)
    %get3A_703 = arith.constant 54 : i32
    %get3A_704 = arith.index_cast %get3A_703 : i32 to index
    %get3A_705 = memref.load %arg5[%get3A_704] : memref<512xi32, #tpu.memory_space<smem>>
    %dma_start3A_706 = arith.constant 54 : i32
    %dma_start3A_707 = arith.constant 0 : i32
    %dma_start3A_708 = tpu.memref_slice %arg7[%dma_start3A_706, %dma_start3A_707] : memref<512x32xf32, #tpu.memory_space<vmem>> -> memref<1x32xf32, #tpu.memory_space<vmem>>
    %dma_start3A_709 = arith.constant 0 : i32
    %dma_start3A_710 = tpu.memref_slice %arg2[%get3A_705, %dma_start3A_709] : memref<1000000x32xf32, #tpu.memory_space<hbm>> -> memref<1x32xf32, #tpu.memory_space<hbm>>
    %dma_start3A_711 = arith.constant 54 : i32
    %dma_start3A_712 = arith.constant 0 : i32
    %dma_start3A_713 = tpu.memref_slice %arg7[%dma_start3A_711, %dma_start3A_712] : memref<512x32xf32, #tpu.memory_space<vmem>> -> memref<1x32xf32, #tpu.memory_space<vmem>>
    %dma_start3A_714 = arith.constant 0 : i32
    %dma_start3A_715 = tpu.memref_slice %arg2[%get3A_705, %dma_start3A_714] : memref<1000000x32xf32, #tpu.memory_space<hbm>> -> memref<1x32xf32, #tpu.memory_space<hbm>>
    tpu.enqueue_dma source(%dma_start3A_715 : memref<1x32xf32, #tpu.memory_space<hbm>>) target(%dma_start3A_713 : memref<1x32xf32, #tpu.memory_space<vmem>>) target_semaphore(%arg8 : memref<!tpu.dma_semaphore, #tpu.memory_space<semaphore_mem>>)
    %get3A_716 = arith.constant 55 : i32
    %get3A_717 = arith.index_cast %get3A_716 : i32 to index
    %get3A_718 = memref.load %arg5[%get3A_717] : memref<512xi32, #tpu.memory_space<smem>>
    %dma_start3A_719 = arith.constant 55 : i32
    %dma_start3A_720 = arith.constant 0 : i32
    %dma_start3A_721 = tpu.memref_slice %arg7[%dma_start3A_719, %dma_start3A_720] : memref<512x32xf32, #tpu.memory_space<vmem>> -> memref<1x32xf32, #tpu.memory_space<vmem>>
    %dma_start3A_722 = arith.constant 0 : i32
    %dma_start3A_723 = tpu.memref_slice %arg2[%get3A_718, %dma_start3A_722] : memref<1000000x32xf32, #tpu.memory_space<hbm>> -> memref<1x32xf32, #tpu.memory_space<hbm>>
    %dma_start3A_724 = arith.constant 55 : i32
    %dma_start3A_725 = arith.constant 0 : i32
    %dma_start3A_726 = tpu.memref_slice %arg7[%dma_start3A_724, %dma_start3A_725] : memref<512x32xf32, #tpu.memory_space<vmem>> -> memref<1x32xf32, #tpu.memory_space<vmem>>
    %dma_start3A_727 = arith.constant 0 : i32
    %dma_start3A_728 = tpu.memref_slice %arg2[%get3A_718, %dma_start3A_727] : memref<1000000x32xf32, #tpu.memory_space<hbm>> -> memref<1x32xf32, #tpu.memory_space<hbm>>
    tpu.enqueue_dma source(%dma_start3A_728 : memref<1x32xf32, #tpu.memory_space<hbm>>) target(%dma_start3A_726 : memref<1x32xf32, #tpu.memory_space<vmem>>) target_semaphore(%arg9 : memref<!tpu.dma_semaphore, #tpu.memory_space<semaphore_mem>>)
    %get3A_729 = arith.constant 56 : i32
    %get3A_730 = arith.index_cast %get3A_729 : i32 to index
    %get3A_731 = memref.load %arg5[%get3A_730] : memref<512xi32, #tpu.memory_space<smem>>
    %dma_start3A_732 = arith.constant 56 : i32
    %dma_start3A_733 = arith.constant 0 : i32
    %dma_start3A_734 = tpu.memref_slice %arg7[%dma_start3A_732, %dma_start3A_733] : memref<512x32xf32, #tpu.memory_space<vmem>> -> memref<1x32xf32, #tpu.memory_space<vmem>>
    %dma_start3A_735 = arith.constant 0 : i32
    %dma_start3A_736 = tpu.memref_slice %arg2[%get3A_731, %dma_start3A_735] : memref<1000000x32xf32, #tpu.memory_space<hbm>> -> memref<1x32xf32, #tpu.memory_space<hbm>>
    %dma_start3A_737 = arith.constant 56 : i32
    %dma_start3A_738 = arith.constant 0 : i32
    %dma_start3A_739 = tpu.memref_slice %arg7[%dma_start3A_737, %dma_start3A_738] : memref<512x32xf32, #tpu.memory_space<vmem>> -> memref<1x32xf32, #tpu.memory_space<vmem>>
    %dma_start3A_740 = arith.constant 0 : i32
    %dma_start3A_741 = tpu.memref_slice %arg2[%get3A_731, %dma_start3A_740] : memref<1000000x32xf32, #tpu.memory_space<hbm>> -> memref<1x32xf32, #tpu.memory_space<hbm>>
    tpu.enqueue_dma source(%dma_start3A_741 : memref<1x32xf32, #tpu.memory_space<hbm>>) target(%dma_start3A_739 : memref<1x32xf32, #tpu.memory_space<vmem>>) target_semaphore(%arg8 : memref<!tpu.dma_semaphore, #tpu.memory_space<semaphore_mem>>)
    %get3A_742 = arith.constant 57 : i32
    %get3A_743 = arith.index_cast %get3A_742 : i32 to index
    %get3A_744 = memref.load %arg5[%get3A_743] : memref<512xi32, #tpu.memory_space<smem>>
    %dma_start3A_745 = arith.constant 57 : i32
    %dma_start3A_746 = arith.constant 0 : i32
    %dma_start3A_747 = tpu.memref_slice %arg7[%dma_start3A_745, %dma_start3A_746] : memref<512x32xf32, #tpu.memory_space<vmem>> -> memref<1x32xf32, #tpu.memory_space<vmem>>
    %dma_start3A_748 = arith.constant 0 : i32
    %dma_start3A_749 = tpu.memref_slice %arg2[%get3A_744, %dma_start3A_748] : memref<1000000x32xf32, #tpu.memory_space<hbm>> -> memref<1x32xf32, #tpu.memory_space<hbm>>
    %dma_start3A_750 = arith.constant 57 : i32
    %dma_start3A_751 = arith.constant 0 : i32
    %dma_start3A_752 = tpu.memref_slice %arg7[%dma_start3A_750, %dma_start3A_751] : memref<512x32xf32, #tpu.memory_space<vmem>> -> memref<1x32xf32, #tpu.memory_space<vmem>>
    %dma_start3A_753 = arith.constant 0 : i32
    %dma_start3A_754 = tpu.memref_slice %arg2[%get3A_744, %dma_start3A_753] : memref<1000000x32xf32, #tpu.memory_space<hbm>> -> memref<1x32xf32, #tpu.memory_space<hbm>>
    tpu.enqueue_dma source(%dma_start3A_754 : memref<1x32xf32, #tpu.memory_space<hbm>>) target(%dma_start3A_752 : memref<1x32xf32, #tpu.memory_space<vmem>>) target_semaphore(%arg9 : memref<!tpu.dma_semaphore, #tpu.memory_space<semaphore_mem>>)
    %get3A_755 = arith.constant 58 : i32
    %get3A_756 = arith.index_cast %get3A_755 : i32 to index
    %get3A_757 = memref.load %arg5[%get3A_756] : memref<512xi32, #tpu.memory_space<smem>>
    %dma_start3A_758 = arith.constant 58 : i32
    %dma_start3A_759 = arith.constant 0 : i32
    %dma_start3A_760 = tpu.memref_slice %arg7[%dma_start3A_758, %dma_start3A_759] : memref<512x32xf32, #tpu.memory_space<vmem>> -> memref<1x32xf32, #tpu.memory_space<vmem>>
    %dma_start3A_761 = arith.constant 0 : i32
    %dma_start3A_762 = tpu.memref_slice %arg2[%get3A_757, %dma_start3A_761] : memref<1000000x32xf32, #tpu.memory_space<hbm>> -> memref<1x32xf32, #tpu.memory_space<hbm>>
    %dma_start3A_763 = arith.constant 58 : i32
    %dma_start3A_764 = arith.constant 0 : i32
    %dma_start3A_765 = tpu.memref_slice %arg7[%dma_start3A_763, %dma_start3A_764] : memref<512x32xf32, #tpu.memory_space<vmem>> -> memref<1x32xf32, #tpu.memory_space<vmem>>
    %dma_start3A_766 = arith.constant 0 : i32
    %dma_start3A_767 = tpu.memref_slice %arg2[%get3A_757, %dma_start3A_766] : memref<1000000x32xf32, #tpu.memory_space<hbm>> -> memref<1x32xf32, #tpu.memory_space<hbm>>
    tpu.enqueue_dma source(%dma_start3A_767 : memref<1x32xf32, #tpu.memory_space<hbm>>) target(%dma_start3A_765 : memref<1x32xf32, #tpu.memory_space<vmem>>) target_semaphore(%arg8 : memref<!tpu.dma_semaphore, #tpu.memory_space<semaphore_mem>>)
    %get3A_768 = arith.constant 59 : i32
    %get3A_769 = arith.index_cast %get3A_768 : i32 to index
    %get3A_770 = memref.load %arg5[%get3A_769] : memref<512xi32, #tpu.memory_space<smem>>
    %dma_start3A_771 = arith.constant 59 : i32
    %dma_start3A_772 = arith.constant 0 : i32
    %dma_start3A_773 = tpu.memref_slice %arg7[%dma_start3A_771, %dma_start3A_772] : memref<512x32xf32, #tpu.memory_space<vmem>> -> memref<1x32xf32, #tpu.memory_space<vmem>>
    %dma_start3A_774 = arith.constant 0 : i32
    %dma_start3A_775 = tpu.memref_slice %arg2[%get3A_770, %dma_start3A_774] : memref<1000000x32xf32, #tpu.memory_space<hbm>> -> memref<1x32xf32, #tpu.memory_space<hbm>>
    %dma_start3A_776 = arith.constant 59 : i32
    %dma_start3A_777 = arith.constant 0 : i32
    %dma_start3A_778 = tpu.memref_slice %arg7[%dma_start3A_776, %dma_start3A_777] : memref<512x32xf32, #tpu.memory_space<vmem>> -> memref<1x32xf32, #tpu.memory_space<vmem>>
    %dma_start3A_779 = arith.constant 0 : i32
    %dma_start3A_780 = tpu.memref_slice %arg2[%get3A_770, %dma_start3A_779] : memref<1000000x32xf32, #tpu.memory_space<hbm>> -> memref<1x32xf32, #tpu.memory_space<hbm>>
    tpu.enqueue_dma source(%dma_start3A_780 : memref<1x32xf32, #tpu.memory_space<hbm>>) target(%dma_start3A_778 : memref<1x32xf32, #tpu.memory_space<vmem>>) target_semaphore(%arg9 : memref<!tpu.dma_semaphore, #tpu.memory_space<semaphore_mem>>)
    %get3A_781 = arith.constant 60 : i32
    %get3A_782 = arith.index_cast %get3A_781 : i32 to index
    %get3A_783 = memref.load %arg5[%get3A_782] : memref<512xi32, #tpu.memory_space<smem>>
    %dma_start3A_784 = arith.constant 60 : i32
    %dma_start3A_785 = arith.constant 0 : i32
    %dma_start3A_786 = tpu.memref_slice %arg7[%dma_start3A_784, %dma_start3A_785] : memref<512x32xf32, #tpu.memory_space<vmem>> -> memref<1x32xf32, #tpu.memory_space<vmem>>
    %dma_start3A_787 = arith.constant 0 : i32
    %dma_start3A_788 = tpu.memref_slice %arg2[%get3A_783, %dma_start3A_787] : memref<1000000x32xf32, #tpu.memory_space<hbm>> -> memref<1x32xf32, #tpu.memory_space<hbm>>
    %dma_start3A_789 = arith.constant 60 : i32
    %dma_start3A_790 = arith.constant 0 : i32
    %dma_start3A_791 = tpu.memref_slice %arg7[%dma_start3A_789, %dma_start3A_790] : memref<512x32xf32, #tpu.memory_space<vmem>> -> memref<1x32xf32, #tpu.memory_space<vmem>>
    %dma_start3A_792 = arith.constant 0 : i32
    %dma_start3A_793 = tpu.memref_slice %arg2[%get3A_783, %dma_start3A_792] : memref<1000000x32xf32, #tpu.memory_space<hbm>> -> memref<1x32xf32, #tpu.memory_space<hbm>>
    tpu.enqueue_dma source(%dma_start3A_793 : memref<1x32xf32, #tpu.memory_space<hbm>>) target(%dma_start3A_791 : memref<1x32xf32, #tpu.memory_space<vmem>>) target_semaphore(%arg8 : memref<!tpu.dma_semaphore, #tpu.memory_space<semaphore_mem>>)
    %get3A_794 = arith.constant 61 : i32
    %get3A_795 = arith.index_cast %get3A_794 : i32 to index
    %get3A_796 = memref.load %arg5[%get3A_795] : memref<512xi32, #tpu.memory_space<smem>>
    %dma_start3A_797 = arith.constant 61 : i32
    %dma_start3A_798 = arith.constant 0 : i32
    %dma_start3A_799 = tpu.memref_slice %arg7[%dma_start3A_797, %dma_start3A_798] : memref<512x32xf32, #tpu.memory_space<vmem>> -> memref<1x32xf32, #tpu.memory_space<vmem>>
    %dma_start3A_800 = arith.constant 0 : i32
    %dma_start3A_801 = tpu.memref_slice %arg2[%get3A_796, %dma_start3A_800] : memref<1000000x32xf32, #tpu.memory_space<hbm>> -> memref<1x32xf32, #tpu.memory_space<hbm>>
    %dma_start3A_802 = arith.constant 61 : i32
    %dma_start3A_803 = arith.constant 0 : i32
    %dma_start3A_804 = tpu.memref_slice %arg7[%dma_start3A_802, %dma_start3A_803] : memref<512x32xf32, #tpu.memory_space<vmem>> -> memref<1x32xf32, #tpu.memory_space<vmem>>
    %dma_start3A_805 = arith.constant 0 : i32
    %dma_start3A_806 = tpu.memref_slice %arg2[%get3A_796, %dma_start3A_805] : memref<1000000x32xf32, #tpu.memory_space<hbm>> -> memref<1x32xf32, #tpu.memory_space<hbm>>
    tpu.enqueue_dma source(%dma_start3A_806 : memref<1x32xf32, #tpu.memory_space<hbm>>) target(%dma_start3A_804 : memref<1x32xf32, #tpu.memory_space<vmem>>) target_semaphore(%arg9 : memref<!tpu.dma_semaphore, #tpu.memory_space<semaphore_mem>>)
    %get3A_807 = arith.constant 62 : i32
    %get3A_808 = arith.index_cast %get3A_807 : i32 to index
    %get3A_809 = memref.load %arg5[%get3A_808] : memref<512xi32, #tpu.memory_space<smem>>
    %dma_start3A_810 = arith.constant 62 : i32
    %dma_start3A_811 = arith.constant 0 : i32
    %dma_start3A_812 = tpu.memref_slice %arg7[%dma_start3A_810, %dma_start3A_811] : memref<512x32xf32, #tpu.memory_space<vmem>> -> memref<1x32xf32, #tpu.memory_space<vmem>>
    %dma_start3A_813 = arith.constant 0 : i32
    %dma_start3A_814 = tpu.memref_slice %arg2[%get3A_809, %dma_start3A_813] : memref<1000000x32xf32, #tpu.memory_space<hbm>> -> memref<1x32xf32, #tpu.memory_space<hbm>>
    %dma_start3A_815 = arith.constant 62 : i32
    %dma_start3A_816 = arith.constant 0 : i32
    %dma_start3A_817 = tpu.memref_slice %arg7[%dma_start3A_815, %dma_start3A_816] : memref<512x32xf32, #tpu.memory_space<vmem>> -> memref<1x32xf32, #tpu.memory_space<vmem>>
    %dma_start3A_818 = arith.constant 0 : i32
    %dma_start3A_819 = tpu.memref_slice %arg2[%get3A_809, %dma_start3A_818] : memref<1000000x32xf32, #tpu.memory_space<hbm>> -> memref<1x32xf32, #tpu.memory_space<hbm>>
    tpu.enqueue_dma source(%dma_start3A_819 : memref<1x32xf32, #tpu.memory_space<hbm>>) target(%dma_start3A_817 : memref<1x32xf32, #tpu.memory_space<vmem>>) target_semaphore(%arg8 : memref<!tpu.dma_semaphore, #tpu.memory_space<semaphore_mem>>)
    %get3A_820 = arith.constant 63 : i32
    %get3A_821 = arith.index_cast %get3A_820 : i32 to index
    %get3A_822 = memref.load %arg5[%get3A_821] : memref<512xi32, #tpu.memory_space<smem>>
    %dma_start3A_823 = arith.constant 63 : i32
    %dma_start3A_824 = arith.constant 0 : i32
    %dma_start3A_825 = tpu.memref_slice %arg7[%dma_start3A_823, %dma_start3A_824] : memref<512x32xf32, #tpu.memory_space<vmem>> -> memref<1x32xf32, #tpu.memory_space<vmem>>
    %dma_start3A_826 = arith.constant 0 : i32
    %dma_start3A_827 = tpu.memref_slice %arg2[%get3A_822, %dma_start3A_826] : memref<1000000x32xf32, #tpu.memory_space<hbm>> -> memref<1x32xf32, #tpu.memory_space<hbm>>
    %dma_start3A_828 = arith.constant 63 : i32
    %dma_start3A_829 = arith.constant 0 : i32
    %dma_start3A_830 = tpu.memref_slice %arg7[%dma_start3A_828, %dma_start3A_829] : memref<512x32xf32, #tpu.memory_space<vmem>> -> memref<1x32xf32, #tpu.memory_space<vmem>>
    %dma_start3A_831 = arith.constant 0 : i32
    %dma_start3A_832 = tpu.memref_slice %arg2[%get3A_822, %dma_start3A_831] : memref<1000000x32xf32, #tpu.memory_space<hbm>> -> memref<1x32xf32, #tpu.memory_space<hbm>>
    tpu.enqueue_dma source(%dma_start3A_832 : memref<1x32xf32, #tpu.memory_space<hbm>>) target(%dma_start3A_830 : memref<1x32xf32, #tpu.memory_space<vmem>>) target_semaphore(%arg9 : memref<!tpu.dma_semaphore, #tpu.memory_space<semaphore_mem>>)
    %get3A_833 = arith.constant 64 : i32
    %get3A_834 = arith.index_cast %get3A_833 : i32 to index
    %get3A_835 = memref.load %arg5[%get3A_834] : memref<512xi32, #tpu.memory_space<smem>>
    %dma_start3A_836 = arith.constant 64 : i32
    %dma_start3A_837 = arith.constant 0 : i32
    %dma_start3A_838 = tpu.memref_slice %arg7[%dma_start3A_836, %dma_start3A_837] : memref<512x32xf32, #tpu.memory_space<vmem>> -> memref<1x32xf32, #tpu.memory_space<vmem>>
    %dma_start3A_839 = arith.constant 0 : i32
    %dma_start3A_840 = tpu.memref_slice %arg2[%get3A_835, %dma_start3A_839] : memref<1000000x32xf32, #tpu.memory_space<hbm>> -> memref<1x32xf32, #tpu.memory_space<hbm>>
    %dma_start3A_841 = arith.constant 64 : i32
    %dma_start3A_842 = arith.constant 0 : i32
    %dma_start3A_843 = tpu.memref_slice %arg7[%dma_start3A_841, %dma_start3A_842] : memref<512x32xf32, #tpu.memory_space<vmem>> -> memref<1x32xf32, #tpu.memory_space<vmem>>
    %dma_start3A_844 = arith.constant 0 : i32
    %dma_start3A_845 = tpu.memref_slice %arg2[%get3A_835, %dma_start3A_844] : memref<1000000x32xf32, #tpu.memory_space<hbm>> -> memref<1x32xf32, #tpu.memory_space<hbm>>
    tpu.enqueue_dma source(%dma_start3A_845 : memref<1x32xf32, #tpu.memory_space<hbm>>) target(%dma_start3A_843 : memref<1x32xf32, #tpu.memory_space<vmem>>) target_semaphore(%arg8 : memref<!tpu.dma_semaphore, #tpu.memory_space<semaphore_mem>>)
    %get3A_846 = arith.constant 65 : i32
    %get3A_847 = arith.index_cast %get3A_846 : i32 to index
    %get3A_848 = memref.load %arg5[%get3A_847] : memref<512xi32, #tpu.memory_space<smem>>
    %dma_start3A_849 = arith.constant 65 : i32
    %dma_start3A_850 = arith.constant 0 : i32
    %dma_start3A_851 = tpu.memref_slice %arg7[%dma_start3A_849, %dma_start3A_850] : memref<512x32xf32, #tpu.memory_space<vmem>> -> memref<1x32xf32, #tpu.memory_space<vmem>>
    %dma_start3A_852 = arith.constant 0 : i32
    %dma_start3A_853 = tpu.memref_slice %arg2[%get3A_848, %dma_start3A_852] : memref<1000000x32xf32, #tpu.memory_space<hbm>> -> memref<1x32xf32, #tpu.memory_space<hbm>>
    %dma_start3A_854 = arith.constant 65 : i32
    %dma_start3A_855 = arith.constant 0 : i32
    %dma_start3A_856 = tpu.memref_slice %arg7[%dma_start3A_854, %dma_start3A_855] : memref<512x32xf32, #tpu.memory_space<vmem>> -> memref<1x32xf32, #tpu.memory_space<vmem>>
    %dma_start3A_857 = arith.constant 0 : i32
    %dma_start3A_858 = tpu.memref_slice %arg2[%get3A_848, %dma_start3A_857] : memref<1000000x32xf32, #tpu.memory_space<hbm>> -> memref<1x32xf32, #tpu.memory_space<hbm>>
    tpu.enqueue_dma source(%dma_start3A_858 : memref<1x32xf32, #tpu.memory_space<hbm>>) target(%dma_start3A_856 : memref<1x32xf32, #tpu.memory_space<vmem>>) target_semaphore(%arg9 : memref<!tpu.dma_semaphore, #tpu.memory_space<semaphore_mem>>)
    %get3A_859 = arith.constant 66 : i32
    %get3A_860 = arith.index_cast %get3A_859 : i32 to index
    %get3A_861 = memref.load %arg5[%get3A_860] : memref<512xi32, #tpu.memory_space<smem>>
    %dma_start3A_862 = arith.constant 66 : i32
    %dma_start3A_863 = arith.constant 0 : i32
    %dma_start3A_864 = tpu.memref_slice %arg7[%dma_start3A_862, %dma_start3A_863] : memref<512x32xf32, #tpu.memory_space<vmem>> -> memref<1x32xf32, #tpu.memory_space<vmem>>
    %dma_start3A_865 = arith.constant 0 : i32
    %dma_start3A_866 = tpu.memref_slice %arg2[%get3A_861, %dma_start3A_865] : memref<1000000x32xf32, #tpu.memory_space<hbm>> -> memref<1x32xf32, #tpu.memory_space<hbm>>
    %dma_start3A_867 = arith.constant 66 : i32
    %dma_start3A_868 = arith.constant 0 : i32
    %dma_start3A_869 = tpu.memref_slice %arg7[%dma_start3A_867, %dma_start3A_868] : memref<512x32xf32, #tpu.memory_space<vmem>> -> memref<1x32xf32, #tpu.memory_space<vmem>>
    %dma_start3A_870 = arith.constant 0 : i32
    %dma_start3A_871 = tpu.memref_slice %arg2[%get3A_861, %dma_start3A_870] : memref<1000000x32xf32, #tpu.memory_space<hbm>> -> memref<1x32xf32, #tpu.memory_space<hbm>>
    tpu.enqueue_dma source(%dma_start3A_871 : memref<1x32xf32, #tpu.memory_space<hbm>>) target(%dma_start3A_869 : memref<1x32xf32, #tpu.memory_space<vmem>>) target_semaphore(%arg8 : memref<!tpu.dma_semaphore, #tpu.memory_space<semaphore_mem>>)
    %get3A_872 = arith.constant 67 : i32
    %get3A_873 = arith.index_cast %get3A_872 : i32 to index
    %get3A_874 = memref.load %arg5[%get3A_873] : memref<512xi32, #tpu.memory_space<smem>>
    %dma_start3A_875 = arith.constant 67 : i32
    %dma_start3A_876 = arith.constant 0 : i32
    %dma_start3A_877 = tpu.memref_slice %arg7[%dma_start3A_875, %dma_start3A_876] : memref<512x32xf32, #tpu.memory_space<vmem>> -> memref<1x32xf32, #tpu.memory_space<vmem>>
    %dma_start3A_878 = arith.constant 0 : i32
    %dma_start3A_879 = tpu.memref_slice %arg2[%get3A_874, %dma_start3A_878] : memref<1000000x32xf32, #tpu.memory_space<hbm>> -> memref<1x32xf32, #tpu.memory_space<hbm>>
    %dma_start3A_880 = arith.constant 67 : i32
    %dma_start3A_881 = arith.constant 0 : i32
    %dma_start3A_882 = tpu.memref_slice %arg7[%dma_start3A_880, %dma_start3A_881] : memref<512x32xf32, #tpu.memory_space<vmem>> -> memref<1x32xf32, #tpu.memory_space<vmem>>
    %dma_start3A_883 = arith.constant 0 : i32
    %dma_start3A_884 = tpu.memref_slice %arg2[%get3A_874, %dma_start3A_883] : memref<1000000x32xf32, #tpu.memory_space<hbm>> -> memref<1x32xf32, #tpu.memory_space<hbm>>
    tpu.enqueue_dma source(%dma_start3A_884 : memref<1x32xf32, #tpu.memory_space<hbm>>) target(%dma_start3A_882 : memref<1x32xf32, #tpu.memory_space<vmem>>) target_semaphore(%arg9 : memref<!tpu.dma_semaphore, #tpu.memory_space<semaphore_mem>>)
    %get3A_885 = arith.constant 68 : i32
    %get3A_886 = arith.index_cast %get3A_885 : i32 to index
    %get3A_887 = memref.load %arg5[%get3A_886] : memref<512xi32, #tpu.memory_space<smem>>
    %dma_start3A_888 = arith.constant 68 : i32
    %dma_start3A_889 = arith.constant 0 : i32
    %dma_start3A_890 = tpu.memref_slice %arg7[%dma_start3A_888, %dma_start3A_889] : memref<512x32xf32, #tpu.memory_space<vmem>> -> memref<1x32xf32, #tpu.memory_space<vmem>>
    %dma_start3A_891 = arith.constant 0 : i32
    %dma_start3A_892 = tpu.memref_slice %arg2[%get3A_887, %dma_start3A_891] : memref<1000000x32xf32, #tpu.memory_space<hbm>> -> memref<1x32xf32, #tpu.memory_space<hbm>>
    %dma_start3A_893 = arith.constant 68 : i32
    %dma_start3A_894 = arith.constant 0 : i32
    %dma_start3A_895 = tpu.memref_slice %arg7[%dma_start3A_893, %dma_start3A_894] : memref<512x32xf32, #tpu.memory_space<vmem>> -> memref<1x32xf32, #tpu.memory_space<vmem>>
    %dma_start3A_896 = arith.constant 0 : i32
    %dma_start3A_897 = tpu.memref_slice %arg2[%get3A_887, %dma_start3A_896] : memref<1000000x32xf32, #tpu.memory_space<hbm>> -> memref<1x32xf32, #tpu.memory_space<hbm>>
    tpu.enqueue_dma source(%dma_start3A_897 : memref<1x32xf32, #tpu.memory_space<hbm>>) target(%dma_start3A_895 : memref<1x32xf32, #tpu.memory_space<vmem>>) target_semaphore(%arg8 : memref<!tpu.dma_semaphore, #tpu.memory_space<semaphore_mem>>)
    %get3A_898 = arith.constant 69 : i32
    %get3A_899 = arith.index_cast %get3A_898 : i32 to index
    %get3A_900 = memref.load %arg5[%get3A_899] : memref<512xi32, #tpu.memory_space<smem>>
    %dma_start3A_901 = arith.constant 69 : i32
    %dma_start3A_902 = arith.constant 0 : i32
    %dma_start3A_903 = tpu.memref_slice %arg7[%dma_start3A_901, %dma_start3A_902] : memref<512x32xf32, #tpu.memory_space<vmem>> -> memref<1x32xf32, #tpu.memory_space<vmem>>
    %dma_start3A_904 = arith.constant 0 : i32
    %dma_start3A_905 = tpu.memref_slice %arg2[%get3A_900, %dma_start3A_904] : memref<1000000x32xf32, #tpu.memory_space<hbm>> -> memref<1x32xf32, #tpu.memory_space<hbm>>
    %dma_start3A_906 = arith.constant 69 : i32
    %dma_start3A_907 = arith.constant 0 : i32
    %dma_start3A_908 = tpu.memref_slice %arg7[%dma_start3A_906, %dma_start3A_907] : memref<512x32xf32, #tpu.memory_space<vmem>> -> memref<1x32xf32, #tpu.memory_space<vmem>>
    %dma_start3A_909 = arith.constant 0 : i32
    %dma_start3A_910 = tpu.memref_slice %arg2[%get3A_900, %dma_start3A_909] : memref<1000000x32xf32, #tpu.memory_space<hbm>> -> memref<1x32xf32, #tpu.memory_space<hbm>>
    tpu.enqueue_dma source(%dma_start3A_910 : memref<1x32xf32, #tpu.memory_space<hbm>>) target(%dma_start3A_908 : memref<1x32xf32, #tpu.memory_space<vmem>>) target_semaphore(%arg9 : memref<!tpu.dma_semaphore, #tpu.memory_space<semaphore_mem>>)
    %get3A_911 = arith.constant 70 : i32
    %get3A_912 = arith.index_cast %get3A_911 : i32 to index
    %get3A_913 = memref.load %arg5[%get3A_912] : memref<512xi32, #tpu.memory_space<smem>>
    %dma_start3A_914 = arith.constant 70 : i32
    %dma_start3A_915 = arith.constant 0 : i32
    %dma_start3A_916 = tpu.memref_slice %arg7[%dma_start3A_914, %dma_start3A_915] : memref<512x32xf32, #tpu.memory_space<vmem>> -> memref<1x32xf32, #tpu.memory_space<vmem>>
    %dma_start3A_917 = arith.constant 0 : i32
    %dma_start3A_918 = tpu.memref_slice %arg2[%get3A_913, %dma_start3A_917] : memref<1000000x32xf32, #tpu.memory_space<hbm>> -> memref<1x32xf32, #tpu.memory_space<hbm>>
    %dma_start3A_919 = arith.constant 70 : i32
    %dma_start3A_920 = arith.constant 0 : i32
    %dma_start3A_921 = tpu.memref_slice %arg7[%dma_start3A_919, %dma_start3A_920] : memref<512x32xf32, #tpu.memory_space<vmem>> -> memref<1x32xf32, #tpu.memory_space<vmem>>
    %dma_start3A_922 = arith.constant 0 : i32
    %dma_start3A_923 = tpu.memref_slice %arg2[%get3A_913, %dma_start3A_922] : memref<1000000x32xf32, #tpu.memory_space<hbm>> -> memref<1x32xf32, #tpu.memory_space<hbm>>
    tpu.enqueue_dma source(%dma_start3A_923 : memref<1x32xf32, #tpu.memory_space<hbm>>) target(%dma_start3A_921 : memref<1x32xf32, #tpu.memory_space<vmem>>) target_semaphore(%arg8 : memref<!tpu.dma_semaphore, #tpu.memory_space<semaphore_mem>>)
    %get3A_924 = arith.constant 71 : i32
    %get3A_925 = arith.index_cast %get3A_924 : i32 to index
    %get3A_926 = memref.load %arg5[%get3A_925] : memref<512xi32, #tpu.memory_space<smem>>
    %dma_start3A_927 = arith.constant 71 : i32
    %dma_start3A_928 = arith.constant 0 : i32
    %dma_start3A_929 = tpu.memref_slice %arg7[%dma_start3A_927, %dma_start3A_928] : memref<512x32xf32, #tpu.memory_space<vmem>> -> memref<1x32xf32, #tpu.memory_space<vmem>>
    %dma_start3A_930 = arith.constant 0 : i32
    %dma_start3A_931 = tpu.memref_slice %arg2[%get3A_926, %dma_start3A_930] : memref<1000000x32xf32, #tpu.memory_space<hbm>> -> memref<1x32xf32, #tpu.memory_space<hbm>>
    %dma_start3A_932 = arith.constant 71 : i32
    %dma_start3A_933 = arith.constant 0 : i32
    %dma_start3A_934 = tpu.memref_slice %arg7[%dma_start3A_932, %dma_start3A_933] : memref<512x32xf32, #tpu.memory_space<vmem>> -> memref<1x32xf32, #tpu.memory_space<vmem>>
    %dma_start3A_935 = arith.constant 0 : i32
    %dma_start3A_936 = tpu.memref_slice %arg2[%get3A_926, %dma_start3A_935] : memref<1000000x32xf32, #tpu.memory_space<hbm>> -> memref<1x32xf32, #tpu.memory_space<hbm>>
    tpu.enqueue_dma source(%dma_start3A_936 : memref<1x32xf32, #tpu.memory_space<hbm>>) target(%dma_start3A_934 : memref<1x32xf32, #tpu.memory_space<vmem>>) target_semaphore(%arg9 : memref<!tpu.dma_semaphore, #tpu.memory_space<semaphore_mem>>)
    %get3A_937 = arith.constant 72 : i32
    %get3A_938 = arith.index_cast %get3A_937 : i32 to index
    %get3A_939 = memref.load %arg5[%get3A_938] : memref<512xi32, #tpu.memory_space<smem>>
    %dma_start3A_940 = arith.constant 72 : i32
    %dma_start3A_941 = arith.constant 0 : i32
    %dma_start3A_942 = tpu.memref_slice %arg7[%dma_start3A_940, %dma_start3A_941] : memref<512x32xf32, #tpu.memory_space<vmem>> -> memref<1x32xf32, #tpu.memory_space<vmem>>
    %dma_start3A_943 = arith.constant 0 : i32
    %dma_start3A_944 = tpu.memref_slice %arg2[%get3A_939, %dma_start3A_943] : memref<1000000x32xf32, #tpu.memory_space<hbm>> -> memref<1x32xf32, #tpu.memory_space<hbm>>
    %dma_start3A_945 = arith.constant 72 : i32
    %dma_start3A_946 = arith.constant 0 : i32
    %dma_start3A_947 = tpu.memref_slice %arg7[%dma_start3A_945, %dma_start3A_946] : memref<512x32xf32, #tpu.memory_space<vmem>> -> memref<1x32xf32, #tpu.memory_space<vmem>>
    %dma_start3A_948 = arith.constant 0 : i32
    %dma_start3A_949 = tpu.memref_slice %arg2[%get3A_939, %dma_start3A_948] : memref<1000000x32xf32, #tpu.memory_space<hbm>> -> memref<1x32xf32, #tpu.memory_space<hbm>>
    tpu.enqueue_dma source(%dma_start3A_949 : memref<1x32xf32, #tpu.memory_space<hbm>>) target(%dma_start3A_947 : memref<1x32xf32, #tpu.memory_space<vmem>>) target_semaphore(%arg8 : memref<!tpu.dma_semaphore, #tpu.memory_space<semaphore_mem>>)
    %get3A_950 = arith.constant 73 : i32
    %get3A_951 = arith.index_cast %get3A_950 : i32 to index
    %get3A_952 = memref.load %arg5[%get3A_951] : memref<512xi32, #tpu.memory_space<smem>>
    %dma_start3A_953 = arith.constant 73 : i32
    %dma_start3A_954 = arith.constant 0 : i32
    %dma_start3A_955 = tpu.memref_slice %arg7[%dma_start3A_953, %dma_start3A_954] : memref<512x32xf32, #tpu.memory_space<vmem>> -> memref<1x32xf32, #tpu.memory_space<vmem>>
    %dma_start3A_956 = arith.constant 0 : i32
    %dma_start3A_957 = tpu.memref_slice %arg2[%get3A_952, %dma_start3A_956] : memref<1000000x32xf32, #tpu.memory_space<hbm>> -> memref<1x32xf32, #tpu.memory_space<hbm>>
    %dma_start3A_958 = arith.constant 73 : i32
    %dma_start3A_959 = arith.constant 0 : i32
    %dma_start3A_960 = tpu.memref_slice %arg7[%dma_start3A_958, %dma_start3A_959] : memref<512x32xf32, #tpu.memory_space<vmem>> -> memref<1x32xf32, #tpu.memory_space<vmem>>
    %dma_start3A_961 = arith.constant 0 : i32
    %dma_start3A_962 = tpu.memref_slice %arg2[%get3A_952, %dma_start3A_961] : memref<1000000x32xf32, #tpu.memory_space<hbm>> -> memref<1x32xf32, #tpu.memory_space<hbm>>
    tpu.enqueue_dma source(%dma_start3A_962 : memref<1x32xf32, #tpu.memory_space<hbm>>) target(%dma_start3A_960 : memref<1x32xf32, #tpu.memory_space<vmem>>) target_semaphore(%arg9 : memref<!tpu.dma_semaphore, #tpu.memory_space<semaphore_mem>>)
    %get3A_963 = arith.constant 74 : i32
    %get3A_964 = arith.index_cast %get3A_963 : i32 to index
    %get3A_965 = memref.load %arg5[%get3A_964] : memref<512xi32, #tpu.memory_space<smem>>
    %dma_start3A_966 = arith.constant 74 : i32
    %dma_start3A_967 = arith.constant 0 : i32
    %dma_start3A_968 = tpu.memref_slice %arg7[%dma_start3A_966, %dma_start3A_967] : memref<512x32xf32, #tpu.memory_space<vmem>> -> memref<1x32xf32, #tpu.memory_space<vmem>>
    %dma_start3A_969 = arith.constant 0 : i32
    %dma_start3A_970 = tpu.memref_slice %arg2[%get3A_965, %dma_start3A_969] : memref<1000000x32xf32, #tpu.memory_space<hbm>> -> memref<1x32xf32, #tpu.memory_space<hbm>>
    %dma_start3A_971 = arith.constant 74 : i32
    %dma_start3A_972 = arith.constant 0 : i32
    %dma_start3A_973 = tpu.memref_slice %arg7[%dma_start3A_971, %dma_start3A_972] : memref<512x32xf32, #tpu.memory_space<vmem>> -> memref<1x32xf32, #tpu.memory_space<vmem>>
    %dma_start3A_974 = arith.constant 0 : i32
    %dma_start3A_975 = tpu.memref_slice %arg2[%get3A_965, %dma_start3A_974] : memref<1000000x32xf32, #tpu.memory_space<hbm>> -> memref<1x32xf32, #tpu.memory_space<hbm>>
    tpu.enqueue_dma source(%dma_start3A_975 : memref<1x32xf32, #tpu.memory_space<hbm>>) target(%dma_start3A_973 : memref<1x32xf32, #tpu.memory_space<vmem>>) target_semaphore(%arg8 : memref<!tpu.dma_semaphore, #tpu.memory_space<semaphore_mem>>)
    %get3A_976 = arith.constant 75 : i32
    %get3A_977 = arith.index_cast %get3A_976 : i32 to index
    %get3A_978 = memref.load %arg5[%get3A_977] : memref<512xi32, #tpu.memory_space<smem>>
    %dma_start3A_979 = arith.constant 75 : i32
    %dma_start3A_980 = arith.constant 0 : i32
    %dma_start3A_981 = tpu.memref_slice %arg7[%dma_start3A_979, %dma_start3A_980] : memref<512x32xf32, #tpu.memory_space<vmem>> -> memref<1x32xf32, #tpu.memory_space<vmem>>
    %dma_start3A_982 = arith.constant 0 : i32
    %dma_start3A_983 = tpu.memref_slice %arg2[%get3A_978, %dma_start3A_982] : memref<1000000x32xf32, #tpu.memory_space<hbm>> -> memref<1x32xf32, #tpu.memory_space<hbm>>
    %dma_start3A_984 = arith.constant 75 : i32
    %dma_start3A_985 = arith.constant 0 : i32
    %dma_start3A_986 = tpu.memref_slice %arg7[%dma_start3A_984, %dma_start3A_985] : memref<512x32xf32, #tpu.memory_space<vmem>> -> memref<1x32xf32, #tpu.memory_space<vmem>>
    %dma_start3A_987 = arith.constant 0 : i32
    %dma_start3A_988 = tpu.memref_slice %arg2[%get3A_978, %dma_start3A_987] : memref<1000000x32xf32, #tpu.memory_space<hbm>> -> memref<1x32xf32, #tpu.memory_space<hbm>>
    tpu.enqueue_dma source(%dma_start3A_988 : memref<1x32xf32, #tpu.memory_space<hbm>>) target(%dma_start3A_986 : memref<1x32xf32, #tpu.memory_space<vmem>>) target_semaphore(%arg9 : memref<!tpu.dma_semaphore, #tpu.memory_space<semaphore_mem>>)
    %get3A_989 = arith.constant 76 : i32
    %get3A_990 = arith.index_cast %get3A_989 : i32 to index
    %get3A_991 = memref.load %arg5[%get3A_990] : memref<512xi32, #tpu.memory_space<smem>>
    %dma_start3A_992 = arith.constant 76 : i32
    %dma_start3A_993 = arith.constant 0 : i32
    %dma_start3A_994 = tpu.memref_slice %arg7[%dma_start3A_992, %dma_start3A_993] : memref<512x32xf32, #tpu.memory_space<vmem>> -> memref<1x32xf32, #tpu.memory_space<vmem>>
    %dma_start3A_995 = arith.constant 0 : i32
    %dma_start3A_996 = tpu.memref_slice %arg2[%get3A_991, %dma_start3A_995] : memref<1000000x32xf32, #tpu.memory_space<hbm>> -> memref<1x32xf32, #tpu.memory_space<hbm>>
    %dma_start3A_997 = arith.constant 76 : i32
    %dma_start3A_998 = arith.constant 0 : i32
    %dma_start3A_999 = tpu.memref_slice %arg7[%dma_start3A_997, %dma_start3A_998] : memref<512x32xf32, #tpu.memory_space<vmem>> -> memref<1x32xf32, #tpu.memory_space<vmem>>
    %dma_start3A_1000 = arith.constant 0 : i32
    %dma_start3A_1001 = tpu.memref_slice %arg2[%get3A_991, %dma_start3A_1000] : memref<1000000x32xf32, #tpu.memory_space<hbm>> -> memref<1x32xf32, #tpu.memory_space<hbm>>
    tpu.enqueue_dma source(%dma_start3A_1001 : memref<1x32xf32, #tpu.memory_space<hbm>>) target(%dma_start3A_999 : memref<1x32xf32, #tpu.memory_space<vmem>>) target_semaphore(%arg8 : memref<!tpu.dma_semaphore, #tpu.memory_space<semaphore_mem>>)
    %get3A_1002 = arith.constant 77 : i32
    %get3A_1003 = arith.index_cast %get3A_1002 : i32 to index
    %get3A_1004 = memref.load %arg5[%get3A_1003] : memref<512xi32, #tpu.memory_space<smem>>
    %dma_start3A_1005 = arith.constant 77 : i32
    %dma_start3A_1006 = arith.constant 0 : i32
    %dma_start3A_1007 = tpu.memref_slice %arg7[%dma_start3A_1005, %dma_start3A_1006] : memref<512x32xf32, #tpu.memory_space<vmem>> -> memref<1x32xf32, #tpu.memory_space<vmem>>
    %dma_start3A_1008 = arith.constant 0 : i32
    %dma_start3A_1009 = tpu.memref_slice %arg2[%get3A_1004, %dma_start3A_1008] : memref<1000000x32xf32, #tpu.memory_space<hbm>> -> memref<1x32xf32, #tpu.memory_space<hbm>>
    %dma_start3A_1010 = arith.constant 77 : i32
    %dma_start3A_1011 = arith.constant 0 : i32
    %dma_start3A_1012 = tpu.memref_slice %arg7[%dma_start3A_1010, %dma_start3A_1011] : memref<512x32xf32, #tpu.memory_space<vmem>> -> memref<1x32xf32, #tpu.memory_space<vmem>>
    %dma_start3A_1013 = arith.constant 0 : i32
    %dma_start3A_1014 = tpu.memref_slice %arg2[%get3A_1004, %dma_start3A_1013] : memref<1000000x32xf32, #tpu.memory_space<hbm>> -> memref<1x32xf32, #tpu.memory_space<hbm>>
    tpu.enqueue_dma source(%dma_start3A_1014 : memref<1x32xf32, #tpu.memory_space<hbm>>) target(%dma_start3A_1012 : memref<1x32xf32, #tpu.memory_space<vmem>>) target_semaphore(%arg9 : memref<!tpu.dma_semaphore, #tpu.memory_space<semaphore_mem>>)
    %get3A_1015 = arith.constant 78 : i32
    %get3A_1016 = arith.index_cast %get3A_1015 : i32 to index
    %get3A_1017 = memref.load %arg5[%get3A_1016] : memref<512xi32, #tpu.memory_space<smem>>
    %dma_start3A_1018 = arith.constant 78 : i32
    %dma_start3A_1019 = arith.constant 0 : i32
    %dma_start3A_1020 = tpu.memref_slice %arg7[%dma_start3A_1018, %dma_start3A_1019] : memref<512x32xf32, #tpu.memory_space<vmem>> -> memref<1x32xf32, #tpu.memory_space<vmem>>
    %dma_start3A_1021 = arith.constant 0 : i32
    %dma_start3A_1022 = tpu.memref_slice %arg2[%get3A_1017, %dma_start3A_1021] : memref<1000000x32xf32, #tpu.memory_space<hbm>> -> memref<1x32xf32, #tpu.memory_space<hbm>>
    %dma_start3A_1023 = arith.constant 78 : i32
    %dma_start3A_1024 = arith.constant 0 : i32
    %dma_start3A_1025 = tpu.memref_slice %arg7[%dma_start3A_1023, %dma_start3A_1024] : memref<512x32xf32, #tpu.memory_space<vmem>> -> memref<1x32xf32, #tpu.memory_space<vmem>>
    %dma_start3A_1026 = arith.constant 0 : i32
    %dma_start3A_1027 = tpu.memref_slice %arg2[%get3A_1017, %dma_start3A_1026] : memref<1000000x32xf32, #tpu.memory_space<hbm>> -> memref<1x32xf32, #tpu.memory_space<hbm>>
    tpu.enqueue_dma source(%dma_start3A_1027 : memref<1x32xf32, #tpu.memory_space<hbm>>) target(%dma_start3A_1025 : memref<1x32xf32, #tpu.memory_space<vmem>>) target_semaphore(%arg8 : memref<!tpu.dma_semaphore, #tpu.memory_space<semaphore_mem>>)
    %get3A_1028 = arith.constant 79 : i32
    %get3A_1029 = arith.index_cast %get3A_1028 : i32 to index
    %get3A_1030 = memref.load %arg5[%get3A_1029] : memref<512xi32, #tpu.memory_space<smem>>
    %dma_start3A_1031 = arith.constant 79 : i32
    %dma_start3A_1032 = arith.constant 0 : i32
    %dma_start3A_1033 = tpu.memref_slice %arg7[%dma_start3A_1031, %dma_start3A_1032] : memref<512x32xf32, #tpu.memory_space<vmem>> -> memref<1x32xf32, #tpu.memory_space<vmem>>
    %dma_start3A_1034 = arith.constant 0 : i32
    %dma_start3A_1035 = tpu.memref_slice %arg2[%get3A_1030, %dma_start3A_1034] : memref<1000000x32xf32, #tpu.memory_space<hbm>> -> memref<1x32xf32, #tpu.memory_space<hbm>>
    %dma_start3A_1036 = arith.constant 79 : i32
    %dma_start3A_1037 = arith.constant 0 : i32
    %dma_start3A_1038 = tpu.memref_slice %arg7[%dma_start3A_1036, %dma_start3A_1037] : memref<512x32xf32, #tpu.memory_space<vmem>> -> memref<1x32xf32, #tpu.memory_space<vmem>>
    %dma_start3A_1039 = arith.constant 0 : i32
    %dma_start3A_1040 = tpu.memref_slice %arg2[%get3A_1030, %dma_start3A_1039] : memref<1000000x32xf32, #tpu.memory_space<hbm>> -> memref<1x32xf32, #tpu.memory_space<hbm>>
    tpu.enqueue_dma source(%dma_start3A_1040 : memref<1x32xf32, #tpu.memory_space<hbm>>) target(%dma_start3A_1038 : memref<1x32xf32, #tpu.memory_space<vmem>>) target_semaphore(%arg9 : memref<!tpu.dma_semaphore, #tpu.memory_space<semaphore_mem>>)
    %get3A_1041 = arith.constant 80 : i32
    %get3A_1042 = arith.index_cast %get3A_1041 : i32 to index
    %get3A_1043 = memref.load %arg5[%get3A_1042] : memref<512xi32, #tpu.memory_space<smem>>
    %dma_start3A_1044 = arith.constant 80 : i32
    %dma_start3A_1045 = arith.constant 0 : i32
    %dma_start3A_1046 = tpu.memref_slice %arg7[%dma_start3A_1044, %dma_start3A_1045] : memref<512x32xf32, #tpu.memory_space<vmem>> -> memref<1x32xf32, #tpu.memory_space<vmem>>
    %dma_start3A_1047 = arith.constant 0 : i32
    %dma_start3A_1048 = tpu.memref_slice %arg2[%get3A_1043, %dma_start3A_1047] : memref<1000000x32xf32, #tpu.memory_space<hbm>> -> memref<1x32xf32, #tpu.memory_space<hbm>>
    %dma_start3A_1049 = arith.constant 80 : i32
    %dma_start3A_1050 = arith.constant 0 : i32
    %dma_start3A_1051 = tpu.memref_slice %arg7[%dma_start3A_1049, %dma_start3A_1050] : memref<512x32xf32, #tpu.memory_space<vmem>> -> memref<1x32xf32, #tpu.memory_space<vmem>>
    %dma_start3A_1052 = arith.constant 0 : i32
    %dma_start3A_1053 = tpu.memref_slice %arg2[%get3A_1043, %dma_start3A_1052] : memref<1000000x32xf32, #tpu.memory_space<hbm>> -> memref<1x32xf32, #tpu.memory_space<hbm>>
    tpu.enqueue_dma source(%dma_start3A_1053 : memref<1x32xf32, #tpu.memory_space<hbm>>) target(%dma_start3A_1051 : memref<1x32xf32, #tpu.memory_space<vmem>>) target_semaphore(%arg8 : memref<!tpu.dma_semaphore, #tpu.memory_space<semaphore_mem>>)
    %get3A_1054 = arith.constant 81 : i32
    %get3A_1055 = arith.index_cast %get3A_1054 : i32 to index
    %get3A_1056 = memref.load %arg5[%get3A_1055] : memref<512xi32, #tpu.memory_space<smem>>
    %dma_start3A_1057 = arith.constant 81 : i32
    %dma_start3A_1058 = arith.constant 0 : i32
    %dma_start3A_1059 = tpu.memref_slice %arg7[%dma_start3A_1057, %dma_start3A_1058] : memref<512x32xf32, #tpu.memory_space<vmem>> -> memref<1x32xf32, #tpu.memory_space<vmem>>
    %dma_start3A_1060 = arith.constant 0 : i32
    %dma_start3A_1061 = tpu.memref_slice %arg2[%get3A_1056, %dma_start3A_1060] : memref<1000000x32xf32, #tpu.memory_space<hbm>> -> memref<1x32xf32, #tpu.memory_space<hbm>>
    %dma_start3A_1062 = arith.constant 81 : i32
    %dma_start3A_1063 = arith.constant 0 : i32
    %dma_start3A_1064 = tpu.memref_slice %arg7[%dma_start3A_1062, %dma_start3A_1063] : memref<512x32xf32, #tpu.memory_space<vmem>> -> memref<1x32xf32, #tpu.memory_space<vmem>>
    %dma_start3A_1065 = arith.constant 0 : i32
    %dma_start3A_1066 = tpu.memref_slice %arg2[%get3A_1056, %dma_start3A_1065] : memref<1000000x32xf32, #tpu.memory_space<hbm>> -> memref<1x32xf32, #tpu.memory_space<hbm>>
    tpu.enqueue_dma source(%dma_start3A_1066 : memref<1x32xf32, #tpu.memory_space<hbm>>) target(%dma_start3A_1064 : memref<1x32xf32, #tpu.memory_space<vmem>>) target_semaphore(%arg9 : memref<!tpu.dma_semaphore, #tpu.memory_space<semaphore_mem>>)
    %get3A_1067 = arith.constant 82 : i32
    %get3A_1068 = arith.index_cast %get3A_1067 : i32 to index
    %get3A_1069 = memref.load %arg5[%get3A_1068] : memref<512xi32, #tpu.memory_space<smem>>
    %dma_start3A_1070 = arith.constant 82 : i32
    %dma_start3A_1071 = arith.constant 0 : i32
    %dma_start3A_1072 = tpu.memref_slice %arg7[%dma_start3A_1070, %dma_start3A_1071] : memref<512x32xf32, #tpu.memory_space<vmem>> -> memref<1x32xf32, #tpu.memory_space<vmem>>
    %dma_start3A_1073 = arith.constant 0 : i32
    %dma_start3A_1074 = tpu.memref_slice %arg2[%get3A_1069, %dma_start3A_1073] : memref<1000000x32xf32, #tpu.memory_space<hbm>> -> memref<1x32xf32, #tpu.memory_space<hbm>>
    %dma_start3A_1075 = arith.constant 82 : i32
    %dma_start3A_1076 = arith.constant 0 : i32
    %dma_start3A_1077 = tpu.memref_slice %arg7[%dma_start3A_1075, %dma_start3A_1076] : memref<512x32xf32, #tpu.memory_space<vmem>> -> memref<1x32xf32, #tpu.memory_space<vmem>>
    %dma_start3A_1078 = arith.constant 0 : i32
    %dma_start3A_1079 = tpu.memref_slice %arg2[%get3A_1069, %dma_start3A_1078] : memref<1000000x32xf32, #tpu.memory_space<hbm>> -> memref<1x32xf32, #tpu.memory_space<hbm>>
    tpu.enqueue_dma source(%dma_start3A_1079 : memref<1x32xf32, #tpu.memory_space<hbm>>) target(%dma_start3A_1077 : memref<1x32xf32, #tpu.memory_space<vmem>>) target_semaphore(%arg8 : memref<!tpu.dma_semaphore, #tpu.memory_space<semaphore_mem>>)
    %get3A_1080 = arith.constant 83 : i32
    %get3A_1081 = arith.index_cast %get3A_1080 : i32 to index
    %get3A_1082 = memref.load %arg5[%get3A_1081] : memref<512xi32, #tpu.memory_space<smem>>
    %dma_start3A_1083 = arith.constant 83 : i32
    %dma_start3A_1084 = arith.constant 0 : i32
    %dma_start3A_1085 = tpu.memref_slice %arg7[%dma_start3A_1083, %dma_start3A_1084] : memref<512x32xf32, #tpu.memory_space<vmem>> -> memref<1x32xf32, #tpu.memory_space<vmem>>
    %dma_start3A_1086 = arith.constant 0 : i32
    %dma_start3A_1087 = tpu.memref_slice %arg2[%get3A_1082, %dma_start3A_1086] : memref<1000000x32xf32, #tpu.memory_space<hbm>> -> memref<1x32xf32, #tpu.memory_space<hbm>>
    %dma_start3A_1088 = arith.constant 83 : i32
    %dma_start3A_1089 = arith.constant 0 : i32
    %dma_start3A_1090 = tpu.memref_slice %arg7[%dma_start3A_1088, %dma_start3A_1089] : memref<512x32xf32, #tpu.memory_space<vmem>> -> memref<1x32xf32, #tpu.memory_space<vmem>>
    %dma_start3A_1091 = arith.constant 0 : i32
    %dma_start3A_1092 = tpu.memref_slice %arg2[%get3A_1082, %dma_start3A_1091] : memref<1000000x32xf32, #tpu.memory_space<hbm>> -> memref<1x32xf32, #tpu.memory_space<hbm>>
    tpu.enqueue_dma source(%dma_start3A_1092 : memref<1x32xf32, #tpu.memory_space<hbm>>) target(%dma_start3A_1090 : memref<1x32xf32, #tpu.memory_space<vmem>>) target_semaphore(%arg9 : memref<!tpu.dma_semaphore, #tpu.memory_space<semaphore_mem>>)
    %get3A_1093 = arith.constant 84 : i32
    %get3A_1094 = arith.index_cast %get3A_1093 : i32 to index
    %get3A_1095 = memref.load %arg5[%get3A_1094] : memref<512xi32, #tpu.memory_space<smem>>
    %dma_start3A_1096 = arith.constant 84 : i32
    %dma_start3A_1097 = arith.constant 0 : i32
    %dma_start3A_1098 = tpu.memref_slice %arg7[%dma_start3A_1096, %dma_start3A_1097] : memref<512x32xf32, #tpu.memory_space<vmem>> -> memref<1x32xf32, #tpu.memory_space<vmem>>
    %dma_start3A_1099 = arith.constant 0 : i32
    %dma_start3A_1100 = tpu.memref_slice %arg2[%get3A_1095, %dma_start3A_1099] : memref<1000000x32xf32, #tpu.memory_space<hbm>> -> memref<1x32xf32, #tpu.memory_space<hbm>>
    %dma_start3A_1101 = arith.constant 84 : i32
    %dma_start3A_1102 = arith.constant 0 : i32
    %dma_start3A_1103 = tpu.memref_slice %arg7[%dma_start3A_1101, %dma_start3A_1102] : memref<512x32xf32, #tpu.memory_space<vmem>> -> memref<1x32xf32, #tpu.memory_space<vmem>>
    %dma_start3A_1104 = arith.constant 0 : i32
    %dma_start3A_1105 = tpu.memref_slice %arg2[%get3A_1095, %dma_start3A_1104] : memref<1000000x32xf32, #tpu.memory_space<hbm>> -> memref<1x32xf32, #tpu.memory_space<hbm>>
    tpu.enqueue_dma source(%dma_start3A_1105 : memref<1x32xf32, #tpu.memory_space<hbm>>) target(%dma_start3A_1103 : memref<1x32xf32, #tpu.memory_space<vmem>>) target_semaphore(%arg8 : memref<!tpu.dma_semaphore, #tpu.memory_space<semaphore_mem>>)
    %get3A_1106 = arith.constant 85 : i32
    %get3A_1107 = arith.index_cast %get3A_1106 : i32 to index
    %get3A_1108 = memref.load %arg5[%get3A_1107] : memref<512xi32, #tpu.memory_space<smem>>
    %dma_start3A_1109 = arith.constant 85 : i32
    %dma_start3A_1110 = arith.constant 0 : i32
    %dma_start3A_1111 = tpu.memref_slice %arg7[%dma_start3A_1109, %dma_start3A_1110] : memref<512x32xf32, #tpu.memory_space<vmem>> -> memref<1x32xf32, #tpu.memory_space<vmem>>
    %dma_start3A_1112 = arith.constant 0 : i32
    %dma_start3A_1113 = tpu.memref_slice %arg2[%get3A_1108, %dma_start3A_1112] : memref<1000000x32xf32, #tpu.memory_space<hbm>> -> memref<1x32xf32, #tpu.memory_space<hbm>>
    %dma_start3A_1114 = arith.constant 85 : i32
    %dma_start3A_1115 = arith.constant 0 : i32
    %dma_start3A_1116 = tpu.memref_slice %arg7[%dma_start3A_1114, %dma_start3A_1115] : memref<512x32xf32, #tpu.memory_space<vmem>> -> memref<1x32xf32, #tpu.memory_space<vmem>>
    %dma_start3A_1117 = arith.constant 0 : i32
    %dma_start3A_1118 = tpu.memref_slice %arg2[%get3A_1108, %dma_start3A_1117] : memref<1000000x32xf32, #tpu.memory_space<hbm>> -> memref<1x32xf32, #tpu.memory_space<hbm>>
    tpu.enqueue_dma source(%dma_start3A_1118 : memref<1x32xf32, #tpu.memory_space<hbm>>) target(%dma_start3A_1116 : memref<1x32xf32, #tpu.memory_space<vmem>>) target_semaphore(%arg9 : memref<!tpu.dma_semaphore, #tpu.memory_space<semaphore_mem>>)
    %get3A_1119 = arith.constant 86 : i32
    %get3A_1120 = arith.index_cast %get3A_1119 : i32 to index
    %get3A_1121 = memref.load %arg5[%get3A_1120] : memref<512xi32, #tpu.memory_space<smem>>
    %dma_start3A_1122 = arith.constant 86 : i32
    %dma_start3A_1123 = arith.constant 0 : i32
    %dma_start3A_1124 = tpu.memref_slice %arg7[%dma_start3A_1122, %dma_start3A_1123] : memref<512x32xf32, #tpu.memory_space<vmem>> -> memref<1x32xf32, #tpu.memory_space<vmem>>
    %dma_start3A_1125 = arith.constant 0 : i32
    %dma_start3A_1126 = tpu.memref_slice %arg2[%get3A_1121, %dma_start3A_1125] : memref<1000000x32xf32, #tpu.memory_space<hbm>> -> memref<1x32xf32, #tpu.memory_space<hbm>>
    %dma_start3A_1127 = arith.constant 86 : i32
    %dma_start3A_1128 = arith.constant 0 : i32
    %dma_start3A_1129 = tpu.memref_slice %arg7[%dma_start3A_1127, %dma_start3A_1128] : memref<512x32xf32, #tpu.memory_space<vmem>> -> memref<1x32xf32, #tpu.memory_space<vmem>>
    %dma_start3A_1130 = arith.constant 0 : i32
    %dma_start3A_1131 = tpu.memref_slice %arg2[%get3A_1121, %dma_start3A_1130] : memref<1000000x32xf32, #tpu.memory_space<hbm>> -> memref<1x32xf32, #tpu.memory_space<hbm>>
    tpu.enqueue_dma source(%dma_start3A_1131 : memref<1x32xf32, #tpu.memory_space<hbm>>) target(%dma_start3A_1129 : memref<1x32xf32, #tpu.memory_space<vmem>>) target_semaphore(%arg8 : memref<!tpu.dma_semaphore, #tpu.memory_space<semaphore_mem>>)
    %get3A_1132 = arith.constant 87 : i32
    %get3A_1133 = arith.index_cast %get3A_1132 : i32 to index
    %get3A_1134 = memref.load %arg5[%get3A_1133] : memref<512xi32, #tpu.memory_space<smem>>
    %dma_start3A_1135 = arith.constant 87 : i32
    %dma_start3A_1136 = arith.constant 0 : i32
    %dma_start3A_1137 = tpu.memref_slice %arg7[%dma_start3A_1135, %dma_start3A_1136] : memref<512x32xf32, #tpu.memory_space<vmem>> -> memref<1x32xf32, #tpu.memory_space<vmem>>
    %dma_start3A_1138 = arith.constant 0 : i32
    %dma_start3A_1139 = tpu.memref_slice %arg2[%get3A_1134, %dma_start3A_1138] : memref<1000000x32xf32, #tpu.memory_space<hbm>> -> memref<1x32xf32, #tpu.memory_space<hbm>>
    %dma_start3A_1140 = arith.constant 87 : i32
    %dma_start3A_1141 = arith.constant 0 : i32
    %dma_start3A_1142 = tpu.memref_slice %arg7[%dma_start3A_1140, %dma_start3A_1141] : memref<512x32xf32, #tpu.memory_space<vmem>> -> memref<1x32xf32, #tpu.memory_space<vmem>>
    %dma_start3A_1143 = arith.constant 0 : i32
    %dma_start3A_1144 = tpu.memref_slice %arg2[%get3A_1134, %dma_start3A_1143] : memref<1000000x32xf32, #tpu.memory_space<hbm>> -> memref<1x32xf32, #tpu.memory_space<hbm>>
    tpu.enqueue_dma source(%dma_start3A_1144 : memref<1x32xf32, #tpu.memory_space<hbm>>) target(%dma_start3A_1142 : memref<1x32xf32, #tpu.memory_space<vmem>>) target_semaphore(%arg9 : memref<!tpu.dma_semaphore, #tpu.memory_space<semaphore_mem>>)
    %get3A_1145 = arith.constant 88 : i32
    %get3A_1146 = arith.index_cast %get3A_1145 : i32 to index
    %get3A_1147 = memref.load %arg5[%get3A_1146] : memref<512xi32, #tpu.memory_space<smem>>
    %dma_start3A_1148 = arith.constant 88 : i32
    %dma_start3A_1149 = arith.constant 0 : i32
    %dma_start3A_1150 = tpu.memref_slice %arg7[%dma_start3A_1148, %dma_start3A_1149] : memref<512x32xf32, #tpu.memory_space<vmem>> -> memref<1x32xf32, #tpu.memory_space<vmem>>
    %dma_start3A_1151 = arith.constant 0 : i32
    %dma_start3A_1152 = tpu.memref_slice %arg2[%get3A_1147, %dma_start3A_1151] : memref<1000000x32xf32, #tpu.memory_space<hbm>> -> memref<1x32xf32, #tpu.memory_space<hbm>>
    %dma_start3A_1153 = arith.constant 88 : i32
    %dma_start3A_1154 = arith.constant 0 : i32
    %dma_start3A_1155 = tpu.memref_slice %arg7[%dma_start3A_1153, %dma_start3A_1154] : memref<512x32xf32, #tpu.memory_space<vmem>> -> memref<1x32xf32, #tpu.memory_space<vmem>>
    %dma_start3A_1156 = arith.constant 0 : i32
    %dma_start3A_1157 = tpu.memref_slice %arg2[%get3A_1147, %dma_start3A_1156] : memref<1000000x32xf32, #tpu.memory_space<hbm>> -> memref<1x32xf32, #tpu.memory_space<hbm>>
    tpu.enqueue_dma source(%dma_start3A_1157 : memref<1x32xf32, #tpu.memory_space<hbm>>) target(%dma_start3A_1155 : memref<1x32xf32, #tpu.memory_space<vmem>>) target_semaphore(%arg8 : memref<!tpu.dma_semaphore, #tpu.memory_space<semaphore_mem>>)
    %get3A_1158 = arith.constant 89 : i32
    %get3A_1159 = arith.index_cast %get3A_1158 : i32 to index
    %get3A_1160 = memref.load %arg5[%get3A_1159] : memref<512xi32, #tpu.memory_space<smem>>
    %dma_start3A_1161 = arith.constant 89 : i32
    %dma_start3A_1162 = arith.constant 0 : i32
    %dma_start3A_1163 = tpu.memref_slice %arg7[%dma_start3A_1161, %dma_start3A_1162] : memref<512x32xf32, #tpu.memory_space<vmem>> -> memref<1x32xf32, #tpu.memory_space<vmem>>
    %dma_start3A_1164 = arith.constant 0 : i32
    %dma_start3A_1165 = tpu.memref_slice %arg2[%get3A_1160, %dma_start3A_1164] : memref<1000000x32xf32, #tpu.memory_space<hbm>> -> memref<1x32xf32, #tpu.memory_space<hbm>>
    %dma_start3A_1166 = arith.constant 89 : i32
    %dma_start3A_1167 = arith.constant 0 : i32
    %dma_start3A_1168 = tpu.memref_slice %arg7[%dma_start3A_1166, %dma_start3A_1167] : memref<512x32xf32, #tpu.memory_space<vmem>> -> memref<1x32xf32, #tpu.memory_space<vmem>>
    %dma_start3A_1169 = arith.constant 0 : i32
    %dma_start3A_1170 = tpu.memref_slice %arg2[%get3A_1160, %dma_start3A_1169] : memref<1000000x32xf32, #tpu.memory_space<hbm>> -> memref<1x32xf32, #tpu.memory_space<hbm>>
    tpu.enqueue_dma source(%dma_start3A_1170 : memref<1x32xf32, #tpu.memory_space<hbm>>) target(%dma_start3A_1168 : memref<1x32xf32, #tpu.memory_space<vmem>>) target_semaphore(%arg9 : memref<!tpu.dma_semaphore, #tpu.memory_space<semaphore_mem>>)
    %get3A_1171 = arith.constant 90 : i32
    %get3A_1172 = arith.index_cast %get3A_1171 : i32 to index
    %get3A_1173 = memref.load %arg5[%get3A_1172] : memref<512xi32, #tpu.memory_space<smem>>
    %dma_start3A_1174 = arith.constant 90 : i32
    %dma_start3A_1175 = arith.constant 0 : i32
    %dma_start3A_1176 = tpu.memref_slice %arg7[%dma_start3A_1174, %dma_start3A_1175] : memref<512x32xf32, #tpu.memory_space<vmem>> -> memref<1x32xf32, #tpu.memory_space<vmem>>
    %dma_start3A_1177 = arith.constant 0 : i32
    %dma_start3A_1178 = tpu.memref_slice %arg2[%get3A_1173, %dma_start3A_1177] : memref<1000000x32xf32, #tpu.memory_space<hbm>> -> memref<1x32xf32, #tpu.memory_space<hbm>>
    %dma_start3A_1179 = arith.constant 90 : i32
    %dma_start3A_1180 = arith.constant 0 : i32
    %dma_start3A_1181 = tpu.memref_slice %arg7[%dma_start3A_1179, %dma_start3A_1180] : memref<512x32xf32, #tpu.memory_space<vmem>> -> memref<1x32xf32, #tpu.memory_space<vmem>>
    %dma_start3A_1182 = arith.constant 0 : i32
    %dma_start3A_1183 = tpu.memref_slice %arg2[%get3A_1173, %dma_start3A_1182] : memref<1000000x32xf32, #tpu.memory_space<hbm>> -> memref<1x32xf32, #tpu.memory_space<hbm>>
    tpu.enqueue_dma source(%dma_start3A_1183 : memref<1x32xf32, #tpu.memory_space<hbm>>) target(%dma_start3A_1181 : memref<1x32xf32, #tpu.memory_space<vmem>>) target_semaphore(%arg8 : memref<!tpu.dma_semaphore, #tpu.memory_space<semaphore_mem>>)
    %get3A_1184 = arith.constant 91 : i32
    %get3A_1185 = arith.index_cast %get3A_1184 : i32 to index
    %get3A_1186 = memref.load %arg5[%get3A_1185] : memref<512xi32, #tpu.memory_space<smem>>
    %dma_start3A_1187 = arith.constant 91 : i32
    %dma_start3A_1188 = arith.constant 0 : i32
    %dma_start3A_1189 = tpu.memref_slice %arg7[%dma_start3A_1187, %dma_start3A_1188] : memref<512x32xf32, #tpu.memory_space<vmem>> -> memref<1x32xf32, #tpu.memory_space<vmem>>
    %dma_start3A_1190 = arith.constant 0 : i32
    %dma_start3A_1191 = tpu.memref_slice %arg2[%get3A_1186, %dma_start3A_1190] : memref<1000000x32xf32, #tpu.memory_space<hbm>> -> memref<1x32xf32, #tpu.memory_space<hbm>>
    %dma_start3A_1192 = arith.constant 91 : i32
    %dma_start3A_1193 = arith.constant 0 : i32
    %dma_start3A_1194 = tpu.memref_slice %arg7[%dma_start3A_1192, %dma_start3A_1193] : memref<512x32xf32, #tpu.memory_space<vmem>> -> memref<1x32xf32, #tpu.memory_space<vmem>>
    %dma_start3A_1195 = arith.constant 0 : i32
    %dma_start3A_1196 = tpu.memref_slice %arg2[%get3A_1186, %dma_start3A_1195] : memref<1000000x32xf32, #tpu.memory_space<hbm>> -> memref<1x32xf32, #tpu.memory_space<hbm>>
    tpu.enqueue_dma source(%dma_start3A_1196 : memref<1x32xf32, #tpu.memory_space<hbm>>) target(%dma_start3A_1194 : memref<1x32xf32, #tpu.memory_space<vmem>>) target_semaphore(%arg9 : memref<!tpu.dma_semaphore, #tpu.memory_space<semaphore_mem>>)
    %get3A_1197 = arith.constant 92 : i32
    %get3A_1198 = arith.index_cast %get3A_1197 : i32 to index
    %get3A_1199 = memref.load %arg5[%get3A_1198] : memref<512xi32, #tpu.memory_space<smem>>
    %dma_start3A_1200 = arith.constant 92 : i32
    %dma_start3A_1201 = arith.constant 0 : i32
    %dma_start3A_1202 = tpu.memref_slice %arg7[%dma_start3A_1200, %dma_start3A_1201] : memref<512x32xf32, #tpu.memory_space<vmem>> -> memref<1x32xf32, #tpu.memory_space<vmem>>
    %dma_start3A_1203 = arith.constant 0 : i32
    %dma_start3A_1204 = tpu.memref_slice %arg2[%get3A_1199, %dma_start3A_1203] : memref<1000000x32xf32, #tpu.memory_space<hbm>> -> memref<1x32xf32, #tpu.memory_space<hbm>>
    %dma_start3A_1205 = arith.constant 92 : i32
    %dma_start3A_1206 = arith.constant 0 : i32
    %dma_start3A_1207 = tpu.memref_slice %arg7[%dma_start3A_1205, %dma_start3A_1206] : memref<512x32xf32, #tpu.memory_space<vmem>> -> memref<1x32xf32, #tpu.memory_space<vmem>>
    %dma_start3A_1208 = arith.constant 0 : i32
    %dma_start3A_1209 = tpu.memref_slice %arg2[%get3A_1199, %dma_start3A_1208] : memref<1000000x32xf32, #tpu.memory_space<hbm>> -> memref<1x32xf32, #tpu.memory_space<hbm>>
    tpu.enqueue_dma source(%dma_start3A_1209 : memref<1x32xf32, #tpu.memory_space<hbm>>) target(%dma_start3A_1207 : memref<1x32xf32, #tpu.memory_space<vmem>>) target_semaphore(%arg8 : memref<!tpu.dma_semaphore, #tpu.memory_space<semaphore_mem>>)
    %get3A_1210 = arith.constant 93 : i32
    %get3A_1211 = arith.index_cast %get3A_1210 : i32 to index
    %get3A_1212 = memref.load %arg5[%get3A_1211] : memref<512xi32, #tpu.memory_space<smem>>
    %dma_start3A_1213 = arith.constant 93 : i32
    %dma_start3A_1214 = arith.constant 0 : i32
    %dma_start3A_1215 = tpu.memref_slice %arg7[%dma_start3A_1213, %dma_start3A_1214] : memref<512x32xf32, #tpu.memory_space<vmem>> -> memref<1x32xf32, #tpu.memory_space<vmem>>
    %dma_start3A_1216 = arith.constant 0 : i32
    %dma_start3A_1217 = tpu.memref_slice %arg2[%get3A_1212, %dma_start3A_1216] : memref<1000000x32xf32, #tpu.memory_space<hbm>> -> memref<1x32xf32, #tpu.memory_space<hbm>>
    %dma_start3A_1218 = arith.constant 93 : i32
    %dma_start3A_1219 = arith.constant 0 : i32
    %dma_start3A_1220 = tpu.memref_slice %arg7[%dma_start3A_1218, %dma_start3A_1219] : memref<512x32xf32, #tpu.memory_space<vmem>> -> memref<1x32xf32, #tpu.memory_space<vmem>>
    %dma_start3A_1221 = arith.constant 0 : i32
    %dma_start3A_1222 = tpu.memref_slice %arg2[%get3A_1212, %dma_start3A_1221] : memref<1000000x32xf32, #tpu.memory_space<hbm>> -> memref<1x32xf32, #tpu.memory_space<hbm>>
    tpu.enqueue_dma source(%dma_start3A_1222 : memref<1x32xf32, #tpu.memory_space<hbm>>) target(%dma_start3A_1220 : memref<1x32xf32, #tpu.memory_space<vmem>>) target_semaphore(%arg9 : memref<!tpu.dma_semaphore, #tpu.memory_space<semaphore_mem>>)
    %get3A_1223 = arith.constant 94 : i32
    %get3A_1224 = arith.index_cast %get3A_1223 : i32 to index
    %get3A_1225 = memref.load %arg5[%get3A_1224] : memref<512xi32, #tpu.memory_space<smem>>
    %dma_start3A_1226 = arith.constant 94 : i32
    %dma_start3A_1227 = arith.constant 0 : i32
    %dma_start3A_1228 = tpu.memref_slice %arg7[%dma_start3A_1226, %dma_start3A_1227] : memref<512x32xf32, #tpu.memory_space<vmem>> -> memref<1x32xf32, #tpu.memory_space<vmem>>
    %dma_start3A_1229 = arith.constant 0 : i32
    %dma_start3A_1230 = tpu.memref_slice %arg2[%get3A_1225, %dma_start3A_1229] : memref<1000000x32xf32, #tpu.memory_space<hbm>> -> memref<1x32xf32, #tpu.memory_space<hbm>>
    %dma_start3A_1231 = arith.constant 94 : i32
    %dma_start3A_1232 = arith.constant 0 : i32
    %dma_start3A_1233 = tpu.memref_slice %arg7[%dma_start3A_1231, %dma_start3A_1232] : memref<512x32xf32, #tpu.memory_space<vmem>> -> memref<1x32xf32, #tpu.memory_space<vmem>>
    %dma_start3A_1234 = arith.constant 0 : i32
    %dma_start3A_1235 = tpu.memref_slice %arg2[%get3A_1225, %dma_start3A_1234] : memref<1000000x32xf32, #tpu.memory_space<hbm>> -> memref<1x32xf32, #tpu.memory_space<hbm>>
    tpu.enqueue_dma source(%dma_start3A_1235 : memref<1x32xf32, #tpu.memory_space<hbm>>) target(%dma_start3A_1233 : memref<1x32xf32, #tpu.memory_space<vmem>>) target_semaphore(%arg8 : memref<!tpu.dma_semaphore, #tpu.memory_space<semaphore_mem>>)
    %get3A_1236 = arith.constant 95 : i32
    %get3A_1237 = arith.index_cast %get3A_1236 : i32 to index
    %get3A_1238 = memref.load %arg5[%get3A_1237] : memref<512xi32, #tpu.memory_space<smem>>
    %dma_start3A_1239 = arith.constant 95 : i32
    %dma_start3A_1240 = arith.constant 0 : i32
    %dma_start3A_1241 = tpu.memref_slice %arg7[%dma_start3A_1239, %dma_start3A_1240] : memref<512x32xf32, #tpu.memory_space<vmem>> -> memref<1x32xf32, #tpu.memory_space<vmem>>
    %dma_start3A_1242 = arith.constant 0 : i32
    %dma_start3A_1243 = tpu.memref_slice %arg2[%get3A_1238, %dma_start3A_1242] : memref<1000000x32xf32, #tpu.memory_space<hbm>> -> memref<1x32xf32, #tpu.memory_space<hbm>>
    %dma_start3A_1244 = arith.constant 95 : i32
    %dma_start3A_1245 = arith.constant 0 : i32
    %dma_start3A_1246 = tpu.memref_slice %arg7[%dma_start3A_1244, %dma_start3A_1245] : memref<512x32xf32, #tpu.memory_space<vmem>> -> memref<1x32xf32, #tpu.memory_space<vmem>>
    %dma_start3A_1247 = arith.constant 0 : i32
    %dma_start3A_1248 = tpu.memref_slice %arg2[%get3A_1238, %dma_start3A_1247] : memref<1000000x32xf32, #tpu.memory_space<hbm>> -> memref<1x32xf32, #tpu.memory_space<hbm>>
    tpu.enqueue_dma source(%dma_start3A_1248 : memref<1x32xf32, #tpu.memory_space<hbm>>) target(%dma_start3A_1246 : memref<1x32xf32, #tpu.memory_space<vmem>>) target_semaphore(%arg9 : memref<!tpu.dma_semaphore, #tpu.memory_space<semaphore_mem>>)
    %get3A_1249 = arith.constant 96 : i32
    %get3A_1250 = arith.index_cast %get3A_1249 : i32 to index
    %get3A_1251 = memref.load %arg5[%get3A_1250] : memref<512xi32, #tpu.memory_space<smem>>
    %dma_start3A_1252 = arith.constant 96 : i32
    %dma_start3A_1253 = arith.constant 0 : i32
    %dma_start3A_1254 = tpu.memref_slice %arg7[%dma_start3A_1252, %dma_start3A_1253] : memref<512x32xf32, #tpu.memory_space<vmem>> -> memref<1x32xf32, #tpu.memory_space<vmem>>
    %dma_start3A_1255 = arith.constant 0 : i32
    %dma_start3A_1256 = tpu.memref_slice %arg2[%get3A_1251, %dma_start3A_1255] : memref<1000000x32xf32, #tpu.memory_space<hbm>> -> memref<1x32xf32, #tpu.memory_space<hbm>>
    %dma_start3A_1257 = arith.constant 96 : i32
    %dma_start3A_1258 = arith.constant 0 : i32
    %dma_start3A_1259 = tpu.memref_slice %arg7[%dma_start3A_1257, %dma_start3A_1258] : memref<512x32xf32, #tpu.memory_space<vmem>> -> memref<1x32xf32, #tpu.memory_space<vmem>>
    %dma_start3A_1260 = arith.constant 0 : i32
    %dma_start3A_1261 = tpu.memref_slice %arg2[%get3A_1251, %dma_start3A_1260] : memref<1000000x32xf32, #tpu.memory_space<hbm>> -> memref<1x32xf32, #tpu.memory_space<hbm>>
    tpu.enqueue_dma source(%dma_start3A_1261 : memref<1x32xf32, #tpu.memory_space<hbm>>) target(%dma_start3A_1259 : memref<1x32xf32, #tpu.memory_space<vmem>>) target_semaphore(%arg8 : memref<!tpu.dma_semaphore, #tpu.memory_space<semaphore_mem>>)
    %get3A_1262 = arith.constant 97 : i32
    %get3A_1263 = arith.index_cast %get3A_1262 : i32 to index
    %get3A_1264 = memref.load %arg5[%get3A_1263] : memref<512xi32, #tpu.memory_space<smem>>
    %dma_start3A_1265 = arith.constant 97 : i32
    %dma_start3A_1266 = arith.constant 0 : i32
    %dma_start3A_1267 = tpu.memref_slice %arg7[%dma_start3A_1265, %dma_start3A_1266] : memref<512x32xf32, #tpu.memory_space<vmem>> -> memref<1x32xf32, #tpu.memory_space<vmem>>
    %dma_start3A_1268 = arith.constant 0 : i32
    %dma_start3A_1269 = tpu.memref_slice %arg2[%get3A_1264, %dma_start3A_1268] : memref<1000000x32xf32, #tpu.memory_space<hbm>> -> memref<1x32xf32, #tpu.memory_space<hbm>>
    %dma_start3A_1270 = arith.constant 97 : i32
    %dma_start3A_1271 = arith.constant 0 : i32
    %dma_start3A_1272 = tpu.memref_slice %arg7[%dma_start3A_1270, %dma_start3A_1271] : memref<512x32xf32, #tpu.memory_space<vmem>> -> memref<1x32xf32, #tpu.memory_space<vmem>>
    %dma_start3A_1273 = arith.constant 0 : i32
    %dma_start3A_1274 = tpu.memref_slice %arg2[%get3A_1264, %dma_start3A_1273] : memref<1000000x32xf32, #tpu.memory_space<hbm>> -> memref<1x32xf32, #tpu.memory_space<hbm>>
    tpu.enqueue_dma source(%dma_start3A_1274 : memref<1x32xf32, #tpu.memory_space<hbm>>) target(%dma_start3A_1272 : memref<1x32xf32, #tpu.memory_space<vmem>>) target_semaphore(%arg9 : memref<!tpu.dma_semaphore, #tpu.memory_space<semaphore_mem>>)
    %get3A_1275 = arith.constant 98 : i32
    %get3A_1276 = arith.index_cast %get3A_1275 : i32 to index
    %get3A_1277 = memref.load %arg5[%get3A_1276] : memref<512xi32, #tpu.memory_space<smem>>
    %dma_start3A_1278 = arith.constant 98 : i32
    %dma_start3A_1279 = arith.constant 0 : i32
    %dma_start3A_1280 = tpu.memref_slice %arg7[%dma_start3A_1278, %dma_start3A_1279] : memref<512x32xf32, #tpu.memory_space<vmem>> -> memref<1x32xf32, #tpu.memory_space<vmem>>
    %dma_start3A_1281 = arith.constant 0 : i32
    %dma_start3A_1282 = tpu.memref_slice %arg2[%get3A_1277, %dma_start3A_1281] : memref<1000000x32xf32, #tpu.memory_space<hbm>> -> memref<1x32xf32, #tpu.memory_space<hbm>>
    %dma_start3A_1283 = arith.constant 98 : i32
    %dma_start3A_1284 = arith.constant 0 : i32
    %dma_start3A_1285 = tpu.memref_slice %arg7[%dma_start3A_1283, %dma_start3A_1284] : memref<512x32xf32, #tpu.memory_space<vmem>> -> memref<1x32xf32, #tpu.memory_space<vmem>>
    %dma_start3A_1286 = arith.constant 0 : i32
    %dma_start3A_1287 = tpu.memref_slice %arg2[%get3A_1277, %dma_start3A_1286] : memref<1000000x32xf32, #tpu.memory_space<hbm>> -> memref<1x32xf32, #tpu.memory_space<hbm>>
    tpu.enqueue_dma source(%dma_start3A_1287 : memref<1x32xf32, #tpu.memory_space<hbm>>) target(%dma_start3A_1285 : memref<1x32xf32, #tpu.memory_space<vmem>>) target_semaphore(%arg8 : memref<!tpu.dma_semaphore, #tpu.memory_space<semaphore_mem>>)
    %get3A_1288 = arith.constant 99 : i32
    %get3A_1289 = arith.index_cast %get3A_1288 : i32 to index
    %get3A_1290 = memref.load %arg5[%get3A_1289] : memref<512xi32, #tpu.memory_space<smem>>
    %dma_start3A_1291 = arith.constant 99 : i32
    %dma_start3A_1292 = arith.constant 0 : i32
    %dma_start3A_1293 = tpu.memref_slice %arg7[%dma_start3A_1291, %dma_start3A_1292] : memref<512x32xf32, #tpu.memory_space<vmem>> -> memref<1x32xf32, #tpu.memory_space<vmem>>
    %dma_start3A_1294 = arith.constant 0 : i32
    %dma_start3A_1295 = tpu.memref_slice %arg2[%get3A_1290, %dma_start3A_1294] : memref<1000000x32xf32, #tpu.memory_space<hbm>> -> memref<1x32xf32, #tpu.memory_space<hbm>>
    %dma_start3A_1296 = arith.constant 99 : i32
    %dma_start3A_1297 = arith.constant 0 : i32
    %dma_start3A_1298 = tpu.memref_slice %arg7[%dma_start3A_1296, %dma_start3A_1297] : memref<512x32xf32, #tpu.memory_space<vmem>> -> memref<1x32xf32, #tpu.memory_space<vmem>>
    %dma_start3A_1299 = arith.constant 0 : i32
    %dma_start3A_1300 = tpu.memref_slice %arg2[%get3A_1290, %dma_start3A_1299] : memref<1000000x32xf32, #tpu.memory_space<hbm>> -> memref<1x32xf32, #tpu.memory_space<hbm>>
    tpu.enqueue_dma source(%dma_start3A_1300 : memref<1x32xf32, #tpu.memory_space<hbm>>) target(%dma_start3A_1298 : memref<1x32xf32, #tpu.memory_space<vmem>>) target_semaphore(%arg9 : memref<!tpu.dma_semaphore, #tpu.memory_space<semaphore_mem>>)
    %get3A_1301 = arith.constant 100 : i32
    %get3A_1302 = arith.index_cast %get3A_1301 : i32 to index
    %get3A_1303 = memref.load %arg5[%get3A_1302] : memref<512xi32, #tpu.memory_space<smem>>
    %dma_start3A_1304 = arith.constant 100 : i32
    %dma_start3A_1305 = arith.constant 0 : i32
    %dma_start3A_1306 = tpu.memref_slice %arg7[%dma_start3A_1304, %dma_start3A_1305] : memref<512x32xf32, #tpu.memory_space<vmem>> -> memref<1x32xf32, #tpu.memory_space<vmem>>
    %dma_start3A_1307 = arith.constant 0 : i32
    %dma_start3A_1308 = tpu.memref_slice %arg2[%get3A_1303, %dma_start3A_1307] : memref<1000000x32xf32, #tpu.memory_space<hbm>> -> memref<1x32xf32, #tpu.memory_space<hbm>>
    %dma_start3A_1309 = arith.constant 100 : i32
    %dma_start3A_1310 = arith.constant 0 : i32
    %dma_start3A_1311 = tpu.memref_slice %arg7[%dma_start3A_1309, %dma_start3A_1310] : memref<512x32xf32, #tpu.memory_space<vmem>> -> memref<1x32xf32, #tpu.memory_space<vmem>>
    %dma_start3A_1312 = arith.constant 0 : i32
    %dma_start3A_1313 = tpu.memref_slice %arg2[%get3A_1303, %dma_start3A_1312] : memref<1000000x32xf32, #tpu.memory_space<hbm>> -> memref<1x32xf32, #tpu.memory_space<hbm>>
    tpu.enqueue_dma source(%dma_start3A_1313 : memref<1x32xf32, #tpu.memory_space<hbm>>) target(%dma_start3A_1311 : memref<1x32xf32, #tpu.memory_space<vmem>>) target_semaphore(%arg8 : memref<!tpu.dma_semaphore, #tpu.memory_space<semaphore_mem>>)
    %get3A_1314 = arith.constant 101 : i32
    %get3A_1315 = arith.index_cast %get3A_1314 : i32 to index
    %get3A_1316 = memref.load %arg5[%get3A_1315] : memref<512xi32, #tpu.memory_space<smem>>
    %dma_start3A_1317 = arith.constant 101 : i32
    %dma_start3A_1318 = arith.constant 0 : i32
    %dma_start3A_1319 = tpu.memref_slice %arg7[%dma_start3A_1317, %dma_start3A_1318] : memref<512x32xf32, #tpu.memory_space<vmem>> -> memref<1x32xf32, #tpu.memory_space<vmem>>
    %dma_start3A_1320 = arith.constant 0 : i32
    %dma_start3A_1321 = tpu.memref_slice %arg2[%get3A_1316, %dma_start3A_1320] : memref<1000000x32xf32, #tpu.memory_space<hbm>> -> memref<1x32xf32, #tpu.memory_space<hbm>>
    %dma_start3A_1322 = arith.constant 101 : i32
    %dma_start3A_1323 = arith.constant 0 : i32
    %dma_start3A_1324 = tpu.memref_slice %arg7[%dma_start3A_1322, %dma_start3A_1323] : memref<512x32xf32, #tpu.memory_space<vmem>> -> memref<1x32xf32, #tpu.memory_space<vmem>>
    %dma_start3A_1325 = arith.constant 0 : i32
    %dma_start3A_1326 = tpu.memref_slice %arg2[%get3A_1316, %dma_start3A_1325] : memref<1000000x32xf32, #tpu.memory_space<hbm>> -> memref<1x32xf32, #tpu.memory_space<hbm>>
    tpu.enqueue_dma source(%dma_start3A_1326 : memref<1x32xf32, #tpu.memory_space<hbm>>) target(%dma_start3A_1324 : memref<1x32xf32, #tpu.memory_space<vmem>>) target_semaphore(%arg9 : memref<!tpu.dma_semaphore, #tpu.memory_space<semaphore_mem>>)
    %get3A_1327 = arith.constant 102 : i32
    %get3A_1328 = arith.index_cast %get3A_1327 : i32 to index
    %get3A_1329 = memref.load %arg5[%get3A_1328] : memref<512xi32, #tpu.memory_space<smem>>
    %dma_start3A_1330 = arith.constant 102 : i32
    %dma_start3A_1331 = arith.constant 0 : i32
    %dma_start3A_1332 = tpu.memref_slice %arg7[%dma_start3A_1330, %dma_start3A_1331] : memref<512x32xf32, #tpu.memory_space<vmem>> -> memref<1x32xf32, #tpu.memory_space<vmem>>
    %dma_start3A_1333 = arith.constant 0 : i32
    %dma_start3A_1334 = tpu.memref_slice %arg2[%get3A_1329, %dma_start3A_1333] : memref<1000000x32xf32, #tpu.memory_space<hbm>> -> memref<1x32xf32, #tpu.memory_space<hbm>>
    %dma_start3A_1335 = arith.constant 102 : i32
    %dma_start3A_1336 = arith.constant 0 : i32
    %dma_start3A_1337 = tpu.memref_slice %arg7[%dma_start3A_1335, %dma_start3A_1336] : memref<512x32xf32, #tpu.memory_space<vmem>> -> memref<1x32xf32, #tpu.memory_space<vmem>>
    %dma_start3A_1338 = arith.constant 0 : i32
    %dma_start3A_1339 = tpu.memref_slice %arg2[%get3A_1329, %dma_start3A_1338] : memref<1000000x32xf32, #tpu.memory_space<hbm>> -> memref<1x32xf32, #tpu.memory_space<hbm>>
    tpu.enqueue_dma source(%dma_start3A_1339 : memref<1x32xf32, #tpu.memory_space<hbm>>) target(%dma_start3A_1337 : memref<1x32xf32, #tpu.memory_space<vmem>>) target_semaphore(%arg8 : memref<!tpu.dma_semaphore, #tpu.memory_space<semaphore_mem>>)
    %get3A_1340 = arith.constant 103 : i32
    %get3A_1341 = arith.index_cast %get3A_1340 : i32 to index
    %get3A_1342 = memref.load %arg5[%get3A_1341] : memref<512xi32, #tpu.memory_space<smem>>
    %dma_start3A_1343 = arith.constant 103 : i32
    %dma_start3A_1344 = arith.constant 0 : i32
    %dma_start3A_1345 = tpu.memref_slice %arg7[%dma_start3A_1343, %dma_start3A_1344] : memref<512x32xf32, #tpu.memory_space<vmem>> -> memref<1x32xf32, #tpu.memory_space<vmem>>
    %dma_start3A_1346 = arith.constant 0 : i32
    %dma_start3A_1347 = tpu.memref_slice %arg2[%get3A_1342, %dma_start3A_1346] : memref<1000000x32xf32, #tpu.memory_space<hbm>> -> memref<1x32xf32, #tpu.memory_space<hbm>>
    %dma_start3A_1348 = arith.constant 103 : i32
    %dma_start3A_1349 = arith.constant 0 : i32
    %dma_start3A_1350 = tpu.memref_slice %arg7[%dma_start3A_1348, %dma_start3A_1349] : memref<512x32xf32, #tpu.memory_space<vmem>> -> memref<1x32xf32, #tpu.memory_space<vmem>>
    %dma_start3A_1351 = arith.constant 0 : i32
    %dma_start3A_1352 = tpu.memref_slice %arg2[%get3A_1342, %dma_start3A_1351] : memref<1000000x32xf32, #tpu.memory_space<hbm>> -> memref<1x32xf32, #tpu.memory_space<hbm>>
    tpu.enqueue_dma source(%dma_start3A_1352 : memref<1x32xf32, #tpu.memory_space<hbm>>) target(%dma_start3A_1350 : memref<1x32xf32, #tpu.memory_space<vmem>>) target_semaphore(%arg9 : memref<!tpu.dma_semaphore, #tpu.memory_space<semaphore_mem>>)
    %get3A_1353 = arith.constant 104 : i32
    %get3A_1354 = arith.index_cast %get3A_1353 : i32 to index
    %get3A_1355 = memref.load %arg5[%get3A_1354] : memref<512xi32, #tpu.memory_space<smem>>
    %dma_start3A_1356 = arith.constant 104 : i32
    %dma_start3A_1357 = arith.constant 0 : i32
    %dma_start3A_1358 = tpu.memref_slice %arg7[%dma_start3A_1356, %dma_start3A_1357] : memref<512x32xf32, #tpu.memory_space<vmem>> -> memref<1x32xf32, #tpu.memory_space<vmem>>
    %dma_start3A_1359 = arith.constant 0 : i32
    %dma_start3A_1360 = tpu.memref_slice %arg2[%get3A_1355, %dma_start3A_1359] : memref<1000000x32xf32, #tpu.memory_space<hbm>> -> memref<1x32xf32, #tpu.memory_space<hbm>>
    %dma_start3A_1361 = arith.constant 104 : i32
    %dma_start3A_1362 = arith.constant 0 : i32
    %dma_start3A_1363 = tpu.memref_slice %arg7[%dma_start3A_1361, %dma_start3A_1362] : memref<512x32xf32, #tpu.memory_space<vmem>> -> memref<1x32xf32, #tpu.memory_space<vmem>>
    %dma_start3A_1364 = arith.constant 0 : i32
    %dma_start3A_1365 = tpu.memref_slice %arg2[%get3A_1355, %dma_start3A_1364] : memref<1000000x32xf32, #tpu.memory_space<hbm>> -> memref<1x32xf32, #tpu.memory_space<hbm>>
    tpu.enqueue_dma source(%dma_start3A_1365 : memref<1x32xf32, #tpu.memory_space<hbm>>) target(%dma_start3A_1363 : memref<1x32xf32, #tpu.memory_space<vmem>>) target_semaphore(%arg8 : memref<!tpu.dma_semaphore, #tpu.memory_space<semaphore_mem>>)
    %get3A_1366 = arith.constant 105 : i32
    %get3A_1367 = arith.index_cast %get3A_1366 : i32 to index
    %get3A_1368 = memref.load %arg5[%get3A_1367] : memref<512xi32, #tpu.memory_space<smem>>
    %dma_start3A_1369 = arith.constant 105 : i32
    %dma_start3A_1370 = arith.constant 0 : i32
    %dma_start3A_1371 = tpu.memref_slice %arg7[%dma_start3A_1369, %dma_start3A_1370] : memref<512x32xf32, #tpu.memory_space<vmem>> -> memref<1x32xf32, #tpu.memory_space<vmem>>
    %dma_start3A_1372 = arith.constant 0 : i32
    %dma_start3A_1373 = tpu.memref_slice %arg2[%get3A_1368, %dma_start3A_1372] : memref<1000000x32xf32, #tpu.memory_space<hbm>> -> memref<1x32xf32, #tpu.memory_space<hbm>>
    %dma_start3A_1374 = arith.constant 105 : i32
    %dma_start3A_1375 = arith.constant 0 : i32
    %dma_start3A_1376 = tpu.memref_slice %arg7[%dma_start3A_1374, %dma_start3A_1375] : memref<512x32xf32, #tpu.memory_space<vmem>> -> memref<1x32xf32, #tpu.memory_space<vmem>>
    %dma_start3A_1377 = arith.constant 0 : i32
    %dma_start3A_1378 = tpu.memref_slice %arg2[%get3A_1368, %dma_start3A_1377] : memref<1000000x32xf32, #tpu.memory_space<hbm>> -> memref<1x32xf32, #tpu.memory_space<hbm>>
    tpu.enqueue_dma source(%dma_start3A_1378 : memref<1x32xf32, #tpu.memory_space<hbm>>) target(%dma_start3A_1376 : memref<1x32xf32, #tpu.memory_space<vmem>>) target_semaphore(%arg9 : memref<!tpu.dma_semaphore, #tpu.memory_space<semaphore_mem>>)
    %get3A_1379 = arith.constant 106 : i32
    %get3A_1380 = arith.index_cast %get3A_1379 : i32 to index
    %get3A_1381 = memref.load %arg5[%get3A_1380] : memref<512xi32, #tpu.memory_space<smem>>
    %dma_start3A_1382 = arith.constant 106 : i32
    %dma_start3A_1383 = arith.constant 0 : i32
    %dma_start3A_1384 = tpu.memref_slice %arg7[%dma_start3A_1382, %dma_start3A_1383] : memref<512x32xf32, #tpu.memory_space<vmem>> -> memref<1x32xf32, #tpu.memory_space<vmem>>
    %dma_start3A_1385 = arith.constant 0 : i32
    %dma_start3A_1386 = tpu.memref_slice %arg2[%get3A_1381, %dma_start3A_1385] : memref<1000000x32xf32, #tpu.memory_space<hbm>> -> memref<1x32xf32, #tpu.memory_space<hbm>>
    %dma_start3A_1387 = arith.constant 106 : i32
    %dma_start3A_1388 = arith.constant 0 : i32
    %dma_start3A_1389 = tpu.memref_slice %arg7[%dma_start3A_1387, %dma_start3A_1388] : memref<512x32xf32, #tpu.memory_space<vmem>> -> memref<1x32xf32, #tpu.memory_space<vmem>>
    %dma_start3A_1390 = arith.constant 0 : i32
    %dma_start3A_1391 = tpu.memref_slice %arg2[%get3A_1381, %dma_start3A_1390] : memref<1000000x32xf32, #tpu.memory_space<hbm>> -> memref<1x32xf32, #tpu.memory_space<hbm>>
    tpu.enqueue_dma source(%dma_start3A_1391 : memref<1x32xf32, #tpu.memory_space<hbm>>) target(%dma_start3A_1389 : memref<1x32xf32, #tpu.memory_space<vmem>>) target_semaphore(%arg8 : memref<!tpu.dma_semaphore, #tpu.memory_space<semaphore_mem>>)
    %get3A_1392 = arith.constant 107 : i32
    %get3A_1393 = arith.index_cast %get3A_1392 : i32 to index
    %get3A_1394 = memref.load %arg5[%get3A_1393] : memref<512xi32, #tpu.memory_space<smem>>
    %dma_start3A_1395 = arith.constant 107 : i32
    %dma_start3A_1396 = arith.constant 0 : i32
    %dma_start3A_1397 = tpu.memref_slice %arg7[%dma_start3A_1395, %dma_start3A_1396] : memref<512x32xf32, #tpu.memory_space<vmem>> -> memref<1x32xf32, #tpu.memory_space<vmem>>
    %dma_start3A_1398 = arith.constant 0 : i32
    %dma_start3A_1399 = tpu.memref_slice %arg2[%get3A_1394, %dma_start3A_1398] : memref<1000000x32xf32, #tpu.memory_space<hbm>> -> memref<1x32xf32, #tpu.memory_space<hbm>>
    %dma_start3A_1400 = arith.constant 107 : i32
    %dma_start3A_1401 = arith.constant 0 : i32
    %dma_start3A_1402 = tpu.memref_slice %arg7[%dma_start3A_1400, %dma_start3A_1401] : memref<512x32xf32, #tpu.memory_space<vmem>> -> memref<1x32xf32, #tpu.memory_space<vmem>>
    %dma_start3A_1403 = arith.constant 0 : i32
    %dma_start3A_1404 = tpu.memref_slice %arg2[%get3A_1394, %dma_start3A_1403] : memref<1000000x32xf32, #tpu.memory_space<hbm>> -> memref<1x32xf32, #tpu.memory_space<hbm>>
    tpu.enqueue_dma source(%dma_start3A_1404 : memref<1x32xf32, #tpu.memory_space<hbm>>) target(%dma_start3A_1402 : memref<1x32xf32, #tpu.memory_space<vmem>>) target_semaphore(%arg9 : memref<!tpu.dma_semaphore, #tpu.memory_space<semaphore_mem>>)
    %get3A_1405 = arith.constant 108 : i32
    %get3A_1406 = arith.index_cast %get3A_1405 : i32 to index
    %get3A_1407 = memref.load %arg5[%get3A_1406] : memref<512xi32, #tpu.memory_space<smem>>
    %dma_start3A_1408 = arith.constant 108 : i32
    %dma_start3A_1409 = arith.constant 0 : i32
    %dma_start3A_1410 = tpu.memref_slice %arg7[%dma_start3A_1408, %dma_start3A_1409] : memref<512x32xf32, #tpu.memory_space<vmem>> -> memref<1x32xf32, #tpu.memory_space<vmem>>
    %dma_start3A_1411 = arith.constant 0 : i32
    %dma_start3A_1412 = tpu.memref_slice %arg2[%get3A_1407, %dma_start3A_1411] : memref<1000000x32xf32, #tpu.memory_space<hbm>> -> memref<1x32xf32, #tpu.memory_space<hbm>>
    %dma_start3A_1413 = arith.constant 108 : i32
    %dma_start3A_1414 = arith.constant 0 : i32
    %dma_start3A_1415 = tpu.memref_slice %arg7[%dma_start3A_1413, %dma_start3A_1414] : memref<512x32xf32, #tpu.memory_space<vmem>> -> memref<1x32xf32, #tpu.memory_space<vmem>>
    %dma_start3A_1416 = arith.constant 0 : i32
    %dma_start3A_1417 = tpu.memref_slice %arg2[%get3A_1407, %dma_start3A_1416] : memref<1000000x32xf32, #tpu.memory_space<hbm>> -> memref<1x32xf32, #tpu.memory_space<hbm>>
    tpu.enqueue_dma source(%dma_start3A_1417 : memref<1x32xf32, #tpu.memory_space<hbm>>) target(%dma_start3A_1415 : memref<1x32xf32, #tpu.memory_space<vmem>>) target_semaphore(%arg8 : memref<!tpu.dma_semaphore, #tpu.memory_space<semaphore_mem>>)
    %get3A_1418 = arith.constant 109 : i32
    %get3A_1419 = arith.index_cast %get3A_1418 : i32 to index
    %get3A_1420 = memref.load %arg5[%get3A_1419] : memref<512xi32, #tpu.memory_space<smem>>
    %dma_start3A_1421 = arith.constant 109 : i32
    %dma_start3A_1422 = arith.constant 0 : i32
    %dma_start3A_1423 = tpu.memref_slice %arg7[%dma_start3A_1421, %dma_start3A_1422] : memref<512x32xf32, #tpu.memory_space<vmem>> -> memref<1x32xf32, #tpu.memory_space<vmem>>
    %dma_start3A_1424 = arith.constant 0 : i32
    %dma_start3A_1425 = tpu.memref_slice %arg2[%get3A_1420, %dma_start3A_1424] : memref<1000000x32xf32, #tpu.memory_space<hbm>> -> memref<1x32xf32, #tpu.memory_space<hbm>>
    %dma_start3A_1426 = arith.constant 109 : i32
    %dma_start3A_1427 = arith.constant 0 : i32
    %dma_start3A_1428 = tpu.memref_slice %arg7[%dma_start3A_1426, %dma_start3A_1427] : memref<512x32xf32, #tpu.memory_space<vmem>> -> memref<1x32xf32, #tpu.memory_space<vmem>>
    %dma_start3A_1429 = arith.constant 0 : i32
    %dma_start3A_1430 = tpu.memref_slice %arg2[%get3A_1420, %dma_start3A_1429] : memref<1000000x32xf32, #tpu.memory_space<hbm>> -> memref<1x32xf32, #tpu.memory_space<hbm>>
    tpu.enqueue_dma source(%dma_start3A_1430 : memref<1x32xf32, #tpu.memory_space<hbm>>) target(%dma_start3A_1428 : memref<1x32xf32, #tpu.memory_space<vmem>>) target_semaphore(%arg9 : memref<!tpu.dma_semaphore, #tpu.memory_space<semaphore_mem>>)
    %get3A_1431 = arith.constant 110 : i32
    %get3A_1432 = arith.index_cast %get3A_1431 : i32 to index
    %get3A_1433 = memref.load %arg5[%get3A_1432] : memref<512xi32, #tpu.memory_space<smem>>
    %dma_start3A_1434 = arith.constant 110 : i32
    %dma_start3A_1435 = arith.constant 0 : i32
    %dma_start3A_1436 = tpu.memref_slice %arg7[%dma_start3A_1434, %dma_start3A_1435] : memref<512x32xf32, #tpu.memory_space<vmem>> -> memref<1x32xf32, #tpu.memory_space<vmem>>
    %dma_start3A_1437 = arith.constant 0 : i32
    %dma_start3A_1438 = tpu.memref_slice %arg2[%get3A_1433, %dma_start3A_1437] : memref<1000000x32xf32, #tpu.memory_space<hbm>> -> memref<1x32xf32, #tpu.memory_space<hbm>>
    %dma_start3A_1439 = arith.constant 110 : i32
    %dma_start3A_1440 = arith.constant 0 : i32
    %dma_start3A_1441 = tpu.memref_slice %arg7[%dma_start3A_1439, %dma_start3A_1440] : memref<512x32xf32, #tpu.memory_space<vmem>> -> memref<1x32xf32, #tpu.memory_space<vmem>>
    %dma_start3A_1442 = arith.constant 0 : i32
    %dma_start3A_1443 = tpu.memref_slice %arg2[%get3A_1433, %dma_start3A_1442] : memref<1000000x32xf32, #tpu.memory_space<hbm>> -> memref<1x32xf32, #tpu.memory_space<hbm>>
    tpu.enqueue_dma source(%dma_start3A_1443 : memref<1x32xf32, #tpu.memory_space<hbm>>) target(%dma_start3A_1441 : memref<1x32xf32, #tpu.memory_space<vmem>>) target_semaphore(%arg8 : memref<!tpu.dma_semaphore, #tpu.memory_space<semaphore_mem>>)
    %get3A_1444 = arith.constant 111 : i32
    %get3A_1445 = arith.index_cast %get3A_1444 : i32 to index
    %get3A_1446 = memref.load %arg5[%get3A_1445] : memref<512xi32, #tpu.memory_space<smem>>
    %dma_start3A_1447 = arith.constant 111 : i32
    %dma_start3A_1448 = arith.constant 0 : i32
    %dma_start3A_1449 = tpu.memref_slice %arg7[%dma_start3A_1447, %dma_start3A_1448] : memref<512x32xf32, #tpu.memory_space<vmem>> -> memref<1x32xf32, #tpu.memory_space<vmem>>
    %dma_start3A_1450 = arith.constant 0 : i32
    %dma_start3A_1451 = tpu.memref_slice %arg2[%get3A_1446, %dma_start3A_1450] : memref<1000000x32xf32, #tpu.memory_space<hbm>> -> memref<1x32xf32, #tpu.memory_space<hbm>>
    %dma_start3A_1452 = arith.constant 111 : i32
    %dma_start3A_1453 = arith.constant 0 : i32
    %dma_start3A_1454 = tpu.memref_slice %arg7[%dma_start3A_1452, %dma_start3A_1453] : memref<512x32xf32, #tpu.memory_space<vmem>> -> memref<1x32xf32, #tpu.memory_space<vmem>>
    %dma_start3A_1455 = arith.constant 0 : i32
    %dma_start3A_1456 = tpu.memref_slice %arg2[%get3A_1446, %dma_start3A_1455] : memref<1000000x32xf32, #tpu.memory_space<hbm>> -> memref<1x32xf32, #tpu.memory_space<hbm>>
    tpu.enqueue_dma source(%dma_start3A_1456 : memref<1x32xf32, #tpu.memory_space<hbm>>) target(%dma_start3A_1454 : memref<1x32xf32, #tpu.memory_space<vmem>>) target_semaphore(%arg9 : memref<!tpu.dma_semaphore, #tpu.memory_space<semaphore_mem>>)
    %get3A_1457 = arith.constant 112 : i32
    %get3A_1458 = arith.index_cast %get3A_1457 : i32 to index
    %get3A_1459 = memref.load %arg5[%get3A_1458] : memref<512xi32, #tpu.memory_space<smem>>
    %dma_start3A_1460 = arith.constant 112 : i32
    %dma_start3A_1461 = arith.constant 0 : i32
    %dma_start3A_1462 = tpu.memref_slice %arg7[%dma_start3A_1460, %dma_start3A_1461] : memref<512x32xf32, #tpu.memory_space<vmem>> -> memref<1x32xf32, #tpu.memory_space<vmem>>
    %dma_start3A_1463 = arith.constant 0 : i32
    %dma_start3A_1464 = tpu.memref_slice %arg2[%get3A_1459, %dma_start3A_1463] : memref<1000000x32xf32, #tpu.memory_space<hbm>> -> memref<1x32xf32, #tpu.memory_space<hbm>>
    %dma_start3A_1465 = arith.constant 112 : i32
    %dma_start3A_1466 = arith.constant 0 : i32
    %dma_start3A_1467 = tpu.memref_slice %arg7[%dma_start3A_1465, %dma_start3A_1466] : memref<512x32xf32, #tpu.memory_space<vmem>> -> memref<1x32xf32, #tpu.memory_space<vmem>>
    %dma_start3A_1468 = arith.constant 0 : i32
    %dma_start3A_1469 = tpu.memref_slice %arg2[%get3A_1459, %dma_start3A_1468] : memref<1000000x32xf32, #tpu.memory_space<hbm>> -> memref<1x32xf32, #tpu.memory_space<hbm>>
    tpu.enqueue_dma source(%dma_start3A_1469 : memref<1x32xf32, #tpu.memory_space<hbm>>) target(%dma_start3A_1467 : memref<1x32xf32, #tpu.memory_space<vmem>>) target_semaphore(%arg8 : memref<!tpu.dma_semaphore, #tpu.memory_space<semaphore_mem>>)
    %get3A_1470 = arith.constant 113 : i32
    %get3A_1471 = arith.index_cast %get3A_1470 : i32 to index
    %get3A_1472 = memref.load %arg5[%get3A_1471] : memref<512xi32, #tpu.memory_space<smem>>
    %dma_start3A_1473 = arith.constant 113 : i32
    %dma_start3A_1474 = arith.constant 0 : i32
    %dma_start3A_1475 = tpu.memref_slice %arg7[%dma_start3A_1473, %dma_start3A_1474] : memref<512x32xf32, #tpu.memory_space<vmem>> -> memref<1x32xf32, #tpu.memory_space<vmem>>
    %dma_start3A_1476 = arith.constant 0 : i32
    %dma_start3A_1477 = tpu.memref_slice %arg2[%get3A_1472, %dma_start3A_1476] : memref<1000000x32xf32, #tpu.memory_space<hbm>> -> memref<1x32xf32, #tpu.memory_space<hbm>>
    %dma_start3A_1478 = arith.constant 113 : i32
    %dma_start3A_1479 = arith.constant 0 : i32
    %dma_start3A_1480 = tpu.memref_slice %arg7[%dma_start3A_1478, %dma_start3A_1479] : memref<512x32xf32, #tpu.memory_space<vmem>> -> memref<1x32xf32, #tpu.memory_space<vmem>>
    %dma_start3A_1481 = arith.constant 0 : i32
    %dma_start3A_1482 = tpu.memref_slice %arg2[%get3A_1472, %dma_start3A_1481] : memref<1000000x32xf32, #tpu.memory_space<hbm>> -> memref<1x32xf32, #tpu.memory_space<hbm>>
    tpu.enqueue_dma source(%dma_start3A_1482 : memref<1x32xf32, #tpu.memory_space<hbm>>) target(%dma_start3A_1480 : memref<1x32xf32, #tpu.memory_space<vmem>>) target_semaphore(%arg9 : memref<!tpu.dma_semaphore, #tpu.memory_space<semaphore_mem>>)
    %get3A_1483 = arith.constant 114 : i32
    %get3A_1484 = arith.index_cast %get3A_1483 : i32 to index
    %get3A_1485 = memref.load %arg5[%get3A_1484] : memref<512xi32, #tpu.memory_space<smem>>
    %dma_start3A_1486 = arith.constant 114 : i32
    %dma_start3A_1487 = arith.constant 0 : i32
    %dma_start3A_1488 = tpu.memref_slice %arg7[%dma_start3A_1486, %dma_start3A_1487] : memref<512x32xf32, #tpu.memory_space<vmem>> -> memref<1x32xf32, #tpu.memory_space<vmem>>
    %dma_start3A_1489 = arith.constant 0 : i32
    %dma_start3A_1490 = tpu.memref_slice %arg2[%get3A_1485, %dma_start3A_1489] : memref<1000000x32xf32, #tpu.memory_space<hbm>> -> memref<1x32xf32, #tpu.memory_space<hbm>>
    %dma_start3A_1491 = arith.constant 114 : i32
    %dma_start3A_1492 = arith.constant 0 : i32
    %dma_start3A_1493 = tpu.memref_slice %arg7[%dma_start3A_1491, %dma_start3A_1492] : memref<512x32xf32, #tpu.memory_space<vmem>> -> memref<1x32xf32, #tpu.memory_space<vmem>>
    %dma_start3A_1494 = arith.constant 0 : i32
    %dma_start3A_1495 = tpu.memref_slice %arg2[%get3A_1485, %dma_start3A_1494] : memref<1000000x32xf32, #tpu.memory_space<hbm>> -> memref<1x32xf32, #tpu.memory_space<hbm>>
    tpu.enqueue_dma source(%dma_start3A_1495 : memref<1x32xf32, #tpu.memory_space<hbm>>) target(%dma_start3A_1493 : memref<1x32xf32, #tpu.memory_space<vmem>>) target_semaphore(%arg8 : memref<!tpu.dma_semaphore, #tpu.memory_space<semaphore_mem>>)
    %get3A_1496 = arith.constant 115 : i32
    %get3A_1497 = arith.index_cast %get3A_1496 : i32 to index
    %get3A_1498 = memref.load %arg5[%get3A_1497] : memref<512xi32, #tpu.memory_space<smem>>
    %dma_start3A_1499 = arith.constant 115 : i32
    %dma_start3A_1500 = arith.constant 0 : i32
    %dma_start3A_1501 = tpu.memref_slice %arg7[%dma_start3A_1499, %dma_start3A_1500] : memref<512x32xf32, #tpu.memory_space<vmem>> -> memref<1x32xf32, #tpu.memory_space<vmem>>
    %dma_start3A_1502 = arith.constant 0 : i32
    %dma_start3A_1503 = tpu.memref_slice %arg2[%get3A_1498, %dma_start3A_1502] : memref<1000000x32xf32, #tpu.memory_space<hbm>> -> memref<1x32xf32, #tpu.memory_space<hbm>>
    %dma_start3A_1504 = arith.constant 115 : i32
    %dma_start3A_1505 = arith.constant 0 : i32
    %dma_start3A_1506 = tpu.memref_slice %arg7[%dma_start3A_1504, %dma_start3A_1505] : memref<512x32xf32, #tpu.memory_space<vmem>> -> memref<1x32xf32, #tpu.memory_space<vmem>>
    %dma_start3A_1507 = arith.constant 0 : i32
    %dma_start3A_1508 = tpu.memref_slice %arg2[%get3A_1498, %dma_start3A_1507] : memref<1000000x32xf32, #tpu.memory_space<hbm>> -> memref<1x32xf32, #tpu.memory_space<hbm>>
    tpu.enqueue_dma source(%dma_start3A_1508 : memref<1x32xf32, #tpu.memory_space<hbm>>) target(%dma_start3A_1506 : memref<1x32xf32, #tpu.memory_space<vmem>>) target_semaphore(%arg9 : memref<!tpu.dma_semaphore, #tpu.memory_space<semaphore_mem>>)
    %get3A_1509 = arith.constant 116 : i32
    %get3A_1510 = arith.index_cast %get3A_1509 : i32 to index
    %get3A_1511 = memref.load %arg5[%get3A_1510] : memref<512xi32, #tpu.memory_space<smem>>
    %dma_start3A_1512 = arith.constant 116 : i32
    %dma_start3A_1513 = arith.constant 0 : i32
    %dma_start3A_1514 = tpu.memref_slice %arg7[%dma_start3A_1512, %dma_start3A_1513] : memref<512x32xf32, #tpu.memory_space<vmem>> -> memref<1x32xf32, #tpu.memory_space<vmem>>
    %dma_start3A_1515 = arith.constant 0 : i32
    %dma_start3A_1516 = tpu.memref_slice %arg2[%get3A_1511, %dma_start3A_1515] : memref<1000000x32xf32, #tpu.memory_space<hbm>> -> memref<1x32xf32, #tpu.memory_space<hbm>>
    %dma_start3A_1517 = arith.constant 116 : i32
    %dma_start3A_1518 = arith.constant 0 : i32
    %dma_start3A_1519 = tpu.memref_slice %arg7[%dma_start3A_1517, %dma_start3A_1518] : memref<512x32xf32, #tpu.memory_space<vmem>> -> memref<1x32xf32, #tpu.memory_space<vmem>>
    %dma_start3A_1520 = arith.constant 0 : i32
    %dma_start3A_1521 = tpu.memref_slice %arg2[%get3A_1511, %dma_start3A_1520] : memref<1000000x32xf32, #tpu.memory_space<hbm>> -> memref<1x32xf32, #tpu.memory_space<hbm>>
    tpu.enqueue_dma source(%dma_start3A_1521 : memref<1x32xf32, #tpu.memory_space<hbm>>) target(%dma_start3A_1519 : memref<1x32xf32, #tpu.memory_space<vmem>>) target_semaphore(%arg8 : memref<!tpu.dma_semaphore, #tpu.memory_space<semaphore_mem>>)
    %get3A_1522 = arith.constant 117 : i32
    %get3A_1523 = arith.index_cast %get3A_1522 : i32 to index
    %get3A_1524 = memref.load %arg5[%get3A_1523] : memref<512xi32, #tpu.memory_space<smem>>
    %dma_start3A_1525 = arith.constant 117 : i32
    %dma_start3A_1526 = arith.constant 0 : i32
    %dma_start3A_1527 = tpu.memref_slice %arg7[%dma_start3A_1525, %dma_start3A_1526] : memref<512x32xf32, #tpu.memory_space<vmem>> -> memref<1x32xf32, #tpu.memory_space<vmem>>
    %dma_start3A_1528 = arith.constant 0 : i32
    %dma_start3A_1529 = tpu.memref_slice %arg2[%get3A_1524, %dma_start3A_1528] : memref<1000000x32xf32, #tpu.memory_space<hbm>> -> memref<1x32xf32, #tpu.memory_space<hbm>>
    %dma_start3A_1530 = arith.constant 117 : i32
    %dma_start3A_1531 = arith.constant 0 : i32
    %dma_start3A_1532 = tpu.memref_slice %arg7[%dma_start3A_1530, %dma_start3A_1531] : memref<512x32xf32, #tpu.memory_space<vmem>> -> memref<1x32xf32, #tpu.memory_space<vmem>>
    %dma_start3A_1533 = arith.constant 0 : i32
    %dma_start3A_1534 = tpu.memref_slice %arg2[%get3A_1524, %dma_start3A_1533] : memref<1000000x32xf32, #tpu.memory_space<hbm>> -> memref<1x32xf32, #tpu.memory_space<hbm>>
    tpu.enqueue_dma source(%dma_start3A_1534 : memref<1x32xf32, #tpu.memory_space<hbm>>) target(%dma_start3A_1532 : memref<1x32xf32, #tpu.memory_space<vmem>>) target_semaphore(%arg9 : memref<!tpu.dma_semaphore, #tpu.memory_space<semaphore_mem>>)
    %get3A_1535 = arith.constant 118 : i32
    %get3A_1536 = arith.index_cast %get3A_1535 : i32 to index
    %get3A_1537 = memref.load %arg5[%get3A_1536] : memref<512xi32, #tpu.memory_space<smem>>
    %dma_start3A_1538 = arith.constant 118 : i32
    %dma_start3A_1539 = arith.constant 0 : i32
    %dma_start3A_1540 = tpu.memref_slice %arg7[%dma_start3A_1538, %dma_start3A_1539] : memref<512x32xf32, #tpu.memory_space<vmem>> -> memref<1x32xf32, #tpu.memory_space<vmem>>
    %dma_start3A_1541 = arith.constant 0 : i32
    %dma_start3A_1542 = tpu.memref_slice %arg2[%get3A_1537, %dma_start3A_1541] : memref<1000000x32xf32, #tpu.memory_space<hbm>> -> memref<1x32xf32, #tpu.memory_space<hbm>>
    %dma_start3A_1543 = arith.constant 118 : i32
    %dma_start3A_1544 = arith.constant 0 : i32
    %dma_start3A_1545 = tpu.memref_slice %arg7[%dma_start3A_1543, %dma_start3A_1544] : memref<512x32xf32, #tpu.memory_space<vmem>> -> memref<1x32xf32, #tpu.memory_space<vmem>>
    %dma_start3A_1546 = arith.constant 0 : i32
    %dma_start3A_1547 = tpu.memref_slice %arg2[%get3A_1537, %dma_start3A_1546] : memref<1000000x32xf32, #tpu.memory_space<hbm>> -> memref<1x32xf32, #tpu.memory_space<hbm>>
    tpu.enqueue_dma source(%dma_start3A_1547 : memref<1x32xf32, #tpu.memory_space<hbm>>) target(%dma_start3A_1545 : memref<1x32xf32, #tpu.memory_space<vmem>>) target_semaphore(%arg8 : memref<!tpu.dma_semaphore, #tpu.memory_space<semaphore_mem>>)
    %get3A_1548 = arith.constant 119 : i32
    %get3A_1549 = arith.index_cast %get3A_1548 : i32 to index
    %get3A_1550 = memref.load %arg5[%get3A_1549] : memref<512xi32, #tpu.memory_space<smem>>
    %dma_start3A_1551 = arith.constant 119 : i32
    %dma_start3A_1552 = arith.constant 0 : i32
    %dma_start3A_1553 = tpu.memref_slice %arg7[%dma_start3A_1551, %dma_start3A_1552] : memref<512x32xf32, #tpu.memory_space<vmem>> -> memref<1x32xf32, #tpu.memory_space<vmem>>
    %dma_start3A_1554 = arith.constant 0 : i32
    %dma_start3A_1555 = tpu.memref_slice %arg2[%get3A_1550, %dma_start3A_1554] : memref<1000000x32xf32, #tpu.memory_space<hbm>> -> memref<1x32xf32, #tpu.memory_space<hbm>>
    %dma_start3A_1556 = arith.constant 119 : i32
    %dma_start3A_1557 = arith.constant 0 : i32
    %dma_start3A_1558 = tpu.memref_slice %arg7[%dma_start3A_1556, %dma_start3A_1557] : memref<512x32xf32, #tpu.memory_space<vmem>> -> memref<1x32xf32, #tpu.memory_space<vmem>>
    %dma_start3A_1559 = arith.constant 0 : i32
    %dma_start3A_1560 = tpu.memref_slice %arg2[%get3A_1550, %dma_start3A_1559] : memref<1000000x32xf32, #tpu.memory_space<hbm>> -> memref<1x32xf32, #tpu.memory_space<hbm>>
    tpu.enqueue_dma source(%dma_start3A_1560 : memref<1x32xf32, #tpu.memory_space<hbm>>) target(%dma_start3A_1558 : memref<1x32xf32, #tpu.memory_space<vmem>>) target_semaphore(%arg9 : memref<!tpu.dma_semaphore, #tpu.memory_space<semaphore_mem>>)
    %get3A_1561 = arith.constant 120 : i32
    %get3A_1562 = arith.index_cast %get3A_1561 : i32 to index
    %get3A_1563 = memref.load %arg5[%get3A_1562] : memref<512xi32, #tpu.memory_space<smem>>
    %dma_start3A_1564 = arith.constant 120 : i32
    %dma_start3A_1565 = arith.constant 0 : i32
    %dma_start3A_1566 = tpu.memref_slice %arg7[%dma_start3A_1564, %dma_start3A_1565] : memref<512x32xf32, #tpu.memory_space<vmem>> -> memref<1x32xf32, #tpu.memory_space<vmem>>
    %dma_start3A_1567 = arith.constant 0 : i32
    %dma_start3A_1568 = tpu.memref_slice %arg2[%get3A_1563, %dma_start3A_1567] : memref<1000000x32xf32, #tpu.memory_space<hbm>> -> memref<1x32xf32, #tpu.memory_space<hbm>>
    %dma_start3A_1569 = arith.constant 120 : i32
    %dma_start3A_1570 = arith.constant 0 : i32
    %dma_start3A_1571 = tpu.memref_slice %arg7[%dma_start3A_1569, %dma_start3A_1570] : memref<512x32xf32, #tpu.memory_space<vmem>> -> memref<1x32xf32, #tpu.memory_space<vmem>>
    %dma_start3A_1572 = arith.constant 0 : i32
    %dma_start3A_1573 = tpu.memref_slice %arg2[%get3A_1563, %dma_start3A_1572] : memref<1000000x32xf32, #tpu.memory_space<hbm>> -> memref<1x32xf32, #tpu.memory_space<hbm>>
    tpu.enqueue_dma source(%dma_start3A_1573 : memref<1x32xf32, #tpu.memory_space<hbm>>) target(%dma_start3A_1571 : memref<1x32xf32, #tpu.memory_space<vmem>>) target_semaphore(%arg8 : memref<!tpu.dma_semaphore, #tpu.memory_space<semaphore_mem>>)
    %get3A_1574 = arith.constant 121 : i32
    %get3A_1575 = arith.index_cast %get3A_1574 : i32 to index
    %get3A_1576 = memref.load %arg5[%get3A_1575] : memref<512xi32, #tpu.memory_space<smem>>
    %dma_start3A_1577 = arith.constant 121 : i32
    %dma_start3A_1578 = arith.constant 0 : i32
    %dma_start3A_1579 = tpu.memref_slice %arg7[%dma_start3A_1577, %dma_start3A_1578] : memref<512x32xf32, #tpu.memory_space<vmem>> -> memref<1x32xf32, #tpu.memory_space<vmem>>
    %dma_start3A_1580 = arith.constant 0 : i32
    %dma_start3A_1581 = tpu.memref_slice %arg2[%get3A_1576, %dma_start3A_1580] : memref<1000000x32xf32, #tpu.memory_space<hbm>> -> memref<1x32xf32, #tpu.memory_space<hbm>>
    %dma_start3A_1582 = arith.constant 121 : i32
    %dma_start3A_1583 = arith.constant 0 : i32
    %dma_start3A_1584 = tpu.memref_slice %arg7[%dma_start3A_1582, %dma_start3A_1583] : memref<512x32xf32, #tpu.memory_space<vmem>> -> memref<1x32xf32, #tpu.memory_space<vmem>>
    %dma_start3A_1585 = arith.constant 0 : i32
    %dma_start3A_1586 = tpu.memref_slice %arg2[%get3A_1576, %dma_start3A_1585] : memref<1000000x32xf32, #tpu.memory_space<hbm>> -> memref<1x32xf32, #tpu.memory_space<hbm>>
    tpu.enqueue_dma source(%dma_start3A_1586 : memref<1x32xf32, #tpu.memory_space<hbm>>) target(%dma_start3A_1584 : memref<1x32xf32, #tpu.memory_space<vmem>>) target_semaphore(%arg9 : memref<!tpu.dma_semaphore, #tpu.memory_space<semaphore_mem>>)
    %get3A_1587 = arith.constant 122 : i32
    %get3A_1588 = arith.index_cast %get3A_1587 : i32 to index
    %get3A_1589 = memref.load %arg5[%get3A_1588] : memref<512xi32, #tpu.memory_space<smem>>
    %dma_start3A_1590 = arith.constant 122 : i32
    %dma_start3A_1591 = arith.constant 0 : i32
    %dma_start3A_1592 = tpu.memref_slice %arg7[%dma_start3A_1590, %dma_start3A_1591] : memref<512x32xf32, #tpu.memory_space<vmem>> -> memref<1x32xf32, #tpu.memory_space<vmem>>
    %dma_start3A_1593 = arith.constant 0 : i32
    %dma_start3A_1594 = tpu.memref_slice %arg2[%get3A_1589, %dma_start3A_1593] : memref<1000000x32xf32, #tpu.memory_space<hbm>> -> memref<1x32xf32, #tpu.memory_space<hbm>>
    %dma_start3A_1595 = arith.constant 122 : i32
    %dma_start3A_1596 = arith.constant 0 : i32
    %dma_start3A_1597 = tpu.memref_slice %arg7[%dma_start3A_1595, %dma_start3A_1596] : memref<512x32xf32, #tpu.memory_space<vmem>> -> memref<1x32xf32, #tpu.memory_space<vmem>>
    %dma_start3A_1598 = arith.constant 0 : i32
    %dma_start3A_1599 = tpu.memref_slice %arg2[%get3A_1589, %dma_start3A_1598] : memref<1000000x32xf32, #tpu.memory_space<hbm>> -> memref<1x32xf32, #tpu.memory_space<hbm>>
    tpu.enqueue_dma source(%dma_start3A_1599 : memref<1x32xf32, #tpu.memory_space<hbm>>) target(%dma_start3A_1597 : memref<1x32xf32, #tpu.memory_space<vmem>>) target_semaphore(%arg8 : memref<!tpu.dma_semaphore, #tpu.memory_space<semaphore_mem>>)
    %get3A_1600 = arith.constant 123 : i32
    %get3A_1601 = arith.index_cast %get3A_1600 : i32 to index
    %get3A_1602 = memref.load %arg5[%get3A_1601] : memref<512xi32, #tpu.memory_space<smem>>
    %dma_start3A_1603 = arith.constant 123 : i32
    %dma_start3A_1604 = arith.constant 0 : i32
    %dma_start3A_1605 = tpu.memref_slice %arg7[%dma_start3A_1603, %dma_start3A_1604] : memref<512x32xf32, #tpu.memory_space<vmem>> -> memref<1x32xf32, #tpu.memory_space<vmem>>
    %dma_start3A_1606 = arith.constant 0 : i32
    %dma_start3A_1607 = tpu.memref_slice %arg2[%get3A_1602, %dma_start3A_1606] : memref<1000000x32xf32, #tpu.memory_space<hbm>> -> memref<1x32xf32, #tpu.memory_space<hbm>>
    %dma_start3A_1608 = arith.constant 123 : i32
    %dma_start3A_1609 = arith.constant 0 : i32
    %dma_start3A_1610 = tpu.memref_slice %arg7[%dma_start3A_1608, %dma_start3A_1609] : memref<512x32xf32, #tpu.memory_space<vmem>> -> memref<1x32xf32, #tpu.memory_space<vmem>>
    %dma_start3A_1611 = arith.constant 0 : i32
    %dma_start3A_1612 = tpu.memref_slice %arg2[%get3A_1602, %dma_start3A_1611] : memref<1000000x32xf32, #tpu.memory_space<hbm>> -> memref<1x32xf32, #tpu.memory_space<hbm>>
    tpu.enqueue_dma source(%dma_start3A_1612 : memref<1x32xf32, #tpu.memory_space<hbm>>) target(%dma_start3A_1610 : memref<1x32xf32, #tpu.memory_space<vmem>>) target_semaphore(%arg9 : memref<!tpu.dma_semaphore, #tpu.memory_space<semaphore_mem>>)
    %get3A_1613 = arith.constant 124 : i32
    %get3A_1614 = arith.index_cast %get3A_1613 : i32 to index
    %get3A_1615 = memref.load %arg5[%get3A_1614] : memref<512xi32, #tpu.memory_space<smem>>
    %dma_start3A_1616 = arith.constant 124 : i32
    %dma_start3A_1617 = arith.constant 0 : i32
    %dma_start3A_1618 = tpu.memref_slice %arg7[%dma_start3A_1616, %dma_start3A_1617] : memref<512x32xf32, #tpu.memory_space<vmem>> -> memref<1x32xf32, #tpu.memory_space<vmem>>
    %dma_start3A_1619 = arith.constant 0 : i32
    %dma_start3A_1620 = tpu.memref_slice %arg2[%get3A_1615, %dma_start3A_1619] : memref<1000000x32xf32, #tpu.memory_space<hbm>> -> memref<1x32xf32, #tpu.memory_space<hbm>>
    %dma_start3A_1621 = arith.constant 124 : i32
    %dma_start3A_1622 = arith.constant 0 : i32
    %dma_start3A_1623 = tpu.memref_slice %arg7[%dma_start3A_1621, %dma_start3A_1622] : memref<512x32xf32, #tpu.memory_space<vmem>> -> memref<1x32xf32, #tpu.memory_space<vmem>>
    %dma_start3A_1624 = arith.constant 0 : i32
    %dma_start3A_1625 = tpu.memref_slice %arg2[%get3A_1615, %dma_start3A_1624] : memref<1000000x32xf32, #tpu.memory_space<hbm>> -> memref<1x32xf32, #tpu.memory_space<hbm>>
    tpu.enqueue_dma source(%dma_start3A_1625 : memref<1x32xf32, #tpu.memory_space<hbm>>) target(%dma_start3A_1623 : memref<1x32xf32, #tpu.memory_space<vmem>>) target_semaphore(%arg8 : memref<!tpu.dma_semaphore, #tpu.memory_space<semaphore_mem>>)
    %get3A_1626 = arith.constant 125 : i32
    %get3A_1627 = arith.index_cast %get3A_1626 : i32 to index
    %get3A_1628 = memref.load %arg5[%get3A_1627] : memref<512xi32, #tpu.memory_space<smem>>
    %dma_start3A_1629 = arith.constant 125 : i32
    %dma_start3A_1630 = arith.constant 0 : i32
    %dma_start3A_1631 = tpu.memref_slice %arg7[%dma_start3A_1629, %dma_start3A_1630] : memref<512x32xf32, #tpu.memory_space<vmem>> -> memref<1x32xf32, #tpu.memory_space<vmem>>
    %dma_start3A_1632 = arith.constant 0 : i32
    %dma_start3A_1633 = tpu.memref_slice %arg2[%get3A_1628, %dma_start3A_1632] : memref<1000000x32xf32, #tpu.memory_space<hbm>> -> memref<1x32xf32, #tpu.memory_space<hbm>>
    %dma_start3A_1634 = arith.constant 125 : i32
    %dma_start3A_1635 = arith.constant 0 : i32
    %dma_start3A_1636 = tpu.memref_slice %arg7[%dma_start3A_1634, %dma_start3A_1635] : memref<512x32xf32, #tpu.memory_space<vmem>> -> memref<1x32xf32, #tpu.memory_space<vmem>>
    %dma_start3A_1637 = arith.constant 0 : i32
    %dma_start3A_1638 = tpu.memref_slice %arg2[%get3A_1628, %dma_start3A_1637] : memref<1000000x32xf32, #tpu.memory_space<hbm>> -> memref<1x32xf32, #tpu.memory_space<hbm>>
    tpu.enqueue_dma source(%dma_start3A_1638 : memref<1x32xf32, #tpu.memory_space<hbm>>) target(%dma_start3A_1636 : memref<1x32xf32, #tpu.memory_space<vmem>>) target_semaphore(%arg9 : memref<!tpu.dma_semaphore, #tpu.memory_space<semaphore_mem>>)
    %get3A_1639 = arith.constant 126 : i32
    %get3A_1640 = arith.index_cast %get3A_1639 : i32 to index
    %get3A_1641 = memref.load %arg5[%get3A_1640] : memref<512xi32, #tpu.memory_space<smem>>
    %dma_start3A_1642 = arith.constant 126 : i32
    %dma_start3A_1643 = arith.constant 0 : i32
    %dma_start3A_1644 = tpu.memref_slice %arg7[%dma_start3A_1642, %dma_start3A_1643] : memref<512x32xf32, #tpu.memory_space<vmem>> -> memref<1x32xf32, #tpu.memory_space<vmem>>
    %dma_start3A_1645 = arith.constant 0 : i32
    %dma_start3A_1646 = tpu.memref_slice %arg2[%get3A_1641, %dma_start3A_1645] : memref<1000000x32xf32, #tpu.memory_space<hbm>> -> memref<1x32xf32, #tpu.memory_space<hbm>>
    %dma_start3A_1647 = arith.constant 126 : i32
    %dma_start3A_1648 = arith.constant 0 : i32
    %dma_start3A_1649 = tpu.memref_slice %arg7[%dma_start3A_1647, %dma_start3A_1648] : memref<512x32xf32, #tpu.memory_space<vmem>> -> memref<1x32xf32, #tpu.memory_space<vmem>>
    %dma_start3A_1650 = arith.constant 0 : i32
    %dma_start3A_1651 = tpu.memref_slice %arg2[%get3A_1641, %dma_start3A_1650] : memref<1000000x32xf32, #tpu.memory_space<hbm>> -> memref<1x32xf32, #tpu.memory_space<hbm>>
    tpu.enqueue_dma source(%dma_start3A_1651 : memref<1x32xf32, #tpu.memory_space<hbm>>) target(%dma_start3A_1649 : memref<1x32xf32, #tpu.memory_space<vmem>>) target_semaphore(%arg8 : memref<!tpu.dma_semaphore, #tpu.memory_space<semaphore_mem>>)
    %get3A_1652 = arith.constant 127 : i32
    %get3A_1653 = arith.index_cast %get3A_1652 : i32 to index
    %get3A_1654 = memref.load %arg5[%get3A_1653] : memref<512xi32, #tpu.memory_space<smem>>
    %dma_start3A_1655 = arith.constant 127 : i32
    %dma_start3A_1656 = arith.constant 0 : i32
    %dma_start3A_1657 = tpu.memref_slice %arg7[%dma_start3A_1655, %dma_start3A_1656] : memref<512x32xf32, #tpu.memory_space<vmem>> -> memref<1x32xf32, #tpu.memory_space<vmem>>
    %dma_start3A_1658 = arith.constant 0 : i32
    %dma_start3A_1659 = tpu.memref_slice %arg2[%get3A_1654, %dma_start3A_1658] : memref<1000000x32xf32, #tpu.memory_space<hbm>> -> memref<1x32xf32, #tpu.memory_space<hbm>>
    %dma_start3A_1660 = arith.constant 127 : i32
    %dma_start3A_1661 = arith.constant 0 : i32
    %dma_start3A_1662 = tpu.memref_slice %arg7[%dma_start3A_1660, %dma_start3A_1661] : memref<512x32xf32, #tpu.memory_space<vmem>> -> memref<1x32xf32, #tpu.memory_space<vmem>>
    %dma_start3A_1663 = arith.constant 0 : i32
    %dma_start3A_1664 = tpu.memref_slice %arg2[%get3A_1654, %dma_start3A_1663] : memref<1000000x32xf32, #tpu.memory_space<hbm>> -> memref<1x32xf32, #tpu.memory_space<hbm>>
    tpu.enqueue_dma source(%dma_start3A_1664 : memref<1x32xf32, #tpu.memory_space<hbm>>) target(%dma_start3A_1662 : memref<1x32xf32, #tpu.memory_space<vmem>>) target_semaphore(%arg9 : memref<!tpu.dma_semaphore, #tpu.memory_space<semaphore_mem>>)
    %scan3A = arith.constant 4 : i32
    %scan3A_1665 = arith.constant 12 : i32
    %scan3A_1666 = arith.addi %scan3A, %scan3A_1665 : i32
    %scan3A_1667 = arith.constant 1 : i32
    scf.for %scan3A_1972 = %scan3A to %scan3A_1666 step %scan3A_1667  : i32 {
      %mul3A_1973 = arith.constant 32 : i32
      %mul3A_1974 = arith.muli %scan3A_1972, %mul3A_1973 : i32
      %add3A_1975 = arith.constant 0 : i32
      %add3A_1976 = arith.addi %mul3A_1974, %add3A_1975 : i32
      %get3A_1977 = arith.index_cast %add3A_1976 : i32 to index
      %get3A_1978 = memref.load %arg5[%get3A_1977] : memref<512xi32, #tpu.memory_space<smem>>
      %dma_start3A_1979 = arith.constant 0 : i32
      %dma_start3A_1980 = tpu.memref_slice %arg7[%add3A_1976, %dma_start3A_1979] : memref<512x32xf32, #tpu.memory_space<vmem>> -> memref<1x32xf32, #tpu.memory_space<vmem>>
      %dma_start3A_1981 = arith.constant 0 : i32
      %dma_start3A_1982 = tpu.memref_slice %arg2[%get3A_1978, %dma_start3A_1981] : memref<1000000x32xf32, #tpu.memory_space<hbm>> -> memref<1x32xf32, #tpu.memory_space<hbm>>
      %dma_start3A_1983 = arith.constant 0 : i32
      %dma_start3A_1984 = tpu.memref_slice %arg7[%add3A_1976, %dma_start3A_1983] : memref<512x32xf32, #tpu.memory_space<vmem>> -> memref<1x32xf32, #tpu.memory_space<vmem>>
      %dma_start3A_1985 = arith.constant 0 : i32
      %dma_start3A_1986 = tpu.memref_slice %arg2[%get3A_1978, %dma_start3A_1985] : memref<1000000x32xf32, #tpu.memory_space<hbm>> -> memref<1x32xf32, #tpu.memory_space<hbm>>
      tpu.enqueue_dma source(%dma_start3A_1986 : memref<1x32xf32, #tpu.memory_space<hbm>>) target(%dma_start3A_1984 : memref<1x32xf32, #tpu.memory_space<vmem>>) target_semaphore(%arg8 : memref<!tpu.dma_semaphore, #tpu.memory_space<semaphore_mem>>)
      %mul3A_1987 = arith.constant 32 : i32
      %mul3A_1988 = arith.muli %scan3A_1972, %mul3A_1987 : i32
      %add3A_1989 = arith.constant 1 : i32
      %add3A_1990 = arith.addi %mul3A_1988, %add3A_1989 : i32
      %get3A_1991 = arith.index_cast %add3A_1990 : i32 to index
      %get3A_1992 = memref.load %arg5[%get3A_1991] : memref<512xi32, #tpu.memory_space<smem>>
      %dma_start3A_1993 = arith.constant 0 : i32
      %dma_start3A_1994 = tpu.memref_slice %arg7[%add3A_1990, %dma_start3A_1993] : memref<512x32xf32, #tpu.memory_space<vmem>> -> memref<1x32xf32, #tpu.memory_space<vmem>>
      %dma_start3A_1995 = arith.constant 0 : i32
      %dma_start3A_1996 = tpu.memref_slice %arg2[%get3A_1992, %dma_start3A_1995] : memref<1000000x32xf32, #tpu.memory_space<hbm>> -> memref<1x32xf32, #tpu.memory_space<hbm>>
      %dma_start3A_1997 = arith.constant 0 : i32
      %dma_start3A_1998 = tpu.memref_slice %arg7[%add3A_1990, %dma_start3A_1997] : memref<512x32xf32, #tpu.memory_space<vmem>> -> memref<1x32xf32, #tpu.memory_space<vmem>>
      %dma_start3A_1999 = arith.constant 0 : i32
      %dma_start3A_2000 = tpu.memref_slice %arg2[%get3A_1992, %dma_start3A_1999] : memref<1000000x32xf32, #tpu.memory_space<hbm>> -> memref<1x32xf32, #tpu.memory_space<hbm>>
      tpu.enqueue_dma source(%dma_start3A_2000 : memref<1x32xf32, #tpu.memory_space<hbm>>) target(%dma_start3A_1998 : memref<1x32xf32, #tpu.memory_space<vmem>>) target_semaphore(%arg9 : memref<!tpu.dma_semaphore, #tpu.memory_space<semaphore_mem>>)
      %mul3A_2001 = arith.constant 32 : i32
      %mul3A_2002 = arith.muli %scan3A_1972, %mul3A_2001 : i32
      %add3A_2003 = arith.constant 2 : i32
      %add3A_2004 = arith.addi %mul3A_2002, %add3A_2003 : i32
      %get3A_2005 = arith.index_cast %add3A_2004 : i32 to index
      %get3A_2006 = memref.load %arg5[%get3A_2005] : memref<512xi32, #tpu.memory_space<smem>>
      %dma_start3A_2007 = arith.constant 0 : i32
      %dma_start3A_2008 = tpu.memref_slice %arg7[%add3A_2004, %dma_start3A_2007] : memref<512x32xf32, #tpu.memory_space<vmem>> -> memref<1x32xf32, #tpu.memory_space<vmem>>
      %dma_start3A_2009 = arith.constant 0 : i32
      %dma_start3A_2010 = tpu.memref_slice %arg2[%get3A_2006, %dma_start3A_2009] : memref<1000000x32xf32, #tpu.memory_space<hbm>> -> memref<1x32xf32, #tpu.memory_space<hbm>>
      %dma_start3A_2011 = arith.constant 0 : i32
      %dma_start3A_2012 = tpu.memref_slice %arg7[%add3A_2004, %dma_start3A_2011] : memref<512x32xf32, #tpu.memory_space<vmem>> -> memref<1x32xf32, #tpu.memory_space<vmem>>
      %dma_start3A_2013 = arith.constant 0 : i32
      %dma_start3A_2014 = tpu.memref_slice %arg2[%get3A_2006, %dma_start3A_2013] : memref<1000000x32xf32, #tpu.memory_space<hbm>> -> memref<1x32xf32, #tpu.memory_space<hbm>>
      tpu.enqueue_dma source(%dma_start3A_2014 : memref<1x32xf32, #tpu.memory_space<hbm>>) target(%dma_start3A_2012 : memref<1x32xf32, #tpu.memory_space<vmem>>) target_semaphore(%arg8 : memref<!tpu.dma_semaphore, #tpu.memory_space<semaphore_mem>>)
      %mul3A_2015 = arith.constant 32 : i32
      %mul3A_2016 = arith.muli %scan3A_1972, %mul3A_2015 : i32
      %add3A_2017 = arith.constant 3 : i32
      %add3A_2018 = arith.addi %mul3A_2016, %add3A_2017 : i32
      %get3A_2019 = arith.index_cast %add3A_2018 : i32 to index
      %get3A_2020 = memref.load %arg5[%get3A_2019] : memref<512xi32, #tpu.memory_space<smem>>
      %dma_start3A_2021 = arith.constant 0 : i32
      %dma_start3A_2022 = tpu.memref_slice %arg7[%add3A_2018, %dma_start3A_2021] : memref<512x32xf32, #tpu.memory_space<vmem>> -> memref<1x32xf32, #tpu.memory_space<vmem>>
      %dma_start3A_2023 = arith.constant 0 : i32
      %dma_start3A_2024 = tpu.memref_slice %arg2[%get3A_2020, %dma_start3A_2023] : memref<1000000x32xf32, #tpu.memory_space<hbm>> -> memref<1x32xf32, #tpu.memory_space<hbm>>
      %dma_start3A_2025 = arith.constant 0 : i32
      %dma_start3A_2026 = tpu.memref_slice %arg7[%add3A_2018, %dma_start3A_2025] : memref<512x32xf32, #tpu.memory_space<vmem>> -> memref<1x32xf32, #tpu.memory_space<vmem>>
      %dma_start3A_2027 = arith.constant 0 : i32
      %dma_start3A_2028 = tpu.memref_slice %arg2[%get3A_2020, %dma_start3A_2027] : memref<1000000x32xf32, #tpu.memory_space<hbm>> -> memref<1x32xf32, #tpu.memory_space<hbm>>
      tpu.enqueue_dma source(%dma_start3A_2028 : memref<1x32xf32, #tpu.memory_space<hbm>>) target(%dma_start3A_2026 : memref<1x32xf32, #tpu.memory_space<vmem>>) target_semaphore(%arg9 : memref<!tpu.dma_semaphore, #tpu.memory_space<semaphore_mem>>)
      %mul3A_2029 = arith.constant 32 : i32
      %mul3A_2030 = arith.muli %scan3A_1972, %mul3A_2029 : i32
      %add3A_2031 = arith.constant 4 : i32
      %add3A_2032 = arith.addi %mul3A_2030, %add3A_2031 : i32
      %get3A_2033 = arith.index_cast %add3A_2032 : i32 to index
      %get3A_2034 = memref.load %arg5[%get3A_2033] : memref<512xi32, #tpu.memory_space<smem>>
      %dma_start3A_2035 = arith.constant 0 : i32
      %dma_start3A_2036 = tpu.memref_slice %arg7[%add3A_2032, %dma_start3A_2035] : memref<512x32xf32, #tpu.memory_space<vmem>> -> memref<1x32xf32, #tpu.memory_space<vmem>>
      %dma_start3A_2037 = arith.constant 0 : i32
      %dma_start3A_2038 = tpu.memref_slice %arg2[%get3A_2034, %dma_start3A_2037] : memref<1000000x32xf32, #tpu.memory_space<hbm>> -> memref<1x32xf32, #tpu.memory_space<hbm>>
      %dma_start3A_2039 = arith.constant 0 : i32
      %dma_start3A_2040 = tpu.memref_slice %arg7[%add3A_2032, %dma_start3A_2039] : memref<512x32xf32, #tpu.memory_space<vmem>> -> memref<1x32xf32, #tpu.memory_space<vmem>>
      %dma_start3A_2041 = arith.constant 0 : i32
      %dma_start3A_2042 = tpu.memref_slice %arg2[%get3A_2034, %dma_start3A_2041] : memref<1000000x32xf32, #tpu.memory_space<hbm>> -> memref<1x32xf32, #tpu.memory_space<hbm>>
      tpu.enqueue_dma source(%dma_start3A_2042 : memref<1x32xf32, #tpu.memory_space<hbm>>) target(%dma_start3A_2040 : memref<1x32xf32, #tpu.memory_space<vmem>>) target_semaphore(%arg8 : memref<!tpu.dma_semaphore, #tpu.memory_space<semaphore_mem>>)
      %mul3A_2043 = arith.constant 32 : i32
      %mul3A_2044 = arith.muli %scan3A_1972, %mul3A_2043 : i32
      %add3A_2045 = arith.constant 5 : i32
      %add3A_2046 = arith.addi %mul3A_2044, %add3A_2045 : i32
      %get3A_2047 = arith.index_cast %add3A_2046 : i32 to index
      %get3A_2048 = memref.load %arg5[%get3A_2047] : memref<512xi32, #tpu.memory_space<smem>>
      %dma_start3A_2049 = arith.constant 0 : i32
      %dma_start3A_2050 = tpu.memref_slice %arg7[%add3A_2046, %dma_start3A_2049] : memref<512x32xf32, #tpu.memory_space<vmem>> -> memref<1x32xf32, #tpu.memory_space<vmem>>
      %dma_start3A_2051 = arith.constant 0 : i32
      %dma_start3A_2052 = tpu.memref_slice %arg2[%get3A_2048, %dma_start3A_2051] : memref<1000000x32xf32, #tpu.memory_space<hbm>> -> memref<1x32xf32, #tpu.memory_space<hbm>>
      %dma_start3A_2053 = arith.constant 0 : i32
      %dma_start3A_2054 = tpu.memref_slice %arg7[%add3A_2046, %dma_start3A_2053] : memref<512x32xf32, #tpu.memory_space<vmem>> -> memref<1x32xf32, #tpu.memory_space<vmem>>
      %dma_start3A_2055 = arith.constant 0 : i32
      %dma_start3A_2056 = tpu.memref_slice %arg2[%get3A_2048, %dma_start3A_2055] : memref<1000000x32xf32, #tpu.memory_space<hbm>> -> memref<1x32xf32, #tpu.memory_space<hbm>>
      tpu.enqueue_dma source(%dma_start3A_2056 : memref<1x32xf32, #tpu.memory_space<hbm>>) target(%dma_start3A_2054 : memref<1x32xf32, #tpu.memory_space<vmem>>) target_semaphore(%arg9 : memref<!tpu.dma_semaphore, #tpu.memory_space<semaphore_mem>>)
      %mul3A_2057 = arith.constant 32 : i32
      %mul3A_2058 = arith.muli %scan3A_1972, %mul3A_2057 : i32
      %add3A_2059 = arith.constant 6 : i32
      %add3A_2060 = arith.addi %mul3A_2058, %add3A_2059 : i32
      %get3A_2061 = arith.index_cast %add3A_2060 : i32 to index
      %get3A_2062 = memref.load %arg5[%get3A_2061] : memref<512xi32, #tpu.memory_space<smem>>
      %dma_start3A_2063 = arith.constant 0 : i32
      %dma_start3A_2064 = tpu.memref_slice %arg7[%add3A_2060, %dma_start3A_2063] : memref<512x32xf32, #tpu.memory_space<vmem>> -> memref<1x32xf32, #tpu.memory_space<vmem>>
      %dma_start3A_2065 = arith.constant 0 : i32
      %dma_start3A_2066 = tpu.memref_slice %arg2[%get3A_2062, %dma_start3A_2065] : memref<1000000x32xf32, #tpu.memory_space<hbm>> -> memref<1x32xf32, #tpu.memory_space<hbm>>
      %dma_start3A_2067 = arith.constant 0 : i32
      %dma_start3A_2068 = tpu.memref_slice %arg7[%add3A_2060, %dma_start3A_2067] : memref<512x32xf32, #tpu.memory_space<vmem>> -> memref<1x32xf32, #tpu.memory_space<vmem>>
      %dma_start3A_2069 = arith.constant 0 : i32
      %dma_start3A_2070 = tpu.memref_slice %arg2[%get3A_2062, %dma_start3A_2069] : memref<1000000x32xf32, #tpu.memory_space<hbm>> -> memref<1x32xf32, #tpu.memory_space<hbm>>
      tpu.enqueue_dma source(%dma_start3A_2070 : memref<1x32xf32, #tpu.memory_space<hbm>>) target(%dma_start3A_2068 : memref<1x32xf32, #tpu.memory_space<vmem>>) target_semaphore(%arg8 : memref<!tpu.dma_semaphore, #tpu.memory_space<semaphore_mem>>)
      %mul3A_2071 = arith.constant 32 : i32
      %mul3A_2072 = arith.muli %scan3A_1972, %mul3A_2071 : i32
      %add3A_2073 = arith.constant 7 : i32
      %add3A_2074 = arith.addi %mul3A_2072, %add3A_2073 : i32
      %get3A_2075 = arith.index_cast %add3A_2074 : i32 to index
      %get3A_2076 = memref.load %arg5[%get3A_2075] : memref<512xi32, #tpu.memory_space<smem>>
      %dma_start3A_2077 = arith.constant 0 : i32
      %dma_start3A_2078 = tpu.memref_slice %arg7[%add3A_2074, %dma_start3A_2077] : memref<512x32xf32, #tpu.memory_space<vmem>> -> memref<1x32xf32, #tpu.memory_space<vmem>>
      %dma_start3A_2079 = arith.constant 0 : i32
      %dma_start3A_2080 = tpu.memref_slice %arg2[%get3A_2076, %dma_start3A_2079] : memref<1000000x32xf32, #tpu.memory_space<hbm>> -> memref<1x32xf32, #tpu.memory_space<hbm>>
      %dma_start3A_2081 = arith.constant 0 : i32
      %dma_start3A_2082 = tpu.memref_slice %arg7[%add3A_2074, %dma_start3A_2081] : memref<512x32xf32, #tpu.memory_space<vmem>> -> memref<1x32xf32, #tpu.memory_space<vmem>>
      %dma_start3A_2083 = arith.constant 0 : i32
      %dma_start3A_2084 = tpu.memref_slice %arg2[%get3A_2076, %dma_start3A_2083] : memref<1000000x32xf32, #tpu.memory_space<hbm>> -> memref<1x32xf32, #tpu.memory_space<hbm>>
      tpu.enqueue_dma source(%dma_start3A_2084 : memref<1x32xf32, #tpu.memory_space<hbm>>) target(%dma_start3A_2082 : memref<1x32xf32, #tpu.memory_space<vmem>>) target_semaphore(%arg9 : memref<!tpu.dma_semaphore, #tpu.memory_space<semaphore_mem>>)
      %mul3A_2085 = arith.constant 32 : i32
      %mul3A_2086 = arith.muli %scan3A_1972, %mul3A_2085 : i32
      %add3A_2087 = arith.constant 8 : i32
      %add3A_2088 = arith.addi %mul3A_2086, %add3A_2087 : i32
      %get3A_2089 = arith.index_cast %add3A_2088 : i32 to index
      %get3A_2090 = memref.load %arg5[%get3A_2089] : memref<512xi32, #tpu.memory_space<smem>>
      %dma_start3A_2091 = arith.constant 0 : i32
      %dma_start3A_2092 = tpu.memref_slice %arg7[%add3A_2088, %dma_start3A_2091] : memref<512x32xf32, #tpu.memory_space<vmem>> -> memref<1x32xf32, #tpu.memory_space<vmem>>
      %dma_start3A_2093 = arith.constant 0 : i32
      %dma_start3A_2094 = tpu.memref_slice %arg2[%get3A_2090, %dma_start3A_2093] : memref<1000000x32xf32, #tpu.memory_space<hbm>> -> memref<1x32xf32, #tpu.memory_space<hbm>>
      %dma_start3A_2095 = arith.constant 0 : i32
      %dma_start3A_2096 = tpu.memref_slice %arg7[%add3A_2088, %dma_start3A_2095] : memref<512x32xf32, #tpu.memory_space<vmem>> -> memref<1x32xf32, #tpu.memory_space<vmem>>
      %dma_start3A_2097 = arith.constant 0 : i32
      %dma_start3A_2098 = tpu.memref_slice %arg2[%get3A_2090, %dma_start3A_2097] : memref<1000000x32xf32, #tpu.memory_space<hbm>> -> memref<1x32xf32, #tpu.memory_space<hbm>>
      tpu.enqueue_dma source(%dma_start3A_2098 : memref<1x32xf32, #tpu.memory_space<hbm>>) target(%dma_start3A_2096 : memref<1x32xf32, #tpu.memory_space<vmem>>) target_semaphore(%arg8 : memref<!tpu.dma_semaphore, #tpu.memory_space<semaphore_mem>>)
      %mul3A_2099 = arith.constant 32 : i32
      %mul3A_2100 = arith.muli %scan3A_1972, %mul3A_2099 : i32
      %add3A_2101 = arith.constant 9 : i32
      %add3A_2102 = arith.addi %mul3A_2100, %add3A_2101 : i32
      %get3A_2103 = arith.index_cast %add3A_2102 : i32 to index
      %get3A_2104 = memref.load %arg5[%get3A_2103] : memref<512xi32, #tpu.memory_space<smem>>
      %dma_start3A_2105 = arith.constant 0 : i32
      %dma_start3A_2106 = tpu.memref_slice %arg7[%add3A_2102, %dma_start3A_2105] : memref<512x32xf32, #tpu.memory_space<vmem>> -> memref<1x32xf32, #tpu.memory_space<vmem>>
      %dma_start3A_2107 = arith.constant 0 : i32
      %dma_start3A_2108 = tpu.memref_slice %arg2[%get3A_2104, %dma_start3A_2107] : memref<1000000x32xf32, #tpu.memory_space<hbm>> -> memref<1x32xf32, #tpu.memory_space<hbm>>
      %dma_start3A_2109 = arith.constant 0 : i32
      %dma_start3A_2110 = tpu.memref_slice %arg7[%add3A_2102, %dma_start3A_2109] : memref<512x32xf32, #tpu.memory_space<vmem>> -> memref<1x32xf32, #tpu.memory_space<vmem>>
      %dma_start3A_2111 = arith.constant 0 : i32
      %dma_start3A_2112 = tpu.memref_slice %arg2[%get3A_2104, %dma_start3A_2111] : memref<1000000x32xf32, #tpu.memory_space<hbm>> -> memref<1x32xf32, #tpu.memory_space<hbm>>
      tpu.enqueue_dma source(%dma_start3A_2112 : memref<1x32xf32, #tpu.memory_space<hbm>>) target(%dma_start3A_2110 : memref<1x32xf32, #tpu.memory_space<vmem>>) target_semaphore(%arg9 : memref<!tpu.dma_semaphore, #tpu.memory_space<semaphore_mem>>)
      %mul3A_2113 = arith.constant 32 : i32
      %mul3A_2114 = arith.muli %scan3A_1972, %mul3A_2113 : i32
      %add3A_2115 = arith.constant 10 : i32
      %add3A_2116 = arith.addi %mul3A_2114, %add3A_2115 : i32
      %get3A_2117 = arith.index_cast %add3A_2116 : i32 to index
      %get3A_2118 = memref.load %arg5[%get3A_2117] : memref<512xi32, #tpu.memory_space<smem>>
      %dma_start3A_2119 = arith.constant 0 : i32
      %dma_start3A_2120 = tpu.memref_slice %arg7[%add3A_2116, %dma_start3A_2119] : memref<512x32xf32, #tpu.memory_space<vmem>> -> memref<1x32xf32, #tpu.memory_space<vmem>>
      %dma_start3A_2121 = arith.constant 0 : i32
      %dma_start3A_2122 = tpu.memref_slice %arg2[%get3A_2118, %dma_start3A_2121] : memref<1000000x32xf32, #tpu.memory_space<hbm>> -> memref<1x32xf32, #tpu.memory_space<hbm>>
      %dma_start3A_2123 = arith.constant 0 : i32
      %dma_start3A_2124 = tpu.memref_slice %arg7[%add3A_2116, %dma_start3A_2123] : memref<512x32xf32, #tpu.memory_space<vmem>> -> memref<1x32xf32, #tpu.memory_space<vmem>>
      %dma_start3A_2125 = arith.constant 0 : i32
      %dma_start3A_2126 = tpu.memref_slice %arg2[%get3A_2118, %dma_start3A_2125] : memref<1000000x32xf32, #tpu.memory_space<hbm>> -> memref<1x32xf32, #tpu.memory_space<hbm>>
      tpu.enqueue_dma source(%dma_start3A_2126 : memref<1x32xf32, #tpu.memory_space<hbm>>) target(%dma_start3A_2124 : memref<1x32xf32, #tpu.memory_space<vmem>>) target_semaphore(%arg8 : memref<!tpu.dma_semaphore, #tpu.memory_space<semaphore_mem>>)
      %mul3A_2127 = arith.constant 32 : i32
      %mul3A_2128 = arith.muli %scan3A_1972, %mul3A_2127 : i32
      %add3A_2129 = arith.constant 11 : i32
      %add3A_2130 = arith.addi %mul3A_2128, %add3A_2129 : i32
      %get3A_2131 = arith.index_cast %add3A_2130 : i32 to index
      %get3A_2132 = memref.load %arg5[%get3A_2131] : memref<512xi32, #tpu.memory_space<smem>>
      %dma_start3A_2133 = arith.constant 0 : i32
      %dma_start3A_2134 = tpu.memref_slice %arg7[%add3A_2130, %dma_start3A_2133] : memref<512x32xf32, #tpu.memory_space<vmem>> -> memref<1x32xf32, #tpu.memory_space<vmem>>
      %dma_start3A_2135 = arith.constant 0 : i32
      %dma_start3A_2136 = tpu.memref_slice %arg2[%get3A_2132, %dma_start3A_2135] : memref<1000000x32xf32, #tpu.memory_space<hbm>> -> memref<1x32xf32, #tpu.memory_space<hbm>>
      %dma_start3A_2137 = arith.constant 0 : i32
      %dma_start3A_2138 = tpu.memref_slice %arg7[%add3A_2130, %dma_start3A_2137] : memref<512x32xf32, #tpu.memory_space<vmem>> -> memref<1x32xf32, #tpu.memory_space<vmem>>
      %dma_start3A_2139 = arith.constant 0 : i32
      %dma_start3A_2140 = tpu.memref_slice %arg2[%get3A_2132, %dma_start3A_2139] : memref<1000000x32xf32, #tpu.memory_space<hbm>> -> memref<1x32xf32, #tpu.memory_space<hbm>>
      tpu.enqueue_dma source(%dma_start3A_2140 : memref<1x32xf32, #tpu.memory_space<hbm>>) target(%dma_start3A_2138 : memref<1x32xf32, #tpu.memory_space<vmem>>) target_semaphore(%arg9 : memref<!tpu.dma_semaphore, #tpu.memory_space<semaphore_mem>>)
      %mul3A_2141 = arith.constant 32 : i32
      %mul3A_2142 = arith.muli %scan3A_1972, %mul3A_2141 : i32
      %add3A_2143 = arith.constant 12 : i32
      %add3A_2144 = arith.addi %mul3A_2142, %add3A_2143 : i32
      %get3A_2145 = arith.index_cast %add3A_2144 : i32 to index
      %get3A_2146 = memref.load %arg5[%get3A_2145] : memref<512xi32, #tpu.memory_space<smem>>
      %dma_start3A_2147 = arith.constant 0 : i32
      %dma_start3A_2148 = tpu.memref_slice %arg7[%add3A_2144, %dma_start3A_2147] : memref<512x32xf32, #tpu.memory_space<vmem>> -> memref<1x32xf32, #tpu.memory_space<vmem>>
      %dma_start3A_2149 = arith.constant 0 : i32
      %dma_start3A_2150 = tpu.memref_slice %arg2[%get3A_2146, %dma_start3A_2149] : memref<1000000x32xf32, #tpu.memory_space<hbm>> -> memref<1x32xf32, #tpu.memory_space<hbm>>
      %dma_start3A_2151 = arith.constant 0 : i32
      %dma_start3A_2152 = tpu.memref_slice %arg7[%add3A_2144, %dma_start3A_2151] : memref<512x32xf32, #tpu.memory_space<vmem>> -> memref<1x32xf32, #tpu.memory_space<vmem>>
      %dma_start3A_2153 = arith.constant 0 : i32
      %dma_start3A_2154 = tpu.memref_slice %arg2[%get3A_2146, %dma_start3A_2153] : memref<1000000x32xf32, #tpu.memory_space<hbm>> -> memref<1x32xf32, #tpu.memory_space<hbm>>
      tpu.enqueue_dma source(%dma_start3A_2154 : memref<1x32xf32, #tpu.memory_space<hbm>>) target(%dma_start3A_2152 : memref<1x32xf32, #tpu.memory_space<vmem>>) target_semaphore(%arg8 : memref<!tpu.dma_semaphore, #tpu.memory_space<semaphore_mem>>)
      %mul3A_2155 = arith.constant 32 : i32
      %mul3A_2156 = arith.muli %scan3A_1972, %mul3A_2155 : i32
      %add3A_2157 = arith.constant 13 : i32
      %add3A_2158 = arith.addi %mul3A_2156, %add3A_2157 : i32
      %get3A_2159 = arith.index_cast %add3A_2158 : i32 to index
      %get3A_2160 = memref.load %arg5[%get3A_2159] : memref<512xi32, #tpu.memory_space<smem>>
      %dma_start3A_2161 = arith.constant 0 : i32
      %dma_start3A_2162 = tpu.memref_slice %arg7[%add3A_2158, %dma_start3A_2161] : memref<512x32xf32, #tpu.memory_space<vmem>> -> memref<1x32xf32, #tpu.memory_space<vmem>>
      %dma_start3A_2163 = arith.constant 0 : i32
      %dma_start3A_2164 = tpu.memref_slice %arg2[%get3A_2160, %dma_start3A_2163] : memref<1000000x32xf32, #tpu.memory_space<hbm>> -> memref<1x32xf32, #tpu.memory_space<hbm>>
      %dma_start3A_2165 = arith.constant 0 : i32
      %dma_start3A_2166 = tpu.memref_slice %arg7[%add3A_2158, %dma_start3A_2165] : memref<512x32xf32, #tpu.memory_space<vmem>> -> memref<1x32xf32, #tpu.memory_space<vmem>>
      %dma_start3A_2167 = arith.constant 0 : i32
      %dma_start3A_2168 = tpu.memref_slice %arg2[%get3A_2160, %dma_start3A_2167] : memref<1000000x32xf32, #tpu.memory_space<hbm>> -> memref<1x32xf32, #tpu.memory_space<hbm>>
      tpu.enqueue_dma source(%dma_start3A_2168 : memref<1x32xf32, #tpu.memory_space<hbm>>) target(%dma_start3A_2166 : memref<1x32xf32, #tpu.memory_space<vmem>>) target_semaphore(%arg9 : memref<!tpu.dma_semaphore, #tpu.memory_space<semaphore_mem>>)
      %mul3A_2169 = arith.constant 32 : i32
      %mul3A_2170 = arith.muli %scan3A_1972, %mul3A_2169 : i32
      %add3A_2171 = arith.constant 14 : i32
      %add3A_2172 = arith.addi %mul3A_2170, %add3A_2171 : i32
      %get3A_2173 = arith.index_cast %add3A_2172 : i32 to index
      %get3A_2174 = memref.load %arg5[%get3A_2173] : memref<512xi32, #tpu.memory_space<smem>>
      %dma_start3A_2175 = arith.constant 0 : i32
      %dma_start3A_2176 = tpu.memref_slice %arg7[%add3A_2172, %dma_start3A_2175] : memref<512x32xf32, #tpu.memory_space<vmem>> -> memref<1x32xf32, #tpu.memory_space<vmem>>
      %dma_start3A_2177 = arith.constant 0 : i32
      %dma_start3A_2178 = tpu.memref_slice %arg2[%get3A_2174, %dma_start3A_2177] : memref<1000000x32xf32, #tpu.memory_space<hbm>> -> memref<1x32xf32, #tpu.memory_space<hbm>>
      %dma_start3A_2179 = arith.constant 0 : i32
      %dma_start3A_2180 = tpu.memref_slice %arg7[%add3A_2172, %dma_start3A_2179] : memref<512x32xf32, #tpu.memory_space<vmem>> -> memref<1x32xf32, #tpu.memory_space<vmem>>
      %dma_start3A_2181 = arith.constant 0 : i32
      %dma_start3A_2182 = tpu.memref_slice %arg2[%get3A_2174, %dma_start3A_2181] : memref<1000000x32xf32, #tpu.memory_space<hbm>> -> memref<1x32xf32, #tpu.memory_space<hbm>>
      tpu.enqueue_dma source(%dma_start3A_2182 : memref<1x32xf32, #tpu.memory_space<hbm>>) target(%dma_start3A_2180 : memref<1x32xf32, #tpu.memory_space<vmem>>) target_semaphore(%arg8 : memref<!tpu.dma_semaphore, #tpu.memory_space<semaphore_mem>>)
      %mul3A_2183 = arith.constant 32 : i32
      %mul3A_2184 = arith.muli %scan3A_1972, %mul3A_2183 : i32
      %add3A_2185 = arith.constant 15 : i32
      %add3A_2186 = arith.addi %mul3A_2184, %add3A_2185 : i32
      %get3A_2187 = arith.index_cast %add3A_2186 : i32 to index
      %get3A_2188 = memref.load %arg5[%get3A_2187] : memref<512xi32, #tpu.memory_space<smem>>
      %dma_start3A_2189 = arith.constant 0 : i32
      %dma_start3A_2190 = tpu.memref_slice %arg7[%add3A_2186, %dma_start3A_2189] : memref<512x32xf32, #tpu.memory_space<vmem>> -> memref<1x32xf32, #tpu.memory_space<vmem>>
      %dma_start3A_2191 = arith.constant 0 : i32
      %dma_start3A_2192 = tpu.memref_slice %arg2[%get3A_2188, %dma_start3A_2191] : memref<1000000x32xf32, #tpu.memory_space<hbm>> -> memref<1x32xf32, #tpu.memory_space<hbm>>
      %dma_start3A_2193 = arith.constant 0 : i32
      %dma_start3A_2194 = tpu.memref_slice %arg7[%add3A_2186, %dma_start3A_2193] : memref<512x32xf32, #tpu.memory_space<vmem>> -> memref<1x32xf32, #tpu.memory_space<vmem>>
      %dma_start3A_2195 = arith.constant 0 : i32
      %dma_start3A_2196 = tpu.memref_slice %arg2[%get3A_2188, %dma_start3A_2195] : memref<1000000x32xf32, #tpu.memory_space<hbm>> -> memref<1x32xf32, #tpu.memory_space<hbm>>
      tpu.enqueue_dma source(%dma_start3A_2196 : memref<1x32xf32, #tpu.memory_space<hbm>>) target(%dma_start3A_2194 : memref<1x32xf32, #tpu.memory_space<vmem>>) target_semaphore(%arg9 : memref<!tpu.dma_semaphore, #tpu.memory_space<semaphore_mem>>)
      %mul3A_2197 = arith.constant 32 : i32
      %mul3A_2198 = arith.muli %scan3A_1972, %mul3A_2197 : i32
      %add3A_2199 = arith.constant 16 : i32
      %add3A_2200 = arith.addi %mul3A_2198, %add3A_2199 : i32
      %get3A_2201 = arith.index_cast %add3A_2200 : i32 to index
      %get3A_2202 = memref.load %arg5[%get3A_2201] : memref<512xi32, #tpu.memory_space<smem>>
      %dma_start3A_2203 = arith.constant 0 : i32
      %dma_start3A_2204 = tpu.memref_slice %arg7[%add3A_2200, %dma_start3A_2203] : memref<512x32xf32, #tpu.memory_space<vmem>> -> memref<1x32xf32, #tpu.memory_space<vmem>>
      %dma_start3A_2205 = arith.constant 0 : i32
      %dma_start3A_2206 = tpu.memref_slice %arg2[%get3A_2202, %dma_start3A_2205] : memref<1000000x32xf32, #tpu.memory_space<hbm>> -> memref<1x32xf32, #tpu.memory_space<hbm>>
      %dma_start3A_2207 = arith.constant 0 : i32
      %dma_start3A_2208 = tpu.memref_slice %arg7[%add3A_2200, %dma_start3A_2207] : memref<512x32xf32, #tpu.memory_space<vmem>> -> memref<1x32xf32, #tpu.memory_space<vmem>>
      %dma_start3A_2209 = arith.constant 0 : i32
      %dma_start3A_2210 = tpu.memref_slice %arg2[%get3A_2202, %dma_start3A_2209] : memref<1000000x32xf32, #tpu.memory_space<hbm>> -> memref<1x32xf32, #tpu.memory_space<hbm>>
      tpu.enqueue_dma source(%dma_start3A_2210 : memref<1x32xf32, #tpu.memory_space<hbm>>) target(%dma_start3A_2208 : memref<1x32xf32, #tpu.memory_space<vmem>>) target_semaphore(%arg8 : memref<!tpu.dma_semaphore, #tpu.memory_space<semaphore_mem>>)
      %mul3A_2211 = arith.constant 32 : i32
      %mul3A_2212 = arith.muli %scan3A_1972, %mul3A_2211 : i32
      %add3A_2213 = arith.constant 17 : i32
      %add3A_2214 = arith.addi %mul3A_2212, %add3A_2213 : i32
      %get3A_2215 = arith.index_cast %add3A_2214 : i32 to index
      %get3A_2216 = memref.load %arg5[%get3A_2215] : memref<512xi32, #tpu.memory_space<smem>>
      %dma_start3A_2217 = arith.constant 0 : i32
      %dma_start3A_2218 = tpu.memref_slice %arg7[%add3A_2214, %dma_start3A_2217] : memref<512x32xf32, #tpu.memory_space<vmem>> -> memref<1x32xf32, #tpu.memory_space<vmem>>
      %dma_start3A_2219 = arith.constant 0 : i32
      %dma_start3A_2220 = tpu.memref_slice %arg2[%get3A_2216, %dma_start3A_2219] : memref<1000000x32xf32, #tpu.memory_space<hbm>> -> memref<1x32xf32, #tpu.memory_space<hbm>>
      %dma_start3A_2221 = arith.constant 0 : i32
      %dma_start3A_2222 = tpu.memref_slice %arg7[%add3A_2214, %dma_start3A_2221] : memref<512x32xf32, #tpu.memory_space<vmem>> -> memref<1x32xf32, #tpu.memory_space<vmem>>
      %dma_start3A_2223 = arith.constant 0 : i32
      %dma_start3A_2224 = tpu.memref_slice %arg2[%get3A_2216, %dma_start3A_2223] : memref<1000000x32xf32, #tpu.memory_space<hbm>> -> memref<1x32xf32, #tpu.memory_space<hbm>>
      tpu.enqueue_dma source(%dma_start3A_2224 : memref<1x32xf32, #tpu.memory_space<hbm>>) target(%dma_start3A_2222 : memref<1x32xf32, #tpu.memory_space<vmem>>) target_semaphore(%arg9 : memref<!tpu.dma_semaphore, #tpu.memory_space<semaphore_mem>>)
      %mul3A_2225 = arith.constant 32 : i32
      %mul3A_2226 = arith.muli %scan3A_1972, %mul3A_2225 : i32
      %add3A_2227 = arith.constant 18 : i32
      %add3A_2228 = arith.addi %mul3A_2226, %add3A_2227 : i32
      %get3A_2229 = arith.index_cast %add3A_2228 : i32 to index
      %get3A_2230 = memref.load %arg5[%get3A_2229] : memref<512xi32, #tpu.memory_space<smem>>
      %dma_start3A_2231 = arith.constant 0 : i32
      %dma_start3A_2232 = tpu.memref_slice %arg7[%add3A_2228, %dma_start3A_2231] : memref<512x32xf32, #tpu.memory_space<vmem>> -> memref<1x32xf32, #tpu.memory_space<vmem>>
      %dma_start3A_2233 = arith.constant 0 : i32
      %dma_start3A_2234 = tpu.memref_slice %arg2[%get3A_2230, %dma_start3A_2233] : memref<1000000x32xf32, #tpu.memory_space<hbm>> -> memref<1x32xf32, #tpu.memory_space<hbm>>
      %dma_start3A_2235 = arith.constant 0 : i32
      %dma_start3A_2236 = tpu.memref_slice %arg7[%add3A_2228, %dma_start3A_2235] : memref<512x32xf32, #tpu.memory_space<vmem>> -> memref<1x32xf32, #tpu.memory_space<vmem>>
      %dma_start3A_2237 = arith.constant 0 : i32
      %dma_start3A_2238 = tpu.memref_slice %arg2[%get3A_2230, %dma_start3A_2237] : memref<1000000x32xf32, #tpu.memory_space<hbm>> -> memref<1x32xf32, #tpu.memory_space<hbm>>
      tpu.enqueue_dma source(%dma_start3A_2238 : memref<1x32xf32, #tpu.memory_space<hbm>>) target(%dma_start3A_2236 : memref<1x32xf32, #tpu.memory_space<vmem>>) target_semaphore(%arg8 : memref<!tpu.dma_semaphore, #tpu.memory_space<semaphore_mem>>)
      %mul3A_2239 = arith.constant 32 : i32
      %mul3A_2240 = arith.muli %scan3A_1972, %mul3A_2239 : i32
      %add3A_2241 = arith.constant 19 : i32
      %add3A_2242 = arith.addi %mul3A_2240, %add3A_2241 : i32
      %get3A_2243 = arith.index_cast %add3A_2242 : i32 to index
      %get3A_2244 = memref.load %arg5[%get3A_2243] : memref<512xi32, #tpu.memory_space<smem>>
      %dma_start3A_2245 = arith.constant 0 : i32
      %dma_start3A_2246 = tpu.memref_slice %arg7[%add3A_2242, %dma_start3A_2245] : memref<512x32xf32, #tpu.memory_space<vmem>> -> memref<1x32xf32, #tpu.memory_space<vmem>>
      %dma_start3A_2247 = arith.constant 0 : i32
      %dma_start3A_2248 = tpu.memref_slice %arg2[%get3A_2244, %dma_start3A_2247] : memref<1000000x32xf32, #tpu.memory_space<hbm>> -> memref<1x32xf32, #tpu.memory_space<hbm>>
      %dma_start3A_2249 = arith.constant 0 : i32
      %dma_start3A_2250 = tpu.memref_slice %arg7[%add3A_2242, %dma_start3A_2249] : memref<512x32xf32, #tpu.memory_space<vmem>> -> memref<1x32xf32, #tpu.memory_space<vmem>>
      %dma_start3A_2251 = arith.constant 0 : i32
      %dma_start3A_2252 = tpu.memref_slice %arg2[%get3A_2244, %dma_start3A_2251] : memref<1000000x32xf32, #tpu.memory_space<hbm>> -> memref<1x32xf32, #tpu.memory_space<hbm>>
      tpu.enqueue_dma source(%dma_start3A_2252 : memref<1x32xf32, #tpu.memory_space<hbm>>) target(%dma_start3A_2250 : memref<1x32xf32, #tpu.memory_space<vmem>>) target_semaphore(%arg9 : memref<!tpu.dma_semaphore, #tpu.memory_space<semaphore_mem>>)
      %mul3A_2253 = arith.constant 32 : i32
      %mul3A_2254 = arith.muli %scan3A_1972, %mul3A_2253 : i32
      %add3A_2255 = arith.constant 20 : i32
      %add3A_2256 = arith.addi %mul3A_2254, %add3A_2255 : i32
      %get3A_2257 = arith.index_cast %add3A_2256 : i32 to index
      %get3A_2258 = memref.load %arg5[%get3A_2257] : memref<512xi32, #tpu.memory_space<smem>>
      %dma_start3A_2259 = arith.constant 0 : i32
      %dma_start3A_2260 = tpu.memref_slice %arg7[%add3A_2256, %dma_start3A_2259] : memref<512x32xf32, #tpu.memory_space<vmem>> -> memref<1x32xf32, #tpu.memory_space<vmem>>
      %dma_start3A_2261 = arith.constant 0 : i32
      %dma_start3A_2262 = tpu.memref_slice %arg2[%get3A_2258, %dma_start3A_2261] : memref<1000000x32xf32, #tpu.memory_space<hbm>> -> memref<1x32xf32, #tpu.memory_space<hbm>>
      %dma_start3A_2263 = arith.constant 0 : i32
      %dma_start3A_2264 = tpu.memref_slice %arg7[%add3A_2256, %dma_start3A_2263] : memref<512x32xf32, #tpu.memory_space<vmem>> -> memref<1x32xf32, #tpu.memory_space<vmem>>
      %dma_start3A_2265 = arith.constant 0 : i32
      %dma_start3A_2266 = tpu.memref_slice %arg2[%get3A_2258, %dma_start3A_2265] : memref<1000000x32xf32, #tpu.memory_space<hbm>> -> memref<1x32xf32, #tpu.memory_space<hbm>>
      tpu.enqueue_dma source(%dma_start3A_2266 : memref<1x32xf32, #tpu.memory_space<hbm>>) target(%dma_start3A_2264 : memref<1x32xf32, #tpu.memory_space<vmem>>) target_semaphore(%arg8 : memref<!tpu.dma_semaphore, #tpu.memory_space<semaphore_mem>>)
      %mul3A_2267 = arith.constant 32 : i32
      %mul3A_2268 = arith.muli %scan3A_1972, %mul3A_2267 : i32
      %add3A_2269 = arith.constant 21 : i32
      %add3A_2270 = arith.addi %mul3A_2268, %add3A_2269 : i32
      %get3A_2271 = arith.index_cast %add3A_2270 : i32 to index
      %get3A_2272 = memref.load %arg5[%get3A_2271] : memref<512xi32, #tpu.memory_space<smem>>
      %dma_start3A_2273 = arith.constant 0 : i32
      %dma_start3A_2274 = tpu.memref_slice %arg7[%add3A_2270, %dma_start3A_2273] : memref<512x32xf32, #tpu.memory_space<vmem>> -> memref<1x32xf32, #tpu.memory_space<vmem>>
      %dma_start3A_2275 = arith.constant 0 : i32
      %dma_start3A_2276 = tpu.memref_slice %arg2[%get3A_2272, %dma_start3A_2275] : memref<1000000x32xf32, #tpu.memory_space<hbm>> -> memref<1x32xf32, #tpu.memory_space<hbm>>
      %dma_start3A_2277 = arith.constant 0 : i32
      %dma_start3A_2278 = tpu.memref_slice %arg7[%add3A_2270, %dma_start3A_2277] : memref<512x32xf32, #tpu.memory_space<vmem>> -> memref<1x32xf32, #tpu.memory_space<vmem>>
      %dma_start3A_2279 = arith.constant 0 : i32
      %dma_start3A_2280 = tpu.memref_slice %arg2[%get3A_2272, %dma_start3A_2279] : memref<1000000x32xf32, #tpu.memory_space<hbm>> -> memref<1x32xf32, #tpu.memory_space<hbm>>
      tpu.enqueue_dma source(%dma_start3A_2280 : memref<1x32xf32, #tpu.memory_space<hbm>>) target(%dma_start3A_2278 : memref<1x32xf32, #tpu.memory_space<vmem>>) target_semaphore(%arg9 : memref<!tpu.dma_semaphore, #tpu.memory_space<semaphore_mem>>)
      %mul3A_2281 = arith.constant 32 : i32
      %mul3A_2282 = arith.muli %scan3A_1972, %mul3A_2281 : i32
      %add3A_2283 = arith.constant 22 : i32
      %add3A_2284 = arith.addi %mul3A_2282, %add3A_2283 : i32
      %get3A_2285 = arith.index_cast %add3A_2284 : i32 to index
      %get3A_2286 = memref.load %arg5[%get3A_2285] : memref<512xi32, #tpu.memory_space<smem>>
      %dma_start3A_2287 = arith.constant 0 : i32
      %dma_start3A_2288 = tpu.memref_slice %arg7[%add3A_2284, %dma_start3A_2287] : memref<512x32xf32, #tpu.memory_space<vmem>> -> memref<1x32xf32, #tpu.memory_space<vmem>>
      %dma_start3A_2289 = arith.constant 0 : i32
      %dma_start3A_2290 = tpu.memref_slice %arg2[%get3A_2286, %dma_start3A_2289] : memref<1000000x32xf32, #tpu.memory_space<hbm>> -> memref<1x32xf32, #tpu.memory_space<hbm>>
      %dma_start3A_2291 = arith.constant 0 : i32
      %dma_start3A_2292 = tpu.memref_slice %arg7[%add3A_2284, %dma_start3A_2291] : memref<512x32xf32, #tpu.memory_space<vmem>> -> memref<1x32xf32, #tpu.memory_space<vmem>>
      %dma_start3A_2293 = arith.constant 0 : i32
      %dma_start3A_2294 = tpu.memref_slice %arg2[%get3A_2286, %dma_start3A_2293] : memref<1000000x32xf32, #tpu.memory_space<hbm>> -> memref<1x32xf32, #tpu.memory_space<hbm>>
      tpu.enqueue_dma source(%dma_start3A_2294 : memref<1x32xf32, #tpu.memory_space<hbm>>) target(%dma_start3A_2292 : memref<1x32xf32, #tpu.memory_space<vmem>>) target_semaphore(%arg8 : memref<!tpu.dma_semaphore, #tpu.memory_space<semaphore_mem>>)
      %mul3A_2295 = arith.constant 32 : i32
      %mul3A_2296 = arith.muli %scan3A_1972, %mul3A_2295 : i32
      %add3A_2297 = arith.constant 23 : i32
      %add3A_2298 = arith.addi %mul3A_2296, %add3A_2297 : i32
      %get3A_2299 = arith.index_cast %add3A_2298 : i32 to index
      %get3A_2300 = memref.load %arg5[%get3A_2299] : memref<512xi32, #tpu.memory_space<smem>>
      %dma_start3A_2301 = arith.constant 0 : i32
      %dma_start3A_2302 = tpu.memref_slice %arg7[%add3A_2298, %dma_start3A_2301] : memref<512x32xf32, #tpu.memory_space<vmem>> -> memref<1x32xf32, #tpu.memory_space<vmem>>
      %dma_start3A_2303 = arith.constant 0 : i32
      %dma_start3A_2304 = tpu.memref_slice %arg2[%get3A_2300, %dma_start3A_2303] : memref<1000000x32xf32, #tpu.memory_space<hbm>> -> memref<1x32xf32, #tpu.memory_space<hbm>>
      %dma_start3A_2305 = arith.constant 0 : i32
      %dma_start3A_2306 = tpu.memref_slice %arg7[%add3A_2298, %dma_start3A_2305] : memref<512x32xf32, #tpu.memory_space<vmem>> -> memref<1x32xf32, #tpu.memory_space<vmem>>
      %dma_start3A_2307 = arith.constant 0 : i32
      %dma_start3A_2308 = tpu.memref_slice %arg2[%get3A_2300, %dma_start3A_2307] : memref<1000000x32xf32, #tpu.memory_space<hbm>> -> memref<1x32xf32, #tpu.memory_space<hbm>>
      tpu.enqueue_dma source(%dma_start3A_2308 : memref<1x32xf32, #tpu.memory_space<hbm>>) target(%dma_start3A_2306 : memref<1x32xf32, #tpu.memory_space<vmem>>) target_semaphore(%arg9 : memref<!tpu.dma_semaphore, #tpu.memory_space<semaphore_mem>>)
      %mul3A_2309 = arith.constant 32 : i32
      %mul3A_2310 = arith.muli %scan3A_1972, %mul3A_2309 : i32
      %add3A_2311 = arith.constant 24 : i32
      %add3A_2312 = arith.addi %mul3A_2310, %add3A_2311 : i32
      %get3A_2313 = arith.index_cast %add3A_2312 : i32 to index
      %get3A_2314 = memref.load %arg5[%get3A_2313] : memref<512xi32, #tpu.memory_space<smem>>
      %dma_start3A_2315 = arith.constant 0 : i32
      %dma_start3A_2316 = tpu.memref_slice %arg7[%add3A_2312, %dma_start3A_2315] : memref<512x32xf32, #tpu.memory_space<vmem>> -> memref<1x32xf32, #tpu.memory_space<vmem>>
      %dma_start3A_2317 = arith.constant 0 : i32
      %dma_start3A_2318 = tpu.memref_slice %arg2[%get3A_2314, %dma_start3A_2317] : memref<1000000x32xf32, #tpu.memory_space<hbm>> -> memref<1x32xf32, #tpu.memory_space<hbm>>
      %dma_start3A_2319 = arith.constant 0 : i32
      %dma_start3A_2320 = tpu.memref_slice %arg7[%add3A_2312, %dma_start3A_2319] : memref<512x32xf32, #tpu.memory_space<vmem>> -> memref<1x32xf32, #tpu.memory_space<vmem>>
      %dma_start3A_2321 = arith.constant 0 : i32
      %dma_start3A_2322 = tpu.memref_slice %arg2[%get3A_2314, %dma_start3A_2321] : memref<1000000x32xf32, #tpu.memory_space<hbm>> -> memref<1x32xf32, #tpu.memory_space<hbm>>
      tpu.enqueue_dma source(%dma_start3A_2322 : memref<1x32xf32, #tpu.memory_space<hbm>>) target(%dma_start3A_2320 : memref<1x32xf32, #tpu.memory_space<vmem>>) target_semaphore(%arg8 : memref<!tpu.dma_semaphore, #tpu.memory_space<semaphore_mem>>)
      %mul3A_2323 = arith.constant 32 : i32
      %mul3A_2324 = arith.muli %scan3A_1972, %mul3A_2323 : i32
      %add3A_2325 = arith.constant 25 : i32
      %add3A_2326 = arith.addi %mul3A_2324, %add3A_2325 : i32
      %get3A_2327 = arith.index_cast %add3A_2326 : i32 to index
      %get3A_2328 = memref.load %arg5[%get3A_2327] : memref<512xi32, #tpu.memory_space<smem>>
      %dma_start3A_2329 = arith.constant 0 : i32
      %dma_start3A_2330 = tpu.memref_slice %arg7[%add3A_2326, %dma_start3A_2329] : memref<512x32xf32, #tpu.memory_space<vmem>> -> memref<1x32xf32, #tpu.memory_space<vmem>>
      %dma_start3A_2331 = arith.constant 0 : i32
      %dma_start3A_2332 = tpu.memref_slice %arg2[%get3A_2328, %dma_start3A_2331] : memref<1000000x32xf32, #tpu.memory_space<hbm>> -> memref<1x32xf32, #tpu.memory_space<hbm>>
      %dma_start3A_2333 = arith.constant 0 : i32
      %dma_start3A_2334 = tpu.memref_slice %arg7[%add3A_2326, %dma_start3A_2333] : memref<512x32xf32, #tpu.memory_space<vmem>> -> memref<1x32xf32, #tpu.memory_space<vmem>>
      %dma_start3A_2335 = arith.constant 0 : i32
      %dma_start3A_2336 = tpu.memref_slice %arg2[%get3A_2328, %dma_start3A_2335] : memref<1000000x32xf32, #tpu.memory_space<hbm>> -> memref<1x32xf32, #tpu.memory_space<hbm>>
      tpu.enqueue_dma source(%dma_start3A_2336 : memref<1x32xf32, #tpu.memory_space<hbm>>) target(%dma_start3A_2334 : memref<1x32xf32, #tpu.memory_space<vmem>>) target_semaphore(%arg9 : memref<!tpu.dma_semaphore, #tpu.memory_space<semaphore_mem>>)
      %mul3A_2337 = arith.constant 32 : i32
      %mul3A_2338 = arith.muli %scan3A_1972, %mul3A_2337 : i32
      %add3A_2339 = arith.constant 26 : i32
      %add3A_2340 = arith.addi %mul3A_2338, %add3A_2339 : i32
      %get3A_2341 = arith.index_cast %add3A_2340 : i32 to index
      %get3A_2342 = memref.load %arg5[%get3A_2341] : memref<512xi32, #tpu.memory_space<smem>>
      %dma_start3A_2343 = arith.constant 0 : i32
      %dma_start3A_2344 = tpu.memref_slice %arg7[%add3A_2340, %dma_start3A_2343] : memref<512x32xf32, #tpu.memory_space<vmem>> -> memref<1x32xf32, #tpu.memory_space<vmem>>
      %dma_start3A_2345 = arith.constant 0 : i32
      %dma_start3A_2346 = tpu.memref_slice %arg2[%get3A_2342, %dma_start3A_2345] : memref<1000000x32xf32, #tpu.memory_space<hbm>> -> memref<1x32xf32, #tpu.memory_space<hbm>>
      %dma_start3A_2347 = arith.constant 0 : i32
      %dma_start3A_2348 = tpu.memref_slice %arg7[%add3A_2340, %dma_start3A_2347] : memref<512x32xf32, #tpu.memory_space<vmem>> -> memref<1x32xf32, #tpu.memory_space<vmem>>
      %dma_start3A_2349 = arith.constant 0 : i32
      %dma_start3A_2350 = tpu.memref_slice %arg2[%get3A_2342, %dma_start3A_2349] : memref<1000000x32xf32, #tpu.memory_space<hbm>> -> memref<1x32xf32, #tpu.memory_space<hbm>>
      tpu.enqueue_dma source(%dma_start3A_2350 : memref<1x32xf32, #tpu.memory_space<hbm>>) target(%dma_start3A_2348 : memref<1x32xf32, #tpu.memory_space<vmem>>) target_semaphore(%arg8 : memref<!tpu.dma_semaphore, #tpu.memory_space<semaphore_mem>>)
      %mul3A_2351 = arith.constant 32 : i32
      %mul3A_2352 = arith.muli %scan3A_1972, %mul3A_2351 : i32
      %add3A_2353 = arith.constant 27 : i32
      %add3A_2354 = arith.addi %mul3A_2352, %add3A_2353 : i32
      %get3A_2355 = arith.index_cast %add3A_2354 : i32 to index
      %get3A_2356 = memref.load %arg5[%get3A_2355] : memref<512xi32, #tpu.memory_space<smem>>
      %dma_start3A_2357 = arith.constant 0 : i32
      %dma_start3A_2358 = tpu.memref_slice %arg7[%add3A_2354, %dma_start3A_2357] : memref<512x32xf32, #tpu.memory_space<vmem>> -> memref<1x32xf32, #tpu.memory_space<vmem>>
      %dma_start3A_2359 = arith.constant 0 : i32
      %dma_start3A_2360 = tpu.memref_slice %arg2[%get3A_2356, %dma_start3A_2359] : memref<1000000x32xf32, #tpu.memory_space<hbm>> -> memref<1x32xf32, #tpu.memory_space<hbm>>
      %dma_start3A_2361 = arith.constant 0 : i32
      %dma_start3A_2362 = tpu.memref_slice %arg7[%add3A_2354, %dma_start3A_2361] : memref<512x32xf32, #tpu.memory_space<vmem>> -> memref<1x32xf32, #tpu.memory_space<vmem>>
      %dma_start3A_2363 = arith.constant 0 : i32
      %dma_start3A_2364 = tpu.memref_slice %arg2[%get3A_2356, %dma_start3A_2363] : memref<1000000x32xf32, #tpu.memory_space<hbm>> -> memref<1x32xf32, #tpu.memory_space<hbm>>
      tpu.enqueue_dma source(%dma_start3A_2364 : memref<1x32xf32, #tpu.memory_space<hbm>>) target(%dma_start3A_2362 : memref<1x32xf32, #tpu.memory_space<vmem>>) target_semaphore(%arg9 : memref<!tpu.dma_semaphore, #tpu.memory_space<semaphore_mem>>)
      %mul3A_2365 = arith.constant 32 : i32
      %mul3A_2366 = arith.muli %scan3A_1972, %mul3A_2365 : i32
      %add3A_2367 = arith.constant 28 : i32
      %add3A_2368 = arith.addi %mul3A_2366, %add3A_2367 : i32
      %get3A_2369 = arith.index_cast %add3A_2368 : i32 to index
      %get3A_2370 = memref.load %arg5[%get3A_2369] : memref<512xi32, #tpu.memory_space<smem>>
      %dma_start3A_2371 = arith.constant 0 : i32
      %dma_start3A_2372 = tpu.memref_slice %arg7[%add3A_2368, %dma_start3A_2371] : memref<512x32xf32, #tpu.memory_space<vmem>> -> memref<1x32xf32, #tpu.memory_space<vmem>>
      %dma_start3A_2373 = arith.constant 0 : i32
      %dma_start3A_2374 = tpu.memref_slice %arg2[%get3A_2370, %dma_start3A_2373] : memref<1000000x32xf32, #tpu.memory_space<hbm>> -> memref<1x32xf32, #tpu.memory_space<hbm>>
      %dma_start3A_2375 = arith.constant 0 : i32
      %dma_start3A_2376 = tpu.memref_slice %arg7[%add3A_2368, %dma_start3A_2375] : memref<512x32xf32, #tpu.memory_space<vmem>> -> memref<1x32xf32, #tpu.memory_space<vmem>>
      %dma_start3A_2377 = arith.constant 0 : i32
      %dma_start3A_2378 = tpu.memref_slice %arg2[%get3A_2370, %dma_start3A_2377] : memref<1000000x32xf32, #tpu.memory_space<hbm>> -> memref<1x32xf32, #tpu.memory_space<hbm>>
      tpu.enqueue_dma source(%dma_start3A_2378 : memref<1x32xf32, #tpu.memory_space<hbm>>) target(%dma_start3A_2376 : memref<1x32xf32, #tpu.memory_space<vmem>>) target_semaphore(%arg8 : memref<!tpu.dma_semaphore, #tpu.memory_space<semaphore_mem>>)
      %mul3A_2379 = arith.constant 32 : i32
      %mul3A_2380 = arith.muli %scan3A_1972, %mul3A_2379 : i32
      %add3A_2381 = arith.constant 29 : i32
      %add3A_2382 = arith.addi %mul3A_2380, %add3A_2381 : i32
      %get3A_2383 = arith.index_cast %add3A_2382 : i32 to index
      %get3A_2384 = memref.load %arg5[%get3A_2383] : memref<512xi32, #tpu.memory_space<smem>>
      %dma_start3A_2385 = arith.constant 0 : i32
      %dma_start3A_2386 = tpu.memref_slice %arg7[%add3A_2382, %dma_start3A_2385] : memref<512x32xf32, #tpu.memory_space<vmem>> -> memref<1x32xf32, #tpu.memory_space<vmem>>
      %dma_start3A_2387 = arith.constant 0 : i32
      %dma_start3A_2388 = tpu.memref_slice %arg2[%get3A_2384, %dma_start3A_2387] : memref<1000000x32xf32, #tpu.memory_space<hbm>> -> memref<1x32xf32, #tpu.memory_space<hbm>>
      %dma_start3A_2389 = arith.constant 0 : i32
      %dma_start3A_2390 = tpu.memref_slice %arg7[%add3A_2382, %dma_start3A_2389] : memref<512x32xf32, #tpu.memory_space<vmem>> -> memref<1x32xf32, #tpu.memory_space<vmem>>
      %dma_start3A_2391 = arith.constant 0 : i32
      %dma_start3A_2392 = tpu.memref_slice %arg2[%get3A_2384, %dma_start3A_2391] : memref<1000000x32xf32, #tpu.memory_space<hbm>> -> memref<1x32xf32, #tpu.memory_space<hbm>>
      tpu.enqueue_dma source(%dma_start3A_2392 : memref<1x32xf32, #tpu.memory_space<hbm>>) target(%dma_start3A_2390 : memref<1x32xf32, #tpu.memory_space<vmem>>) target_semaphore(%arg9 : memref<!tpu.dma_semaphore, #tpu.memory_space<semaphore_mem>>)
      %mul3A_2393 = arith.constant 32 : i32
      %mul3A_2394 = arith.muli %scan3A_1972, %mul3A_2393 : i32
      %add3A_2395 = arith.constant 30 : i32
      %add3A_2396 = arith.addi %mul3A_2394, %add3A_2395 : i32
      %get3A_2397 = arith.index_cast %add3A_2396 : i32 to index
      %get3A_2398 = memref.load %arg5[%get3A_2397] : memref<512xi32, #tpu.memory_space<smem>>
      %dma_start3A_2399 = arith.constant 0 : i32
      %dma_start3A_2400 = tpu.memref_slice %arg7[%add3A_2396, %dma_start3A_2399] : memref<512x32xf32, #tpu.memory_space<vmem>> -> memref<1x32xf32, #tpu.memory_space<vmem>>
      %dma_start3A_2401 = arith.constant 0 : i32
      %dma_start3A_2402 = tpu.memref_slice %arg2[%get3A_2398, %dma_start3A_2401] : memref<1000000x32xf32, #tpu.memory_space<hbm>> -> memref<1x32xf32, #tpu.memory_space<hbm>>
      %dma_start3A_2403 = arith.constant 0 : i32
      %dma_start3A_2404 = tpu.memref_slice %arg7[%add3A_2396, %dma_start3A_2403] : memref<512x32xf32, #tpu.memory_space<vmem>> -> memref<1x32xf32, #tpu.memory_space<vmem>>
      %dma_start3A_2405 = arith.constant 0 : i32
      %dma_start3A_2406 = tpu.memref_slice %arg2[%get3A_2398, %dma_start3A_2405] : memref<1000000x32xf32, #tpu.memory_space<hbm>> -> memref<1x32xf32, #tpu.memory_space<hbm>>
      tpu.enqueue_dma source(%dma_start3A_2406 : memref<1x32xf32, #tpu.memory_space<hbm>>) target(%dma_start3A_2404 : memref<1x32xf32, #tpu.memory_space<vmem>>) target_semaphore(%arg8 : memref<!tpu.dma_semaphore, #tpu.memory_space<semaphore_mem>>)
      %mul3A_2407 = arith.constant 32 : i32
      %mul3A_2408 = arith.muli %scan3A_1972, %mul3A_2407 : i32
      %add3A_2409 = arith.constant 31 : i32
      %add3A_2410 = arith.addi %mul3A_2408, %add3A_2409 : i32
      %get3A_2411 = arith.index_cast %add3A_2410 : i32 to index
      %get3A_2412 = memref.load %arg5[%get3A_2411] : memref<512xi32, #tpu.memory_space<smem>>
      %dma_start3A_2413 = arith.constant 0 : i32
      %dma_start3A_2414 = tpu.memref_slice %arg7[%add3A_2410, %dma_start3A_2413] : memref<512x32xf32, #tpu.memory_space<vmem>> -> memref<1x32xf32, #tpu.memory_space<vmem>>
      %dma_start3A_2415 = arith.constant 0 : i32
      %dma_start3A_2416 = tpu.memref_slice %arg2[%get3A_2412, %dma_start3A_2415] : memref<1000000x32xf32, #tpu.memory_space<hbm>> -> memref<1x32xf32, #tpu.memory_space<hbm>>
      %dma_start3A_2417 = arith.constant 0 : i32
      %dma_start3A_2418 = tpu.memref_slice %arg7[%add3A_2410, %dma_start3A_2417] : memref<512x32xf32, #tpu.memory_space<vmem>> -> memref<1x32xf32, #tpu.memory_space<vmem>>
      %dma_start3A_2419 = arith.constant 0 : i32
      %dma_start3A_2420 = tpu.memref_slice %arg2[%get3A_2412, %dma_start3A_2419] : memref<1000000x32xf32, #tpu.memory_space<hbm>> -> memref<1x32xf32, #tpu.memory_space<hbm>>
      tpu.enqueue_dma source(%dma_start3A_2420 : memref<1x32xf32, #tpu.memory_space<hbm>>) target(%dma_start3A_2418 : memref<1x32xf32, #tpu.memory_space<vmem>>) target_semaphore(%arg9 : memref<!tpu.dma_semaphore, #tpu.memory_space<semaphore_mem>>)
      %sub3A = arith.constant 4 : i32
      %sub3A_2421 = arith.subi %scan3A_1972, %sub3A : i32
      %mul3A_2422 = arith.constant 32 : i32
      %mul3A_2423 = arith.muli %sub3A_2421, %mul3A_2422 : i32
      %dma_wait3A_2424 = arith.constant 0 : i32
      %dma_wait3A_2425 = tpu.memref_slice %arg7[%mul3A_2423, %dma_wait3A_2424] : memref<512x32xf32, #tpu.memory_space<vmem>> -> memref<16x32xf32, #tpu.memory_space<vmem>>
      %dma_wait3A_2426 = arith.constant 0 : i32
      %dma_wait3A_2427 = arith.constant 0 : i32
      %dma_wait3A_2428 = tpu.memref_slice %arg2[%dma_wait3A_2426, %dma_wait3A_2427] : memref<1000000x32xf32, #tpu.memory_space<hbm>> -> memref<16x32xf32, #tpu.memory_space<hbm>>
      %dma_wait3A_2429 = arith.constant 0 : i32
      %dma_wait3A_2430 = tpu.memref_slice %arg7[%mul3A_2423, %dma_wait3A_2429] : memref<512x32xf32, #tpu.memory_space<vmem>> -> memref<16x32xf32, #tpu.memory_space<vmem>>
      %dma_wait3A_2431 = arith.constant 0 : i32
      %dma_wait3A_2432 = arith.constant 0 : i32
      %dma_wait3A_2433 = tpu.memref_slice %arg2[%dma_wait3A_2431, %dma_wait3A_2432] : memref<1000000x32xf32, #tpu.memory_space<hbm>> -> memref<16x32xf32, #tpu.memory_space<hbm>>
      tpu.wait_dma2 semaphore(%arg8 : memref<!tpu.dma_semaphore, #tpu.memory_space<semaphore_mem>>) src(%dma_wait3A_2433 : memref<16x32xf32, #tpu.memory_space<hbm>>) dst(%dma_wait3A_2430 : memref<16x32xf32, #tpu.memory_space<vmem>>)
      %mul3A_2434 = arith.constant 32 : i32
      %mul3A_2435 = arith.muli %sub3A_2421, %mul3A_2434 : i32
      %add3A_2436 = arith.constant 16 : i32
      %add3A_2437 = arith.addi %mul3A_2435, %add3A_2436 : i32
      %dma_wait3A_2438 = arith.constant 0 : i32
      %dma_wait3A_2439 = tpu.memref_slice %arg7[%add3A_2437, %dma_wait3A_2438] : memref<512x32xf32, #tpu.memory_space<vmem>> -> memref<16x32xf32, #tpu.memory_space<vmem>>
      %dma_wait3A_2440 = arith.constant 0 : i32
      %dma_wait3A_2441 = arith.constant 0 : i32
      %dma_wait3A_2442 = tpu.memref_slice %arg2[%dma_wait3A_2440, %dma_wait3A_2441] : memref<1000000x32xf32, #tpu.memory_space<hbm>> -> memref<16x32xf32, #tpu.memory_space<hbm>>
      %dma_wait3A_2443 = arith.constant 0 : i32
      %dma_wait3A_2444 = tpu.memref_slice %arg7[%add3A_2437, %dma_wait3A_2443] : memref<512x32xf32, #tpu.memory_space<vmem>> -> memref<16x32xf32, #tpu.memory_space<vmem>>
      %dma_wait3A_2445 = arith.constant 0 : i32
      %dma_wait3A_2446 = arith.constant 0 : i32
      %dma_wait3A_2447 = tpu.memref_slice %arg2[%dma_wait3A_2445, %dma_wait3A_2446] : memref<1000000x32xf32, #tpu.memory_space<hbm>> -> memref<16x32xf32, #tpu.memory_space<hbm>>
      tpu.wait_dma2 semaphore(%arg9 : memref<!tpu.dma_semaphore, #tpu.memory_space<semaphore_mem>>) src(%dma_wait3A_2447 : memref<16x32xf32, #tpu.memory_space<hbm>>) dst(%dma_wait3A_2444 : memref<16x32xf32, #tpu.memory_space<vmem>>)
      %sub3A_2448 = arith.constant 4 : i32
      %sub3A_2449 = arith.subi %scan3A_1972, %sub3A_2448 : i32
      %mul3A_2450 = arith.constant 32 : i32
      %mul3A_2451 = arith.muli %sub3A_2449, %mul3A_2450 : i32
      %mul3A_2452 = arith.constant 32 : i32
      %mul3A_2453 = arith.muli %sub3A_2449, %mul3A_2452 : i32
      %add3A_2454 = arith.addi %mul3A_2, %mul3A_2453 : i32
      %dma_start3A_2455 = arith.constant 0 : i32
      %dma_start3A_2456 = tpu.memref_slice %arg7[%mul3A_2451, %dma_start3A_2455] : memref<512x32xf32, #tpu.memory_space<vmem>> -> memref<32x32xf32, #tpu.memory_space<vmem>>
      %dma_start3A_2457 = arith.constant 0 : i32
      %dma_start3A_2458 = tpu.memref_slice %arg4[%add3A_2454, %dma_start3A_2457] : memref<16384x32xf32, #tpu.memory_space<hbm>> -> memref<32x32xf32, #tpu.memory_space<hbm>>
      %dma_start3A_2459 = arith.constant 0 : i32
      %dma_start3A_2460 = tpu.memref_slice %arg4[%add3A_2454, %dma_start3A_2459] : memref<16384x32xf32, #tpu.memory_space<hbm>> -> memref<32x32xf32, #tpu.memory_space<hbm>>
      %dma_start3A_2461 = arith.constant 0 : i32
      %dma_start3A_2462 = tpu.memref_slice %arg7[%mul3A_2451, %dma_start3A_2461] : memref<512x32xf32, #tpu.memory_space<vmem>> -> memref<32x32xf32, #tpu.memory_space<vmem>>
      tpu.enqueue_dma source(%dma_start3A_2462 : memref<32x32xf32, #tpu.memory_space<vmem>>) target(%dma_start3A_2460 : memref<32x32xf32, #tpu.memory_space<hbm>>) target_semaphore(%arg10 : memref<!tpu.dma_semaphore, #tpu.memory_space<semaphore_mem>>)
    }
    %scan3A_1668 = arith.constant 12 : i32
    %dma_wait3A = arith.constant 384 : i32
    %dma_wait3A_1669 = arith.constant 0 : i32
    %dma_wait3A_1670 = tpu.memref_slice %arg7[%dma_wait3A, %dma_wait3A_1669] : memref<512x32xf32, #tpu.memory_space<vmem>> -> memref<16x32xf32, #tpu.memory_space<vmem>>
    %dma_wait3A_1671 = arith.constant 0 : i32
    %dma_wait3A_1672 = arith.constant 0 : i32
    %dma_wait3A_1673 = tpu.memref_slice %arg2[%dma_wait3A_1671, %dma_wait3A_1672] : memref<1000000x32xf32, #tpu.memory_space<hbm>> -> memref<16x32xf32, #tpu.memory_space<hbm>>
    %dma_wait3A_1674 = arith.constant 384 : i32
    %dma_wait3A_1675 = arith.constant 0 : i32
    %dma_wait3A_1676 = tpu.memref_slice %arg7[%dma_wait3A_1674, %dma_wait3A_1675] : memref<512x32xf32, #tpu.memory_space<vmem>> -> memref<16x32xf32, #tpu.memory_space<vmem>>
    %dma_wait3A_1677 = arith.constant 0 : i32
    %dma_wait3A_1678 = arith.constant 0 : i32
    %dma_wait3A_1679 = tpu.memref_slice %arg2[%dma_wait3A_1677, %dma_wait3A_1678] : memref<1000000x32xf32, #tpu.memory_space<hbm>> -> memref<16x32xf32, #tpu.memory_space<hbm>>
    tpu.wait_dma2 semaphore(%arg8 : memref<!tpu.dma_semaphore, #tpu.memory_space<semaphore_mem>>) src(%dma_wait3A_1679 : memref<16x32xf32, #tpu.memory_space<hbm>>) dst(%dma_wait3A_1676 : memref<16x32xf32, #tpu.memory_space<vmem>>)
    %dma_wait3A_1680 = arith.constant 400 : i32
    %dma_wait3A_1681 = arith.constant 0 : i32
    %dma_wait3A_1682 = tpu.memref_slice %arg7[%dma_wait3A_1680, %dma_wait3A_1681] : memref<512x32xf32, #tpu.memory_space<vmem>> -> memref<16x32xf32, #tpu.memory_space<vmem>>
    %dma_wait3A_1683 = arith.constant 0 : i32
    %dma_wait3A_1684 = arith.constant 0 : i32
    %dma_wait3A_1685 = tpu.memref_slice %arg2[%dma_wait3A_1683, %dma_wait3A_1684] : memref<1000000x32xf32, #tpu.memory_space<hbm>> -> memref<16x32xf32, #tpu.memory_space<hbm>>
    %dma_wait3A_1686 = arith.constant 400 : i32
    %dma_wait3A_1687 = arith.constant 0 : i32
    %dma_wait3A_1688 = tpu.memref_slice %arg7[%dma_wait3A_1686, %dma_wait3A_1687] : memref<512x32xf32, #tpu.memory_space<vmem>> -> memref<16x32xf32, #tpu.memory_space<vmem>>
    %dma_wait3A_1689 = arith.constant 0 : i32
    %dma_wait3A_1690 = arith.constant 0 : i32
    %dma_wait3A_1691 = tpu.memref_slice %arg2[%dma_wait3A_1689, %dma_wait3A_1690] : memref<1000000x32xf32, #tpu.memory_space<hbm>> -> memref<16x32xf32, #tpu.memory_space<hbm>>
    tpu.wait_dma2 semaphore(%arg9 : memref<!tpu.dma_semaphore, #tpu.memory_space<semaphore_mem>>) src(%dma_wait3A_1691 : memref<16x32xf32, #tpu.memory_space<hbm>>) dst(%dma_wait3A_1688 : memref<16x32xf32, #tpu.memory_space<vmem>>)
    %add3A_1692 = arith.constant 384 : i32
    %add3A_1693 = arith.addi %mul3A_2, %add3A_1692 : i32
    %dma_start3A_1694 = arith.constant 384 : i32
    %dma_start3A_1695 = arith.constant 0 : i32
    %dma_start3A_1696 = tpu.memref_slice %arg7[%dma_start3A_1694, %dma_start3A_1695] : memref<512x32xf32, #tpu.memory_space<vmem>> -> memref<32x32xf32, #tpu.memory_space<vmem>>
    %dma_start3A_1697 = arith.constant 0 : i32
    %dma_start3A_1698 = tpu.memref_slice %arg4[%add3A_1693, %dma_start3A_1697] : memref<16384x32xf32, #tpu.memory_space<hbm>> -> memref<32x32xf32, #tpu.memory_space<hbm>>
    %dma_start3A_1699 = arith.constant 0 : i32
    %dma_start3A_1700 = tpu.memref_slice %arg4[%add3A_1693, %dma_start3A_1699] : memref<16384x32xf32, #tpu.memory_space<hbm>> -> memref<32x32xf32, #tpu.memory_space<hbm>>
    %dma_start3A_1701 = arith.constant 384 : i32
    %dma_start3A_1702 = arith.constant 0 : i32
    %dma_start3A_1703 = tpu.memref_slice %arg7[%dma_start3A_1701, %dma_start3A_1702] : memref<512x32xf32, #tpu.memory_space<vmem>> -> memref<32x32xf32, #tpu.memory_space<vmem>>
    tpu.enqueue_dma source(%dma_start3A_1703 : memref<32x32xf32, #tpu.memory_space<vmem>>) target(%dma_start3A_1700 : memref<32x32xf32, #tpu.memory_space<hbm>>) target_semaphore(%arg10 : memref<!tpu.dma_semaphore, #tpu.memory_space<semaphore_mem>>)
    %dma_wait3A_1704 = arith.constant 416 : i32
    %dma_wait3A_1705 = arith.constant 0 : i32
    %dma_wait3A_1706 = tpu.memref_slice %arg7[%dma_wait3A_1704, %dma_wait3A_1705] : memref<512x32xf32, #tpu.memory_space<vmem>> -> memref<16x32xf32, #tpu.memory_space<vmem>>
    %dma_wait3A_1707 = arith.constant 0 : i32
    %dma_wait3A_1708 = arith.constant 0 : i32
    %dma_wait3A_1709 = tpu.memref_slice %arg2[%dma_wait3A_1707, %dma_wait3A_1708] : memref<1000000x32xf32, #tpu.memory_space<hbm>> -> memref<16x32xf32, #tpu.memory_space<hbm>>
    %dma_wait3A_1710 = arith.constant 416 : i32
    %dma_wait3A_1711 = arith.constant 0 : i32
    %dma_wait3A_1712 = tpu.memref_slice %arg7[%dma_wait3A_1710, %dma_wait3A_1711] : memref<512x32xf32, #tpu.memory_space<vmem>> -> memref<16x32xf32, #tpu.memory_space<vmem>>
    %dma_wait3A_1713 = arith.constant 0 : i32
    %dma_wait3A_1714 = arith.constant 0 : i32
    %dma_wait3A_1715 = tpu.memref_slice %arg2[%dma_wait3A_1713, %dma_wait3A_1714] : memref<1000000x32xf32, #tpu.memory_space<hbm>> -> memref<16x32xf32, #tpu.memory_space<hbm>>
    tpu.wait_dma2 semaphore(%arg8 : memref<!tpu.dma_semaphore, #tpu.memory_space<semaphore_mem>>) src(%dma_wait3A_1715 : memref<16x32xf32, #tpu.memory_space<hbm>>) dst(%dma_wait3A_1712 : memref<16x32xf32, #tpu.memory_space<vmem>>)
    %dma_wait3A_1716 = arith.constant 432 : i32
    %dma_wait3A_1717 = arith.constant 0 : i32
    %dma_wait3A_1718 = tpu.memref_slice %arg7[%dma_wait3A_1716, %dma_wait3A_1717] : memref<512x32xf32, #tpu.memory_space<vmem>> -> memref<16x32xf32, #tpu.memory_space<vmem>>
    %dma_wait3A_1719 = arith.constant 0 : i32
    %dma_wait3A_1720 = arith.constant 0 : i32
    %dma_wait3A_1721 = tpu.memref_slice %arg2[%dma_wait3A_1719, %dma_wait3A_1720] : memref<1000000x32xf32, #tpu.memory_space<hbm>> -> memref<16x32xf32, #tpu.memory_space<hbm>>
    %dma_wait3A_1722 = arith.constant 432 : i32
    %dma_wait3A_1723 = arith.constant 0 : i32
    %dma_wait3A_1724 = tpu.memref_slice %arg7[%dma_wait3A_1722, %dma_wait3A_1723] : memref<512x32xf32, #tpu.memory_space<vmem>> -> memref<16x32xf32, #tpu.memory_space<vmem>>
    %dma_wait3A_1725 = arith.constant 0 : i32
    %dma_wait3A_1726 = arith.constant 0 : i32
    %dma_wait3A_1727 = tpu.memref_slice %arg2[%dma_wait3A_1725, %dma_wait3A_1726] : memref<1000000x32xf32, #tpu.memory_space<hbm>> -> memref<16x32xf32, #tpu.memory_space<hbm>>
    tpu.wait_dma2 semaphore(%arg9 : memref<!tpu.dma_semaphore, #tpu.memory_space<semaphore_mem>>) src(%dma_wait3A_1727 : memref<16x32xf32, #tpu.memory_space<hbm>>) dst(%dma_wait3A_1724 : memref<16x32xf32, #tpu.memory_space<vmem>>)
    %add3A_1728 = arith.constant 416 : i32
    %add3A_1729 = arith.addi %mul3A_2, %add3A_1728 : i32
    %dma_start3A_1730 = arith.constant 416 : i32
    %dma_start3A_1731 = arith.constant 0 : i32
    %dma_start3A_1732 = tpu.memref_slice %arg7[%dma_start3A_1730, %dma_start3A_1731] : memref<512x32xf32, #tpu.memory_space<vmem>> -> memref<32x32xf32, #tpu.memory_space<vmem>>
    %dma_start3A_1733 = arith.constant 0 : i32
    %dma_start3A_1734 = tpu.memref_slice %arg4[%add3A_1729, %dma_start3A_1733] : memref<16384x32xf32, #tpu.memory_space<hbm>> -> memref<32x32xf32, #tpu.memory_space<hbm>>
    %dma_start3A_1735 = arith.constant 0 : i32
    %dma_start3A_1736 = tpu.memref_slice %arg4[%add3A_1729, %dma_start3A_1735] : memref<16384x32xf32, #tpu.memory_space<hbm>> -> memref<32x32xf32, #tpu.memory_space<hbm>>
    %dma_start3A_1737 = arith.constant 416 : i32
    %dma_start3A_1738 = arith.constant 0 : i32
    %dma_start3A_1739 = tpu.memref_slice %arg7[%dma_start3A_1737, %dma_start3A_1738] : memref<512x32xf32, #tpu.memory_space<vmem>> -> memref<32x32xf32, #tpu.memory_space<vmem>>
    tpu.enqueue_dma source(%dma_start3A_1739 : memref<32x32xf32, #tpu.memory_space<vmem>>) target(%dma_start3A_1736 : memref<32x32xf32, #tpu.memory_space<hbm>>) target_semaphore(%arg10 : memref<!tpu.dma_semaphore, #tpu.memory_space<semaphore_mem>>)
    %dma_wait3A_1740 = arith.constant 448 : i32
    %dma_wait3A_1741 = arith.constant 0 : i32
    %dma_wait3A_1742 = tpu.memref_slice %arg7[%dma_wait3A_1740, %dma_wait3A_1741] : memref<512x32xf32, #tpu.memory_space<vmem>> -> memref<16x32xf32, #tpu.memory_space<vmem>>
    %dma_wait3A_1743 = arith.constant 0 : i32
    %dma_wait3A_1744 = arith.constant 0 : i32
    %dma_wait3A_1745 = tpu.memref_slice %arg2[%dma_wait3A_1743, %dma_wait3A_1744] : memref<1000000x32xf32, #tpu.memory_space<hbm>> -> memref<16x32xf32, #tpu.memory_space<hbm>>
    %dma_wait3A_1746 = arith.constant 448 : i32
    %dma_wait3A_1747 = arith.constant 0 : i32
    %dma_wait3A_1748 = tpu.memref_slice %arg7[%dma_wait3A_1746, %dma_wait3A_1747] : memref<512x32xf32, #tpu.memory_space<vmem>> -> memref<16x32xf32, #tpu.memory_space<vmem>>
    %dma_wait3A_1749 = arith.constant 0 : i32
    %dma_wait3A_1750 = arith.constant 0 : i32
    %dma_wait3A_1751 = tpu.memref_slice %arg2[%dma_wait3A_1749, %dma_wait3A_1750] : memref<1000000x32xf32, #tpu.memory_space<hbm>> -> memref<16x32xf32, #tpu.memory_space<hbm>>
    tpu.wait_dma2 semaphore(%arg8 : memref<!tpu.dma_semaphore, #tpu.memory_space<semaphore_mem>>) src(%dma_wait3A_1751 : memref<16x32xf32, #tpu.memory_space<hbm>>) dst(%dma_wait3A_1748 : memref<16x32xf32, #tpu.memory_space<vmem>>)
    %dma_wait3A_1752 = arith.constant 464 : i32
    %dma_wait3A_1753 = arith.constant 0 : i32
    %dma_wait3A_1754 = tpu.memref_slice %arg7[%dma_wait3A_1752, %dma_wait3A_1753] : memref<512x32xf32, #tpu.memory_space<vmem>> -> memref<16x32xf32, #tpu.memory_space<vmem>>
    %dma_wait3A_1755 = arith.constant 0 : i32
    %dma_wait3A_1756 = arith.constant 0 : i32
    %dma_wait3A_1757 = tpu.memref_slice %arg2[%dma_wait3A_1755, %dma_wait3A_1756] : memref<1000000x32xf32, #tpu.memory_space<hbm>> -> memref<16x32xf32, #tpu.memory_space<hbm>>
    %dma_wait3A_1758 = arith.constant 464 : i32
    %dma_wait3A_1759 = arith.constant 0 : i32
    %dma_wait3A_1760 = tpu.memref_slice %arg7[%dma_wait3A_1758, %dma_wait3A_1759] : memref<512x32xf32, #tpu.memory_space<vmem>> -> memref<16x32xf32, #tpu.memory_space<vmem>>
    %dma_wait3A_1761 = arith.constant 0 : i32
    %dma_wait3A_1762 = arith.constant 0 : i32
    %dma_wait3A_1763 = tpu.memref_slice %arg2[%dma_wait3A_1761, %dma_wait3A_1762] : memref<1000000x32xf32, #tpu.memory_space<hbm>> -> memref<16x32xf32, #tpu.memory_space<hbm>>
    tpu.wait_dma2 semaphore(%arg9 : memref<!tpu.dma_semaphore, #tpu.memory_space<semaphore_mem>>) src(%dma_wait3A_1763 : memref<16x32xf32, #tpu.memory_space<hbm>>) dst(%dma_wait3A_1760 : memref<16x32xf32, #tpu.memory_space<vmem>>)
    %add3A_1764 = arith.constant 448 : i32
    %add3A_1765 = arith.addi %mul3A_2, %add3A_1764 : i32
    %dma_start3A_1766 = arith.constant 448 : i32
    %dma_start3A_1767 = arith.constant 0 : i32
    %dma_start3A_1768 = tpu.memref_slice %arg7[%dma_start3A_1766, %dma_start3A_1767] : memref<512x32xf32, #tpu.memory_space<vmem>> -> memref<32x32xf32, #tpu.memory_space<vmem>>
    %dma_start3A_1769 = arith.constant 0 : i32
    %dma_start3A_1770 = tpu.memref_slice %arg4[%add3A_1765, %dma_start3A_1769] : memref<16384x32xf32, #tpu.memory_space<hbm>> -> memref<32x32xf32, #tpu.memory_space<hbm>>
    %dma_start3A_1771 = arith.constant 0 : i32
    %dma_start3A_1772 = tpu.memref_slice %arg4[%add3A_1765, %dma_start3A_1771] : memref<16384x32xf32, #tpu.memory_space<hbm>> -> memref<32x32xf32, #tpu.memory_space<hbm>>
    %dma_start3A_1773 = arith.constant 448 : i32
    %dma_start3A_1774 = arith.constant 0 : i32
    %dma_start3A_1775 = tpu.memref_slice %arg7[%dma_start3A_1773, %dma_start3A_1774] : memref<512x32xf32, #tpu.memory_space<vmem>> -> memref<32x32xf32, #tpu.memory_space<vmem>>
    tpu.enqueue_dma source(%dma_start3A_1775 : memref<32x32xf32, #tpu.memory_space<vmem>>) target(%dma_start3A_1772 : memref<32x32xf32, #tpu.memory_space<hbm>>) target_semaphore(%arg10 : memref<!tpu.dma_semaphore, #tpu.memory_space<semaphore_mem>>)
    %dma_wait3A_1776 = arith.constant 480 : i32
    %dma_wait3A_1777 = arith.constant 0 : i32
    %dma_wait3A_1778 = tpu.memref_slice %arg7[%dma_wait3A_1776, %dma_wait3A_1777] : memref<512x32xf32, #tpu.memory_space<vmem>> -> memref<16x32xf32, #tpu.memory_space<vmem>>
    %dma_wait3A_1779 = arith.constant 0 : i32
    %dma_wait3A_1780 = arith.constant 0 : i32
    %dma_wait3A_1781 = tpu.memref_slice %arg2[%dma_wait3A_1779, %dma_wait3A_1780] : memref<1000000x32xf32, #tpu.memory_space<hbm>> -> memref<16x32xf32, #tpu.memory_space<hbm>>
    %dma_wait3A_1782 = arith.constant 480 : i32
    %dma_wait3A_1783 = arith.constant 0 : i32
    %dma_wait3A_1784 = tpu.memref_slice %arg7[%dma_wait3A_1782, %dma_wait3A_1783] : memref<512x32xf32, #tpu.memory_space<vmem>> -> memref<16x32xf32, #tpu.memory_space<vmem>>
    %dma_wait3A_1785 = arith.constant 0 : i32
    %dma_wait3A_1786 = arith.constant 0 : i32
    %dma_wait3A_1787 = tpu.memref_slice %arg2[%dma_wait3A_1785, %dma_wait3A_1786] : memref<1000000x32xf32, #tpu.memory_space<hbm>> -> memref<16x32xf32, #tpu.memory_space<hbm>>
    tpu.wait_dma2 semaphore(%arg8 : memref<!tpu.dma_semaphore, #tpu.memory_space<semaphore_mem>>) src(%dma_wait3A_1787 : memref<16x32xf32, #tpu.memory_space<hbm>>) dst(%dma_wait3A_1784 : memref<16x32xf32, #tpu.memory_space<vmem>>)
    %dma_wait3A_1788 = arith.constant 496 : i32
    %dma_wait3A_1789 = arith.constant 0 : i32
    %dma_wait3A_1790 = tpu.memref_slice %arg7[%dma_wait3A_1788, %dma_wait3A_1789] : memref<512x32xf32, #tpu.memory_space<vmem>> -> memref<16x32xf32, #tpu.memory_space<vmem>>
    %dma_wait3A_1791 = arith.constant 0 : i32
    %dma_wait3A_1792 = arith.constant 0 : i32
    %dma_wait3A_1793 = tpu.memref_slice %arg2[%dma_wait3A_1791, %dma_wait3A_1792] : memref<1000000x32xf32, #tpu.memory_space<hbm>> -> memref<16x32xf32, #tpu.memory_space<hbm>>
    %dma_wait3A_1794 = arith.constant 496 : i32
    %dma_wait3A_1795 = arith.constant 0 : i32
    %dma_wait3A_1796 = tpu.memref_slice %arg7[%dma_wait3A_1794, %dma_wait3A_1795] : memref<512x32xf32, #tpu.memory_space<vmem>> -> memref<16x32xf32, #tpu.memory_space<vmem>>
    %dma_wait3A_1797 = arith.constant 0 : i32
    %dma_wait3A_1798 = arith.constant 0 : i32
    %dma_wait3A_1799 = tpu.memref_slice %arg2[%dma_wait3A_1797, %dma_wait3A_1798] : memref<1000000x32xf32, #tpu.memory_space<hbm>> -> memref<16x32xf32, #tpu.memory_space<hbm>>
    tpu.wait_dma2 semaphore(%arg9 : memref<!tpu.dma_semaphore, #tpu.memory_space<semaphore_mem>>) src(%dma_wait3A_1799 : memref<16x32xf32, #tpu.memory_space<hbm>>) dst(%dma_wait3A_1796 : memref<16x32xf32, #tpu.memory_space<vmem>>)
    %add3A_1800 = arith.constant 480 : i32
    %add3A_1801 = arith.addi %mul3A_2, %add3A_1800 : i32
    %dma_start3A_1802 = arith.constant 480 : i32
    %dma_start3A_1803 = arith.constant 0 : i32
    %dma_start3A_1804 = tpu.memref_slice %arg7[%dma_start3A_1802, %dma_start3A_1803] : memref<512x32xf32, #tpu.memory_space<vmem>> -> memref<32x32xf32, #tpu.memory_space<vmem>>
    %dma_start3A_1805 = arith.constant 0 : i32
    %dma_start3A_1806 = tpu.memref_slice %arg4[%add3A_1801, %dma_start3A_1805] : memref<16384x32xf32, #tpu.memory_space<hbm>> -> memref<32x32xf32, #tpu.memory_space<hbm>>
    %dma_start3A_1807 = arith.constant 0 : i32
    %dma_start3A_1808 = tpu.memref_slice %arg4[%add3A_1801, %dma_start3A_1807] : memref<16384x32xf32, #tpu.memory_space<hbm>> -> memref<32x32xf32, #tpu.memory_space<hbm>>
    %dma_start3A_1809 = arith.constant 480 : i32
    %dma_start3A_1810 = arith.constant 0 : i32
    %dma_start3A_1811 = tpu.memref_slice %arg7[%dma_start3A_1809, %dma_start3A_1810] : memref<512x32xf32, #tpu.memory_space<vmem>> -> memref<32x32xf32, #tpu.memory_space<vmem>>
    tpu.enqueue_dma source(%dma_start3A_1811 : memref<32x32xf32, #tpu.memory_space<vmem>>) target(%dma_start3A_1808 : memref<32x32xf32, #tpu.memory_space<hbm>>) target_semaphore(%arg10 : memref<!tpu.dma_semaphore, #tpu.memory_space<semaphore_mem>>)
    %dma_wait3A_1812 = arith.constant 0 : i32
    %dma_wait3A_1813 = arith.constant 0 : i32
    %dma_wait3A_1814 = tpu.memref_slice %arg7[%dma_wait3A_1812, %dma_wait3A_1813] : memref<512x32xf32, #tpu.memory_space<vmem>> -> memref<32x32xf32, #tpu.memory_space<vmem>>
    %dma_wait3A_1815 = arith.constant 0 : i32
    %dma_wait3A_1816 = tpu.memref_slice %arg4[%mul3A_2, %dma_wait3A_1815] : memref<16384x32xf32, #tpu.memory_space<hbm>> -> memref<32x32xf32, #tpu.memory_space<hbm>>
    %dma_wait3A_1817 = arith.constant 0 : i32
    %dma_wait3A_1818 = tpu.memref_slice %arg4[%mul3A_2, %dma_wait3A_1817] : memref<16384x32xf32, #tpu.memory_space<hbm>> -> memref<32x32xf32, #tpu.memory_space<hbm>>
    %dma_wait3A_1819 = arith.constant 0 : i32
    %dma_wait3A_1820 = arith.constant 0 : i32
    %dma_wait3A_1821 = tpu.memref_slice %arg7[%dma_wait3A_1819, %dma_wait3A_1820] : memref<512x32xf32, #tpu.memory_space<vmem>> -> memref<32x32xf32, #tpu.memory_space<vmem>>
    tpu.wait_dma2 semaphore(%arg10 : memref<!tpu.dma_semaphore, #tpu.memory_space<semaphore_mem>>) src(%dma_wait3A_1821 : memref<32x32xf32, #tpu.memory_space<vmem>>) dst(%dma_wait3A_1818 : memref<32x32xf32, #tpu.memory_space<hbm>>)
    %dma_wait3A_1822 = arith.constant 0 : i32
    %dma_wait3A_1823 = arith.constant 0 : i32
    %dma_wait3A_1824 = tpu.memref_slice %arg7[%dma_wait3A_1822, %dma_wait3A_1823] : memref<512x32xf32, #tpu.memory_space<vmem>> -> memref<32x32xf32, #tpu.memory_space<vmem>>
    %dma_wait3A_1825 = arith.constant 0 : i32
    %dma_wait3A_1826 = tpu.memref_slice %arg4[%mul3A_2, %dma_wait3A_1825] : memref<16384x32xf32, #tpu.memory_space<hbm>> -> memref<32x32xf32, #tpu.memory_space<hbm>>
    %dma_wait3A_1827 = arith.constant 0 : i32
    %dma_wait3A_1828 = tpu.memref_slice %arg4[%mul3A_2, %dma_wait3A_1827] : memref<16384x32xf32, #tpu.memory_space<hbm>> -> memref<32x32xf32, #tpu.memory_space<hbm>>
    %dma_wait3A_1829 = arith.constant 0 : i32
    %dma_wait3A_1830 = arith.constant 0 : i32
    %dma_wait3A_1831 = tpu.memref_slice %arg7[%dma_wait3A_1829, %dma_wait3A_1830] : memref<512x32xf32, #tpu.memory_space<vmem>> -> memref<32x32xf32, #tpu.memory_space<vmem>>
    tpu.wait_dma2 semaphore(%arg10 : memref<!tpu.dma_semaphore, #tpu.memory_space<semaphore_mem>>) src(%dma_wait3A_1831 : memref<32x32xf32, #tpu.memory_space<vmem>>) dst(%dma_wait3A_1828 : memref<32x32xf32, #tpu.memory_space<hbm>>)
    %dma_wait3A_1832 = arith.constant 0 : i32
    %dma_wait3A_1833 = arith.constant 0 : i32
    %dma_wait3A_1834 = tpu.memref_slice %arg7[%dma_wait3A_1832, %dma_wait3A_1833] : memref<512x32xf32, #tpu.memory_space<vmem>> -> memref<32x32xf32, #tpu.memory_space<vmem>>
    %dma_wait3A_1835 = arith.constant 0 : i32
    %dma_wait3A_1836 = tpu.memref_slice %arg4[%mul3A_2, %dma_wait3A_1835] : memref<16384x32xf32, #tpu.memory_space<hbm>> -> memref<32x32xf32, #tpu.memory_space<hbm>>
    %dma_wait3A_1837 = arith.constant 0 : i32
    %dma_wait3A_1838 = tpu.memref_slice %arg4[%mul3A_2, %dma_wait3A_1837] : memref<16384x32xf32, #tpu.memory_space<hbm>> -> memref<32x32xf32, #tpu.memory_space<hbm>>
    %dma_wait3A_1839 = arith.constant 0 : i32
    %dma_wait3A_1840 = arith.constant 0 : i32
    %dma_wait3A_1841 = tpu.memref_slice %arg7[%dma_wait3A_1839, %dma_wait3A_1840] : memref<512x32xf32, #tpu.memory_space<vmem>> -> memref<32x32xf32, #tpu.memory_space<vmem>>
    tpu.wait_dma2 semaphore(%arg10 : memref<!tpu.dma_semaphore, #tpu.memory_space<semaphore_mem>>) src(%dma_wait3A_1841 : memref<32x32xf32, #tpu.memory_space<vmem>>) dst(%dma_wait3A_1838 : memref<32x32xf32, #tpu.memory_space<hbm>>)
    %dma_wait3A_1842 = arith.constant 0 : i32
    %dma_wait3A_1843 = arith.constant 0 : i32
    %dma_wait3A_1844 = tpu.memref_slice %arg7[%dma_wait3A_1842, %dma_wait3A_1843] : memref<512x32xf32, #tpu.memory_space<vmem>> -> memref<32x32xf32, #tpu.memory_space<vmem>>
    %dma_wait3A_1845 = arith.constant 0 : i32
    %dma_wait3A_1846 = tpu.memref_slice %arg4[%mul3A_2, %dma_wait3A_1845] : memref<16384x32xf32, #tpu.memory_space<hbm>> -> memref<32x32xf32, #tpu.memory_space<hbm>>
    %dma_wait3A_1847 = arith.constant 0 : i32
    %dma_wait3A_1848 = tpu.memref_slice %arg4[%mul3A_2, %dma_wait3A_1847] : memref<16384x32xf32, #tpu.memory_space<hbm>> -> memref<32x32xf32, #tpu.memory_space<hbm>>
    %dma_wait3A_1849 = arith.constant 0 : i32
    %dma_wait3A_1850 = arith.constant 0 : i32
    %dma_wait3A_1851 = tpu.memref_slice %arg7[%dma_wait3A_1849, %dma_wait3A_1850] : memref<512x32xf32, #tpu.memory_space<vmem>> -> memref<32x32xf32, #tpu.memory_space<vmem>>
    tpu.wait_dma2 semaphore(%arg10 : memref<!tpu.dma_semaphore, #tpu.memory_space<semaphore_mem>>) src(%dma_wait3A_1851 : memref<32x32xf32, #tpu.memory_space<vmem>>) dst(%dma_wait3A_1848 : memref<32x32xf32, #tpu.memory_space<hbm>>)
    %dma_wait3A_1852 = arith.constant 0 : i32
    %dma_wait3A_1853 = arith.constant 0 : i32
    %dma_wait3A_1854 = tpu.memref_slice %arg7[%dma_wait3A_1852, %dma_wait3A_1853] : memref<512x32xf32, #tpu.memory_space<vmem>> -> memref<32x32xf32, #tpu.memory_space<vmem>>
    %dma_wait3A_1855 = arith.constant 0 : i32
    %dma_wait3A_1856 = tpu.memref_slice %arg4[%mul3A_2, %dma_wait3A_1855] : memref<16384x32xf32, #tpu.memory_space<hbm>> -> memref<32x32xf32, #tpu.memory_space<hbm>>
    %dma_wait3A_1857 = arith.constant 0 : i32
    %dma_wait3A_1858 = tpu.memref_slice %arg4[%mul3A_2, %dma_wait3A_1857] : memref<16384x32xf32, #tpu.memory_space<hbm>> -> memref<32x32xf32, #tpu.memory_space<hbm>>
    %dma_wait3A_1859 = arith.constant 0 : i32
    %dma_wait3A_1860 = arith.constant 0 : i32
    %dma_wait3A_1861 = tpu.memref_slice %arg7[%dma_wait3A_1859, %dma_wait3A_1860] : memref<512x32xf32, #tpu.memory_space<vmem>> -> memref<32x32xf32, #tpu.memory_space<vmem>>
    tpu.wait_dma2 semaphore(%arg10 : memref<!tpu.dma_semaphore, #tpu.memory_space<semaphore_mem>>) src(%dma_wait3A_1861 : memref<32x32xf32, #tpu.memory_space<vmem>>) dst(%dma_wait3A_1858 : memref<32x32xf32, #tpu.memory_space<hbm>>)
    %dma_wait3A_1862 = arith.constant 0 : i32
    %dma_wait3A_1863 = arith.constant 0 : i32
    %dma_wait3A_1864 = tpu.memref_slice %arg7[%dma_wait3A_1862, %dma_wait3A_1863] : memref<512x32xf32, #tpu.memory_space<vmem>> -> memref<32x32xf32, #tpu.memory_space<vmem>>
    %dma_wait3A_1865 = arith.constant 0 : i32
    %dma_wait3A_1866 = tpu.memref_slice %arg4[%mul3A_2, %dma_wait3A_1865] : memref<16384x32xf32, #tpu.memory_space<hbm>> -> memref<32x32xf32, #tpu.memory_space<hbm>>
    %dma_wait3A_1867 = arith.constant 0 : i32
    %dma_wait3A_1868 = tpu.memref_slice %arg4[%mul3A_2, %dma_wait3A_1867] : memref<16384x32xf32, #tpu.memory_space<hbm>> -> memref<32x32xf32, #tpu.memory_space<hbm>>
    %dma_wait3A_1869 = arith.constant 0 : i32
    %dma_wait3A_1870 = arith.constant 0 : i32
    %dma_wait3A_1871 = tpu.memref_slice %arg7[%dma_wait3A_1869, %dma_wait3A_1870] : memref<512x32xf32, #tpu.memory_space<vmem>> -> memref<32x32xf32, #tpu.memory_space<vmem>>
    tpu.wait_dma2 semaphore(%arg10 : memref<!tpu.dma_semaphore, #tpu.memory_space<semaphore_mem>>) src(%dma_wait3A_1871 : memref<32x32xf32, #tpu.memory_space<vmem>>) dst(%dma_wait3A_1868 : memref<32x32xf32, #tpu.memory_space<hbm>>)
    %dma_wait3A_1872 = arith.constant 0 : i32
    %dma_wait3A_1873 = arith.constant 0 : i32
    %dma_wait3A_1874 = tpu.memref_slice %arg7[%dma_wait3A_1872, %dma_wait3A_1873] : memref<512x32xf32, #tpu.memory_space<vmem>> -> memref<32x32xf32, #tpu.memory_space<vmem>>
    %dma_wait3A_1875 = arith.constant 0 : i32
    %dma_wait3A_1876 = tpu.memref_slice %arg4[%mul3A_2, %dma_wait3A_1875] : memref<16384x32xf32, #tpu.memory_space<hbm>> -> memref<32x32xf32, #tpu.memory_space<hbm>>
    %dma_wait3A_1877 = arith.constant 0 : i32
    %dma_wait3A_1878 = tpu.memref_slice %arg4[%mul3A_2, %dma_wait3A_1877] : memref<16384x32xf32, #tpu.memory_space<hbm>> -> memref<32x32xf32, #tpu.memory_space<hbm>>
    %dma_wait3A_1879 = arith.constant 0 : i32
    %dma_wait3A_1880 = arith.constant 0 : i32
    %dma_wait3A_1881 = tpu.memref_slice %arg7[%dma_wait3A_1879, %dma_wait3A_1880] : memref<512x32xf32, #tpu.memory_space<vmem>> -> memref<32x32xf32, #tpu.memory_space<vmem>>
    tpu.wait_dma2 semaphore(%arg10 : memref<!tpu.dma_semaphore, #tpu.memory_space<semaphore_mem>>) src(%dma_wait3A_1881 : memref<32x32xf32, #tpu.memory_space<vmem>>) dst(%dma_wait3A_1878 : memref<32x32xf32, #tpu.memory_space<hbm>>)
    %dma_wait3A_1882 = arith.constant 0 : i32
    %dma_wait3A_1883 = arith.constant 0 : i32
    %dma_wait3A_1884 = tpu.memref_slice %arg7[%dma_wait3A_1882, %dma_wait3A_1883] : memref<512x32xf32, #tpu.memory_space<vmem>> -> memref<32x32xf32, #tpu.memory_space<vmem>>
    %dma_wait3A_1885 = arith.constant 0 : i32
    %dma_wait3A_1886 = tpu.memref_slice %arg4[%mul3A_2, %dma_wait3A_1885] : memref<16384x32xf32, #tpu.memory_space<hbm>> -> memref<32x32xf32, #tpu.memory_space<hbm>>
    %dma_wait3A_1887 = arith.constant 0 : i32
    %dma_wait3A_1888 = tpu.memref_slice %arg4[%mul3A_2, %dma_wait3A_1887] : memref<16384x32xf32, #tpu.memory_space<hbm>> -> memref<32x32xf32, #tpu.memory_space<hbm>>
    %dma_wait3A_1889 = arith.constant 0 : i32
    %dma_wait3A_1890 = arith.constant 0 : i32
    %dma_wait3A_1891 = tpu.memref_slice %arg7[%dma_wait3A_1889, %dma_wait3A_1890] : memref<512x32xf32, #tpu.memory_space<vmem>> -> memref<32x32xf32, #tpu.memory_space<vmem>>
    tpu.wait_dma2 semaphore(%arg10 : memref<!tpu.dma_semaphore, #tpu.memory_space<semaphore_mem>>) src(%dma_wait3A_1891 : memref<32x32xf32, #tpu.memory_space<vmem>>) dst(%dma_wait3A_1888 : memref<32x32xf32, #tpu.memory_space<hbm>>)
    %dma_wait3A_1892 = arith.constant 0 : i32
    %dma_wait3A_1893 = arith.constant 0 : i32
    %dma_wait3A_1894 = tpu.memref_slice %arg7[%dma_wait3A_1892, %dma_wait3A_1893] : memref<512x32xf32, #tpu.memory_space<vmem>> -> memref<32x32xf32, #tpu.memory_space<vmem>>
    %dma_wait3A_1895 = arith.constant 0 : i32
    %dma_wait3A_1896 = tpu.memref_slice %arg4[%mul3A_2, %dma_wait3A_1895] : memref<16384x32xf32, #tpu.memory_space<hbm>> -> memref<32x32xf32, #tpu.memory_space<hbm>>
    %dma_wait3A_1897 = arith.constant 0 : i32
    %dma_wait3A_1898 = tpu.memref_slice %arg4[%mul3A_2, %dma_wait3A_1897] : memref<16384x32xf32, #tpu.memory_space<hbm>> -> memref<32x32xf32, #tpu.memory_space<hbm>>
    %dma_wait3A_1899 = arith.constant 0 : i32
    %dma_wait3A_1900 = arith.constant 0 : i32
    %dma_wait3A_1901 = tpu.memref_slice %arg7[%dma_wait3A_1899, %dma_wait3A_1900] : memref<512x32xf32, #tpu.memory_space<vmem>> -> memref<32x32xf32, #tpu.memory_space<vmem>>
    tpu.wait_dma2 semaphore(%arg10 : memref<!tpu.dma_semaphore, #tpu.memory_space<semaphore_mem>>) src(%dma_wait3A_1901 : memref<32x32xf32, #tpu.memory_space<vmem>>) dst(%dma_wait3A_1898 : memref<32x32xf32, #tpu.memory_space<hbm>>)
    %dma_wait3A_1902 = arith.constant 0 : i32
    %dma_wait3A_1903 = arith.constant 0 : i32
    %dma_wait3A_1904 = tpu.memref_slice %arg7[%dma_wait3A_1902, %dma_wait3A_1903] : memref<512x32xf32, #tpu.memory_space<vmem>> -> memref<32x32xf32, #tpu.memory_space<vmem>>
    %dma_wait3A_1905 = arith.constant 0 : i32
    %dma_wait3A_1906 = tpu.memref_slice %arg4[%mul3A_2, %dma_wait3A_1905] : memref<16384x32xf32, #tpu.memory_space<hbm>> -> memref<32x32xf32, #tpu.memory_space<hbm>>
    %dma_wait3A_1907 = arith.constant 0 : i32
    %dma_wait3A_1908 = tpu.memref_slice %arg4[%mul3A_2, %dma_wait3A_1907] : memref<16384x32xf32, #tpu.memory_space<hbm>> -> memref<32x32xf32, #tpu.memory_space<hbm>>
    %dma_wait3A_1909 = arith.constant 0 : i32
    %dma_wait3A_1910 = arith.constant 0 : i32
    %dma_wait3A_1911 = tpu.memref_slice %arg7[%dma_wait3A_1909, %dma_wait3A_1910] : memref<512x32xf32, #tpu.memory_space<vmem>> -> memref<32x32xf32, #tpu.memory_space<vmem>>
    tpu.wait_dma2 semaphore(%arg10 : memref<!tpu.dma_semaphore, #tpu.memory_space<semaphore_mem>>) src(%dma_wait3A_1911 : memref<32x32xf32, #tpu.memory_space<vmem>>) dst(%dma_wait3A_1908 : memref<32x32xf32, #tpu.memory_space<hbm>>)
    %dma_wait3A_1912 = arith.constant 0 : i32
    %dma_wait3A_1913 = arith.constant 0 : i32
    %dma_wait3A_1914 = tpu.memref_slice %arg7[%dma_wait3A_1912, %dma_wait3A_1913] : memref<512x32xf32, #tpu.memory_space<vmem>> -> memref<32x32xf32, #tpu.memory_space<vmem>>
    %dma_wait3A_1915 = arith.constant 0 : i32
    %dma_wait3A_1916 = tpu.memref_slice %arg4[%mul3A_2, %dma_wait3A_1915] : memref<16384x32xf32, #tpu.memory_space<hbm>> -> memref<32x32xf32, #tpu.memory_space<hbm>>
    %dma_wait3A_1917 = arith.constant 0 : i32
    %dma_wait3A_1918 = tpu.memref_slice %arg4[%mul3A_2, %dma_wait3A_1917] : memref<16384x32xf32, #tpu.memory_space<hbm>> -> memref<32x32xf32, #tpu.memory_space<hbm>>
    %dma_wait3A_1919 = arith.constant 0 : i32
    %dma_wait3A_1920 = arith.constant 0 : i32
    %dma_wait3A_1921 = tpu.memref_slice %arg7[%dma_wait3A_1919, %dma_wait3A_1920] : memref<512x32xf32, #tpu.memory_space<vmem>> -> memref<32x32xf32, #tpu.memory_space<vmem>>
    tpu.wait_dma2 semaphore(%arg10 : memref<!tpu.dma_semaphore, #tpu.memory_space<semaphore_mem>>) src(%dma_wait3A_1921 : memref<32x32xf32, #tpu.memory_space<vmem>>) dst(%dma_wait3A_1918 : memref<32x32xf32, #tpu.memory_space<hbm>>)
    %dma_wait3A_1922 = arith.constant 0 : i32
    %dma_wait3A_1923 = arith.constant 0 : i32
    %dma_wait3A_1924 = tpu.memref_slice %arg7[%dma_wait3A_1922, %dma_wait3A_1923] : memref<512x32xf32, #tpu.memory_space<vmem>> -> memref<32x32xf32, #tpu.memory_space<vmem>>
    %dma_wait3A_1925 = arith.constant 0 : i32
    %dma_wait3A_1926 = tpu.memref_slice %arg4[%mul3A_2, %dma_wait3A_1925] : memref<16384x32xf32, #tpu.memory_space<hbm>> -> memref<32x32xf32, #tpu.memory_space<hbm>>
    %dma_wait3A_1927 = arith.constant 0 : i32
    %dma_wait3A_1928 = tpu.memref_slice %arg4[%mul3A_2, %dma_wait3A_1927] : memref<16384x32xf32, #tpu.memory_space<hbm>> -> memref<32x32xf32, #tpu.memory_space<hbm>>
    %dma_wait3A_1929 = arith.constant 0 : i32
    %dma_wait3A_1930 = arith.constant 0 : i32
    %dma_wait3A_1931 = tpu.memref_slice %arg7[%dma_wait3A_1929, %dma_wait3A_1930] : memref<512x32xf32, #tpu.memory_space<vmem>> -> memref<32x32xf32, #tpu.memory_space<vmem>>
    tpu.wait_dma2 semaphore(%arg10 : memref<!tpu.dma_semaphore, #tpu.memory_space<semaphore_mem>>) src(%dma_wait3A_1931 : memref<32x32xf32, #tpu.memory_space<vmem>>) dst(%dma_wait3A_1928 : memref<32x32xf32, #tpu.memory_space<hbm>>)
    %dma_wait3A_1932 = arith.constant 0 : i32
    %dma_wait3A_1933 = arith.constant 0 : i32
    %dma_wait3A_1934 = tpu.memref_slice %arg7[%dma_wait3A_1932, %dma_wait3A_1933] : memref<512x32xf32, #tpu.memory_space<vmem>> -> memref<32x32xf32, #tpu.memory_space<vmem>>
    %dma_wait3A_1935 = arith.constant 0 : i32
    %dma_wait3A_1936 = tpu.memref_slice %arg4[%mul3A_2, %dma_wait3A_1935] : memref<16384x32xf32, #tpu.memory_space<hbm>> -> memref<32x32xf32, #tpu.memory_space<hbm>>
    %dma_wait3A_1937 = arith.constant 0 : i32
    %dma_wait3A_1938 = tpu.memref_slice %arg4[%mul3A_2, %dma_wait3A_1937] : memref<16384x32xf32, #tpu.memory_space<hbm>> -> memref<32x32xf32, #tpu.memory_space<hbm>>
    %dma_wait3A_1939 = arith.constant 0 : i32
    %dma_wait3A_1940 = arith.constant 0 : i32
    %dma_wait3A_1941 = tpu.memref_slice %arg7[%dma_wait3A_1939, %dma_wait3A_1940] : memref<512x32xf32, #tpu.memory_space<vmem>> -> memref<32x32xf32, #tpu.memory_space<vmem>>
    tpu.wait_dma2 semaphore(%arg10 : memref<!tpu.dma_semaphore, #tpu.memory_space<semaphore_mem>>) src(%dma_wait3A_1941 : memref<32x32xf32, #tpu.memory_space<vmem>>) dst(%dma_wait3A_1938 : memref<32x32xf32, #tpu.memory_space<hbm>>)
    %dma_wait3A_1942 = arith.constant 0 : i32
    %dma_wait3A_1943 = arith.constant 0 : i32
    %dma_wait3A_1944 = tpu.memref_slice %arg7[%dma_wait3A_1942, %dma_wait3A_1943] : memref<512x32xf32, #tpu.memory_space<vmem>> -> memref<32x32xf32, #tpu.memory_space<vmem>>
    %dma_wait3A_1945 = arith.constant 0 : i32
    %dma_wait3A_1946 = tpu.memref_slice %arg4[%mul3A_2, %dma_wait3A_1945] : memref<16384x32xf32, #tpu.memory_space<hbm>> -> memref<32x32xf32, #tpu.memory_space<hbm>>
    %dma_wait3A_1947 = arith.constant 0 : i32
    %dma_wait3A_1948 = tpu.memref_slice %arg4[%mul3A_2, %dma_wait3A_1947] : memref<16384x32xf32, #tpu.memory_space<hbm>> -> memref<32x32xf32, #tpu.memory_space<hbm>>
    %dma_wait3A_1949 = arith.constant 0 : i32
    %dma_wait3A_1950 = arith.constant 0 : i32
    %dma_wait3A_1951 = tpu.memref_slice %arg7[%dma_wait3A_1949, %dma_wait3A_1950] : memref<512x32xf32, #tpu.memory_space<vmem>> -> memref<32x32xf32, #tpu.memory_space<vmem>>
    tpu.wait_dma2 semaphore(%arg10 : memref<!tpu.dma_semaphore, #tpu.memory_space<semaphore_mem>>) src(%dma_wait3A_1951 : memref<32x32xf32, #tpu.memory_space<vmem>>) dst(%dma_wait3A_1948 : memref<32x32xf32, #tpu.memory_space<hbm>>)
    %dma_wait3A_1952 = arith.constant 0 : i32
    %dma_wait3A_1953 = arith.constant 0 : i32
    %dma_wait3A_1954 = tpu.memref_slice %arg7[%dma_wait3A_1952, %dma_wait3A_1953] : memref<512x32xf32, #tpu.memory_space<vmem>> -> memref<32x32xf32, #tpu.memory_space<vmem>>
    %dma_wait3A_1955 = arith.constant 0 : i32
    %dma_wait3A_1956 = tpu.memref_slice %arg4[%mul3A_2, %dma_wait3A_1955] : memref<16384x32xf32, #tpu.memory_space<hbm>> -> memref<32x32xf32, #tpu.memory_space<hbm>>
    %dma_wait3A_1957 = arith.constant 0 : i32
    %dma_wait3A_1958 = tpu.memref_slice %arg4[%mul3A_2, %dma_wait3A_1957] : memref<16384x32xf32, #tpu.memory_space<hbm>> -> memref<32x32xf32, #tpu.memory_space<hbm>>
    %dma_wait3A_1959 = arith.constant 0 : i32
    %dma_wait3A_1960 = arith.constant 0 : i32
    %dma_wait3A_1961 = tpu.memref_slice %arg7[%dma_wait3A_1959, %dma_wait3A_1960] : memref<512x32xf32, #tpu.memory_space<vmem>> -> memref<32x32xf32, #tpu.memory_space<vmem>>
    tpu.wait_dma2 semaphore(%arg10 : memref<!tpu.dma_semaphore, #tpu.memory_space<semaphore_mem>>) src(%dma_wait3A_1961 : memref<32x32xf32, #tpu.memory_space<vmem>>) dst(%dma_wait3A_1958 : memref<32x32xf32, #tpu.memory_space<hbm>>)
    %dma_wait3A_1962 = arith.constant 0 : i32
    %dma_wait3A_1963 = arith.constant 0 : i32
    %dma_wait3A_1964 = tpu.memref_slice %arg7[%dma_wait3A_1962, %dma_wait3A_1963] : memref<512x32xf32, #tpu.memory_space<vmem>> -> memref<32x32xf32, #tpu.memory_space<vmem>>
    %dma_wait3A_1965 = arith.constant 0 : i32
    %dma_wait3A_1966 = tpu.memref_slice %arg4[%mul3A_2, %dma_wait3A_1965] : memref<16384x32xf32, #tpu.memory_space<hbm>> -> memref<32x32xf32, #tpu.memory_space<hbm>>
    %dma_wait3A_1967 = arith.constant 0 : i32
    %dma_wait3A_1968 = tpu.memref_slice %arg4[%mul3A_2, %dma_wait3A_1967] : memref<16384x32xf32, #tpu.memory_space<hbm>> -> memref<32x32xf32, #tpu.memory_space<hbm>>
    %dma_wait3A_1969 = arith.constant 0 : i32
    %dma_wait3A_1970 = arith.constant 0 : i32
    %dma_wait3A_1971 = tpu.memref_slice %arg7[%dma_wait3A_1969, %dma_wait3A_1970] : memref<512x32xf32, #tpu.memory_space<vmem>> -> memref<32x32xf32, #tpu.memory_space<vmem>>
    tpu.wait_dma2 semaphore(%arg10 : memref<!tpu.dma_semaphore, #tpu.memory_space<semaphore_mem>>) src(%dma_wait3A_1971 : memref<32x32xf32, #tpu.memory_space<vmem>>) dst(%dma_wait3A_1968 : memref<32x32xf32, #tpu.memory_space<hbm>>)
    return
  }
}

module attributes {stable_mosaic.version = 14 : i64} {
  func.func @_mm_body(%arg0: i32, %arg1: memref<32x32xf32, #tpu.memory_space<vmem>>, %arg2: memref<8192x32xf32, #tpu.memory_space<vmem>>, %arg3: memref<32x1xf32, #tpu.memory_space<vmem>>, %arg4: memref<32x8192xf32, #tpu.memory_space<vmem>>) attributes {dimension_semantics = [#tpu.dimension_semantics<arbitrary>], iteration_bounds = array<i64: 2>, scalar_prefetch = 0 : i64, scratch_operands = 0 : i64, tpu.core_type = #tpu.core_type<tc>, window_params = [{pipeline_mode = #tpu.pipeline_mode<synchronous>, transform_indices = @transform_0, window_bounds = array<i64: 32, 32>}, {transform_indices = @transform_1, window_bounds = array<i64: 8192, 32>}, {pipeline_mode = #tpu.pipeline_mode<synchronous>, transform_indices = @transform_2, window_bounds = array<i64: 32, 1>}, {transform_indices = @transform_3, window_bounds = array<i64: 32, 8192>}]} {
    %get3A = arith.constant 0 : index
    %get3A_0 = arith.constant 0 : index
    %get3A_1 = vector.load %arg1[%get3A, %get3A_0] : memref<32x32xf32, #tpu.memory_space<vmem>>, vector<32x32xf32>
    %get3A_2 = arith.constant 0 : index
    %get3A_3 = arith.constant 0 : index
    %get3A_4 = vector.load %arg2[%get3A_2, %get3A_3] : memref<8192x32xf32, #tpu.memory_space<vmem>>, vector<8192x32xf32>
    %dot_general3A = arith.constant dense<0.000000e+00> : vector<32x8192xf32>
    %dot_general3A_5 = tpu.matmul %get3A_1, %get3A_4, %dot_general3A {dimension_numbers = #tpu.dot_dimension_numbers<[0], [1], [1], [0], [0, 1, 1, 0], [], []>, transpose_lhs_hint = false} : vector<32x32xf32>, vector<8192x32xf32>, vector<32x8192xf32> -> vector<32x8192xf32>
    %get3A_6 = arith.constant 0 : index
    %get3A_7 = arith.constant 0 : index
    %get3A_8 = vector.load %arg3[%get3A_6, %get3A_7] : memref<32x1xf32, #tpu.memory_space<vmem>>, vector<32x1xf32>
    %add3A = vector.broadcast %get3A_8 : vector<32x1xf32> to vector<32x8192xf32>
    %add3A_9 = arith.addf %dot_general3A_5, %add3A : vector<32x8192xf32>
    %swap3A = arith.constant 0 : index
    %swap3A_10 = arith.constant 0 : index
    %swap3A_11 = vector.load %arg4[%swap3A, %swap3A_10] : memref<32x8192xf32, #tpu.memory_space<vmem>>, vector<32x8192xf32>
    tpu.vector_store %arg4[%swap3A, %swap3A_10], %add3A_9 {strides = array<i32>} : memref<32x8192xf32, #tpu.memory_space<vmem>>, vector<32x8192xf32>,
    return
  }
  func.func @transform_0(%arg0: i32) -> (i32, i32) {
    %c0_i32 = arith.constant 0 : i32
    %c0_i32_0 = arith.constant 0 : i32
    %c0_i32_1 = arith.constant 0 : i32
    return %c0_i32, %c0_i32_0 : i32, i32
  }
  func.func @transform_1(%arg0: i32) -> (i32, i32) {
    %c0_i32 = arith.constant 0 : i32
    %c0_i32_0 = arith.constant 0 : i32
    return %arg0, %c0_i32 : i32, i32
  }
  func.func @transform_2(%arg0: i32) -> (i32, i32) {
    %c0_i32 = arith.constant 0 : i32
    %c0_i32_0 = arith.constant 0 : i32
    %c0_i32_1 = arith.constant 0 : i32
    return %c0_i32, %c0_i32_0 : i32, i32
  }
  func.func @transform_3(%arg0: i32) -> (i32, i32) {
    %c0_i32 = arith.constant 0 : i32
    %c0_i32_0 = arith.constant 0 : i32
    return %c0_i32, %arg0 : i32, i32
  }
}

</mosaic_0001>

<sc_bundles>
// kernel: kernel.4.cloned.1.call-start
scs
__scs_entry_jumppad:
0x0: {  	(pc) =	sbr.rel $0x88, $3  }
0x1: {  	(tag) =	ssettag $0x0;
	lr =	simm.s32 $0x1  }
0x2: {  	[smem:$0x3F9D] =	sst lr;
	_ =	strace $0xD0000000  }
0x3: {  	_ = 	snop  }
0x4: {  	_ = 	snop  }
0x5: {  	_ = 	snop  }
0x6: {  	_ = 	snop  }
0x7: {  	_ = 	snop  }
__scs_overlays_trampoline_lowered:
0x8: {  	[smem:$0x3FAC] =	sst s0  }
0x9: {  	[smem:$0x3FAD] =	sst s1  }
0xa: {  	[smem:$0x3FAE] =	sst s2  }
0xb: {  	[smem:$0x3FAF] =	sst s3  }
0xc: {  	[smem:$0x3FB0] =	sst s4  }
0xd: {  	[smem:$0x3FB1] =	sst s5  }
0xe: {  	[smem:$0x3FB2] =	sst s6  }
0xf: {  	[smem:$0x3FB3] =	sst s7  }
0x10: {  	[smem:$0x3FB4] =	sst s8  }
0x11: {  	[smem:$0x3FB5] =	sst s9;
	s0 =	simm.s32 @!p0 $0x0  }
0x12: {  	s1 =	sld [smem:$0x3F9B];
	s0 =	simm.s32 @p0 $0x1  }
0x13: {  	[smem:$0x3FB6] =	sst s0;
	s0 =	simm.s32 @!p1 $0x0  }
0x14: {  	s2 =	sld [smem:$0x3F9A];
	s0 =	simm.s32 @p1 $0x1  }
0x15: {  	[smem:$0x3FB7] =	sst s0;
	s0 =	simm.s32 @!p2 $0x0  }
0x16: {  	s3 =	sld [smem:$0x3FDB];
	s0 =	simm.s32 @p2 $0x1  }
0x17: {  	s4 =	simm.s32 $0x1BF5;
	[smem:$0x3FB9] =	sst s0  }
0x18: {  	s0 =	sld [smem:$0x3F9C];
	_ =	swait.ge [sflag:s4], $0x0  }
0x19: {  	s7 =	sld [smem:$0x3F9D]  }
0x1a: {  	s8 =	sadd.s32 $0xFFFFE003, lr  }
0x1b: {  	s9 =	sadd.s32 $0xFFFFFEF7, lr;
	s5 =	simm.s32 $0xFFFFFFFF;
	p2 =	slt.u32 s8, $0xFFFFF086  }
0x1c: {  	p1 =	slt.u32 s9, $0xF7A;
	s5 =	simm.s32 @!p2 $0x0  }
0x1d: {  	s5 =	simm.s32 @p1 $0x1;
	p0 =	seq.s32 s7, s2  }
0x1e: {  	s7 =	smul.u32 @!p0 $0xF7A, s2;
	p2 =	seq.s32 @!p0 s5, $0x0  }
0x1f: {  	s9 =	smul.u32 $0xF7A, s1;
	s8 =	simm.s32 @!p0 $0x1BF5;
	p2 =	por !p2, p0  }
0x20: {  	[sflag:s8] =	ssyncset.s32 @!p0 $0xFFFFF086;
	s6 =	sadd.s32 @!p0 s3, s7;
	s7 =	simm.s32 @!p0 $0x108  }
0x21: {  	s3 =	sadd.s32 s3, s9;
	s6 =	sadd.s32 @!p0 $0x88, s6;
	s7 =	simm.s32 @p2 $0x1082  }
0x22: {  	[simem:s7], [sflag:s8] =	dma.local @!p0 [hbm:s6], $0xF7A  }
0x23: {  	s9 =	sor.u32 $0xD0000000, s2;
	s6 =	simm.s32 $0x108;
	_ =	swait.ge @!p0 [sflag:s8], $0x0  }
0x24: {  	s3 =	sadd.s32 $0x88, s3;
	s6 =	simm.s32 @!p1 $0x1082;
	[sflag:s4] =	ssyncset.s32 $0xFFFFF086  }
0x25: {  	[simem:s6], [sflag:s4] =	dma.local [hbm:s3], $0xF7A  }
0x26: {  	[smem:$0x3F9D] =	sst s1;
	(tag) =	ssettag s2;
	_ =	strace s9  }
0x27: {  	s1 =	sld [smem:$0x3FAD]  }
0x28: {  	s2 =	sld [smem:$0x3FAE]  }
0x29: {  	s4 =	sld [smem:$0x3FB0]  }
0x2a: {  	p0 =	seq.s32 s5, $0x0;
	s5 =	sld [smem:$0x3FB1]  }
0x2b: {  	s6 =	sld [smem:$0x3FB2]  }
0x2c: {  	s7 =	sld [smem:$0x3FB3]  }
0x2d: {  	s3 =	simm.s32 $0x108;
	s8 =	sld [smem:$0x3FB4]  }
0x2e: {  	s3 =	simm.s32 @!p0 $0x1082;
	s9 =	sld [smem:$0x3FB5]  }
0x2f: {  	lr =	sadd.s32 s0, s3;
	s0 =	sld [smem:$0x3FAC]  }
0x30: {  	s3 =	sld [smem:$0x3FAF]  }
0x31: {  	[smem:$0x3FB8] =	sst s10  }
0x32: {  	s10 =	sld [smem:$0x3FB6];
	_ =	sdelay $0x3  }
0x33: {  	p0 =	seq.s32 s10, $0x1;
	s10 =	sld [smem:$0x3FB8];
	_ =	sdelay $0x3  }
0x34: {  	[smem:$0x3FB8] =	sst s10  }
0x35: {  	s10 =	sld [smem:$0x3FB7];
	_ =	sdelay $0x3  }
0x36: {  	p1 =	seq.s32 s10, $0x1;
	s10 =	sld [smem:$0x3FB8];
	_ =	sdelay $0x3  }
0x37: {  	[smem:$0x3FB8] =	sst s10  }
0x38: {  	s10 =	sld [smem:$0x3FB9]  }
0x39: {  	_ = 	snop;
	(pc) =	sbr.ind lr, $3  }
0x3a: {  	_ = 	snop  }
0x3b: {  	_ = 	snop  }
0x3c: {  	p2 =	seq.s32 s10, $0x1;
	s10 =	sld [smem:$0x3FB8]  }
0x3d: {  	_ =	shalt  }
0x3e: {  	_ =	shalt  }
0x3f: {  	_ =	shalt  }
0x40: {  	_ =	shalt  }
0x41: {  	_ =	shalt  }
0x42: {  	_ =	shalt  }
0x43: {  	_ =	shalt  }
0x44: {  	_ =	shalt  }
0x45: {  	_ =	shalt  }
0x46: {  	_ =	shalt  }
0x47: {  	_ =	shalt  }
0x48: {  	_ =	shalt  }
0x49: {  	_ =	shalt  }
0x4a: {  	_ =	shalt  }
0x4b: {  	_ =	shalt  }
0x4c: {  	_ =	shalt  }
0x4d: {  	_ =	shalt  }
0x4e: {  	_ =	shalt  }
0x4f: {  	_ =	shalt  }
0x50: {  	_ =	shalt  }
0x51: {  	_ =	shalt  }
0x52: {  	_ =	shalt  }
0x53: {  	_ =	shalt  }
0x54: {  	_ =	shalt  }
0x55: {  	_ =	shalt  }
0x56: {  	_ =	shalt  }
0x57: {  	_ =	shalt  }
0x58: {  	_ =	shalt  }
0x59: {  	_ =	shalt  }
0x5a: {  	_ =	shalt  }
0x5b: {  	_ =	shalt  }
0x5c: {  	_ =	shalt  }
0x5d: {  	_ =	shalt  }
0x5e: {  	_ =	shalt  }
0x5f: {  	_ =	shalt  }
0x60: {  	_ =	shalt  }
0x61: {  	_ =	shalt  }
0x62: {  	_ =	shalt  }
0x63: {  	_ =	shalt  }
0x64: {  	_ =	shalt  }
0x65: {  	_ =	shalt  }
0x66: {  	_ =	shalt  }
0x67: {  	_ =	shalt  }
0x68: {  	_ =	shalt  }
0x69: {  	_ =	shalt  }
0x6a: {  	_ =	shalt  }
0x6b: {  	_ =	shalt  }
0x6c: {  	_ =	shalt  }
0x6d: {  	_ =	shalt  }
0x6e: {  	_ =	shalt  }
0x6f: {  	_ =	shalt  }
0x70: {  	_ =	shalt  }
0x71: {  	_ =	shalt  }
0x72: {  	_ =	shalt  }
0x73: {  	_ =	shalt  }
0x74: {  	_ =	shalt  }
0x75: {  	_ =	shalt  }
0x76: {  	_ =	shalt  }
0x77: {  	_ =	shalt  }
0x78: {  	_ =	shalt  }
0x79: {  	_ =	shalt  }
0x7a: {  	_ =	shalt  }
0x7b: {  	_ =	shalt  }
0x7c: {  	_ =	shalt  }
0x7d: {  	_ =	shalt  }
0x7e: {  	_ =	shalt  }
0x7f: {  	_ =	shalt  }
0x80: {  	_ =	shalt  }
0x81: {  	_ =	shalt  }
0x82: {  	_ =	shalt  }
0x83: {  	_ =	shalt  }
0x84: {  	_ =	shalt  }
0x85: {  	_ =	shalt  }
0x86: {  	_ =	shalt  }
0x87: {  	_ =	shalt  }
.Lfunc_end0:
.L_simem_size_0:
called_computation_lowered:
.L_overlay_start_0:
0x88: {  	s2 =	sld [smem:$0x3FD9]  }
0x89: {  	s3 =	sld [smem:$0x3FFE];
	_ =	sdelay $0x1  }
0x8a: {  	s1 =	srdreg.scid  }
0x8b: {  	s0 =	sand.u32 $0x1, s1  }
0x8c: {  	s17 =	sshll.u32 s0, $0xA;
	s2 =	sadd.s32 s3, s2  }
0x8d: {  	s2 =	sadd.s32 s2, s17  }
0x8e: {  	[smem:$0x3FC4] =	sst s2  }
0x8f: {  	_ = 	snop  }
0x90: {  	s2 =	sld [smem:$0x3FC9];
	(tm) =	ssettm $0x1  }
0x91: {  	s18 =	sld [smem:$0x3FFB];
	_ =	sdelay $0x3  }
0x92: {  	_ =	strace s18  }
0x93: {  	s3 =	sld [smem:$0x3FFC];
	_ =	sdelay $0x3  }
0x94: {  	_ =	strace s3  }
0x95: {  	s3 =	sld [smem:$0x3FFD];
	_ =	sdelay $0x3  }
0x96: {  	_ =	strace s3  }
0x97: {  	_ =	strace $0x8FFFFFFF  }
0x98: {  	s19 =	sld [smem:$0x3FDB];
	_ =	sdelay $0x1  }
0x99: {  	s4 =	simm.s32 $_scs_section_size  }
0x9a: {  	s5 =	simm.s32 $_size__tile_overlayer_lowered;
	s6 =	simm.s32 $_tile_overlayer_lowered  }
0x9b: {  	s22 =	simm.s32 $0x1BFF;
	s21 =	sshll.u32 s6, $0x1;
	s3 =	sadd.s32 s4, s19  }
0x9c: {  	s7 =	simm.s32 $0x0;
	s20 =	sshll.u32 s5, $0x1;
	s5 =	sadd.s32 s21, s3  }
0x9d: {  	[timem:s7], [sflag:s22] =	dma.local [hbm:s5], s20  }
0x9e: {  	_ =	swait.ge [sflag:s22], s20  }
0x9f: {  	s4 =	ssub.s32 $0x0, s20;
	[sflag:s22] =	ssyncset.done $0x0  }
0xa0: {  	[sflag:s22] =	ssyncadd.s32 s4;
	_ =	sdelay $0x1  }
0xa1: {  	s23 =	simm.s32 $0x1B8B  }
0xa2: {  	_ =	swait.ge [sflag:s23], $0x1  }
0xa3: {  	[sflag:s23] =	ssyncset.done $0x0  }
0xa4: {  	s25 =	simm.s32 $0x1B8E;
	s24 =	sld [smem:$0x3FFE];
	[sflag:s23] =	ssyncadd.s32 $0xFFFFFFFF  }
0xa5: {  	s26 =	simm.s32 $execute0_lowered;
	[smem:$0x3FD2] =	sst s25  }
0xa6: {  	s5 =	sshll.u32 s26, $0x1;
	_ =	strace $0x80000046;
	[dreg:$0x1] =	wrdreg $0xFFFFFFFF  }
0xa7: {  	s28 =	simm.s32 $_size_execute0_lowered;
	s3 =	sadd.s32 s3, s5;
	[dreg:$0x0] =	wrdreg $0x0  }
0xa8: {  	s5 =	sshll.u32 s28, $0x1;
	[dreg:$0x2] =	wrdreg s3  }
0xa9: {  	[dreg:$0x3] =	wrdreg s5  }
0xaa: {  	[dreg:$0x4] =	wrdreg $0xC0  }
0xab: {  	_ =	task [dreg:s7], $0x5FFFF  }
0xac: {  	[dreg:$0x1] =	wrdreg $0xFFFFFFFF  }
0xad: {  	[dreg:$0x0] =	wrdreg $0x60  }
0xae: {  	[dreg:$0x2] =	wrdreg s24  }
0xaf: {  	[dreg:$0x3] =	wrdreg s2  }
0xb0: {  	[dreg:$0x4] =	wrdreg $0x0  }
0xb1: {  	[dreg:$0x5] =	wrdreg $0x9  }
0xb2: {  	_ =	task.clear_ibuf [dreg:s7], $0x6FFFF;
	_ =	strace $0x90000046  }
0xb3: {  	s29 =	simm.s32 $0x9;
	_ =	strace $0x80000048  }
0xb4: {  	_ =	swait.ge [sflag:s29], $0x1  }
0xb5: {  	[sflag:s29] =	ssyncadd.s32 $0xFFFFFFFF  }
0xb6: {  	_ =	strace $0x90000048  }
0xb7: {  	_ =	sfence  }
0xb8: {  	s30 =	sld [smem:$0x0];
	_ =	sdelay $0x2  }
0xb9: {  	s31 =	sshll.u32 s1, $0xD;
	s1 =	sshrl.u32 s1, $0x2  }
0xba: {  	s3 =	sand.u32 $0x4000, s31;
	s1 =	sadd.s32 s1, s30  }
0xbb: {  	s0 =	sor.u32 s3, s0;
	s1 =	sshll.u32 s1, $0x11  }
0xbc: {  	s0 =	sor.u32 s1, s0  }
0xbd: {  	s0 =	sadd.s32 $0x8F2B, s0  }
0xbe: {  	[sflag:s0] =	ssyncadd.remote.s32 $0x1  }
0xbf: {  	_ =	sfence.sel $0xFFFF  }
0xc0: {  	[dreg:$0x0] =	wrdreg $0xFFFFFFFF;
	(pc) =	sbr.abs _section_cstart, $3  }
0xc1: {  	[dreg:$0x1] =	wrdreg $0xFFFFFFFF  }
0xc2: {  	_ =	task.clear_ibuf [dreg:s7], $0x2FFFF;
	_ =	strace $0x9FFFFFFF  }
0xc3: {  	(tm) =	ssettm $0x7FFFFFFF  }
tec
execute0_lowered:
.L_overlay_start_1:
0x0: {  	(tag) =	ssettag $0x1  }
0x1: {  	s0 =	rddreg [dreg:$0x0]  }
0x2: {  	s1 =	rddreg [dreg:$0x1]  }
0x3: {  	s4 =	rddreg [dreg:$0x2]  }
0x4: {  	s2 =	simm.s32 $0x0;
	s3 =	srdreg.scid;
	s10 =	stileid.u32  }
0x5: {  	[smem:$0x7FF] =	sst s2;
	s5 =	sand.u32 $0x1, s3;
	s7 =	sshll.u32 s10, $0xA  }
0x6: {  	s3 =	sadd.s32 $0xA00, s0;
	s0 =	sadd.s32 $0xF42E00, s0;
	s22 =	sshll.u32 s10, $0x6  }
0x7: {  	_ =	strace $0x80000047;
	s6 =	ssub.s32 $0x2, s5;
	s8 =	sshll.u32 s5, $0x9  }
0x8: {  	s23 =	sor.u32 $0x1C04, s22;
	s9 =	sshrl.u32 s6, $0x1;
	s7 =	sor.u32 s8, s7  }
0x9: {  	[dreg:$0xc] =	wrdreg s23;
	s20 =	sadd.s32 s7, s4;
	s21 =	sshrl.u32 s7, $0x3  }
0xa: {  	s6 =	ssub.s32 s6, s9;
	s1 =	sadd.s32 s1, s21;
	[dreg:$0xa] =	wrdreg s20  }
0xb: {  	s7 =	sshll.u32 s7, $0x4;
	s30 =	smax.u32 s6, $0x1;
	[dreg:$0xb] =	wrdreg s1  }
0xc: {  	s24 =	sadd.s32 s7, s0;
	s31 =	sshrl.u32 s20, $0x3;
	[dreg:$0x11] =	wrdreg s30  }
0xd: {  	s25 =	sadd.s32 $0x1800, s24;
	[dreg:$0x13] =	wrdreg s31  }
0xe: {  	s28 =	sshll.u32 s10, $0xE;
	s26 =	sadd.s32 $0x1A00, s24;
	[dreg:$0xd] =	wrdreg s25  }
0xf: {  	s29 =	sshll.u32 s5, $0xD;
	s7 =	sadd.s32 $0x1C00, s24;
	[dreg:$0xe] =	wrdreg s26  }
0x10: {  	s0 =	sadd.s32 s28, s0;
	s1 =	sadd.s32 $0x1E00, s24;
	[dreg:$0xf] =	wrdreg s7  }
0x11: {  	s17 =	simm.s32 $0x1;
	s0 =	sadd.s32 s29, s0;
	[dreg:$0x10] =	wrdreg s1  }
0x12: {  	s18 =	simm.s32 $0x2;
	s4 =	simm.s32 $0x0;
	[dreg:$0x12] =	wrdreg s0  }
.LBB2_1:
0x13: {  	[dreg:$0x14] =	wrdreg s4  }
0x14: {  	s0 =	rddreg [dreg:$0xb]  }
0x15: {  	s1 =	rddreg [dreg:$0xc]  }
0x16: {  	s11 =	rddreg [dreg:$0x13];
	s12 =	simm.s32 $0x4  }
0x17: {  	[spmem:s11], [sflag:s1] =	dma.local [hbm:s0], $0x40  }
0x18: {  	_ =	swait.ge [sflag:s12], $0x40  }
0x19: {  	[sflag:s12] =	ssyncset.done $0x0  }
0x1a: {  	s2 =	simm.s32 $0x0;
	s13 =	rddreg [dreg:$0xa];
	[sflag:s12] =	ssyncadd.s32 $0xFFFFFFC0  }
0x1b: {  	[smem:s2], [sflag:$0x4] =	stream.linear.gather [spmem:s13], $0x200, $0x38;
	[tilespmem:$0x10400] =	vst v63  }
0x1c: {  	_ =	swait.ge [sflag:s12], $0x200  }
0x1d: {  	[sflag:s12] =	ssyncset.done $0x0  }
0x1e: {  	[sflag:s12] =	ssyncadd.s32 $0xFFFFFE00  }
0x1f: {  	s14 =	sld [smem:$0x0];
	_ =	sdelay $0x1  }
0x20: {  	s1 =	sld [smem:$0x1]  }
0x21: {  	s0 =	sshll.u32 s14, $0x4  }
0x22: {  	s15 =	simm.s32 $0x400;
	s0 =	sand.u32 $0x1FFFFFF0, s0  }
0x23: {  	s19 =	sld [smem:$0x2];
	s16 =	sshll.u32 s1, $0x4;
	s0 =	sadd.s32 s3, s0  }
0x24: {  	[tilespmem:s15], [sflag:$0x1] =	stream.linear.gather [hbm4b:s0+s2], $0x80, $0x38;
	[tilespmem:$0x10400] =	vst v63  }
0x25: {  	s20 =	simm.s32 $0x480;
	s0 =	sand.u32 $0x1FFFFFF0, s16  }
0x26: {  	s22 =	sld [smem:$0x3];
	s21 =	sshll.u32 s19, $0x4;
	s0 =	sadd.s32 s3, s0  }
0x27: {  	[tilespmem:s20], [sflag:$0x2] =	stream.linear.gather [hbm4b:s0+s2], $0x80, $0x38;
	[tilespmem:$0x10400] =	vst v63  }
0x28: {  	s23 =	simm.s32 $0x500;
	s0 =	sand.u32 $0x1FFFFFF0, s21  }
0x29: {  	s25 =	sld [smem:$0x4];
	s24 =	sshll.u32 s22, $0x4;
	s0 =	sadd.s32 s3, s0  }
0x2a: {  	[tilespmem:s23], [sflag:$0x1] =	stream.linear.gather [hbm4b:s0+s2], $0x80, $0x38;
	[tilespmem:$0x10400] =	vst v63  }
0x2b: {  	s26 =	simm.s32 $0x580;
	s0 =	sand.u32 $0x1FFFFFF0, s24  }
0x2c: {  	s5 =	sld [smem:$0x5];
	s4 =	sshll.u32 s25, $0x4;
	s0 =	sadd.s32 s3, s0  }
0x2d: {  	[tilespmem:s26], [sflag:$0x2] =	stream.linear.gather [hbm4b:s0+s2], $0x80, $0x38;
	[tilespmem:$0x10400] =	vst v63  }
0x2e: {  	s6 =	simm.s32 $0x600;
	s0 =	sand.u32 $0x1FFFFFF0, s4  }
0x2f: {  	s8 =	sld [smem:$0x6];
	s7 =	sshll.u32 s5, $0x4;
	s0 =	sadd.s32 s3, s0  }
0x30: {  	[tilespmem:s6], [sflag:$0x1] =	stream.linear.gather [hbm4b:s0+s2], $0x80, $0x38;
	[tilespmem:$0x10400] =	vst v63  }
0x31: {  	s9 =	simm.s32 $0x680;
	s0 =	sand.u32 $0x1FFFFFF0, s7  }
0x32: {  	s11 =	sld [smem:$0x7];
	s10 =	sshll.u32 s8, $0x4;
	s0 =	sadd.s32 s3, s0  }
0x33: {  	[tilespmem:s9], [sflag:$0x2] =	stream.linear.gather [hbm4b:s0+s2], $0x80, $0x38;
	[tilespmem:$0x10400] =	vst v63  }
0x34: {  	s12 =	simm.s32 $0x700;
	s0 =	sand.u32 $0x1FFFFFF0, s10  }
0x35: {  	s13 =	sshll.u32 s11, $0x4;
	s14 =	sld [smem:$0x8];
	s0 =	sadd.s32 s3, s0  }
0x36: {  	[tilespmem:s12], [sflag:$0x1] =	stream.linear.gather [hbm4b:s0+s2], $0x80, $0x38;
	[tilespmem:$0x10400] =	vst v63  }
0x37: {  	s19 =	sld [smem:$0x9];
	s0 =	sand.u32 $0x1FFFFFF0, s13  }
0x38: {  	s15 =	simm.s32 $0x780;
	s16 =	sshll.u32 s14, $0x4;
	s0 =	sadd.s32 s3, s0  }
0x39: {  	[tilespmem:s15], [sflag:$0x2] =	stream.linear.gather [hbm4b:s0+s2], $0x80, $0x38;
	[tilespmem:$0x10400] =	vst v63  }
0x3a: {  	s22 =	sld [smem:$0xA];
	s0 =	sand.u32 $0x1FFFFFF0, s16  }
0x3b: {  	s20 =	simm.s32 $0x800;
	s21 =	sshll.u32 s19, $0x4;
	s0 =	sadd.s32 s3, s0  }
0x3c: {  	[tilespmem:s20], [sflag:$0x1] =	stream.linear.gather [hbm4b:s0+s2], $0x80, $0x38;
	[tilespmem:$0x10400] =	vst v63  }
0x3d: {  	s25 =	sld [smem:$0xB];
	s0 =	sand.u32 $0x1FFFFFF0, s21  }
0x3e: {  	s23 =	simm.s32 $0x880;
	s24 =	sshll.u32 s22, $0x4;
	s0 =	sadd.s32 s3, s0  }
0x3f: {  	[tilespmem:s23], [sflag:$0x2] =	stream.linear.gather [hbm4b:s0+s2], $0x80, $0x38;
	[tilespmem:$0x10400] =	vst v63  }
0x40: {  	s5 =	sld [smem:$0xC];
	s0 =	sand.u32 $0x1FFFFFF0, s24  }
0x41: {  	s26 =	simm.s32 $0x900;
	s4 =	sshll.u32 s25, $0x4;
	s0 =	sadd.s32 s3, s0  }
0x42: {  	[tilespmem:s26], [sflag:$0x1] =	stream.linear.gather [hbm4b:s0+s2], $0x80, $0x38;
	[tilespmem:$0x10400] =	vst v63  }
0x43: {  	s8 =	sld [smem:$0xD];
	s0 =	sand.u32 $0x1FFFFFF0, s4  }
0x44: {  	s6 =	simm.s32 $0x980;
	s7 =	sshll.u32 s5, $0x4;
	s0 =	sadd.s32 s3, s0  }
0x45: {  	[tilespmem:s6], [sflag:$0x2] =	stream.linear.gather [hbm4b:s0+s2], $0x80, $0x38;
	[tilespmem:$0x10400] =	vst v63  }
0x46: {  	s11 =	sld [smem:$0xE];
	s0 =	sand.u32 $0x1FFFFFF0, s7  }
0x47: {  	s9 =	simm.s32 $0xA00;
	s10 =	sshll.u32 s8, $0x4;
	s0 =	sadd.s32 s3, s0  }
0x48: {  	[tilespmem:s9], [sflag:$0x1] =	stream.linear.gather [hbm4b:s0+s2], $0x80, $0x38;
	[tilespmem:$0x10400] =	vst v63  }
0x49: {  	s14 =	sld [smem:$0xF];
	s0 =	sand.u32 $0x1FFFFFF0, s10  }
0x4a: {  	s12 =	simm.s32 $0xA80;
	s13 =	sshll.u32 s11, $0x4;
	s0 =	sadd.s32 s3, s0  }
0x4b: {  	[tilespmem:s12], [sflag:$0x2] =	stream.linear.gather [hbm4b:s0+s2], $0x80, $0x38;
	[tilespmem:$0x10400] =	vst v63  }
0x4c: {  	s19 =	sld [smem:$0x10];
	s0 =	sand.u32 $0x1FFFFFF0, s13  }
0x4d: {  	s15 =	simm.s32 $0xB00;
	s16 =	sshll.u32 s14, $0x4;
	s0 =	sadd.s32 s3, s0  }
0x4e: {  	[tilespmem:s15], [sflag:$0x1] =	stream.linear.gather [hbm4b:s0+s2], $0x80, $0x38;
	[tilespmem:$0x10400] =	vst v63  }
0x4f: {  	s22 =	sld [smem:$0x11];
	s0 =	sand.u32 $0x1FFFFFF0, s16  }
0x50: {  	s20 =	simm.s32 $0xB80;
	s21 =	sshll.u32 s19, $0x4;
	s0 =	sadd.s32 s3, s0  }
0x51: {  	[tilespmem:s20], [sflag:$0x2] =	stream.linear.gather [hbm4b:s0+s2], $0x80, $0x38;
	[tilespmem:$0x10400] =	vst v63  }
0x52: {  	s25 =	sld [smem:$0x12];
	s0 =	sand.u32 $0x1FFFFFF0, s21  }
0x53: {  	s23 =	simm.s32 $0xC00;
	s24 =	sshll.u32 s22, $0x4;
	s0 =	sadd.s32 s3, s0  }
0x54: {  	[tilespmem:s23], [sflag:$0x1] =	stream.linear.gather [hbm4b:s0+s2], $0x80, $0x38;
	[tilespmem:$0x10400] =	vst v63  }
0x55: {  	s5 =	sld [smem:$0x13];
	s0 =	sand.u32 $0x1FFFFFF0, s24  }
0x56: {  	s26 =	simm.s32 $0xC80;
	s4 =	sshll.u32 s25, $0x4;
	s0 =	sadd.s32 s3, s0  }
0x57: {  	[tilespmem:s26], [sflag:$0x2] =	stream.linear.gather [hbm4b:s0+s2], $0x80, $0x38;
	[tilespmem:$0x10400] =	vst v63  }
0x58: {  	s8 =	sld [smem:$0x14];
	s0 =	sand.u32 $0x1FFFFFF0, s4  }
0x59: {  	s6 =	simm.s32 $0xD00;
	s7 =	sshll.u32 s5, $0x4;
	s0 =	sadd.s32 s3, s0  }
0x5a: {  	[tilespmem:s6], [sflag:$0x1] =	stream.linear.gather [hbm4b:s0+s2], $0x80, $0x38;
	[tilespmem:$0x10400] =	vst v63  }
0x5b: {  	s11 =	sld [smem:$0x15];
	s0 =	sand.u32 $0x1FFFFFF0, s7  }
0x5c: {  	s9 =	simm.s32 $0xD80;
	s10 =	sshll.u32 s8, $0x4;
	s0 =	sadd.s32 s3, s0  }
0x5d: {  	[tilespmem:s9], [sflag:$0x2] =	stream.linear.gather [hbm4b:s0+s2], $0x80, $0x38;
	[tilespmem:$0x10400] =	vst v63  }
0x5e: {  	s14 =	sld [smem:$0x16];
	s0 =	sand.u32 $0x1FFFFFF0, s10  }
0x5f: {  	s12 =	simm.s32 $0xE00;
	s13 =	sshll.u32 s11, $0x4;
	s0 =	sadd.s32 s3, s0  }
0x60: {  	[tilespmem:s12], [sflag:$0x1] =	stream.linear.gather [hbm4b:s0+s2], $0x80, $0x38;
	[tilespmem:$0x10400] =	vst v63  }
0x61: {  	s19 =	sld [smem:$0x17];
	s0 =	sand.u32 $0x1FFFFFF0, s13  }
0x62: {  	s15 =	simm.s32 $0xE80;
	s16 =	sshll.u32 s14, $0x4;
	s0 =	sadd.s32 s3, s0  }
0x63: {  	[tilespmem:s15], [sflag:$0x2] =	stream.linear.gather [hbm4b:s0+s2], $0x80, $0x38;
	[tilespmem:$0x10400] =	vst v63  }
0x64: {  	s22 =	sld [smem:$0x18];
	s0 =	sand.u32 $0x1FFFFFF0, s16  }
0x65: {  	s20 =	simm.s32 $0xF00;
	s21 =	sshll.u32 s19, $0x4;
	s0 =	sadd.s32 s3, s0  }
0x66: {  	[tilespmem:s20], [sflag:$0x1] =	stream.linear.gather [hbm4b:s0+s2], $0x80, $0x38;
	[tilespmem:$0x10400] =	vst v63  }
0x67: {  	s25 =	sld [smem:$0x19];
	s0 =	sand.u32 $0x1FFFFFF0, s21  }
0x68: {  	s23 =	simm.s32 $0xF80;
	s24 =	sshll.u32 s22, $0x4;
	s0 =	sadd.s32 s3, s0  }
0x69: {  	[tilespmem:s23], [sflag:$0x2] =	stream.linear.gather [hbm4b:s0+s2], $0x80, $0x38;
	[tilespmem:$0x10400] =	vst v63  }
0x6a: {  	s5 =	sld [smem:$0x1A];
	s0 =	sand.u32 $0x1FFFFFF0, s24  }
0x6b: {  	s26 =	simm.s32 $0x1000;
	s4 =	sshll.u32 s25, $0x4;
	s0 =	sadd.s32 s3, s0  }
0x6c: {  	[tilespmem:s26], [sflag:$0x1] =	stream.linear.gather [hbm4b:s0+s2], $0x80, $0x38;
	[tilespmem:$0x10400] =	vst v63  }
0x6d: {  	s8 =	sld [smem:$0x1B];
	s0 =	sand.u32 $0x1FFFFFF0, s4  }
0x6e: {  	s6 =	simm.s32 $0x1080;
	s7 =	sshll.u32 s5, $0x4;
	s0 =	sadd.s32 s3, s0  }
0x6f: {  	[tilespmem:s6], [sflag:$0x2] =	stream.linear.gather [hbm4b:s0+s2], $0x80, $0x38;
	[tilespmem:$0x10400] =	vst v63  }
0x70: {  	s11 =	sld [smem:$0x1C];
	s0 =	sand.u32 $0x1FFFFFF0, s7  }
0x71: {  	s9 =	simm.s32 $0x1100;
	s10 =	sshll.u32 s8, $0x4;
	s0 =	sadd.s32 s3, s0  }
0x72: {  	[tilespmem:s9], [sflag:$0x1] =	stream.linear.gather [hbm4b:s0+s2], $0x80, $0x38;
	[tilespmem:$0x10400] =	vst v63  }
0x73: {  	s14 =	sld [smem:$0x1D];
	s0 =	sand.u32 $0x1FFFFFF0, s10  }
0x74: {  	s12 =	simm.s32 $0x1180;
	s13 =	sshll.u32 s11, $0x4;
	s0 =	sadd.s32 s3, s0  }
0x75: {  	[tilespmem:s12], [sflag:$0x2] =	stream.linear.gather [hbm4b:s0+s2], $0x80, $0x38;
	[tilespmem:$0x10400] =	vst v63  }
0x76: {  	s19 =	sld [smem:$0x1E];
	s0 =	sand.u32 $0x1FFFFFF0, s13  }
0x77: {  	s15 =	simm.s32 $0x1200;
	s16 =	sshll.u32 s14, $0x4;
	s0 =	sadd.s32 s3, s0  }
0x78: {  	[tilespmem:s15], [sflag:$0x1] =	stream.linear.gather [hbm4b:s0+s2], $0x80, $0x38;
	[tilespmem:$0x10400] =	vst v63  }
0x79: {  	s22 =	sld [smem:$0x1F];
	s0 =	sand.u32 $0x1FFFFFF0, s16  }
0x7a: {  	s20 =	simm.s32 $0x1280;
	s21 =	sshll.u32 s19, $0x4;
	s0 =	sadd.s32 s3, s0  }
0x7b: {  	[tilespmem:s20], [sflag:$0x2] =	stream.linear.gather [hbm4b:s0+s2], $0x80, $0x38;
	[tilespmem:$0x10400] =	vst v63  }
0x7c: {  	s25 =	sld [smem:$0x20];
	s0 =	sand.u32 $0x1FFFFFF0, s21  }
0x7d: {  	s23 =	simm.s32 $0x1300;
	s24 =	sshll.u32 s22, $0x4;
	s0 =	sadd.s32 s3, s0  }
0x7e: {  	[tilespmem:s23], [sflag:$0x1] =	stream.linear.gather [hbm4b:s0+s2], $0x80, $0x38;
	[tilespmem:$0x10400] =	vst v63  }
0x7f: {  	s5 =	sld [smem:$0x21];
	s0 =	sand.u32 $0x1FFFFFF0, s24  }
0x80: {  	s26 =	simm.s32 $0x1380;
	s4 =	sshll.u32 s25, $0x4;
	s0 =	sadd.s32 s3, s0  }
0x81: {  	[tilespmem:s26], [sflag:$0x2] =	stream.linear.gather [hbm4b:s0+s2], $0x80, $0x38;
	[tilespmem:$0x10400] =	vst v63  }
0x82: {  	s8 =	sld [smem:$0x22];
	s0 =	sand.u32 $0x1FFFFFF0, s4  }
0x83: {  	s6 =	simm.s32 $0x1400;
	s7 =	sshll.u32 s5, $0x4;
	s0 =	sadd.s32 s3, s0  }
0x84: {  	[tilespmem:s6], [sflag:$0x1] =	stream.linear.gather [hbm4b:s0+s2], $0x80, $0x38;
	[tilespmem:$0x10400] =	vst v63  }
0x85: {  	s11 =	sld [smem:$0x23];
	s0 =	sand.u32 $0x1FFFFFF0, s7  }
0x86: {  	s9 =	simm.s32 $0x1480;
	s10 =	sshll.u32 s8, $0x4;
	s0 =	sadd.s32 s3, s0  }
0x87: {  	[tilespmem:s9], [sflag:$0x2] =	stream.linear.gather [hbm4b:s0+s2], $0x80, $0x38;
	[tilespmem:$0x10400] =	vst v63  }
0x88: {  	s14 =	sld [smem:$0x24];
	s0 =	sand.u32 $0x1FFFFFF0, s10  }
0x89: {  	s12 =	simm.s32 $0x1500;
	s13 =	sshll.u32 s11, $0x4;
	s0 =	sadd.s32 s3, s0  }
0x8a: {  	[tilespmem:s12], [sflag:$0x1] =	stream.linear.gather [hbm4b:s0+s2], $0x80, $0x38;
	[tilespmem:$0x10400] =	vst v63  }
0x8b: {  	s19 =	sld [smem:$0x25];
	s0 =	sand.u32 $0x1FFFFFF0, s13  }
0x8c: {  	s15 =	simm.s32 $0x1580;
	s16 =	sshll.u32 s14, $0x4;
	s0 =	sadd.s32 s3, s0  }
0x8d: {  	[tilespmem:s15], [sflag:$0x2] =	stream.linear.gather [hbm4b:s0+s2], $0x80, $0x38;
	[tilespmem:$0x10400] =	vst v63  }
0x8e: {  	s22 =	sld [smem:$0x26];
	s0 =	sand.u32 $0x1FFFFFF0, s16  }
0x8f: {  	s20 =	simm.s32 $0x1600;
	s21 =	sshll.u32 s19, $0x4;
	s0 =	sadd.s32 s3, s0  }
0x90: {  	[tilespmem:s20], [sflag:$0x1] =	stream.linear.gather [hbm4b:s0+s2], $0x80, $0x38;
	[tilespmem:$0x10400] =	vst v63  }
0x91: {  	s25 =	sld [smem:$0x27];
	s0 =	sand.u32 $0x1FFFFFF0, s21  }
0x92: {  	s23 =	simm.s32 $0x1680;
	s24 =	sshll.u32 s22, $0x4;
	s0 =	sadd.s32 s3, s0  }
0x93: {  	[tilespmem:s23], [sflag:$0x2] =	stream.linear.gather [hbm4b:s0+s2], $0x80, $0x38;
	[tilespmem:$0x10400] =	vst v63  }
0x94: {  	s5 =	sld [smem:$0x28];
	s0 =	sand.u32 $0x1FFFFFF0, s24  }
0x95: {  	s26 =	simm.s32 $0x1700;
	s4 =	sshll.u32 s25, $0x4;
	s0 =	sadd.s32 s3, s0  }
0x96: {  	[tilespmem:s26], [sflag:$0x1] =	stream.linear.gather [hbm4b:s0+s2], $0x80, $0x38;
	[tilespmem:$0x10400] =	vst v63  }
0x97: {  	s8 =	sld [smem:$0x29];
	s0 =	sand.u32 $0x1FFFFFF0, s4  }
0x98: {  	s6 =	simm.s32 $0x1780;
	s7 =	sshll.u32 s5, $0x4;
	s0 =	sadd.s32 s3, s0  }
0x99: {  	[tilespmem:s6], [sflag:$0x2] =	stream.linear.gather [hbm4b:s0+s2], $0x80, $0x38;
	[tilespmem:$0x10400] =	vst v63  }
0x9a: {  	s11 =	sld [smem:$0x2A];
	s0 =	sand.u32 $0x1FFFFFF0, s7  }
0x9b: {  	s9 =	simm.s32 $0x1800;
	s10 =	sshll.u32 s8, $0x4;
	s0 =	sadd.s32 s3, s0  }
0x9c: {  	[tilespmem:s9], [sflag:$0x1] =	stream.linear.gather [hbm4b:s0+s2], $0x80, $0x38;
	[tilespmem:$0x10400] =	vst v63  }
0x9d: {  	s14 =	sld [smem:$0x2B];
	s0 =	sand.u32 $0x1FFFFFF0, s10  }
0x9e: {  	s12 =	simm.s32 $0x1880;
	s13 =	sshll.u32 s11, $0x4;
	s0 =	sadd.s32 s3, s0  }
0x9f: {  	[tilespmem:s12], [sflag:$0x2] =	stream.linear.gather [hbm4b:s0+s2], $0x80, $0x38;
	[tilespmem:$0x10400] =	vst v63  }
0xa0: {  	s19 =	sld [smem:$0x2C];
	s0 =	sand.u32 $0x1FFFFFF0, s13  }
0xa1: {  	s15 =	simm.s32 $0x1900;
	s16 =	sshll.u32 s14, $0x4;
	s0 =	sadd.s32 s3, s0  }
0xa2: {  	[tilespmem:s15], [sflag:$0x1] =	stream.linear.gather [hbm4b:s0+s2], $0x80, $0x38;
	[tilespmem:$0x10400] =	vst v63  }
0xa3: {  	s22 =	sld [smem:$0x2D];
	s0 =	sand.u32 $0x1FFFFFF0, s16  }
0xa4: {  	s20 =	simm.s32 $0x1980;
	s21 =	sshll.u32 s19, $0x4;
	s0 =	sadd.s32 s3, s0  }
0xa5: {  	[tilespmem:s20], [sflag:$0x2] =	stream.linear.gather [hbm4b:s0+s2], $0x80, $0x38;
	[tilespmem:$0x10400] =	vst v63  }
0xa6: {  	s25 =	sld [smem:$0x2E];
	s0 =	sand.u32 $0x1FFFFFF0, s21  }
0xa7: {  	s23 =	simm.s32 $0x1A00;
	s24 =	sshll.u32 s22, $0x4;
	s0 =	sadd.s32 s3, s0  }
0xa8: {  	[tilespmem:s23], [sflag:$0x1] =	stream.linear.gather [hbm4b:s0+s2], $0x80, $0x38;
	[tilespmem:$0x10400] =	vst v63  }
0xa9: {  	s5 =	sld [smem:$0x2F];
	s0 =	sand.u32 $0x1FFFFFF0, s24  }
0xaa: {  	s26 =	simm.s32 $0x1A80;
	s4 =	sshll.u32 s25, $0x4;
	s0 =	sadd.s32 s3, s0  }
0xab: {  	[tilespmem:s26], [sflag:$0x2] =	stream.linear.gather [hbm4b:s0+s2], $0x80, $0x38;
	[tilespmem:$0x10400] =	vst v63  }
0xac: {  	s8 =	sld [smem:$0x30];
	s0 =	sand.u32 $0x1FFFFFF0, s4  }
0xad: {  	s6 =	simm.s32 $0x1B00;
	s7 =	sshll.u32 s5, $0x4;
	s0 =	sadd.s32 s3, s0  }
0xae: {  	[tilespmem:s6], [sflag:$0x1] =	stream.linear.gather [hbm4b:s0+s2], $0x80, $0x38;
	[tilespmem:$0x10400] =	vst v63  }
0xaf: {  	s11 =	sld [smem:$0x31];
	s0 =	sand.u32 $0x1FFFFFF0, s7  }
0xb0: {  	s9 =	simm.s32 $0x1B80;
	s10 =	sshll.u32 s8, $0x4;
	s0 =	sadd.s32 s3, s0  }
0xb1: {  	[tilespmem:s9], [sflag:$0x2] =	stream.linear.gather [hbm4b:s0+s2], $0x80, $0x38;
	[tilespmem:$0x10400] =	vst v63  }
0xb2: {  	s14 =	sld [smem:$0x32];
	s0 =	sand.u32 $0x1FFFFFF0, s10  }
0xb3: {  	s12 =	simm.s32 $0x1C00;
	s13 =	sshll.u32 s11, $0x4;
	s0 =	sadd.s32 s3, s0  }
0xb4: {  	[tilespmem:s12], [sflag:$0x1] =	stream.linear.gather [hbm4b:s0+s2], $0x80, $0x38;
	[tilespmem:$0x10400] =	vst v63  }
0xb5: {  	s19 =	sld [smem:$0x33];
	s0 =	sand.u32 $0x1FFFFFF0, s13  }
0xb6: {  	s15 =	simm.s32 $0x1C80;
	s16 =	sshll.u32 s14, $0x4;
	s0 =	sadd.s32 s3, s0  }
0xb7: {  	[tilespmem:s15], [sflag:$0x2] =	stream.linear.gather [hbm4b:s0+s2], $0x80, $0x38;
	[tilespmem:$0x10400] =	vst v63  }
0xb8: {  	s22 =	sld [smem:$0x34];
	s0 =	sand.u32 $0x1FFFFFF0, s16  }
0xb9: {  	s20 =	simm.s32 $0x1D00;
	s21 =	sshll.u32 s19, $0x4;
	s0 =	sadd.s32 s3, s0  }
0xba: {  	[tilespmem:s20], [sflag:$0x1] =	stream.linear.gather [hbm4b:s0+s2], $0x80, $0x38;
	[tilespmem:$0x10400] =	vst v63  }
0xbb: {  	s25 =	sld [smem:$0x35];
	s0 =	sand.u32 $0x1FFFFFF0, s21  }
0xbc: {  	s23 =	simm.s32 $0x1D80;
	s24 =	sshll.u32 s22, $0x4;
	s0 =	sadd.s32 s3, s0  }
0xbd: {  	[tilespmem:s23], [sflag:$0x2] =	stream.linear.gather [hbm4b:s0+s2], $0x80, $0x38;
	[tilespmem:$0x10400] =	vst v63  }
0xbe: {  	s5 =	sld [smem:$0x36];
	s0 =	sand.u32 $0x1FFFFFF0, s24  }
0xbf: {  	s26 =	simm.s32 $0x1E00;
	s4 =	sshll.u32 s25, $0x4;
	s0 =	sadd.s32 s3, s0  }
0xc0: {  	[tilespmem:s26], [sflag:$0x1] =	stream.linear.gather [hbm4b:s0+s2], $0x80, $0x38;
	[tilespmem:$0x10400] =	vst v63  }
0xc1: {  	s8 =	sld [smem:$0x37];
	s0 =	sand.u32 $0x1FFFFFF0, s4  }
0xc2: {  	s6 =	simm.s32 $0x1E80;
	s7 =	sshll.u32 s5, $0x4;
	s0 =	sadd.s32 s3, s0  }
0xc3: {  	[tilespmem:s6], [sflag:$0x2] =	stream.linear.gather [hbm4b:s0+s2], $0x80, $0x38;
	[tilespmem:$0x10400] =	vst v63  }
0xc4: {  	s11 =	sld [smem:$0x38];
	s0 =	sand.u32 $0x1FFFFFF0, s7  }
0xc5: {  	s9 =	simm.s32 $0x1F00;
	s10 =	sshll.u32 s8, $0x4;
	s0 =	sadd.s32 s3, s0  }
0xc6: {  	[tilespmem:s9], [sflag:$0x1] =	stream.linear.gather [hbm4b:s0+s2], $0x80, $0x38;
	[tilespmem:$0x10400] =	vst v63  }
0xc7: {  	s14 =	sld [smem:$0x39];
	s0 =	sand.u32 $0x1FFFFFF0, s10  }
0xc8: {  	s12 =	simm.s32 $0x1F80;
	s13 =	sshll.u32 s11, $0x4;
	s0 =	sadd.s32 s3, s0  }
0xc9: {  	[tilespmem:s12], [sflag:$0x2] =	stream.linear.gather [hbm4b:s0+s2], $0x80, $0x38;
	[tilespmem:$0x10400] =	vst v63  }
0xca: {  	s19 =	sld [smem:$0x3A];
	s0 =	sand.u32 $0x1FFFFFF0, s13  }
0xcb: {  	s15 =	simm.s32 $0x2000;
	s16 =	sshll.u32 s14, $0x4;
	s0 =	sadd.s32 s3, s0  }
0xcc: {  	[tilespmem:s15], [sflag:$0x1] =	stream.linear.gather [hbm4b:s0+s2], $0x80, $0x38;
	[tilespmem:$0x10400] =	vst v63  }
0xcd: {  	s22 =	sld [smem:$0x3B];
	s0 =	sand.u32 $0x1FFFFFF0, s16  }
0xce: {  	s20 =	simm.s32 $0x2080;
	s21 =	sshll.u32 s19, $0x4;
	s0 =	sadd.s32 s3, s0  }
0xcf: {  	[tilespmem:s20], [sflag:$0x2] =	stream.linear.gather [hbm4b:s0+s2], $0x80, $0x38;
	[tilespmem:$0x10400] =	vst v63  }
0xd0: {  	s25 =	sld [smem:$0x3C];
	s0 =	sand.u32 $0x1FFFFFF0, s21  }
0xd1: {  	s23 =	simm.s32 $0x2100;
	s24 =	sshll.u32 s22, $0x4;
	s0 =	sadd.s32 s3, s0  }
0xd2: {  	[tilespmem:s23], [sflag:$0x1] =	stream.linear.gather [hbm4b:s0+s2], $0x80, $0x38;
	[tilespmem:$0x10400] =	vst v63  }
0xd3: {  	s5 =	sld [smem:$0x3D];
	s0 =	sand.u32 $0x1FFFFFF0, s24  }
0xd4: {  	s26 =	simm.s32 $0x2180;
	s4 =	sshll.u32 s25, $0x4;
	s0 =	sadd.s32 s3, s0  }
0xd5: {  	[tilespmem:s26], [sflag:$0x2] =	stream.linear.gather [hbm4b:s0+s2], $0x80, $0x38;
	[tilespmem:$0x10400] =	vst v63  }
0xd6: {  	s8 =	sld [smem:$0x3E];
	s0 =	sand.u32 $0x1FFFFFF0, s4  }
0xd7: {  	s6 =	simm.s32 $0x2200;
	s7 =	sshll.u32 s5, $0x4;
	s0 =	sadd.s32 s3, s0  }
0xd8: {  	[tilespmem:s6], [sflag:$0x1] =	stream.linear.gather [hbm4b:s0+s2], $0x80, $0x38;
	[tilespmem:$0x10400] =	vst v63  }
0xd9: {  	s11 =	sld [smem:$0x3F];
	s0 =	sand.u32 $0x1FFFFFF0, s7  }
0xda: {  	s9 =	simm.s32 $0x2280;
	s10 =	sshll.u32 s8, $0x4;
	s0 =	sadd.s32 s3, s0  }
0xdb: {  	[tilespmem:s9], [sflag:$0x2] =	stream.linear.gather [hbm4b:s0+s2], $0x80, $0x38;
	[tilespmem:$0x10400] =	vst v63  }
0xdc: {  	s14 =	sld [smem:$0x40];
	s0 =	sand.u32 $0x1FFFFFF0, s10  }
0xdd: {  	s12 =	simm.s32 $0x2300;
	s13 =	sshll.u32 s11, $0x4;
	s0 =	sadd.s32 s3, s0  }
0xde: {  	[tilespmem:s12], [sflag:$0x1] =	stream.linear.gather [hbm4b:s0+s2], $0x80, $0x38;
	[tilespmem:$0x10400] =	vst v63  }
0xdf: {  	s19 =	sld [smem:$0x41];
	s0 =	sand.u32 $0x1FFFFFF0, s13  }
0xe0: {  	s15 =	simm.s32 $0x2380;
	s16 =	sshll.u32 s14, $0x4;
	s0 =	sadd.s32 s3, s0  }
0xe1: {  	[tilespmem:s15], [sflag:$0x2] =	stream.linear.gather [hbm4b:s0+s2], $0x80, $0x38;
	[tilespmem:$0x10400] =	vst v63  }
0xe2: {  	s22 =	sld [smem:$0x42];
	s0 =	sand.u32 $0x1FFFFFF0, s16  }
0xe3: {  	s20 =	simm.s32 $0x2400;
	s21 =	sshll.u32 s19, $0x4;
	s0 =	sadd.s32 s3, s0  }
0xe4: {  	[tilespmem:s20], [sflag:$0x1] =	stream.linear.gather [hbm4b:s0+s2], $0x80, $0x38;
	[tilespmem:$0x10400] =	vst v63  }
0xe5: {  	s25 =	sld [smem:$0x43];
	s0 =	sand.u32 $0x1FFFFFF0, s21  }
0xe6: {  	s23 =	simm.s32 $0x2480;
	s24 =	sshll.u32 s22, $0x4;
	s0 =	sadd.s32 s3, s0  }
0xe7: {  	[tilespmem:s23], [sflag:$0x2] =	stream.linear.gather [hbm4b:s0+s2], $0x80, $0x38;
	[tilespmem:$0x10400] =	vst v63  }
0xe8: {  	s5 =	sld [smem:$0x44];
	s0 =	sand.u32 $0x1FFFFFF0, s24  }
0xe9: {  	s26 =	simm.s32 $0x2500;
	s4 =	sshll.u32 s25, $0x4;
	s0 =	sadd.s32 s3, s0  }
0xea: {  	[tilespmem:s26], [sflag:$0x1] =	stream.linear.gather [hbm4b:s0+s2], $0x80, $0x38;
	[tilespmem:$0x10400] =	vst v63  }
0xeb: {  	s8 =	sld [smem:$0x45];
	s0 =	sand.u32 $0x1FFFFFF0, s4  }
0xec: {  	s6 =	simm.s32 $0x2580;
	s7 =	sshll.u32 s5, $0x4;
	s0 =	sadd.s32 s3, s0  }
0xed: {  	[tilespmem:s6], [sflag:$0x2] =	stream.linear.gather [hbm4b:s0+s2], $0x80, $0x38;
	[tilespmem:$0x10400] =	vst v63  }
0xee: {  	s11 =	sld [smem:$0x46];
	s0 =	sand.u32 $0x1FFFFFF0, s7  }
0xef: {  	s9 =	simm.s32 $0x2600;
	s10 =	sshll.u32 s8, $0x4;
	s0 =	sadd.s32 s3, s0  }
0xf0: {  	[tilespmem:s9], [sflag:$0x1] =	stream.linear.gather [hbm4b:s0+s2], $0x80, $0x38;
	[tilespmem:$0x10400] =	vst v63  }
0xf1: {  	s14 =	sld [smem:$0x47];
	s0 =	sand.u32 $0x1FFFFFF0, s10  }
0xf2: {  	s12 =	simm.s32 $0x2680;
	s13 =	sshll.u32 s11, $0x4;
	s0 =	sadd.s32 s3, s0  }
0xf3: {  	[tilespmem:s12], [sflag:$0x2] =	stream.linear.gather [hbm4b:s0+s2], $0x80, $0x38;
	[tilespmem:$0x10400] =	vst v63  }
0xf4: {  	s19 =	sld [smem:$0x48];
	s0 =	sand.u32 $0x1FFFFFF0, s13  }
0xf5: {  	s15 =	simm.s32 $0x2700;
	s16 =	sshll.u32 s14, $0x4;
	s0 =	sadd.s32 s3, s0  }
0xf6: {  	[tilespmem:s15], [sflag:$0x1] =	stream.linear.gather [hbm4b:s0+s2], $0x80, $0x38;
	[tilespmem:$0x10400] =	vst v63  }
0xf7: {  	s22 =	sld [smem:$0x49];
	s0 =	sand.u32 $0x1FFFFFF0, s16  }
0xf8: {  	s20 =	simm.s32 $0x2780;
	s21 =	sshll.u32 s19, $0x4;
	s0 =	sadd.s32 s3, s0  }
0xf9: {  	[tilespmem:s20], [sflag:$0x2] =	stream.linear.gather [hbm4b:s0+s2], $0x80, $0x38;
	[tilespmem:$0x10400] =	vst v63  }
0xfa: {  	s25 =	sld [smem:$0x4A];
	s0 =	sand.u32 $0x1FFFFFF0, s21  }
0xfb: {  	s23 =	simm.s32 $0x2800;
	s24 =	sshll.u32 s22, $0x4;
	s0 =	sadd.s32 s3, s0  }
0xfc: {  	[tilespmem:s23], [sflag:$0x1] =	stream.linear.gather [hbm4b:s0+s2], $0x80, $0x38;
	[tilespmem:$0x10400] =	vst v63  }
0xfd: {  	s5 =	sld [smem:$0x4B];
	s0 =	sand.u32 $0x1FFFFFF0, s24  }
0xfe: {  	s26 =	simm.s32 $0x2880;
	s4 =	sshll.u32 s25, $0x4;
	s0 =	sadd.s32 s3, s0  }
0xff: {  	[tilespmem:s26], [sflag:$0x2] =	stream.linear.gather [hbm4b:s0+s2], $0x80, $0x38;
	[tilespmem:$0x10400] =	vst v63  }
0x100: {  	s8 =	sld [smem:$0x4C];
	s0 =	sand.u32 $0x1FFFFFF0, s4  }
0x101: {  	s6 =	simm.s32 $0x2900;
	s7 =	sshll.u32 s5, $0x4;
	s0 =	sadd.s32 s3, s0  }
0x102: {  	[tilespmem:s6], [sflag:$0x1] =	stream.linear.gather [hbm4b:s0+s2], $0x80, $0x38;
	[tilespmem:$0x10400] =	vst v63  }
0x103: {  	s11 =	sld [smem:$0x4D];
	s0 =	sand.u32 $0x1FFFFFF0, s7  }
0x104: {  	s9 =	simm.s32 $0x2980;
	s10 =	sshll.u32 s8, $0x4;
	s0 =	sadd.s32 s3, s0  }
0x105: {  	[tilespmem:s9], [sflag:$0x2] =	stream.linear.gather [hbm4b:s0+s2], $0x80, $0x38;
	[tilespmem:$0x10400] =	vst v63  }
0x106: {  	s14 =	sld [smem:$0x4E];
	s0 =	sand.u32 $0x1FFFFFF0, s10  }
0x107: {  	s12 =	simm.s32 $0x2A00;
	s13 =	sshll.u32 s11, $0x4;
	s0 =	sadd.s32 s3, s0  }
0x108: {  	[tilespmem:s12], [sflag:$0x1] =	stream.linear.gather [hbm4b:s0+s2], $0x80, $0x38;
	[tilespmem:$0x10400] =	vst v63  }
0x109: {  	s19 =	sld [smem:$0x4F];
	s0 =	sand.u32 $0x1FFFFFF0, s13  }
0x10a: {  	s15 =	simm.s32 $0x2A80;
	s16 =	sshll.u32 s14, $0x4;
	s0 =	sadd.s32 s3, s0  }
0x10b: {  	[tilespmem:s15], [sflag:$0x2] =	stream.linear.gather [hbm4b:s0+s2], $0x80, $0x38;
	[tilespmem:$0x10400] =	vst v63  }
0x10c: {  	s22 =	sld [smem:$0x50];
	s0 =	sand.u32 $0x1FFFFFF0, s16  }
0x10d: {  	s20 =	simm.s32 $0x2B00;
	s21 =	sshll.u32 s19, $0x4;
	s0 =	sadd.s32 s3, s0  }
0x10e: {  	[tilespmem:s20], [sflag:$0x1] =	stream.linear.gather [hbm4b:s0+s2], $0x80, $0x38;
	[tilespmem:$0x10400] =	vst v63  }
0x10f: {  	s25 =	sld [smem:$0x51];
	s0 =	sand.u32 $0x1FFFFFF0, s21  }
0x110: {  	s23 =	simm.s32 $0x2B80;
	s24 =	sshll.u32 s22, $0x4;
	s0 =	sadd.s32 s3, s0  }
0x111: {  	[tilespmem:s23], [sflag:$0x2] =	stream.linear.gather [hbm4b:s0+s2], $0x80, $0x38;
	[tilespmem:$0x10400] =	vst v63  }
0x112: {  	s5 =	sld [smem:$0x52];
	s0 =	sand.u32 $0x1FFFFFF0, s24  }
0x113: {  	s26 =	simm.s32 $0x2C00;
	s4 =	sshll.u32 s25, $0x4;
	s0 =	sadd.s32 s3, s0  }
0x114: {  	[tilespmem:s26], [sflag:$0x1] =	stream.linear.gather [hbm4b:s0+s2], $0x80, $0x38;
	[tilespmem:$0x10400] =	vst v63  }
0x115: {  	s8 =	sld [smem:$0x53];
	s0 =	sand.u32 $0x1FFFFFF0, s4  }
0x116: {  	s6 =	simm.s32 $0x2C80;
	s7 =	sshll.u32 s5, $0x4;
	s0 =	sadd.s32 s3, s0  }
0x117: {  	[tilespmem:s6], [sflag:$0x2] =	stream.linear.gather [hbm4b:s0+s2], $0x80, $0x38;
	[tilespmem:$0x10400] =	vst v63  }
0x118: {  	s11 =	sld [smem:$0x54];
	s0 =	sand.u32 $0x1FFFFFF0, s7  }
0x119: {  	s9 =	simm.s32 $0x2D00;
	s10 =	sshll.u32 s8, $0x4;
	s0 =	sadd.s32 s3, s0  }
0x11a: {  	[tilespmem:s9], [sflag:$0x1] =	stream.linear.gather [hbm4b:s0+s2], $0x80, $0x38;
	[tilespmem:$0x10400] =	vst v63  }
0x11b: {  	s14 =	sld [smem:$0x55];
	s0 =	sand.u32 $0x1FFFFFF0, s10  }
0x11c: {  	s12 =	simm.s32 $0x2D80;
	s13 =	sshll.u32 s11, $0x4;
	s0 =	sadd.s32 s3, s0  }
0x11d: {  	[tilespmem:s12], [sflag:$0x2] =	stream.linear.gather [hbm4b:s0+s2], $0x80, $0x38;
	[tilespmem:$0x10400] =	vst v63  }
0x11e: {  	s19 =	sld [smem:$0x56];
	s0 =	sand.u32 $0x1FFFFFF0, s13  }
0x11f: {  	s15 =	simm.s32 $0x2E00;
	s16 =	sshll.u32 s14, $0x4;
	s0 =	sadd.s32 s3, s0  }
0x120: {  	[tilespmem:s15], [sflag:$0x1] =	stream.linear.gather [hbm4b:s0+s2], $0x80, $0x38;
	[tilespmem:$0x10400] =	vst v63  }
0x121: {  	s22 =	sld [smem:$0x57];
	s0 =	sand.u32 $0x1FFFFFF0, s16  }
0x122: {  	s20 =	simm.s32 $0x2E80;
	s21 =	sshll.u32 s19, $0x4;
	s0 =	sadd.s32 s3, s0  }
0x123: {  	[tilespmem:s20], [sflag:$0x2] =	stream.linear.gather [hbm4b:s0+s2], $0x80, $0x38;
	[tilespmem:$0x10400] =	vst v63  }
0x124: {  	s25 =	sld [smem:$0x58];
	s0 =	sand.u32 $0x1FFFFFF0, s21  }
0x125: {  	s23 =	simm.s32 $0x2F00;
	s24 =	sshll.u32 s22, $0x4;
	s0 =	sadd.s32 s3, s0  }
0x126: {  	[tilespmem:s23], [sflag:$0x1] =	stream.linear.gather [hbm4b:s0+s2], $0x80, $0x38;
	[tilespmem:$0x10400] =	vst v63  }
0x127: {  	s5 =	sld [smem:$0x59];
	s0 =	sand.u32 $0x1FFFFFF0, s24  }
0x128: {  	s26 =	simm.s32 $0x2F80;
	s4 =	sshll.u32 s25, $0x4;
	s0 =	sadd.s32 s3, s0  }
0x129: {  	[tilespmem:s26], [sflag:$0x2] =	stream.linear.gather [hbm4b:s0+s2], $0x80, $0x38;
	[tilespmem:$0x10400] =	vst v63  }
0x12a: {  	s8 =	sld [smem:$0x5A];
	s0 =	sand.u32 $0x1FFFFFF0, s4  }
0x12b: {  	s6 =	simm.s32 $0x3000;
	s7 =	sshll.u32 s5, $0x4;
	s0 =	sadd.s32 s3, s0  }
0x12c: {  	[tilespmem:s6], [sflag:$0x1] =	stream.linear.gather [hbm4b:s0+s2], $0x80, $0x38;
	[tilespmem:$0x10400] =	vst v63  }
0x12d: {  	s11 =	sld [smem:$0x5B];
	s0 =	sand.u32 $0x1FFFFFF0, s7  }
0x12e: {  	s9 =	simm.s32 $0x3080;
	s10 =	sshll.u32 s8, $0x4;
	s0 =	sadd.s32 s3, s0  }
0x12f: {  	[tilespmem:s9], [sflag:$0x2] =	stream.linear.gather [hbm4b:s0+s2], $0x80, $0x38;
	[tilespmem:$0x10400] =	vst v63  }
0x130: {  	s14 =	sld [smem:$0x5C];
	s0 =	sand.u32 $0x1FFFFFF0, s10  }
0x131: {  	s12 =	simm.s32 $0x3100;
	s13 =	sshll.u32 s11, $0x4;
	s0 =	sadd.s32 s3, s0  }
0x132: {  	[tilespmem:s12], [sflag:$0x1] =	stream.linear.gather [hbm4b:s0+s2], $0x80, $0x38;
	[tilespmem:$0x10400] =	vst v63  }
0x133: {  	s19 =	sld [smem:$0x5D];
	s0 =	sand.u32 $0x1FFFFFF0, s13  }
0x134: {  	s15 =	simm.s32 $0x3180;
	s16 =	sshll.u32 s14, $0x4;
	s0 =	sadd.s32 s3, s0  }
0x135: {  	[tilespmem:s15], [sflag:$0x2] =	stream.linear.gather [hbm4b:s0+s2], $0x80, $0x38;
	[tilespmem:$0x10400] =	vst v63  }
0x136: {  	s22 =	sld [smem:$0x5E];
	s0 =	sand.u32 $0x1FFFFFF0, s16  }
0x137: {  	s20 =	simm.s32 $0x3200;
	s21 =	sshll.u32 s19, $0x4;
	s0 =	sadd.s32 s3, s0  }
0x138: {  	[tilespmem:s20], [sflag:$0x1] =	stream.linear.gather [hbm4b:s0+s2], $0x80, $0x38;
	[tilespmem:$0x10400] =	vst v63  }
0x139: {  	s25 =	sld [smem:$0x5F];
	s0 =	sand.u32 $0x1FFFFFF0, s21  }
0x13a: {  	s23 =	simm.s32 $0x3280;
	s24 =	sshll.u32 s22, $0x4;
	s0 =	sadd.s32 s3, s0  }
0x13b: {  	[tilespmem:s23], [sflag:$0x2] =	stream.linear.gather [hbm4b:s0+s2], $0x80, $0x38;
	[tilespmem:$0x10400] =	vst v63  }
0x13c: {  	s5 =	sld [smem:$0x60];
	s0 =	sand.u32 $0x1FFFFFF0, s24  }
0x13d: {  	s26 =	simm.s32 $0x3300;
	s4 =	sshll.u32 s25, $0x4;
	s0 =	sadd.s32 s3, s0  }
0x13e: {  	[tilespmem:s26], [sflag:$0x1] =	stream.linear.gather [hbm4b:s0+s2], $0x80, $0x38;
	[tilespmem:$0x10400] =	vst v63  }
0x13f: {  	s8 =	sld [smem:$0x61];
	s0 =	sand.u32 $0x1FFFFFF0, s4  }
0x140: {  	s6 =	simm.s32 $0x3380;
	s7 =	sshll.u32 s5, $0x4;
	s0 =	sadd.s32 s3, s0  }
0x141: {  	[tilespmem:s6], [sflag:$0x2] =	stream.linear.gather [hbm4b:s0+s2], $0x80, $0x38;
	[tilespmem:$0x10400] =	vst v63  }
0x142: {  	s11 =	sld [smem:$0x62];
	s0 =	sand.u32 $0x1FFFFFF0, s7  }
0x143: {  	s9 =	simm.s32 $0x3400;
	s10 =	sshll.u32 s8, $0x4;
	s0 =	sadd.s32 s3, s0  }
0x144: {  	[tilespmem:s9], [sflag:$0x1] =	stream.linear.gather [hbm4b:s0+s2], $0x80, $0x38;
	[tilespmem:$0x10400] =	vst v63  }
0x145: {  	s14 =	sld [smem:$0x63];
	s0 =	sand.u32 $0x1FFFFFF0, s10  }
0x146: {  	s12 =	simm.s32 $0x3480;
	s13 =	sshll.u32 s11, $0x4;
	s0 =	sadd.s32 s3, s0  }
0x147: {  	[tilespmem:s12], [sflag:$0x2] =	stream.linear.gather [hbm4b:s0+s2], $0x80, $0x38;
	[tilespmem:$0x10400] =	vst v63  }
0x148: {  	s19 =	sld [smem:$0x64];
	s0 =	sand.u32 $0x1FFFFFF0, s13  }
0x149: {  	s15 =	simm.s32 $0x3500;
	s16 =	sshll.u32 s14, $0x4;
	s0 =	sadd.s32 s3, s0  }
0x14a: {  	[tilespmem:s15], [sflag:$0x1] =	stream.linear.gather [hbm4b:s0+s2], $0x80, $0x38;
	[tilespmem:$0x10400] =	vst v63  }
0x14b: {  	s22 =	sld [smem:$0x65];
	s0 =	sand.u32 $0x1FFFFFF0, s16  }
0x14c: {  	s20 =	simm.s32 $0x3580;
	s21 =	sshll.u32 s19, $0x4;
	s0 =	sadd.s32 s3, s0  }
0x14d: {  	[tilespmem:s20], [sflag:$0x2] =	stream.linear.gather [hbm4b:s0+s2], $0x80, $0x38;
	[tilespmem:$0x10400] =	vst v63  }
0x14e: {  	s25 =	sld [smem:$0x66];
	s0 =	sand.u32 $0x1FFFFFF0, s21  }
0x14f: {  	s23 =	simm.s32 $0x3600;
	s24 =	sshll.u32 s22, $0x4;
	s0 =	sadd.s32 s3, s0  }
0x150: {  	[tilespmem:s23], [sflag:$0x1] =	stream.linear.gather [hbm4b:s0+s2], $0x80, $0x38;
	[tilespmem:$0x10400] =	vst v63  }
0x151: {  	s5 =	sld [smem:$0x67];
	s0 =	sand.u32 $0x1FFFFFF0, s24  }
0x152: {  	s26 =	simm.s32 $0x3680;
	s4 =	sshll.u32 s25, $0x4;
	s0 =	sadd.s32 s3, s0  }
0x153: {  	[tilespmem:s26], [sflag:$0x2] =	stream.linear.gather [hbm4b:s0+s2], $0x80, $0x38;
	[tilespmem:$0x10400] =	vst v63  }
0x154: {  	s8 =	sld [smem:$0x68];
	s0 =	sand.u32 $0x1FFFFFF0, s4  }
0x155: {  	s6 =	simm.s32 $0x3700;
	s7 =	sshll.u32 s5, $0x4;
	s0 =	sadd.s32 s3, s0  }
0x156: {  	[tilespmem:s6], [sflag:$0x1] =	stream.linear.gather [hbm4b:s0+s2], $0x80, $0x38;
	[tilespmem:$0x10400] =	vst v63  }
0x157: {  	s11 =	sld [smem:$0x69];
	s0 =	sand.u32 $0x1FFFFFF0, s7  }
0x158: {  	s9 =	simm.s32 $0x3780;
	s10 =	sshll.u32 s8, $0x4;
	s0 =	sadd.s32 s3, s0  }
0x159: {  	[tilespmem:s9], [sflag:$0x2] =	stream.linear.gather [hbm4b:s0+s2], $0x80, $0x38;
	[tilespmem:$0x10400] =	vst v63  }
0x15a: {  	s14 =	sld [smem:$0x6A];
	s0 =	sand.u32 $0x1FFFFFF0, s10  }
0x15b: {  	s12 =	simm.s32 $0x3800;
	s13 =	sshll.u32 s11, $0x4;
	s0 =	sadd.s32 s3, s0  }
0x15c: {  	[tilespmem:s12], [sflag:$0x1] =	stream.linear.gather [hbm4b:s0+s2], $0x80, $0x38;
	[tilespmem:$0x10400] =	vst v63  }
0x15d: {  	s19 =	sld [smem:$0x6B];
	s0 =	sand.u32 $0x1FFFFFF0, s13  }
0x15e: {  	s15 =	simm.s32 $0x3880;
	s16 =	sshll.u32 s14, $0x4;
	s0 =	sadd.s32 s3, s0  }
0x15f: {  	[tilespmem:s15], [sflag:$0x2] =	stream.linear.gather [hbm4b:s0+s2], $0x80, $0x38;
	[tilespmem:$0x10400] =	vst v63  }
0x160: {  	s22 =	sld [smem:$0x6C];
	s0 =	sand.u32 $0x1FFFFFF0, s16  }
0x161: {  	s20 =	simm.s32 $0x3900;
	s21 =	sshll.u32 s19, $0x4;
	s0 =	sadd.s32 s3, s0  }
0x162: {  	[tilespmem:s20], [sflag:$0x1] =	stream.linear.gather [hbm4b:s0+s2], $0x80, $0x38;
	[tilespmem:$0x10400] =	vst v63  }
0x163: {  	s25 =	sld [smem:$0x6D];
	s0 =	sand.u32 $0x1FFFFFF0, s21  }
0x164: {  	s23 =	simm.s32 $0x3980;
	s24 =	sshll.u32 s22, $0x4;
	s0 =	sadd.s32 s3, s0  }
0x165: {  	[tilespmem:s23], [sflag:$0x2] =	stream.linear.gather [hbm4b:s0+s2], $0x80, $0x38;
	[tilespmem:$0x10400] =	vst v63  }
0x166: {  	s5 =	sld [smem:$0x6E];
	s0 =	sand.u32 $0x1FFFFFF0, s24  }
0x167: {  	s26 =	simm.s32 $0x3A00;
	s4 =	sshll.u32 s25, $0x4;
	s0 =	sadd.s32 s3, s0  }
0x168: {  	[tilespmem:s26], [sflag:$0x1] =	stream.linear.gather [hbm4b:s0+s2], $0x80, $0x38;
	[tilespmem:$0x10400] =	vst v63  }
0x169: {  	s8 =	sld [smem:$0x6F];
	s0 =	sand.u32 $0x1FFFFFF0, s4  }
0x16a: {  	s6 =	simm.s32 $0x3A80;
	s7 =	sshll.u32 s5, $0x4;
	s0 =	sadd.s32 s3, s0  }
0x16b: {  	[tilespmem:s6], [sflag:$0x2] =	stream.linear.gather [hbm4b:s0+s2], $0x80, $0x38;
	[tilespmem:$0x10400] =	vst v63  }
0x16c: {  	s11 =	sld [smem:$0x70];
	s0 =	sand.u32 $0x1FFFFFF0, s7  }
0x16d: {  	s9 =	simm.s32 $0x3B00;
	s10 =	sshll.u32 s8, $0x4;
	s0 =	sadd.s32 s3, s0  }
0x16e: {  	[tilespmem:s9], [sflag:$0x1] =	stream.linear.gather [hbm4b:s0+s2], $0x80, $0x38;
	[tilespmem:$0x10400] =	vst v63  }
0x16f: {  	s14 =	sld [smem:$0x71];
	s0 =	sand.u32 $0x1FFFFFF0, s10  }
0x170: {  	s12 =	simm.s32 $0x3B80;
	s13 =	sshll.u32 s11, $0x4;
	s0 =	sadd.s32 s3, s0  }
0x171: {  	[tilespmem:s12], [sflag:$0x2] =	stream.linear.gather [hbm4b:s0+s2], $0x80, $0x38;
	[tilespmem:$0x10400] =	vst v63  }
0x172: {  	s19 =	sld [smem:$0x72];
	s0 =	sand.u32 $0x1FFFFFF0, s13  }
0x173: {  	s15 =	simm.s32 $0x3C00;
	s16 =	sshll.u32 s14, $0x4;
	s0 =	sadd.s32 s3, s0  }
0x174: {  	[tilespmem:s15], [sflag:$0x1] =	stream.linear.gather [hbm4b:s0+s2], $0x80, $0x38;
	[tilespmem:$0x10400] =	vst v63  }
0x175: {  	s22 =	sld [smem:$0x73];
	s0 =	sand.u32 $0x1FFFFFF0, s16  }
0x176: {  	s20 =	simm.s32 $0x3C80;
	s21 =	sshll.u32 s19, $0x4;
	s0 =	sadd.s32 s3, s0  }
0x177: {  	[tilespmem:s20], [sflag:$0x2] =	stream.linear.gather [hbm4b:s0+s2], $0x80, $0x38;
	[tilespmem:$0x10400] =	vst v63  }
0x178: {  	s25 =	sld [smem:$0x74];
	s0 =	sand.u32 $0x1FFFFFF0, s21  }
0x179: {  	s23 =	simm.s32 $0x3D00;
	s24 =	sshll.u32 s22, $0x4;
	s0 =	sadd.s32 s3, s0  }
0x17a: {  	[tilespmem:s23], [sflag:$0x1] =	stream.linear.gather [hbm4b:s0+s2], $0x80, $0x38;
	[tilespmem:$0x10400] =	vst v63  }
0x17b: {  	s5 =	sld [smem:$0x75];
	s0 =	sand.u32 $0x1FFFFFF0, s24  }
0x17c: {  	s26 =	simm.s32 $0x3D80;
	s4 =	sshll.u32 s25, $0x4;
	s0 =	sadd.s32 s3, s0  }
0x17d: {  	[tilespmem:s26], [sflag:$0x2] =	stream.linear.gather [hbm4b:s0+s2], $0x80, $0x38;
	[tilespmem:$0x10400] =	vst v63  }
0x17e: {  	s8 =	sld [smem:$0x76];
	s0 =	sand.u32 $0x1FFFFFF0, s4  }
0x17f: {  	s6 =	simm.s32 $0x3E00;
	s7 =	sshll.u32 s5, $0x4;
	s0 =	sadd.s32 s3, s0  }
0x180: {  	[tilespmem:s6], [sflag:$0x1] =	stream.linear.gather [hbm4b:s0+s2], $0x80, $0x38;
	[tilespmem:$0x10400] =	vst v63  }
0x181: {  	s11 =	sld [smem:$0x77];
	s0 =	sand.u32 $0x1FFFFFF0, s7  }
0x182: {  	s9 =	simm.s32 $0x3E80;
	s10 =	sshll.u32 s8, $0x4;
	s0 =	sadd.s32 s3, s0  }
0x183: {  	[tilespmem:s9], [sflag:$0x2] =	stream.linear.gather [hbm4b:s0+s2], $0x80, $0x38;
	[tilespmem:$0x10400] =	vst v63  }
0x184: {  	s14 =	sld [smem:$0x78];
	s0 =	sand.u32 $0x1FFFFFF0, s10  }
0x185: {  	s12 =	simm.s32 $0x3F00;
	s13 =	sshll.u32 s11, $0x4;
	s0 =	sadd.s32 s3, s0  }
0x186: {  	[tilespmem:s12], [sflag:$0x1] =	stream.linear.gather [hbm4b:s0+s2], $0x80, $0x38;
	[tilespmem:$0x10400] =	vst v63  }
0x187: {  	s19 =	sld [smem:$0x79];
	s0 =	sand.u32 $0x1FFFFFF0, s13  }
0x188: {  	s15 =	simm.s32 $0x3F80;
	s16 =	sshll.u32 s14, $0x4;
	s0 =	sadd.s32 s3, s0  }
0x189: {  	[tilespmem:s15], [sflag:$0x2] =	stream.linear.gather [hbm4b:s0+s2], $0x80, $0x38;
	[tilespmem:$0x10400] =	vst v63  }
0x18a: {  	s22 =	sld [smem:$0x7A];
	s0 =	sand.u32 $0x1FFFFFF0, s16  }
0x18b: {  	s20 =	simm.s32 $0x4000;
	s21 =	sshll.u32 s19, $0x4;
	s0 =	sadd.s32 s3, s0  }
0x18c: {  	[tilespmem:s20], [sflag:$0x1] =	stream.linear.gather [hbm4b:s0+s2], $0x80, $0x38;
	[tilespmem:$0x10400] =	vst v63  }
0x18d: {  	s25 =	sld [smem:$0x7B];
	s0 =	sand.u32 $0x1FFFFFF0, s21  }
0x18e: {  	s23 =	simm.s32 $0x4080;
	s24 =	sshll.u32 s22, $0x4;
	s0 =	sadd.s32 s3, s0  }
0x18f: {  	[tilespmem:s23], [sflag:$0x2] =	stream.linear.gather [hbm4b:s0+s2], $0x80, $0x38;
	[tilespmem:$0x10400] =	vst v63  }
0x190: {  	s5 =	sld [smem:$0x7C];
	s0 =	sand.u32 $0x1FFFFFF0, s24  }
0x191: {  	s26 =	simm.s32 $0x4100;
	s4 =	sshll.u32 s25, $0x4;
	s0 =	sadd.s32 s3, s0  }
0x192: {  	[tilespmem:s26], [sflag:$0x1] =	stream.linear.gather [hbm4b:s0+s2], $0x80, $0x38;
	[tilespmem:$0x10400] =	vst v63  }
0x193: {  	s8 =	sld [smem:$0x7D];
	s0 =	sand.u32 $0x1FFFFFF0, s4  }
0x194: {  	s6 =	simm.s32 $0x4180;
	s7 =	sshll.u32 s5, $0x4;
	s0 =	sadd.s32 s3, s0  }
0x195: {  	[tilespmem:s6], [sflag:$0x2] =	stream.linear.gather [hbm4b:s0+s2], $0x80, $0x38;
	[tilespmem:$0x10400] =	vst v63  }
0x196: {  	s11 =	sld [smem:$0x7E];
	s0 =	sand.u32 $0x1FFFFFF0, s7  }
0x197: {  	s9 =	simm.s32 $0x4200;
	s10 =	sshll.u32 s8, $0x4;
	s0 =	sadd.s32 s3, s0  }
0x198: {  	[tilespmem:s9], [sflag:$0x1] =	stream.linear.gather [hbm4b:s0+s2], $0x80, $0x38;
	[tilespmem:$0x10400] =	vst v63  }
0x199: {  	s14 =	sld [smem:$0x7F];
	s0 =	sand.u32 $0x1FFFFFF0, s10  }
0x19a: {  	s12 =	simm.s32 $0x4280;
	s13 =	sshll.u32 s11, $0x4;
	s0 =	sadd.s32 s3, s0  }
0x19b: {  	[tilespmem:s12], [sflag:$0x2] =	stream.linear.gather [hbm4b:s0+s2], $0x80, $0x38;
	[tilespmem:$0x10400] =	vst v63  }
0x19c: {  	s0 =	sand.u32 $0x1FFFFFF0, s13  }
0x19d: {  	s15 =	simm.s32 $0x4300;
	s16 =	sshll.u32 s14, $0x4;
	s0 =	sadd.s32 s3, s0  }
0x19e: {  	[tilespmem:s15], [sflag:$0x1] =	stream.linear.gather [hbm4b:s0+s2], $0x80, $0x38;
	[tilespmem:$0x10400] =	vst v63  }
0x19f: {  	s0 =	sand.u32 $0x1FFFFFF0, s16  }
0x1a0: {  	s19 =	simm.s32 $0x4380;
	s0 =	sadd.s32 s3, s0  }
0x1a1: {  	[tilespmem:s19], [sflag:$0x2] =	stream.linear.gather [hbm4b:s0+s2], $0x80, $0x38;
	[tilespmem:$0x10400] =	vst v63  }
0x1a2: {  	s1 =	sld [smem:$0x84]  }
0x1a3: {  	s20 =	sld [smem:$0x85]  }
0x1a4: {  	s5 =	sld [smem:$0x98]  }
0x1a5: {  	s28 =	simm.s32 $0x9F;
	s31 =	simm.s32 $0x4580;
	s6 =	sld [smem:$0x87]  }
0x1a6: {  	s29 =	simm.s32 $0xBF;
	s22 =	simm.s32 $0x4400;
	s7 =	sld [smem:$0x80]  }
0x1a7: {  	s25 =	simm.s32 $0x0;
	s26 =	simm.s32 $0x4000;
	s10 =	simm.s32 $0x4600  }
0x1a8: {  	s19 =	simm.s32 $0x4E80;
	s1 =	sshll.u32 s1, $0x4;
	s9 =	sld [smem:$0x86]  }
0x1a9: {  	s1 =	sand.u32 $0x1FFFFFF0, s1;
	s11 =	sld [smem:$0x88];
	s7 =	sshll.u32 s7, $0x4  }
0x1aa: {  	s4 =	sshll.u32 s20, $0x4;
	s13 =	sld [smem:$0x81];
	s21 =	sand.u32 $0x1FFFFFF0, s7  }
0x1ab: {  	s12 =	sadd.s32 s3, s1;
	s16 =	sld [smem:$0x89];
	s1 =	sadd.s32 s3, s21  }
0x1ac: {  	[tilespmem:s22], [sflag:$0x1] =	stream.linear.gather [hbm4b:s1+s2], $0x80, $0x38;
	[tilespmem:$0x10400] =	vst v63  }
0x1ad: {  	s20 =	simm.s32 $0x4480;
	s23 =	sand.u32 $0x1FFFFFF0, s4;
	s7 =	sld [smem:$0x8A]  }
0x1ae: {  	s24 =	sshll.u32 s5, $0x4;
	s5 =	sadd.s32 s3, s23;
	s23 =	sld [smem:$0x9F]  }
0x1af: {  	s30 =	sand.u32 $0x1FFFFFF0, s24;
	s0 =	sshll.u32 s13, $0x4;
	s8 =	sld [smem:$0x83]  }
0x1b0: {  	s9 =	sshll.u32 s9, $0x4;
	s4 =	sand.u32 $0x1FFFFFF0, s0;
	s15 =	sld [smem:$0x82]  }
0x1b1: {  	s21 =	sshll.u32 s6, $0x4;
	s4 =	sadd.s32 s3, s4;
	s14 =	sld [smem:$0x8B]  }
0x1b2: {  	[tilespmem:s20], [sflag:$0x2] =	stream.linear.gather [hbm4b:s4+s2], $0x80, $0x38;
	[tilespmem:$0x10400] =	vst v63  }
0x1b3: {  	s9 =	sand.u32 $0x1FFFFFF0, s9;
	s20 =	sshll.u32 s8, $0x4;
	s13 =	sld [smem:$0x8E]  }
0x1b4: {  	s11 =	sshll.u32 s11, $0x4;
	s4 =	sand.u32 $0x1FFFFFF0, s20;
	s20 =	sld [smem:$0x9E]  }
0x1b5: {  	s1 =	simm.s32 $0x4680;
	s15 =	sshll.u32 s15, $0x4;
	s24 =	sld [smem:$0x8C]  }
0x1b6: {  	s22 =	simm.s32 $0x4500;
	s15 =	sand.u32 $0x1FFFFFF0, s15;
	s0 =	rddreg [dreg:$0x12]  }
0x1b7: {  	s11 =	sand.u32 $0x1FFFFFF0, s11;
	s15 =	sadd.s32 s3, s15;
	s8 =	sadd.s32 $0x200, s0  }
0x1b8: {  	[tilespmem:s22], [sflag:$0x1] =	stream.linear.gather [hbm4b:s15+s2], $0x80, $0x38;
	[tilespmem:$0x10400] =	vst v63  }
0x1b9: {  	s4 =	sadd.s32 s3, s4;
	s13 =	sshll.u32 s13, $0x4;
	[dreg:$0x4] =	wrdreg s8  }
0x1ba: {  	s15 =	simm.s32 $0x5380;
	s22 =	simm.s32 $0x4700;
	s8 =	sld [smem:$0x8D]  }
0x1bb: {  	[tilespmem:s31], [sflag:$0x2] =	stream.linear.gather [hbm4b:s4+s2], $0x80, $0x38;
	[tilespmem:$0x10400] =	vst v63  }
0x1bc: {  	s13 =	sand.u32 $0x1FFFFFF0, s13;
	s31 =	simm.s32 $0x5280;
	s4 =	sand.u32 $0x1FFFFFF0, s21  }
0x1bd: {  	s21 =	simm.s32 $0x5200;
	s24 =	sshll.u32 s24, $0x4;
	s6 =	sld [smem:$0x9D]  }
0x1be: {  	[tilespmem:s10], [sflag:$0x1] =	stream.linear.gather [hbm4b:s12+s2], $0x80, $0x38;
	[tilespmem:$0x10400] =	vst v63  }
0x1bf: {  	s12 =	simm.s32 $0x4800;
	s10 =	simm.s32 $0x4780;
	s4 =	sadd.s32 s3, s4  }
0x1c0: {  	[tilespmem:s1], [sflag:$0x2] =	stream.linear.gather [hbm4b:s5+s2], $0x80, $0x38;
	[tilespmem:$0x10400] =	vst v63  }
0x1c1: {  	s1 =	sadd.s32 s3, s9;
	s5 =	simm.s32 $0x5100;
	s9 =	sld [smem:$0x8F]  }
0x1c2: {  	[tilespmem:s22], [sflag:$0x1] =	stream.linear.gather [hbm4b:s1+s2], $0x80, $0x38;
	[tilespmem:$0x10400] =	vst v63  }
0x1c3: {  	s22 =	sshll.u32 s16, $0x4;
	s16 =	sshll.u32 s7, $0x4;
	s7 =	simm.s32 $0x5080  }
0x1c4: {  	[tilespmem:s10], [sflag:$0x2] =	stream.linear.gather [hbm4b:s4+s2], $0x80, $0x38;
	[tilespmem:$0x10400] =	vst v63  }
0x1c5: {  	s1 =	simm.s32 $0x4900;
	s10 =	simm.s32 $0x5180;
	s4 =	sand.u32 $0x1FFFFFF0, s22  }
0x1c6: {  	s22 =	sshll.u32 s14, $0x4;
	[dreg:$0x5] =	wrdreg s10;
	s10 =	sadd.s32 s3, s11  }
0x1c7: {  	[tilespmem:s12], [sflag:$0x1] =	stream.linear.gather [hbm4b:s10+s2], $0x80, $0x38;
	[tilespmem:$0x10400] =	vst v63  }
0x1c8: {  	s4 =	sadd.s32 s3, s4;
	s9 =	sshll.u32 s9, $0x4;
	s12 =	simm.s32 $0x4880  }
0x1c9: {  	s10 =	sand.u32 $0x1FFFFFF0, s22;
	s22 =	simm.s32 $0x4980;
	s11 =	sld [smem:$0x90]  }
0x1ca: {  	[tilespmem:s12], [sflag:$0x2] =	stream.linear.gather [hbm4b:s4+s2], $0x80, $0x38;
	[tilespmem:$0x10400] =	vst v63  }
0x1cb: {  	s9 =	sand.u32 $0x1FFFFFF0, s9;
	s4 =	sand.u32 $0x1FFFFFF0, s16;
	s12 =	sand.u32 $0x1FFFFFF0, s24  }
0x1cc: {  	s16 =	sshll.u32 s8, $0x4;
	s10 =	sadd.s32 s3, s10;
	s4 =	sadd.s32 s3, s4  }
0x1cd: {  	[tilespmem:s1], [sflag:$0x1] =	stream.linear.gather [hbm4b:s4+s2], $0x80, $0x38;
	[tilespmem:$0x10400] =	vst v63  }
0x1ce: {  	s24 =	simm.s32 $0x4A00;
	s9 =	sadd.s32 s3, s9;
	s4 =	sand.u32 $0x1FFFFFF0, s16  }
0x1cf: {  	[tilespmem:s22], [sflag:$0x2] =	stream.linear.gather [hbm4b:s10+s2], $0x80, $0x38;
	[tilespmem:$0x10400] =	vst v63  }
0x1d0: {  	s12 =	sadd.s32 s3, s12;
	s4 =	sadd.s32 s3, s4;
	s14 =	sld [smem:$0x91]  }
0x1d1: {  	[tilespmem:s24], [sflag:$0x1] =	stream.linear.gather [hbm4b:s12+s2], $0x80, $0x38;
	[tilespmem:$0x10400] =	vst v63  }
0x1d2: {  	s11 =	sshll.u32 s11, $0x4;
	s10 =	simm.s32 $0x4A80;
	s24 =	sld [smem:$0x92]  }
0x1d3: {  	[tilespmem:s10], [sflag:$0x2] =	stream.linear.gather [hbm4b:s4+s2], $0x80, $0x38;
	[tilespmem:$0x10400] =	vst v63  }
0x1d4: {  	s1 =	simm.s32 $0x4B00;
	s16 =	sadd.s32 s3, s13;
	s22 =	sand.u32 $0x1FFFFFF0, s11  }
0x1d5: {  	[tilespmem:s1], [sflag:$0x1] =	stream.linear.gather [hbm4b:s16+s2], $0x80, $0x38;
	[tilespmem:$0x10400] =	vst v63  }
0x1d6: {  	s11 =	simm.s32 $0x4C00;
	s10 =	simm.s32 $0x4B80;
	s14 =	sshll.u32 s14, $0x4  }
0x1d7: {  	s1 =	sadd.s32 s3, s22;
	s12 =	sand.u32 $0x1FFFFFF0, s14;
	s22 =	sld [smem:$0x93]  }
0x1d8: {  	[tilespmem:s10], [sflag:$0x2] =	stream.linear.gather [hbm4b:s9+s2], $0x80, $0x38;
	[tilespmem:$0x10400] =	vst v63  }
0x1d9: {  	s16 =	sshll.u32 s24, $0x4;
	s24 =	simm.s32 $0x4C80;
	s13 =	sld [smem:$0x94]  }
0x1da: {  	[tilespmem:s11], [sflag:$0x1] =	stream.linear.gather [hbm4b:s1+s2], $0x80, $0x38;
	[tilespmem:$0x10400] =	vst v63  }
0x1db: {  	s4 =	sand.u32 $0x1FFFFFF0, s16;
	s12 =	sadd.s32 s3, s12;
	s16 =	sld [smem:$0x95]  }
0x1dc: {  	[tilespmem:s24], [sflag:$0x2] =	stream.linear.gather [hbm4b:s12+s2], $0x80, $0x38;
	[tilespmem:$0x10400] =	vst v63  }
0x1dd: {  	s8 =	simm.s32 $0x5000;
	s1 =	simm.s32 $0x4D00;
	s4 =	sadd.s32 s3, s4  }
0x1de: {  	s24 =	simm.s32 $0x4D80;
	s22 =	sshll.u32 s22, $0x4;
	s11 =	sld [smem:$0x96]  }
0x1df: {  	[tilespmem:s1], [sflag:$0x1] =	stream.linear.gather [hbm4b:s4+s2], $0x80, $0x38;
	[tilespmem:$0x10400] =	vst v63  }
0x1e0: {  	s4 =	simm.s32 $0x4E00;
	s9 =	sand.u32 $0x1FFFFFF0, s22;
	s13 =	sshll.u32 s13, $0x4  }
0x1e1: {  	s10 =	sld [smem:$0x97];
	s9 =	sadd.s32 s3, s9;
	s13 =	sand.u32 $0x1FFFFFF0, s13  }
0x1e2: {  	[tilespmem:s24], [sflag:$0x2] =	stream.linear.gather [hbm4b:s9+s2], $0x80, $0x38;
	[tilespmem:$0x10400] =	vst v63  }
0x1e3: {  	s12 =	sshll.u32 s16, $0x4;
	s9 =	simm.s32 $0x4F00;
	s16 =	sadd.s32 s3, s13  }
0x1e4: {  	s13 =	sand.u32 $0x1FFFFFF0, s12;
	s11 =	sshll.u32 s11, $0x4;
	s12 =	smov.u32 s0  }
.LBB2_2:
0x1e5: {  	s22 =	simm.s32 $0x0;
	s13 =	sadd.s32 s3, s13  }
0x1e6: {  	[tilespmem:s4], [sflag:$0x1] =	stream.linear.gather [hbm4b:s16+s22], $0x80, $0x38;
	[tilespmem:$0x10400] =	vst v63  }
0x1e7: {  	s11 =	sand.u32 $0x1FFFFFF0, s11;
	s14 =	sadd.s32 $0x4F80, s25;
	s2 =	sld [smem:s28+$0xFFFFFFFC]  }
0x1e8: {  	[tilespmem:s19], [sflag:$0x2] =	stream.linear.gather [hbm4b:s13+s22], $0x80, $0x38;
	[tilespmem:$0x10400] =	vst v63  }
0x1e9: {  	s24 =	sadd.s32 s3, s30;
	s10 =	sshll.u32 s10, $0x4;
	s13 =	sld [smem:s28+$0xFFFFFFFA]  }
0x1ea: {  	s0 =	sadd.s32 s3, s11;
	s10 =	sand.u32 $0x1FFFFFF0, s10;
	s19 =	sld [smem:s28+$0xFFFFFFFB]  }
0x1eb: {  	[tilespmem:s9], [sflag:$0x1] =	stream.linear.gather [hbm4b:s0+s22], $0x80, $0x38;
	[tilespmem:$0x10400] =	vst v63  }
0x1ec: {  	s6 =	sshll.u32 s6, $0x4;
	s16 =	sadd.s32 s3, s10;
	s1 =	sshll.u32 s13, $0x4  }
0x1ed: {  	[tilespmem:s14], [sflag:$0x2] =	stream.linear.gather [hbm4b:s16+s22], $0x80, $0x38;
	[tilespmem:$0x10400] =	vst v63  }
0x1ee: {  	s13 =	sand.u32 $0x1FFFFFF0, s1;
	s14 =	sshll.u32 s19, $0x4;
	s16 =	sld [smem:s28+$0xFFFFFFFD]  }
0x1ef: {  	[tilespmem:s8], [sflag:$0x1] =	stream.linear.gather [hbm4b:s24+s22], $0x80, $0x38;
	[tilespmem:$0x10400] =	vst v63  }
0x1f0: {  	s19 =	sshll.u32 s2, $0x4;
	s0 =	sadd.s32 s3, s13;
	s8 =	sand.u32 $0x1FFFFFF0, s14  }
0x1f1: {  	[tilespmem:s7], [sflag:$0x2] =	stream.linear.gather [hbm4b:s0+s22], $0x80, $0x38;
	[tilespmem:$0x10400] =	vst v63  }
0x1f2: {  	s1 =	sand.u32 $0x1FFFFFF0, s19;
	s24 =	sadd.s32 s3, s8;
	s2 =	sshll.u32 s16, $0x4  }
0x1f3: {  	[tilespmem:s5], [sflag:$0x1] =	stream.linear.gather [hbm4b:s24+s22], $0x80, $0x38;
	[tilespmem:$0x10400] =	vst v63  }
0x1f4: {  	s7 =	sand.u32 $0x1FFFFFF0, s2;
	s5 =	sadd.s32 s3, s1;
	s1 =	rddreg [dreg:$0x5]  }
0x1f5: {  	[tilespmem:s1], [sflag:$0x2] =	stream.linear.gather [hbm4b:s5+s22], $0x80, $0x38;
	[tilespmem:$0x10400] =	vst v63  }
0x1f6: {  	s10 =	sshll.u32 s20, $0x4;
	s9 =	sand.u32 $0x1FFFFFF0, s6;
	s8 =	sadd.s32 s3, s7  }
0x1f7: {  	[tilespmem:s21], [sflag:$0x1] =	stream.linear.gather [hbm4b:s8+s22], $0x80, $0x38;
	[tilespmem:$0x10400] =	vst v63  }
0x1f8: {  	s11 =	sadd.s32 s3, s9;
	s13 =	sand.u32 $0x1FFFFFF0, s10;
	s14 =	sshll.u32 s23, $0x4  }
0x1f9: {  	[tilespmem:s31], [sflag:$0x2] =	stream.linear.gather [hbm4b:s11+s22], $0x80, $0x38;
	[tilespmem:$0x10400] =	vst v63  }
0x1fa: {  	s16 =	sadd.s32 $0x5300, s25;
	s5 =	sadd.s32 s3, s13;
	s1 =	sand.u32 $0x1FFFFFF0, s14  }
0x1fb: {  	[tilespmem:s16], [sflag:$0x1] =	stream.linear.gather [hbm4b:s5+s22], $0x80, $0x38;
	[tilespmem:$0x10400] =	vst v63  }
0x1fc: {  	s4 =	smov.u32 s26;
	s19 =	sadd.s32 s3, s1  }
0x1fd: {  	[tilespmem:s15], [sflag:$0x2] =	stream.linear.gather [hbm4b:s19+s22], $0x80, $0x38;
	[tilespmem:$0x10400] =	vst v63  }
0x1fe: {  	s20 =	sshra.s32 s4, $0x2;
	_ =	swait.ge [sflag:s17], $0x800  }
0x1ff: {  	s21 =	sadd.s32 $0x4E80, s20;
	[sflag:s17] =	ssyncset.done $0x0  }
0x200: {  	[dreg:$0x8] =	wrdreg s21;
	[sflag:s17] =	ssyncadd.s32 $0xFFFFF800  }
0x201: {  	_ =	swait.ge [sflag:s18], $0x800  }
0x202: {  	[sflag:s18] =	ssyncset.done $0x0  }
0x203: {  	s7 =	rddreg [dreg:$0x4];
	[sflag:s18] =	ssyncadd.s32 $0xFFFFF800  }
0x204: {  	p0 =	sne.s32 s26, $0x2C000;
	s23 =	sld [smem:s29+$0xFFFFFFE5]  }
0x205: {  	s6 =	sadd.s32 $0x4000, s26;
	s24 =	sadd.s32 $0x400, s25;
	s26 =	sld [smem:s29+$0xFFFFFFE6]  }
0x206: {  	[hbm4b:s12+s22] =	stream.linear.scatter [tilespmem:s24], [sflag:$0x3], $0x1000, $0x38;
	[tilespmem:$0x10400] =	vst v63  }
0x207: {  	s2 =	smov.u32 s7;
	s0 =	sld [smem:s29+$0xFFFFFFF9]  }
0x208: {  	[dreg:$0x6] =	wrdreg s2  }
0x209: {  	s28 =	smov.u32 s29;
	s14 =	sld [smem:s29+$0xFFFFFFE8]  }
0x20a: {  	s15 =	sld [smem:s28+$0xFFFFFFE1]  }
0x20b: {  	s25 =	smov.u32 s20;
	s16 =	sld [smem:s28+$0xFFFFFFE7]  }
0x20c: {  	s18 =	sadd.s32 $0x5380, s25;
	s17 =	sld [smem:s28+$0xFFFFFFE9]  }
0x20d: {  	[dreg:$0x7] =	wrdreg s18  }
0x20e: {  	s20 =	sld [smem:s28+$0xFFFFFFEA]  }
0x20f: {  	s30 =	sadd.s32 $0x5280, s25;
	s8 =	sadd.s32 $0x4580, s25;
	s2 =	sld [smem:s28+$0x0]  }
0x210: {  	s11 =	sadd.s32 $0x4680, s25;
	s12 =	sadd.s32 $0x4600, s25;
	s31 =	sld [smem:s28+$0xFFFFFFE3]  }
0x211: {  	s19 =	sadd.s32 $0x4400, s25;
	s29 =	sadd.s32 $0x20, s29;
	[dreg:$0x9] =	wrdreg s12  }
0x212: {  	s4 =	sshll.u32 s23, $0x4;
	s1 =	sshll.u32 s26, $0x4;
	s13 =	sshll.u32 s0, $0x4  }
0x213: {  	s0 =	sadd.s32 $0x200, s7;
	s5 =	sshll.u32 s16, $0x4;
	s7 =	sshll.u32 s17, $0x4  }
0x214: {  	s23 =	sld [smem:s28+$0xFFFFFFEB];
	s17 =	sshll.u32 s20, $0x4;
	s4 =	sand.u32 $0x1FFFFFF0, s4  }
0x215: {  	s1 =	sand.u32 $0x1FFFFFF0, s1;
	s26 =	sand.u32 $0x1FFFFFF0, s13;
	[dreg:$0x4] =	wrdreg s0  }
0x216: {  	s13 =	sadd.s32 $0x4700, s25;
	s24 =	sand.u32 $0x1FFFFFF0, s5;
	s5 =	sadd.s32 $0x5100, s25  }
0x217: {  	s10 =	sadd.s32 s3, s4;
	s9 =	sadd.s32 s3, s1;
	s4 =	sshll.u32 s15, $0x4  }
0x218: {  	s1 =	sshll.u32 s14, $0x4;
	s14 =	sld [smem:s28+$0xFFFFFFE2];
	s4 =	sand.u32 $0x1FFFFFF0, s4  }
0x219: {  	s15 =	sld [smem:s28+$0xFFFFFFE4];
	s16 =	sand.u32 $0x1FFFFFF0, s1;
	s4 =	sadd.s32 s3, s4  }
0x21a: {  	[tilespmem:s19], [sflag:$0x1] =	stream.linear.gather [hbm4b:s4+s22], $0x80, $0x38;
	[tilespmem:$0x10400] =	vst v63  }
0x21b: {  	s1 =	sadd.s32 $0x4480, s25;
	s16 =	sadd.s32 s3, s16;
	s21 =	sshll.u32 s14, $0x4  }
0x21c: {  	s4 =	sadd.s32 $0x4800, s25;
	s19 =	sadd.s32 $0x5180, s25;
	s14 =	sshll.u32 s23, $0x4  }
0x21d: {  	s15 =	sshll.u32 s15, $0x4;
	s23 =	sand.u32 $0x1FFFFFF0, s7;
	s12 =	sand.u32 $0x1FFFFFF0, s21  }
0x21e: {  	s21 =	sadd.s32 $0x5200, s25;
	[dreg:$0x5] =	wrdreg s19;
	s19 =	sshll.u32 s31, $0x4  }
0x21f: {  	s18 =	sand.u32 $0x1FFFFFF0, s15;
	s31 =	sld [smem:s28+$0xFFFFFFED];
	s15 =	sadd.s32 $0x4500, s25  }
0x220: {  	s14 =	sand.u32 $0x1FFFFFF0, s14;
	s20 =	sadd.s32 s3, s12;
	s12 =	sld [smem:s28+$0xFFFFFFEC]  }
0x221: {  	[tilespmem:s1], [sflag:$0x2] =	stream.linear.gather [hbm4b:s20+s22], $0x80, $0x38;
	[tilespmem:$0x10400] =	vst v63  }
0x222: {  	s7 =	sand.u32 $0x1FFFFFF0, s19;
	s19 =	sadd.s32 $0x4780, s25;
	s1 =	sld [smem:s28+$0xFFFFFFEF]  }
0x223: {  	s14 =	sadd.s32 s3, s14;
	s20 =	sld [smem:s28+$0xFFFFFFFF];
	s0 =	sshll.u32 s12, $0x4  }
0x224: {  	s12 =	sadd.s32 s3, s7;
	s7 =	sadd.s32 $0x5080, s25;
	s0 =	sand.u32 $0x1FFFFFF0, s0  }
0x225: {  	[tilespmem:s15], [sflag:$0x1] =	stream.linear.gather [hbm4b:s12+s22], $0x80, $0x38;
	[tilespmem:$0x10400] =	vst v63  }
0x226: {  	s12 =	sadd.s32 s3, s18;
	s15 =	sshll.u32 s31, $0x4;
	s31 =	smov.u32 s30  }
0x227: {  	s30 =	smov.u32 s26;
	s18 =	sld [smem:s28+$0xFFFFFFEE];
	s1 =	sshll.u32 s1, $0x4  }
0x228: {  	s26 =	smov.u32 s6;
	s6 =	sld [smem:s28+$0xFFFFFFFE];
	s1 =	sand.u32 $0x1FFFFFF0, s1  }
0x229: {  	[tilespmem:s8], [sflag:$0x2] =	stream.linear.gather [hbm4b:s12+s22], $0x80, $0x38;
	[tilespmem:$0x10400] =	vst v63  }
0x22a: {  	s0 =	sadd.s32 s3, s0;
	s12 =	sadd.s32 s3, s24;
	s24 =	rddreg [dreg:$0x9]  }
0x22b: {  	[tilespmem:s24], [sflag:$0x1] =	stream.linear.gather [hbm4b:s10+s22], $0x80, $0x38;
	[tilespmem:$0x10400] =	vst v63  }
0x22c: {  	s1 =	sadd.s32 s3, s1;
	s24 =	sand.u32 $0x1FFFFFF0, s17;
	s10 =	sand.u32 $0x1FFFFFF0, s15  }
0x22d: {  	s17 =	sshll.u32 s18, $0x4;
	s18 =	simm.s32 $0x2;
	s8 =	sadd.s32 s3, s24  }
0x22e: {  	s24 =	sld [smem:s28+$0xFFFFFFF0];
	s15 =	sand.u32 $0x1FFFFFF0, s17;
	s17 =	simm.s32 $0x1  }
0x22f: {  	[tilespmem:s11], [sflag:$0x2] =	stream.linear.gather [hbm4b:s9+s22], $0x80, $0x38;
	[tilespmem:$0x10400] =	vst v63  }
0x230: {  	s9 =	sadd.s32 s3, s23;
	s23 =	smov.u32 s2;
	s11 =	sadd.s32 $0x4980, s25  }
0x231: {  	[tilespmem:s13], [sflag:$0x1] =	stream.linear.gather [hbm4b:s12+s22], $0x80, $0x38;
	[tilespmem:$0x10400] =	vst v63  }
0x232: {  	s15 =	sadd.s32 s3, s15;
	s2 =	sshll.u32 s24, $0x4;
	s24 =	sld [smem:s28+$0xFFFFFFF1]  }
0x233: {  	[tilespmem:s19], [sflag:$0x2] =	stream.linear.gather [hbm4b:s16+s22], $0x80, $0x38;
	[tilespmem:$0x10400] =	vst v63  }
0x234: {  	s12 =	sadd.s32 $0x4880, s25;
	s13 =	sadd.s32 $0x4900, s25;
	s19 =	rddreg [dreg:$0x8]  }
0x235: {  	[tilespmem:s4], [sflag:$0x1] =	stream.linear.gather [hbm4b:s9+s22], $0x80, $0x38;
	[tilespmem:$0x10400] =	vst v63  }
0x236: {  	s16 =	sadd.s32 $0x4A80, s25;
	s9 =	sand.u32 $0x1FFFFFF0, s2;
	s2 =	sshll.u32 s24, $0x4  }
0x237: {  	[tilespmem:s12], [sflag:$0x2] =	stream.linear.gather [hbm4b:s8+s22], $0x80, $0x38;
	[tilespmem:$0x10400] =	vst v63  }
0x238: {  	s4 =	sadd.s32 s3, s10;
	s24 =	sld [smem:s28+$0xFFFFFFF2];
	s10 =	sand.u32 $0x1FFFFFF0, s2  }
0x239: {  	[tilespmem:s13], [sflag:$0x1] =	stream.linear.gather [hbm4b:s14+s22], $0x80, $0x38;
	[tilespmem:$0x10400] =	vst v63  }
0x23a: {  	s2 =	sld [smem:s28+$0xFFFFFFF3];
	s12 =	sadd.s32 $0x4A00, s25;
	s8 =	sadd.s32 $0x5000, s25  }
0x23b: {  	[tilespmem:s11], [sflag:$0x2] =	stream.linear.gather [hbm4b:s0+s22], $0x80, $0x38;
	[tilespmem:$0x10400] =	vst v63  }
0x23c: {  	s13 =	sadd.s32 $0x4B00, s25;
	s14 =	sadd.s32 $0x4C00, s25;
	s11 =	sadd.s32 $0x4B80, s25  }
0x23d: {  	[tilespmem:s12], [sflag:$0x1] =	stream.linear.gather [hbm4b:s4+s22], $0x80, $0x38;
	[tilespmem:$0x10400] =	vst v63  }
0x23e: {  	s0 =	sadd.s32 s3, s10;
	s10 =	sshll.u32 s24, $0x4;
	s12 =	sadd.s32 s3, s9  }
0x23f: {  	[tilespmem:s16], [sflag:$0x2] =	stream.linear.gather [hbm4b:s15+s22], $0x80, $0x38;
	[tilespmem:$0x10400] =	vst v63  }
0x240: {  	s4 =	sshll.u32 s2, $0x4;
	s9 =	sadd.s32 $0x4F00, s25;
	s16 =	sld [smem:s28+$0xFFFFFFF4]  }
0x241: {  	s2 =	sadd.s32 $0x4C80, s25;
	s24 =	sand.u32 $0x1FFFFFF0, s4;
	s4 =	sadd.s32 $0x4E00, s25  }
0x242: {  	[tilespmem:s13], [sflag:$0x1] =	stream.linear.gather [hbm4b:s1+s22], $0x80, $0x38;
	[tilespmem:$0x10400] =	vst v63  }
0x243: {  	s13 =	sand.u32 $0x1FFFFFF0, s10;
	s10 =	sshll.u32 s16, $0x4;
	s16 =	sld [smem:s28+$0xFFFFFFF5]  }
0x244: {  	[tilespmem:s11], [sflag:$0x2] =	stream.linear.gather [hbm4b:s12+s22], $0x80, $0x38;
	[tilespmem:$0x10400] =	vst v63  }
0x245: {  	s15 =	sadd.s32 $0x4D80, s25;
	s1 =	sadd.s32 s3, s13;
	s13 =	sadd.s32 s3, s24  }
0x246: {  	[tilespmem:s14], [sflag:$0x1] =	stream.linear.gather [hbm4b:s0+s22], $0x80, $0x38;
	[tilespmem:$0x10400] =	vst v63  }
0x247: {  	s24 =	sld [smem:s28+$0xFFFFFFF6];
	s12 =	sadd.s32 $0x4D00, s25;
	s11 =	sshll.u32 s16, $0x4  }
0x248: {  	s10 =	sand.u32 $0x1FFFFFF0, s10;
	s14 =	sld [smem:s28+$0xFFFFFFF7];
	s16 =	sand.u32 $0x1FFFFFF0, s11  }
0x249: {  	[tilespmem:s2], [sflag:$0x2] =	stream.linear.gather [hbm4b:s1+s22], $0x80, $0x38;
	[tilespmem:$0x10400] =	vst v63  }
.Ltmp0:
0x24a: {  	s2 =	sadd.s32 s3, s10;
	s10 =	sld [smem:s28+$0xFFFFFFF8];
	(pc) =	sbr.rel @p0 .LBB2_2-.Ltmp0, $4  }
0x24b: {  	[tilespmem:s12], [sflag:$0x1] =	stream.linear.gather [hbm4b:s13+s22], $0x80, $0x38;
	[tilespmem:$0x10400] =	vst v63  }
0x24c: {  	s24 =	sshll.u32 s24, $0x4;
	s16 =	sadd.s32 s3, s16;
	s12 =	rddreg [dreg:$0x6]  }
0x24d: {  	[tilespmem:s15], [sflag:$0x2] =	stream.linear.gather [hbm4b:s2+s22], $0x80, $0x38;
	[tilespmem:$0x10400] =	vst v63  }
0x24e: {  	s11 =	sshll.u32 s14, $0x4;
	s13 =	sand.u32 $0x1FFFFFF0, s24;
	s15 =	rddreg [dreg:$0x7]  }
0x24f: {  	s2 =	simm.s32 $0x0  }
0x250: {  	[tilespmem:s4], [sflag:$0x1] =	stream.linear.gather [hbm4b:s16+s2], $0x80, $0x38;
	[tilespmem:$0x10400] =	vst v63  }
0x251: {  	s0 =	sadd.s32 s3, s13;
	s22 =	sand.u32 $0x1FFFFFF0, s11  }
0x252: {  	[tilespmem:s19], [sflag:$0x2] =	stream.linear.gather [hbm4b:s0+s2], $0x80, $0x38;
	[tilespmem:$0x10400] =	vst v63  }
0x253: {  	s24 =	sshll.u32 s10, $0x4;
	s0 =	sadd.s32 s3, s22  }
0x254: {  	[tilespmem:s9], [sflag:$0x1] =	stream.linear.gather [hbm4b:s0+s2], $0x80, $0x38;
	[tilespmem:$0x10400] =	vst v63  }
0x255: {  	s26 =	sld [smem:s28+$0xFFFFFFFA];
	s0 =	sand.u32 $0x1FFFFFF0, s24  }
0x256: {  	s1 =	sadd.s32 $0x4F80, s25;
	s0 =	sadd.s32 s3, s0  }
0x257: {  	[tilespmem:s1], [sflag:$0x2] =	stream.linear.gather [hbm4b:s0+s2], $0x80, $0x38;
	[tilespmem:$0x10400] =	vst v63  }
0x258: {  	s29 =	sadd.s32 s3, s30;
	s30 =	sld [smem:s28+$0xFFFFFFFB];
	s0 =	sshll.u32 s26, $0x4  }
0x259: {  	s0 =	sand.u32 $0x1FFFFFF0, s0  }
0x25a: {  	[tilespmem:s8], [sflag:$0x1] =	stream.linear.gather [hbm4b:s29+s2], $0x80, $0x38;
	[tilespmem:$0x10400] =	vst v63  }
0x25b: {  	s4 =	sld [smem:s28+$0xFFFFFFFC];
	s1 =	sshll.u32 s30, $0x4;
	s0 =	sadd.s32 s3, s0  }
0x25c: {  	[tilespmem:s7], [sflag:$0x2] =	stream.linear.gather [hbm4b:s0+s2], $0x80, $0x38;
	[tilespmem:$0x10400] =	vst v63  }
0x25d: {  	s0 =	sand.u32 $0x1FFFFFF0, s1  }
0x25e: {  	s8 =	sld [smem:s28+$0xFFFFFFFD];
	s7 =	sshll.u32 s4, $0x4;
	s0 =	sadd.s32 s3, s0  }
0x25f: {  	[tilespmem:s5], [sflag:$0x1] =	stream.linear.gather [hbm4b:s0+s2], $0x80, $0x38;
	[tilespmem:$0x10400] =	vst v63  }
0x260: {  	s0 =	sand.u32 $0x1FFFFFF0, s7  }
0x261: {  	s9 =	rddreg [dreg:$0x5];
	s10 =	sshll.u32 s8, $0x4;
	s0 =	sadd.s32 s3, s0  }
0x262: {  	[tilespmem:s9], [sflag:$0x2] =	stream.linear.gather [hbm4b:s0+s2], $0x80, $0x38;
	[tilespmem:$0x10400] =	vst v63  }
0x263: {  	s0 =	sand.u32 $0x1FFFFFF0, s10  }
0x264: {  	s11 =	sshll.u32 s6, $0x4;
	s0 =	sadd.s32 s3, s0  }
0x265: {  	[tilespmem:s21], [sflag:$0x1] =	stream.linear.gather [hbm4b:s0+s2], $0x80, $0x38;
	[tilespmem:$0x10400] =	vst v63  }
0x266: {  	s0 =	sand.u32 $0x1FFFFFF0, s11  }
0x267: {  	s13 =	sshll.u32 s20, $0x4;
	s0 =	sadd.s32 s3, s0  }
0x268: {  	[tilespmem:s31], [sflag:$0x2] =	stream.linear.gather [hbm4b:s0+s2], $0x80, $0x38;
	[tilespmem:$0x10400] =	vst v63  }
0x269: {  	s0 =	sand.u32 $0x1FFFFFF0, s13  }
0x26a: {  	s14 =	sadd.s32 $0x5300, s25;
	s16 =	sshll.u32 s23, $0x4;
	s0 =	sadd.s32 s3, s0  }
0x26b: {  	[tilespmem:s14], [sflag:$0x1] =	stream.linear.gather [hbm4b:s0+s2], $0x80, $0x38;
	[tilespmem:$0x10400] =	vst v63  }
0x26c: {  	s0 =	sand.u32 $0x1FFFFFF0, s16  }
0x26d: {  	s0 =	sadd.s32 s3, s0  }
0x26e: {  	[tilespmem:s15], [sflag:$0x2] =	stream.linear.gather [hbm4b:s0+s2], $0x80, $0x38;
	[tilespmem:$0x10400] =	vst v63  }
0x26f: {  	_ =	swait.ge [sflag:s17], $0x800  }
0x270: {  	[sflag:s17] =	ssyncset.done $0x0  }
0x271: {  	[sflag:s17] =	ssyncadd.s32 $0xFFFFF800  }
0x272: {  	_ =	swait.ge [sflag:s18], $0x800  }
0x273: {  	[sflag:s18] =	ssyncset.done $0x0  }
0x274: {  	s19 =	sadd.s32 $0x400, s25;
	[sflag:s18] =	ssyncadd.s32 $0xFFFFF800  }
0x275: {  	[hbm4b:s12+s2] =	stream.linear.scatter [tilespmem:s19], [sflag:$0x3], $0x1000, $0x38;
	[tilespmem:$0x10400] =	vst v63  }
0x276: {  	_ =	swait.ge [sflag:s17], $0x800  }
0x277: {  	[sflag:s17] =	ssyncset.done $0x0  }
0x278: {  	[sflag:s17] =	ssyncadd.s32 $0xFFFFF800  }
0x279: {  	_ =	swait.ge [sflag:s18], $0x800  }
0x27a: {  	[sflag:s18] =	ssyncset.done $0x0  }
0x27b: {  	s21 =	simm.s32 $0xC400;
	s20 =	rddreg [dreg:$0xd];
	[sflag:s18] =	ssyncadd.s32 $0xFFFFF800  }
0x27c: {  	[hbm4b:s20+s2] =	stream.linear.scatter [tilespmem:s21], [sflag:$0x3], $0x1000, $0x38;
	[tilespmem:$0x10400] =	vst v63  }
0x27d: {  	_ =	swait.ge [sflag:s17], $0x800  }
0x27e: {  	[sflag:s17] =	ssyncset.done $0x0  }
0x27f: {  	[sflag:s17] =	ssyncadd.s32 $0xFFFFF800  }
0x280: {  	_ =	swait.ge [sflag:s18], $0x800  }
0x281: {  	[sflag:s18] =	ssyncset.done $0x0  }
0x282: {  	s23 =	simm.s32 $0xD400;
	s22 =	rddreg [dreg:$0xe];
	[sflag:s18] =	ssyncadd.s32 $0xFFFFF800  }
0x283: {  	[hbm4b:s22+s2] =	stream.linear.scatter [tilespmem:s23], [sflag:$0x3], $0x1000, $0x38;
	[tilespmem:$0x10400] =	vst v63  }
0x284: {  	_ =	swait.ge [sflag:s17], $0x800  }
0x285: {  	[sflag:s17] =	ssyncset.done $0x0  }
0x286: {  	[sflag:s17] =	ssyncadd.s32 $0xFFFFF800  }
0x287: {  	_ =	swait.ge [sflag:s18], $0x800  }
0x288: {  	[sflag:s18] =	ssyncset.done $0x0  }
0x289: {  	s25 =	simm.s32 $0xE400;
	s24 =	rddreg [dreg:$0xf];
	[sflag:s18] =	ssyncadd.s32 $0xFFFFF800  }
0x28a: {  	[hbm4b:s24+s2] =	stream.linear.scatter [tilespmem:s25], [sflag:$0x3], $0x1000, $0x38;
	[tilespmem:$0x10400] =	vst v63  }
0x28b: {  	_ =	swait.ge [sflag:s17], $0x800  }
0x28c: {  	[sflag:s17] =	ssyncset.done $0x0  }
0x28d: {  	[sflag:s17] =	ssyncadd.s32 $0xFFFFF800  }
0x28e: {  	_ =	swait.ge [sflag:s18], $0x800  }
0x28f: {  	s28 =	simm.s32 $0xF400;
	[sflag:s18] =	ssyncset.done $0x0  }
0x290: {  	s29 =	simm.s32 $0x3;
	s26 =	rddreg [dreg:$0x10];
	[sflag:s18] =	ssyncadd.s32 $0xFFFFF800  }
0x291: {  	[hbm4b:s26+s2] =	stream.linear.scatter [tilespmem:s28], [sflag:$0x3], $0x1000, $0x38;
	[tilespmem:$0x10400] =	vst v63  }
0x292: {  	_ =	swait.ge [sflag:s29], $0x1000  }
0x293: {  	[sflag:s29] =	ssyncset.done $0x0  }
0x294: {  	[sflag:s29] =	ssyncadd.s32 $0xFFFFF000  }
0x295: {  	_ =	swait.ge [sflag:s29], $0x1000  }
0x296: {  	[sflag:s29] =	ssyncset.done $0x0  }
0x297: {  	[sflag:s29] =	ssyncadd.s32 $0xFFFFF000  }
0x298: {  	_ =	swait.ge [sflag:s29], $0x1000  }
0x299: {  	[sflag:s29] =	ssyncset.done $0x0  }
0x29a: {  	[sflag:s29] =	ssyncadd.s32 $0xFFFFF000  }
0x29b: {  	_ =	swait.ge [sflag:s29], $0x1000  }
0x29c: {  	[sflag:s29] =	ssyncset.done $0x0  }
0x29d: {  	[sflag:s29] =	ssyncadd.s32 $0xFFFFF000  }
0x29e: {  	_ =	swait.ge [sflag:s29], $0x1000  }
0x29f: {  	[sflag:s29] =	ssyncset.done $0x0  }
0x2a0: {  	[sflag:s29] =	ssyncadd.s32 $0xFFFFF000  }
0x2a1: {  	_ =	swait.ge [sflag:s29], $0x1000  }
0x2a2: {  	[sflag:s29] =	ssyncset.done $0x0  }
0x2a3: {  	[sflag:s29] =	ssyncadd.s32 $0xFFFFF000  }
0x2a4: {  	_ =	swait.ge [sflag:s29], $0x1000  }
0x2a5: {  	[sflag:s29] =	ssyncset.done $0x0  }
0x2a6: {  	[sflag:s29] =	ssyncadd.s32 $0xFFFFF000  }
0x2a7: {  	_ =	swait.ge [sflag:s29], $0x1000  }
0x2a8: {  	[sflag:s29] =	ssyncset.done $0x0  }
0x2a9: {  	[sflag:s29] =	ssyncadd.s32 $0xFFFFF000  }
0x2aa: {  	_ =	swait.ge [sflag:s29], $0x1000  }
0x2ab: {  	[sflag:s29] =	ssyncset.done $0x0  }
0x2ac: {  	[sflag:s29] =	ssyncadd.s32 $0xFFFFF000  }
0x2ad: {  	_ =	swait.ge [sflag:s29], $0x1000  }
0x2ae: {  	[sflag:s29] =	ssyncset.done $0x0  }
0x2af: {  	[sflag:s29] =	ssyncadd.s32 $0xFFFFF000  }
0x2b0: {  	_ =	swait.ge [sflag:s29], $0x1000  }
0x2b1: {  	[sflag:s29] =	ssyncset.done $0x0  }
0x2b2: {  	[sflag:s29] =	ssyncadd.s32 $0xFFFFF000  }
0x2b3: {  	_ =	swait.ge [sflag:s29], $0x1000  }
0x2b4: {  	[sflag:s29] =	ssyncset.done $0x0  }
0x2b5: {  	[sflag:s29] =	ssyncadd.s32 $0xFFFFF000  }
0x2b6: {  	_ =	swait.ge [sflag:s29], $0x1000  }
0x2b7: {  	[sflag:s29] =	ssyncset.done $0x0  }
0x2b8: {  	[sflag:s29] =	ssyncadd.s32 $0xFFFFF000  }
0x2b9: {  	_ =	swait.ge [sflag:s29], $0x1000  }
0x2ba: {  	[sflag:s29] =	ssyncset.done $0x0  }
0x2bb: {  	[sflag:s29] =	ssyncadd.s32 $0xFFFFF000  }
0x2bc: {  	_ =	swait.ge [sflag:s29], $0x1000  }
0x2bd: {  	[sflag:s29] =	ssyncset.done $0x0  }
0x2be: {  	[sflag:s29] =	ssyncadd.s32 $0xFFFFF000  }
0x2bf: {  	_ =	swait.ge [sflag:s29], $0x1000  }
0x2c0: {  	s30 =	rddreg [dreg:$0x14]  }
0x2c1: {  	s31 =	rddreg [dreg:$0x11];
	s4 =	sadd.s32 $0x1, s30  }
0x2c2: {  	p0 =	sne.s32 s4, s31  }
.Ltmp1:
0x2c3: {  	_ = 	snop;
	(pc) =	sbr.rel @p0 .LBB2_1-.Ltmp1, $3  }
0x2c4: {  	_ =	sdelay $0x1  }
0x2c5: {  	[sflag:s29] =	ssyncset.done $0x0  }
0x2c6: {  	[sflag:s29] =	ssyncadd.s32 $0xFFFFF000  }
0x2c7: {  	_ =	sfence.sel $0x180000  }
0x2c8: {  	[bflag:$0x0] =	sbarrier.arrive $0xFFFF  }
0x2c9: {  	_ =	strace $0x90000047  }
0x2ca: {  	s0 =	stileid.u32;
	[bflag:$0x2] =	sbarrier.arrive $0xFFFF  }
0x2cb: {  	p0 =	sne.s32 s0, $0x0;
	s0 =	rddreg [dreg:$0x3]  }
0x2cc: {  	s0 =	sadd.s32 @!p0 $0x100000, s0  }
0x2cd: {  	[sflag:s0] =	ssyncadd.tile.s32 @!p0 $0x1;
	_ =	shalt  }
.Lfunc_end2:
_tile_overlayer_lowered:
.L_overlay_start_2:
0x2ce: {  	(tag) =	ssettag $0x2  }
0x2cf: {  	s0 =	rddreg [dreg:$0x0];
	s2 =	stileid.u32  }
0x2d0: {  	s1 =	rddreg [dreg:$0x1];
	p0 =	sne.s32 s2, $0x0  }
0x2d1: {  	s3 =	rddreg [dreg:$0x2];
	[bflag:$0x3] =	sbarrier.arrive $0xFFFF;
	s2 =	simm.s32 @!p0 $0x1C04  }
0x2d2: {  	[timem:s3], [sflag:s2] =	dma.local @!p0 [hbm:s0], s1  }
0x2d3: {  	s0 =	simm.s32 @!p0 $0x4  }
0x2d4: {  	_ =	swait.ge @!p0 [sflag:s0], s1  }
0x2d5: {  	s1 =	ssub.s32 @!p0 $0x0, s1;
	[sflag:s0] =	ssyncset.done @!p0 $0x0  }
0x2d6: {  	[sflag:s0] =	ssyncadd.s32 @!p0 s1  }
0x2d7: {  	[bflag:$0x3] =	sbarrier.arrive $0xFFFF  }
0x2d8: {  	_ =	shalt  }

</sc_bundles>
